<compile_context>
chip_gen: v7x
topology: tpu7x:2x2x1
jax: 0.10.2.dev20260603
libtpu: 0.0.44.dev20260713+nightly
codegen_flags: <defaults>
</compile_context>

<pallas_src>
import functools

import jax
import jax.numpy as jnp
import numpy as np
from jax import lax
from jax.experimental import pallas as pl
from jax.experimental.pallas import tpu as pltpu
from jax.experimental.pallas import tpu_sc as plsc

N_ATOMS = 10000
D_NBR = 32
NCOL = D_NBR + 1
ROWW = 3
GCOLS = NCOL * ROWW
GLANES = 128
NPAIR = (D_NBR * (D_NBR - 1)) // 2
PPAD = 512
BA = 1024


def _build_consts():
    jj, kk = np.triu_indices(D_NBR, k=1)
    m1 = np.zeros((GLANES, 96), np.float32)
    for c in range(3):
        for j in range(D_NBR):
            m1[ROWW * (j + 1) + c, 32 * c + j] = 1.0
            m1[c, 32 * c + j] = -1.0
    mjk = np.zeros((D_NBR, 2 * PPAD), np.float32)
    for p in range(NPAIR):
        mjk[jj[p], p] = 1.0
        mjk[kk[p], PPAD + p] = 1.0
    dp = np.zeros((D_NBR, PPAD), np.float32)
    for p in range(NPAIR):
        dp[kk[p], p] += 1.0
        dp[jj[p], p] -= 1.0
    return jnp.asarray(m1), jnp.asarray(mjk), jnp.asarray(dp)


def _quad_coeffs(t):
    c1 = (4.0 * t[1] - 3.0 * t[0] - t[2]) * 0.5
    c2 = (t[2] + t[0] - 2.0 * t[1]) * 0.5
    return t[0], c1, c2



def _sc_gather(data, n_atoms, pw, cs):
    mesh = plsc.VectorSubcoreMesh(core_axis_name="c", subcore_axis_name="s")
    nchunk = pw // cs
    nstep = cs // 16
    ca = cs // NCOL
    wa = pw // NCOL
    assert cs <= 1056 and (cs * 993 >> 15) >= 0

    @functools.partial(
        pl.kernel,
        mesh=mesh,
        compiler_params=pltpu.CompilerParams(needs_layout_passes=False),
        out_type=jax.ShapeDtypeStruct((32 * wa * 128,), jnp.int32),
        scratch_types=[
            pltpu.VMEM((n_atoms * 4,), jnp.int32),
            pltpu.VMEM((pw,), jnp.int32),
            pltpu.VMEM((ca * 128,), jnp.int32),
            pltpu.VMEM((ca * 128,), jnp.int32),
            pltpu.SemaphoreType.DMA,
            pltpu.SemaphoreType.DMA,
        ],
    )
    def k(data_hbm, out_hbm, tab_v, idx_v, stage0, stage1, sem_in, sem_out):
        wid = lax.axis_index("s") * 2 + lax.axis_index("c")
        nt = n_atoms * 4
        cp_t = pltpu.async_copy(data_hbm.at[pl.ds(0, nt)], tab_v, sem_in)
        cp_i = pltpu.async_copy(data_hbm.at[pl.ds(nt + wid * pw, pw)], idx_v,
                                sem_in)
        lane = lax.iota(jnp.int32, 16)
        stages = (stage0, stage1)
        zero = jnp.zeros((16,), jnp.int32)

        def zinit(z, _):
            stage0[pl.ds(z * 16, 16)] = zero
            stage1[pl.ds(z * 16, 16)] = zero
            return 0

        lax.fori_loop(0, ca * 8, zinit, 0, unroll=4)
        cp_t.wait()
        cp_i.wait()

        flushes = [None, None]
        for ci in range(nchunk):
            stage_v = stages[ci % 2]
            if flushes[ci % 2] is not None:
                flushes[ci % 2].wait()

            def step(s, _, ci=ci, stage_v=stage_v):
                atom = idx_v[pl.ds(ci * cs + s * 16, 16)]
                src = atom * 4
                item = s * 16 + lane
                arow = (item * 993) >> 15
                dst = arow * 128 + item * 3 - arow * 99
                for c in range(3):
                    v = plsc.load_gather(tab_v, [src + c])
                    plsc.store_scatter(stage_v, [dst + c], v)
                return 0

            lax.fori_loop(0, nstep, step, 0, unroll=6)
            flushes[ci % 2] = pltpu.async_copy(
                stage_v,
                out_hbm.at[pl.ds((wid * wa + ci * ca) * 128, ca * 128)],
                sem_out,
            )
        for cp in flushes:
            if cp is not None:
                cp.wait()

    return k(data)



def _dot(a, b, precision=lax.Precision.DEFAULT):
    return lax.dot_general(
        a, b, (((1,), (0,)), ((), ())),
        precision=precision,
        preferred_element_type=jnp.float32,
    )


def _energy_body(nv, params_ref, g_ref, el_ref, m1_ref, mjk_ref,
                 dp_ref, out_ref):
    i = pl.program_id(0)
    G = g_ref[...]
    ef = el_ref[...].astype(jnp.float32)
    ei = ef[:, 0:1]
    en = ef[:, 1:NCOL]
    valid = (lax.broadcasted_iota(jnp.int32, (BA, 1), 0) + i * BA) < nv

    R = _dot(G, m1_ref[...], lax.Precision.HIGHEST)
    Rx = R[:, 0:32]
    Ry = R[:, 32:64]
    Rz = R[:, 64:96]
    rij2 = Rx * Rx + Ry * Ry + Rz * Rz
    rij = jnp.sqrt(rij2)

    def q3(base, s, ssq):
        return (params_ref[base] + params_ref[base + 1] * s
                + params_ref[base + 2] * ssq)

    s2 = ei + en
    s2q = s2 * s2
    A_ij = q3(0, s2, s2q)
    B_ij = q3(3, s2, s2q)
    p_ij = q3(6, s2, s2q)
    q_ij = q3(9, s2, s2q)
    sig_ij = q3(12, s2, s2q)
    gam_ij = q3(15, s2, s2q)
    cut_ij = q3(18, s2, s2q)
    mask2 = (rij < cut_ij) & valid
    safe_r = jnp.where(mask2, rij, 1.0)
    log_sr = jnp.log(sig_ij / safe_r)
    Bpq = B_ij * jnp.exp(p_ij * log_sr) - jnp.exp(q_ij * log_sr)
    denom2 = jnp.where(mask2, rij - cut_ij, -1.0)
    E2 = jnp.where(mask2, A_ij * Bpq * jnp.exp(sig_ij / denom2), 0.0)
    esum = 0.5 * jnp.sum(E2)

    MJK = mjk_ref[...]
    RP = _dot(rij, MJK)
    EP = _dot(en, MJK)
    GP = _dot(gam_ij, MJK)
    CP = _dot(cut_ij, MJK)
    rij_p = RP[:, 0:PPAD]
    rik_p = RP[:, PPAD:]
    ej = EP[:, 0:PPAD]
    ek = EP[:, PPAD:]
    gam_j = GP[:, 0:PPAD]
    gam_k = GP[:, PPAD:]
    cut_j = CP[:, 0:PPAD]
    cut_k = CP[:, PPAD:]
    DP = dp_ref[...]
    dx = _dot(Rx, DP)
    dy = _dot(Ry, DP)
    dz = _dot(Rz, DP)
    rjk2 = dx * dx + dy * dy + dz * dz

    lam_v = params_ref[21] + params_ref[22] * ei
    cb0_v = params_ref[23] + params_ref[24] * ei
    cjk_v = params_ref[25] + params_ref[26] * ei
    cjk2_v = cjk_v * cjk_v

    pad_ok = lax.broadcasted_iota(jnp.int32, (BA, PPAD), 1) < NPAIR
    cond = (ej + ek) == (2.0 - 2.0 * ei)
    mask3 = (cond & (rij_p <= cut_j) & (rik_p <= cut_k)
             & (rjk2 <= cjk2_v) & pad_ok & valid)
    srij = jnp.where(mask3, rij_p, 1.0)
    srik = jnp.where(mask3, rik_p, 1.0)
    cos_b = (rij_p * rij_p + rik_p * rik_p - rjk2) / (2.0 * srij * srik)
    d1 = jnp.minimum(rij_p - cut_j, -1e-12)
    d2 = jnp.minimum(rik_p - cut_k, -1e-12)
    dcb = cos_b - cb0_v
    E3 = lam_v * jnp.exp(gam_j / d1 + gam_k / d2) * dcb * dcb
    esum = esum + jnp.sum(jnp.where(mask3, E3, 0.0))

    @pl.when(i == 0)
    def _():
        out_ref[0, 0] = 0.0

    out_ref[0, 0] += esum


_TC_IN_SPECS = [
    pl.BlockSpec(memory_space=pltpu.SMEM),
    pl.BlockSpec((BA, GLANES), lambda i: (i, 0)),
    pl.BlockSpec((BA, NCOL), lambda i: (i, 0)),
    pl.BlockSpec((GLANES, 96), lambda i: (0, 0)),
    pl.BlockSpec((D_NBR, 2 * PPAD), lambda i: (0, 0)),
    pl.BlockSpec((D_NBR, PPAD), lambda i: (0, 0)),
]


def _tc_energy(nv, params, g, elements, m1, mjk, dp):
    npad = g.shape[0]
    grid = (npad // BA,)
    return pl.pallas_call(
        functools.partial(_energy_body, nv),
        grid=grid,
        in_specs=_TC_IN_SPECS,
        out_specs=pl.BlockSpec(memory_space=pltpu.SMEM),
        out_shape=jax.ShapeDtypeStruct((1, 1), jnp.float32),
    )(params, g, elements, m1, mjk, dp)


def _pack_params(A, B, p, q, sigma, gamma, cutoff, lam, cos_beta0, cutoff_jk):
    vals = []
    for t in (A, B, p, q, sigma, gamma, cutoff):
        vals.extend(_quad_coeffs(t))
    vals.extend([lam[0], lam[1] - lam[0]])
    vals.extend([cos_beta0[0], cos_beta0[1] - cos_beta0[0]])
    vals.extend([cutoff_jk[0], cutoff_jk[1] - cutoff_jk[0]])
    return jnp.stack(vals).astype(jnp.float32)


def kernel(elements, coords, nl, A, B, p, q, sigma, gamma, cutoff, lam,
           cos_beta0, cutoff_jk):
    n, ncol = nl.shape
    npad = -(-n // BA) * BA
    while (npad * ncol) % (32 * 16):
        npad += BA
    total = npad * ncol
    pw = total // 32
    cs = pw // 10

    tabf = jnp.zeros((n, 4), jnp.float32).at[:, :3].set(coords)
    tab_i = lax.bitcast_convert_type(tabf, jnp.int32).reshape(-1)
    idx = jnp.zeros((total,), jnp.int32).at[: n * ncol].set(nl.reshape(-1))
    data = jnp.concatenate([tab_i, idx])

    g_flat = _sc_gather(data, n, pw, cs)
    g = lax.bitcast_convert_type(g_flat, jnp.float32).reshape(npad, GLANES)

    return g[0, 0].astype(jnp.float32)

# --- scband reference (transcript-rebuilt; emitter-appended) ---
"""Pipeline reference for scband-stillinger-weber-layer-8349416423611 (READ-ONLY COPY).

The authoritative reference and input builder live on the scoring server;
editing this copy changes nothing except your own understanding.
"""

import jax, jax.numpy as jnp
import numpy as np

N = 10000
D = 32

def setup_inputs(seed: int = 0):
    key = jax.random.key(seed)
    k1, k2, k3 = jax.random.split(key, 3)
    coords = jax.random.uniform(k1, (N, 3), dtype=jnp.float32) * 10.0
    base = jnp.arange(N, dtype=jnp.int32)
    # strictly increasing distinct offsets in [1, N) so neighbors are distinct and != self
    steps = jax.random.randint(k2, (N, D), 1, N // D)
    offsets = jnp.cumsum(steps, axis=1)
    neigh = (base[:, None] + offsets) % N
    nl = jnp.concatenate([base[:, None], neigh.astype(jnp.int32)], axis=1)
    elem = jax.random.randint(k3, (N,), 0, 2).astype(jnp.int32)
    elements = elem[nl]
    A = jnp.array([3.9781804791, 11.3797414404, 1.1907355764], dtype=jnp.float32)
    B = jnp.array([0.4446021306, 0.5266688197, 0.9015152673], dtype=jnp.float32)
    p = jnp.array([5.0, 5.0, 5.0], dtype=jnp.float32)
    q = jnp.array([0.0, 0.0, 0.0], dtype=jnp.float32)
    sigma = jnp.array([2.85295, 2.17517, 2.84133], dtype=jnp.float32)
    gamma = jnp.array([1.3566322033, 1.3566322033, 1.3566322033], dtype=jnp.float32)
    cutoff = jnp.array([5.5466, 4.02692, 4.51956], dtype=jnp.float32)
    lam = jnp.array([7.4767529158, 8.159518122], dtype=jnp.float32)
    cos_beta0 = jnp.array([0.1428569579923222, 0.1428569579923222], dtype=jnp.float32)
    cutoff_jk = jnp.array([3.86095, 5.5466], dtype=jnp.float32)
    return {"elements": elements, "coords": coords, "nl": nl, "A": A, "B": B, "p": p, "q": q, "sigma": sigma, "gamma": gamma, "cutoff": cutoff, "lam": lam, "cos_beta0": cos_beta0, "cutoff_jk": cutoff_jk}

def _energy(elements, coords, nl, A, B, p, q, sigma, gamma, cutoff, lam, cos_beta0, cutoff_jk):
    xyz_i = coords[nl[:, 0]]
    elem_i = elements[:, 0]
    xyz_j = coords[nl[:, 1:]]
    elem_j = elements[:, 1:]
    rij_vec = xyz_j - xyz_i[:, None, :]
    norm_rij = jnp.sqrt(jnp.sum(rij_vec * rij_vec, axis=-1))
    ij_sum = elem_i[:, None] + elem_j
    A_ij = A[ij_sum]; B_ij = B[ij_sum]; p_ij = p[ij_sum]; q_ij = q[ij_sum]
    sig_ij = sigma[ij_sum]; cut_ij = cutoff[ij_sum]; gam_ij = gamma[ij_sum]
    # two-body term: E2 = A * (B*(sig/r)^p - (sig/r)^q) * exp(sig/(r - cutoff)) for r < cutoff
    mask2 = norm_rij < cut_ij
    safe_r = jnp.where(mask2, norm_rij, 1.0)
    sig_r = sig_ij / safe_r
    Bpq = B_ij * sig_r ** p_ij - sig_r ** q_ij
    denom2 = jnp.where(mask2, safe_r - cut_ij, -1.0)
    E2 = jnp.where(mask2, A_ij * Bpq * jnp.exp(sig_ij / denom2), 0.0)
    energy = 0.5 * jnp.sum(E2)
    # three-body term over unordered neighbor pairs (j < k)
    jj, kk = np.triu_indices(D, k=1)
    rij = norm_rij[:, jj]; rik = norm_rij[:, kk]

    def _rjk_body(carry, jk):
        j_idx, k_idx = jk
        v = jnp.take(xyz_j, k_idx, axis=1) - jnp.take(xyz_j, j_idx, axis=1)
        r = jnp.sqrt(jnp.sum(v * v, axis=-1) + 1e-20)
        return carry, r

    _, rjk_t = jax.lax.scan(
        _rjk_body, None,
        (jnp.asarray(jj, dtype=jnp.int32), jnp.asarray(kk, dtype=jnp.int32)))
    rjk = rjk_t.T
    ej = elem_j[:, jj]; ek = elem_j[:, kk]
    cond_elem = (elem_i[:, None] != ej) & (ej == ek)
    ijk = jnp.clip(2 - (elem_i[:, None] + ej + ek), 0, 1)
    ik_sum = elem_i[:, None] + ek
    gam_ij3 = gam_ij[:, jj]; cut_ij3 = cut_ij[:, jj]
    gam_ik = gamma[ik_sum]; cut_ik = cutoff[ik_sum]
    cjk = cutoff_jk[ijk]
    mask3 = cond_elem & (rij <= cut_ij3) & (rik <= cut_ik) & (rjk <= cjk)
    s_rij = jnp.where(mask3, rij, 1.0)
    s_rik = jnp.where(mask3, rik, 1.0)
    cos_b = (rij * rij + rik * rik - rjk * rjk) / (2.0 * s_rij * s_rik)
    d1 = jnp.where(mask3, rij - cut_ij3, -1.0)
    d2 = jnp.where(mask3, rik - cut_ik, -1.0)
    E3 = lam[ijk] * jnp.exp(gam_ij3 / d1 + gam_ik / d2) * (cos_b - cos_beta0[ijk]) ** 2
    energy = energy + jnp.sum(jnp.where(mask3, E3, 0.0))
    return energy

def reference(elements, coords, nl, A, B, p, q, sigma, gamma, cutoff, lam, cos_beta0, cutoff_jk):
    return _energy(elements, coords, nl, A, B, p, q, sigma, gamma, cutoff, lam, cos_beta0, cutoff_jk)

if __name__ == "__main__":
    import jax
    _d = setup_inputs()
    print(jax.jit(kernel)(*tuple(_d.values())))

</pallas_src>

<mosaic_0001>
#map = affine_map<(d0, d1) -> (0)>
module attributes {stable_mosaic.version = 14 : i64} {
  func.func @k(%arg0: i32, %arg1: i32, %arg2: memref<377920xi32, #tpu.memory_space<hbm>>, %arg3: memref<1310720xi32, #tpu.memory_space<hbm>>, %arg4: memref<40000xi32, #tpu.memory_space<vmem>>, %arg5: memref<10560xi32, #tpu.memory_space<vmem>>, %arg6: memref<4096xi32, #tpu.memory_space<vmem>>, %arg7: memref<4096xi32, #tpu.memory_space<vmem>>, %arg8: memref<!tpu.dma_semaphore, #tpu.memory_space<semaphore_mem>>, %arg9: memref<!tpu.dma_semaphore, #tpu.memory_space<semaphore_mem>>) attributes {dimension_semantics = [#tpu.dimension_semantics<core_parallel>, #tpu.dimension_semantics<subcore_parallel>], iteration_bounds = array<i64: 2, 16>, scalar_prefetch = 0 : i64, scratch_operands = 6 : i64, tpu.core_type = #tpu.core_type<sc_vector_subcore>, window_params = [{transform_indices = #map}, {transform_indices = #map}]} {
    %mul3A = arith.constant 2 : i32
    %mul3A_0 = arith.muli %arg1, %mul3A : i32
    %add3A = arith.addi %mul3A_0, %arg0 : i32
    %dma_start3A = arith.constant 0 : i32
    %dma_start3A_1 = tpu.memref_slice %arg2[%dma_start3A] : memref<377920xi32, #tpu.memory_space<hbm>> -> memref<40000xi32, #tpu.memory_space<hbm>>
    %dma_start3A_2 = arith.constant 0 : i32
    %dma_start3A_3 = tpu.memref_slice %arg2[%dma_start3A_2] : memref<377920xi32, #tpu.memory_space<hbm>> -> memref<40000xi32, #tpu.memory_space<hbm>>
    tpu.enqueue_dma source(%dma_start3A_3 : memref<40000xi32, #tpu.memory_space<hbm>>) target(%arg4 : memref<40000xi32, #tpu.memory_space<vmem>>) target_semaphore(%arg8 : memref<!tpu.dma_semaphore, #tpu.memory_space<semaphore_mem>>)
    %mul3A_4 = arith.constant 10560 : i32
    %mul3A_5 = arith.muli %add3A, %mul3A_4 : i32
    %add3A_6 = arith.constant 40000 : i32
    %add3A_7 = arith.addi %add3A_6, %mul3A_5 : i32
    %dma_start3A_8 = tpu.memref_slice %arg2[%add3A_7] : memref<377920xi32, #tpu.memory_space<hbm>> -> memref<10560xi32, #tpu.memory_space<hbm>>
    %dma_start3A_9 = tpu.memref_slice %arg2[%add3A_7] : memref<377920xi32, #tpu.memory_space<hbm>> -> memref<10560xi32, #tpu.memory_space<hbm>>
    tpu.enqueue_dma source(%dma_start3A_9 : memref<10560xi32, #tpu.memory_space<hbm>>) target(%arg5 : memref<10560xi32, #tpu.memory_space<vmem>>) target_semaphore(%arg8 : memref<!tpu.dma_semaphore, #tpu.memory_space<semaphore_mem>>)
    %iota3A = tpu.iota {dimensions = array<i32: 0>} : vector<16xi32>
    %broadcast_in_dim3A = arith.constant 0 : i32
    %broadcast_in_dim3A_10 = vector.broadcast %broadcast_in_dim3A : i32 to vector<16xi32>
    %scan3A = arith.constant 0 : i32
    %scan3A_11 = arith.constant 0 : i32
    %scan3A_12 = arith.constant 256 : i32
    %scan3A_13 = arith.addi %scan3A_11, %scan3A_12 : i32
    %scan3A_14 = arith.constant 4 : i32
    %scan3A_15 = scf.for %scan3A_192 = %scan3A_11 to %scan3A_13 step %scan3A_14 iter_args(%scan3A_193 = %scan3A) -> (i32)  : i32 {
      %mul3A_194 = arith.constant 16 : i32
      %mul3A_195 = arith.muli %scan3A_192, %mul3A_194 : i32
      %swap3A = arith.index_cast %mul3A_195 : i32 to index
      %swap3A_196 = tpu.vector_load %arg6[%swap3A] {strides = array<i32>} : memref<4096xi32, #tpu.memory_space<vmem>>, vector<16xi32>,
      tpu.vector_store %arg6[%swap3A], %broadcast_in_dim3A_10 {strides = array<i32>} : memref<4096xi32, #tpu.memory_space<vmem>>, vector<16xi32>,
      %mul3A_197 = arith.constant 16 : i32
      %mul3A_198 = arith.muli %scan3A_192, %mul3A_197 : i32
      %swap3A_199 = arith.index_cast %mul3A_198 : i32 to index
      %swap3A_200 = tpu.vector_load %arg7[%swap3A_199] {strides = array<i32>} : memref<4096xi32, #tpu.memory_space<vmem>>, vector<16xi32>,
      tpu.vector_store %arg7[%swap3A_199], %broadcast_in_dim3A_10 {strides = array<i32>} : memref<4096xi32, #tpu.memory_space<vmem>>, vector<16xi32>,
      %scan3A_201 = arith.constant 0 : i32
      %scan3A_202 = arith.constant 1 : i32
      %scan3A_203 = arith.addi %scan3A_192, %scan3A_202 : i32
      %mul3A_204 = arith.constant 16 : i32
      %mul3A_205 = arith.muli %scan3A_203, %mul3A_204 : i32
      %swap3A_206 = arith.index_cast %mul3A_205 : i32 to index
      %swap3A_207 = tpu.vector_load %arg6[%swap3A_206] {strides = array<i32>} : memref<4096xi32, #tpu.memory_space<vmem>>, vector<16xi32>,
      tpu.vector_store %arg6[%swap3A_206], %broadcast_in_dim3A_10 {strides = array<i32>} : memref<4096xi32, #tpu.memory_space<vmem>>, vector<16xi32>,
      %mul3A_208 = arith.constant 16 : i32
      %mul3A_209 = arith.muli %scan3A_203, %mul3A_208 : i32
      %swap3A_210 = arith.index_cast %mul3A_209 : i32 to index
      %swap3A_211 = tpu.vector_load %arg7[%swap3A_210] {strides = array<i32>} : memref<4096xi32, #tpu.memory_space<vmem>>, vector<16xi32>,
      tpu.vector_store %arg7[%swap3A_210], %broadcast_in_dim3A_10 {strides = array<i32>} : memref<4096xi32, #tpu.memory_space<vmem>>, vector<16xi32>,
      %scan3A_212 = arith.constant 0 : i32
      %scan3A_213 = arith.constant 2 : i32
      %scan3A_214 = arith.addi %scan3A_192, %scan3A_213 : i32
      %mul3A_215 = arith.constant 16 : i32
      %mul3A_216 = arith.muli %scan3A_214, %mul3A_215 : i32
      %swap3A_217 = arith.index_cast %mul3A_216 : i32 to index
      %swap3A_218 = tpu.vector_load %arg6[%swap3A_217] {strides = array<i32>} : memref<4096xi32, #tpu.memory_space<vmem>>, vector<16xi32>,
      tpu.vector_store %arg6[%swap3A_217], %broadcast_in_dim3A_10 {strides = array<i32>} : memref<4096xi32, #tpu.memory_space<vmem>>, vector<16xi32>,
      %mul3A_219 = arith.constant 16 : i32
      %mul3A_220 = arith.muli %scan3A_214, %mul3A_219 : i32
      %swap3A_221 = arith.index_cast %mul3A_220 : i32 to index
      %swap3A_222 = tpu.vector_load %arg7[%swap3A_221] {strides = array<i32>} : memref<4096xi32, #tpu.memory_space<vmem>>, vector<16xi32>,
      tpu.vector_store %arg7[%swap3A_221], %broadcast_in_dim3A_10 {strides = array<i32>} : memref<4096xi32, #tpu.memory_space<vmem>>, vector<16xi32>,
      %scan3A_223 = arith.constant 0 : i32
      %scan3A_224 = arith.constant 3 : i32
      %scan3A_225 = arith.addi %scan3A_192, %scan3A_224 : i32
      %mul3A_226 = arith.constant 16 : i32
      %mul3A_227 = arith.muli %scan3A_225, %mul3A_226 : i32
      %swap3A_228 = arith.index_cast %mul3A_227 : i32 to index
      %swap3A_229 = tpu.vector_load %arg6[%swap3A_228] {strides = array<i32>} : memref<4096xi32, #tpu.memory_space<vmem>>, vector<16xi32>,
      tpu.vector_store %arg6[%swap3A_228], %broadcast_in_dim3A_10 {strides = array<i32>} : memref<4096xi32, #tpu.memory_space<vmem>>, vector<16xi32>,
      %mul3A_230 = arith.constant 16 : i32
      %mul3A_231 = arith.muli %scan3A_225, %mul3A_230 : i32
      %swap3A_232 = arith.index_cast %mul3A_231 : i32 to index
      %swap3A_233 = tpu.vector_load %arg7[%swap3A_232] {strides = array<i32>} : memref<4096xi32, #tpu.memory_space<vmem>>, vector<16xi32>,
      tpu.vector_store %arg7[%swap3A_232], %broadcast_in_dim3A_10 {strides = array<i32>} : memref<4096xi32, #tpu.memory_space<vmem>>, vector<16xi32>,
      %scan3A_234 = arith.constant 0 : i32
      scf.yield %scan3A_234 : i32
    }
    %scan3A_16 = arith.constant 256 : i32
    %dma_wait3A = arith.constant 0 : i32
    %dma_wait3A_17 = tpu.memref_slice %arg2[%dma_wait3A] : memref<377920xi32, #tpu.memory_space<hbm>> -> memref<40000xi32, #tpu.memory_space<hbm>>
    %dma_wait3A_18 = arith.constant 0 : i32
    %dma_wait3A_19 = tpu.memref_slice %arg2[%dma_wait3A_18] : memref<377920xi32, #tpu.memory_space<hbm>> -> memref<40000xi32, #tpu.memory_space<hbm>>
    tpu.wait_dma2 semaphore(%arg8 : memref<!tpu.dma_semaphore, #tpu.memory_space<semaphore_mem>>) src(%dma_wait3A_19 : memref<40000xi32, #tpu.memory_space<hbm>>) dst(%arg4 : memref<40000xi32, #tpu.memory_space<vmem>>)
    %dma_wait3A_20 = tpu.memref_slice %arg2[%add3A_7] : memref<377920xi32, #tpu.memory_space<hbm>> -> memref<10560xi32, #tpu.memory_space<hbm>>
    %dma_wait3A_21 = tpu.memref_slice %arg2[%add3A_7] : memref<377920xi32, #tpu.memory_space<hbm>> -> memref<10560xi32, #tpu.memory_space<hbm>>
    tpu.wait_dma2 semaphore(%arg8 : memref<!tpu.dma_semaphore, #tpu.memory_space<semaphore_mem>>) src(%dma_wait3A_21 : memref<10560xi32, #tpu.memory_space<hbm>>) dst(%arg5 : memref<10560xi32, #tpu.memory_space<vmem>>)
    %scan3A_22 = arith.constant 0 : i32
    %scan3A_23 = arith.constant 0 : i32
    %scan3A_24 = arith.constant 66 : i32
    %scan3A_25 = arith.addi %scan3A_23, %scan3A_24 : i32
    %scan3A_26 = arith.constant 6 : i32
    %scan3A_27 = scf.for %scan3A_192 = %scan3A_23 to %scan3A_25 step %scan3A_26 iter_args(%scan3A_193 = %scan3A_22) -> (i32)  : i32 {
      %mul3A_194 = arith.constant 16 : i32
      %mul3A_195 = arith.muli %scan3A_192, %mul3A_194 : i32
      %add3A_196 = arith.constant 0 : i32
      %add3A_197 = arith.addi %add3A_196, %mul3A_195 : i32
      %get3A = arith.index_cast %add3A_197 : i32 to index
      %get3A_198 = tpu.vector_load %arg5[%get3A] {strides = array<i32>} : memref<10560xi32, #tpu.memory_space<vmem>>, vector<16xi32>,
      %mul3A_199 = arith.constant 4 : i32
      %mul3A_200 = vector.broadcast %mul3A_199 : i32 to vector<16xi32>
      %mul3A_201 = arith.muli %get3A_198, %mul3A_200 : vector<16xi32>
      %mul3A_202 = arith.constant 16 : i32
      %mul3A_203 = arith.muli %scan3A_192, %mul3A_202 : i32
      %add3A_204 = vector.broadcast %mul3A_203 : i32 to vector<16xi32>
      %add3A_205 = arith.addi %add3A_204, %iota3A : vector<16xi32>
      %mul3A_206 = arith.constant 993 : i32
      %mul3A_207 = vector.broadcast %mul3A_206 : i32 to vector<16xi32>
      %mul3A_208 = arith.muli %add3A_205, %mul3A_207 : vector<16xi32>
      %shift_right_arithmetic3A = arith.constant 15 : i32
      %shift_right_arithmetic3A_209 = vector.broadcast %shift_right_arithmetic3A : i32 to vector<16xi32>
      %shift_right_arithmetic3A_210 = arith.shrsi %mul3A_208, %shift_right_arithmetic3A_209 : vector<16xi32>
      %mul3A_211 = arith.constant 128 : i32
      %mul3A_212 = vector.broadcast %mul3A_211 : i32 to vector<16xi32>
      %mul3A_213 = arith.muli %shift_right_arithmetic3A_210, %mul3A_212 : vector<16xi32>
      %mul3A_214 = arith.constant 3 : i32
      %mul3A_215 = vector.broadcast %mul3A_214 : i32 to vector<16xi32>
      %mul3A_216 = arith.muli %add3A_205, %mul3A_215 : vector<16xi32>
      %add3A_217 = arith.addi %mul3A_213, %mul3A_216 : vector<16xi32>
      %mul3A_218 = arith.constant 99 : i32
      %mul3A_219 = vector.broadcast %mul3A_218 : i32 to vector<16xi32>
      %mul3A_220 = arith.muli %shift_right_arithmetic3A_210, %mul3A_219 : vector<16xi32>
      %sub3A = arith.subi %add3A_217, %mul3A_220 : vector<16xi32>
      %add3A_221 = arith.constant 0 : i32
      %add3A_222 = vector.broadcast %add3A_221 : i32 to vector<16xi32>
      %add3A_223 = arith.addi %mul3A_201, %add3A_222 : vector<16xi32>
      %gather3A = tpu.vector_load_idx %arg4[%add3A_223] : memref<40000xi32, #tpu.memory_space<vmem>>[vector<16xi32>], vector<16xi32>,
      %add3A_224 = arith.constant 0 : i32
      %add3A_225 = vector.broadcast %add3A_224 : i32 to vector<16xi32>
      %add3A_226 = arith.addi %sub3A, %add3A_225 : vector<16xi32>
      tpu.vector_store_idx %arg6[%add3A_226], %gather3A : memref<4096xi32, #tpu.memory_space<vmem>>[vector<16xi32>], vector<16xi32>,
      %add3A_227 = arith.constant 1 : i32
      %add3A_228 = vector.broadcast %add3A_227 : i32 to vector<16xi32>
      %add3A_229 = arith.addi %mul3A_201, %add3A_228 : vector<16xi32>
      %gather3A_230 = tpu.vector_load_idx %arg4[%add3A_229] : memref<40000xi32, #tpu.memory_space<vmem>>[vector<16xi32>], vector<16xi32>,
      %add3A_231 = arith.constant 1 : i32
      %add3A_232 = vector.broadcast %add3A_231 : i32 to vector<16xi32>
      %add3A_233 = arith.addi %sub3A, %add3A_232 : vector<16xi32>
      tpu.vector_store_idx %arg6[%add3A_233], %gather3A_230 : memref<4096xi32, #tpu.memory_space<vmem>>[vector<16xi32>], vector<16xi32>,
      %add3A_234 = arith.constant 2 : i32
      %add3A_235 = vector.broadcast %add3A_234 : i32 to vector<16xi32>
      %add3A_236 = arith.addi %mul3A_201, %add3A_235 : vector<16xi32>
      %gather3A_237 = tpu.vector_load_idx %arg4[%add3A_236] : memref<40000xi32, #tpu.memory_space<vmem>>[vector<16xi32>], vector<16xi32>,
      %add3A_238 = arith.constant 2 : i32
      %add3A_239 = vector.broadcast %add3A_238 : i32 to vector<16xi32>
      %add3A_240 = arith.addi %sub3A, %add3A_239 : vector<16xi32>
      tpu.vector_store_idx %arg6[%add3A_240], %gather3A_237 : memref<4096xi32, #tpu.memory_space<vmem>>[vector<16xi32>], vector<16xi32>,
      %scan3A_241 = arith.constant 0 : i32
      %scan3A_242 = arith.constant 1 : i32
      %scan3A_243 = arith.addi %scan3A_192, %scan3A_242 : i32
      %mul3A_244 = arith.constant 16 : i32
      %mul3A_245 = arith.muli %scan3A_243, %mul3A_244 : i32
      %add3A_246 = arith.constant 0 : i32
      %add3A_247 = arith.addi %add3A_246, %mul3A_245 : i32
      %get3A_248 = arith.index_cast %add3A_247 : i32 to index
      %get3A_249 = tpu.vector_load %arg5[%get3A_248] {strides = array<i32>} : memref<10560xi32, #tpu.memory_space<vmem>>, vector<16xi32>,
      %mul3A_250 = arith.constant 4 : i32
      %mul3A_251 = vector.broadcast %mul3A_250 : i32 to vector<16xi32>
      %mul3A_252 = arith.muli %get3A_249, %mul3A_251 : vector<16xi32>
      %mul3A_253 = arith.constant 16 : i32
      %mul3A_254 = arith.muli %scan3A_243, %mul3A_253 : i32
      %add3A_255 = vector.broadcast %mul3A_254 : i32 to vector<16xi32>
      %add3A_256 = arith.addi %add3A_255, %iota3A : vector<16xi32>
      %mul3A_257 = arith.constant 993 : i32
      %mul3A_258 = vector.broadcast %mul3A_257 : i32 to vector<16xi32>
      %mul3A_259 = arith.muli %add3A_256, %mul3A_258 : vector<16xi32>
      %shift_right_arithmetic3A_260 = arith.constant 15 : i32
      %shift_right_arithmetic3A_261 = vector.broadcast %shift_right_arithmetic3A_260 : i32 to vector<16xi32>
      %shift_right_arithmetic3A_262 = arith.shrsi %mul3A_259, %shift_right_arithmetic3A_261 : vector<16xi32>
      %mul3A_263 = arith.constant 128 : i32
      %mul3A_264 = vector.broadcast %mul3A_263 : i32 to vector<16xi32>
      %mul3A_265 = arith.muli %shift_right_arithmetic3A_262, %mul3A_264 : vector<16xi32>
      %mul3A_266 = arith.constant 3 : i32
      %mul3A_267 = vector.broadcast %mul3A_266 : i32 to vector<16xi32>
      %mul3A_268 = arith.muli %add3A_256, %mul3A_267 : vector<16xi32>
      %add3A_269 = arith.addi %mul3A_265, %mul3A_268 : vector<16xi32>
      %mul3A_270 = arith.constant 99 : i32
      %mul3A_271 = vector.broadcast %mul3A_270 : i32 to vector<16xi32>
      %mul3A_272 = arith.muli %shift_right_arithmetic3A_262, %mul3A_271 : vector<16xi32>
      %sub3A_273 = arith.subi %add3A_269, %mul3A_272 : vector<16xi32>
      %add3A_274 = arith.constant 0 : i32
      %add3A_275 = vector.broadcast %add3A_274 : i32 to vector<16xi32>
      %add3A_276 = arith.addi %mul3A_252, %add3A_275 : vector<16xi32>
      %gather3A_277 = tpu.vector_load_idx %arg4[%add3A_276] : memref<40000xi32, #tpu.memory_space<vmem>>[vector<16xi32>], vector<16xi32>,
      %add3A_278 = arith.constant 0 : i32
      %add3A_279 = vector.broadcast %add3A_278 : i32 to vector<16xi32>
      %add3A_280 = arith.addi %sub3A_273, %add3A_279 : vector<16xi32>
      tpu.vector_store_idx %arg6[%add3A_280], %gather3A_277 : memref<4096xi32, #tpu.memory_space<vmem>>[vector<16xi32>], vector<16xi32>,
      %add3A_281 = arith.constant 1 : i32
      %add3A_282 = vector.broadcast %add3A_281 : i32 to vector<16xi32>
      %add3A_283 = arith.addi %mul3A_252, %add3A_282 : vector<16xi32>
      %gather3A_284 = tpu.vector_load_idx %arg4[%add3A_283] : memref<40000xi32, #tpu.memory_space<vmem>>[vector<16xi32>], vector<16xi32>,
      %add3A_285 = arith.constant 1 : i32
      %add3A_286 = vector.broadcast %add3A_285 : i32 to vector<16xi32>
      %add3A_287 = arith.addi %sub3A_273, %add3A_286 : vector<16xi32>
      tpu.vector_store_idx %arg6[%add3A_287], %gather3A_284 : memref<4096xi32, #tpu.memory_space<vmem>>[vector<16xi32>], vector<16xi32>,
      %add3A_288 = arith.constant 2 : i32
      %add3A_289 = vector.broadcast %add3A_288 : i32 to vector<16xi32>
      %add3A_290 = arith.addi %mul3A_252, %add3A_289 : vector<16xi32>
      %gather3A_291 = tpu.vector_load_idx %arg4[%add3A_290] : memref<40000xi32, #tpu.memory_space<vmem>>[vector<16xi32>], vector<16xi32>,
      %add3A_292 = arith.constant 2 : i32
      %add3A_293 = vector.broadcast %add3A_292 : i32 to vector<16xi32>
      %add3A_294 = arith.addi %sub3A_273, %add3A_293 : vector<16xi32>
      tpu.vector_store_idx %arg6[%add3A_294], %gather3A_291 : memref<4096xi32, #tpu.memory_space<vmem>>[vector<16xi32>], vector<16xi32>,
      %scan3A_295 = arith.constant 0 : i32
      %scan3A_296 = arith.constant 2 : i32
      %scan3A_297 = arith.addi %scan3A_192, %scan3A_296 : i32
      %mul3A_298 = arith.constant 16 : i32
      %mul3A_299 = arith.muli %scan3A_297, %mul3A_298 : i32
      %add3A_300 = arith.constant 0 : i32
      %add3A_301 = arith.addi %add3A_300, %mul3A_299 : i32
      %get3A_302 = arith.index_cast %add3A_301 : i32 to index
      %get3A_303 = tpu.vector_load %arg5[%get3A_302] {strides = array<i32>} : memref<10560xi32, #tpu.memory_space<vmem>>, vector<16xi32>,
      %mul3A_304 = arith.constant 4 : i32
      %mul3A_305 = vector.broadcast %mul3A_304 : i32 to vector<16xi32>
      %mul3A_306 = arith.muli %get3A_303, %mul3A_305 : vector<16xi32>
      %mul3A_307 = arith.constant 16 : i32
      %mul3A_308 = arith.muli %scan3A_297, %mul3A_307 : i32
      %add3A_309 = vector.broadcast %mul3A_308 : i32 to vector<16xi32>
      %add3A_310 = arith.addi %add3A_309, %iota3A : vector<16xi32>
      %mul3A_311 = arith.constant 993 : i32
      %mul3A_312 = vector.broadcast %mul3A_311 : i32 to vector<16xi32>
      %mul3A_313 = arith.muli %add3A_310, %mul3A_312 : vector<16xi32>
      %shift_right_arithmetic3A_314 = arith.constant 15 : i32
      %shift_right_arithmetic3A_315 = vector.broadcast %shift_right_arithmetic3A_314 : i32 to vector<16xi32>
      %shift_right_arithmetic3A_316 = arith.shrsi %mul3A_313, %shift_right_arithmetic3A_315 : vector<16xi32>
      %mul3A_317 = arith.constant 128 : i32
      %mul3A_318 = vector.broadcast %mul3A_317 : i32 to vector<16xi32>
      %mul3A_319 = arith.muli %shift_right_arithmetic3A_316, %mul3A_318 : vector<16xi32>
      %mul3A_320 = arith.constant 3 : i32
      %mul3A_321 = vector.broadcast %mul3A_320 : i32 to vector<16xi32>
      %mul3A_322 = arith.muli %add3A_310, %mul3A_321 : vector<16xi32>
      %add3A_323 = arith.addi %mul3A_319, %mul3A_322 : vector<16xi32>
      %mul3A_324 = arith.constant 99 : i32
      %mul3A_325 = vector.broadcast %mul3A_324 : i32 to vector<16xi32>
      %mul3A_326 = arith.muli %shift_right_arithmetic3A_316, %mul3A_325 : vector<16xi32>
      %sub3A_327 = arith.subi %add3A_323, %mul3A_326 : vector<16xi32>
      %add3A_328 = arith.constant 0 : i32
      %add3A_329 = vector.broadcast %add3A_328 : i32 to vector<16xi32>
      %add3A_330 = arith.addi %mul3A_306, %add3A_329 : vector<16xi32>
      %gather3A_331 = tpu.vector_load_idx %arg4[%add3A_330] : memref<40000xi32, #tpu.memory_space<vmem>>[vector<16xi32>], vector<16xi32>,
      %add3A_332 = arith.constant 0 : i32
      %add3A_333 = vector.broadcast %add3A_332 : i32 to vector<16xi32>
      %add3A_334 = arith.addi %sub3A_327, %add3A_333 : vector<16xi32>
      tpu.vector_store_idx %arg6[%add3A_334], %gather3A_331 : memref<4096xi32, #tpu.memory_space<vmem>>[vector<16xi32>], vector<16xi32>,
      %add3A_335 = arith.constant 1 : i32
      %add3A_336 = vector.broadcast %add3A_335 : i32 to vector<16xi32>
      %add3A_337 = arith.addi %mul3A_306, %add3A_336 : vector<16xi32>
      %gather3A_338 = tpu.vector_load_idx %arg4[%add3A_337] : memref<40000xi32, #tpu.memory_space<vmem>>[vector<16xi32>], vector<16xi32>,
      %add3A_339 = arith.constant 1 : i32
      %add3A_340 = vector.broadcast %add3A_339 : i32 to vector<16xi32>
      %add3A_341 = arith.addi %sub3A_327, %add3A_340 : vector<16xi32>
      tpu.vector_store_idx %arg6[%add3A_341], %gather3A_338 : memref<4096xi32, #tpu.memory_space<vmem>>[vector<16xi32>], vector<16xi32>,
      %add3A_342 = arith.constant 2 : i32
      %add3A_343 = vector.broadcast %add3A_342 : i32 to vector<16xi32>
      %add3A_344 = arith.addi %mul3A_306, %add3A_343 : vector<16xi32>
      %gather3A_345 = tpu.vector_load_idx %arg4[%add3A_344] : memref<40000xi32, #tpu.memory_space<vmem>>[vector<16xi32>], vector<16xi32>,
      %add3A_346 = arith.constant 2 : i32
      %add3A_347 = vector.broadcast %add3A_346 : i32 to vector<16xi32>
      %add3A_348 = arith.addi %sub3A_327, %add3A_347 : vector<16xi32>
      tpu.vector_store_idx %arg6[%add3A_348], %gather3A_345 : memref<4096xi32, #tpu.memory_space<vmem>>[vector<16xi32>], vector<16xi32>,
      %scan3A_349 = arith.constant 0 : i32
      %scan3A_350 = arith.constant 3 : i32
      %scan3A_351 = arith.addi %scan3A_192, %scan3A_350 : i32
      %mul3A_352 = arith.constant 16 : i32
      %mul3A_353 = arith.muli %scan3A_351, %mul3A_352 : i32
      %add3A_354 = arith.constant 0 : i32
      %add3A_355 = arith.addi %add3A_354, %mul3A_353 : i32
      %get3A_356 = arith.index_cast %add3A_355 : i32 to index
      %get3A_357 = tpu.vector_load %arg5[%get3A_356] {strides = array<i32>} : memref<10560xi32, #tpu.memory_space<vmem>>, vector<16xi32>,
      %mul3A_358 = arith.constant 4 : i32
      %mul3A_359 = vector.broadcast %mul3A_358 : i32 to vector<16xi32>
      %mul3A_360 = arith.muli %get3A_357, %mul3A_359 : vector<16xi32>
      %mul3A_361 = arith.constant 16 : i32
      %mul3A_362 = arith.muli %scan3A_351, %mul3A_361 : i32
      %add3A_363 = vector.broadcast %mul3A_362 : i32 to vector<16xi32>
      %add3A_364 = arith.addi %add3A_363, %iota3A : vector<16xi32>
      %mul3A_365 = arith.constant 993 : i32
      %mul3A_366 = vector.broadcast %mul3A_365 : i32 to vector<16xi32>
      %mul3A_367 = arith.muli %add3A_364, %mul3A_366 : vector<16xi32>
      %shift_right_arithmetic3A_368 = arith.constant 15 : i32
      %shift_right_arithmetic3A_369 = vector.broadcast %shift_right_arithmetic3A_368 : i32 to vector<16xi32>
      %shift_right_arithmetic3A_370 = arith.shrsi %mul3A_367, %shift_right_arithmetic3A_369 : vector<16xi32>
      %mul3A_371 = arith.constant 128 : i32
      %mul3A_372 = vector.broadcast %mul3A_371 : i32 to vector<16xi32>
      %mul3A_373 = arith.muli %shift_right_arithmetic3A_370, %mul3A_372 : vector<16xi32>
      %mul3A_374 = arith.constant 3 : i32
      %mul3A_375 = vector.broadcast %mul3A_374 : i32 to vector<16xi32>
      %mul3A_376 = arith.muli %add3A_364, %mul3A_375 : vector<16xi32>
      %add3A_377 = arith.addi %mul3A_373, %mul3A_376 : vector<16xi32>
      %mul3A_378 = arith.constant 99 : i32
      %mul3A_379 = vector.broadcast %mul3A_378 : i32 to vector<16xi32>
      %mul3A_380 = arith.muli %shift_right_arithmetic3A_370, %mul3A_379 : vector<16xi32>
      %sub3A_381 = arith.subi %add3A_377, %mul3A_380 : vector<16xi32>
      %add3A_382 = arith.constant 0 : i32
      %add3A_383 = vector.broadcast %add3A_382 : i32 to vector<16xi32>
      %add3A_384 = arith.addi %mul3A_360, %add3A_383 : vector<16xi32>
      %gather3A_385 = tpu.vector_load_idx %arg4[%add3A_384] : memref<40000xi32, #tpu.memory_space<vmem>>[vector<16xi32>], vector<16xi32>,
      %add3A_386 = arith.constant 0 : i32
      %add3A_387 = vector.broadcast %add3A_386 : i32 to vector<16xi32>
      %add3A_388 = arith.addi %sub3A_381, %add3A_387 : vector<16xi32>
      tpu.vector_store_idx %arg6[%add3A_388], %gather3A_385 : memref<4096xi32, #tpu.memory_space<vmem>>[vector<16xi32>], vector<16xi32>,
      %add3A_389 = arith.constant 1 : i32
      %add3A_390 = vector.broadcast %add3A_389 : i32 to vector<16xi32>
      %add3A_391 = arith.addi %mul3A_360, %add3A_390 : vector<16xi32>
      %gather3A_392 = tpu.vector_load_idx %arg4[%add3A_391] : memref<40000xi32, #tpu.memory_space<vmem>>[vector<16xi32>], vector<16xi32>,
      %add3A_393 = arith.constant 1 : i32
      %add3A_394 = vector.broadcast %add3A_393 : i32 to vector<16xi32>
      %add3A_395 = arith.addi %sub3A_381, %add3A_394 : vector<16xi32>
      tpu.vector_store_idx %arg6[%add3A_395], %gather3A_392 : memref<4096xi32, #tpu.memory_space<vmem>>[vector<16xi32>], vector<16xi32>,
      %add3A_396 = arith.constant 2 : i32
      %add3A_397 = vector.broadcast %add3A_396 : i32 to vector<16xi32>
      %add3A_398 = arith.addi %mul3A_360, %add3A_397 : vector<16xi32>
      %gather3A_399 = tpu.vector_load_idx %arg4[%add3A_398] : memref<40000xi32, #tpu.memory_space<vmem>>[vector<16xi32>], vector<16xi32>,
      %add3A_400 = arith.constant 2 : i32
      %add3A_401 = vector.broadcast %add3A_400 : i32 to vector<16xi32>
      %add3A_402 = arith.addi %sub3A_381, %add3A_401 : vector<16xi32>
      tpu.vector_store_idx %arg6[%add3A_402], %gather3A_399 : memref<4096xi32, #tpu.memory_space<vmem>>[vector<16xi32>], vector<16xi32>,
      %scan3A_403 = arith.constant 0 : i32
      %scan3A_404 = arith.constant 4 : i32
      %scan3A_405 = arith.addi %scan3A_192, %scan3A_404 : i32
      %mul3A_406 = arith.constant 16 : i32
      %mul3A_407 = arith.muli %scan3A_405, %mul3A_406 : i32
      %add3A_408 = arith.constant 0 : i32
      %add3A_409 = arith.addi %add3A_408, %mul3A_407 : i32
      %get3A_410 = arith.index_cast %add3A_409 : i32 to index
      %get3A_411 = tpu.vector_load %arg5[%get3A_410] {strides = array<i32>} : memref<10560xi32, #tpu.memory_space<vmem>>, vector<16xi32>,
      %mul3A_412 = arith.constant 4 : i32
      %mul3A_413 = vector.broadcast %mul3A_412 : i32 to vector<16xi32>
      %mul3A_414 = arith.muli %get3A_411, %mul3A_413 : vector<16xi32>
      %mul3A_415 = arith.constant 16 : i32
      %mul3A_416 = arith.muli %scan3A_405, %mul3A_415 : i32
      %add3A_417 = vector.broadcast %mul3A_416 : i32 to vector<16xi32>
      %add3A_418 = arith.addi %add3A_417, %iota3A : vector<16xi32>
      %mul3A_419 = arith.constant 993 : i32
      %mul3A_420 = vector.broadcast %mul3A_419 : i32 to vector<16xi32>
      %mul3A_421 = arith.muli %add3A_418, %mul3A_420 : vector<16xi32>
      %shift_right_arithmetic3A_422 = arith.constant 15 : i32
      %shift_right_arithmetic3A_423 = vector.broadcast %shift_right_arithmetic3A_422 : i32 to vector<16xi32>
      %shift_right_arithmetic3A_424 = arith.shrsi %mul3A_421, %shift_right_arithmetic3A_423 : vector<16xi32>
      %mul3A_425 = arith.constant 128 : i32
      %mul3A_426 = vector.broadcast %mul3A_425 : i32 to vector<16xi32>
      %mul3A_427 = arith.muli %shift_right_arithmetic3A_424, %mul3A_426 : vector<16xi32>
      %mul3A_428 = arith.constant 3 : i32
      %mul3A_429 = vector.broadcast %mul3A_428 : i32 to vector<16xi32>
      %mul3A_430 = arith.muli %add3A_418, %mul3A_429 : vector<16xi32>
      %add3A_431 = arith.addi %mul3A_427, %mul3A_430 : vector<16xi32>
      %mul3A_432 = arith.constant 99 : i32
      %mul3A_433 = vector.broadcast %mul3A_432 : i32 to vector<16xi32>
      %mul3A_434 = arith.muli %shift_right_arithmetic3A_424, %mul3A_433 : vector<16xi32>
      %sub3A_435 = arith.subi %add3A_431, %mul3A_434 : vector<16xi32>
      %add3A_436 = arith.constant 0 : i32
      %add3A_437 = vector.broadcast %add3A_436 : i32 to vector<16xi32>
      %add3A_438 = arith.addi %mul3A_414, %add3A_437 : vector<16xi32>
      %gather3A_439 = tpu.vector_load_idx %arg4[%add3A_438] : memref<40000xi32, #tpu.memory_space<vmem>>[vector<16xi32>], vector<16xi32>,
      %add3A_440 = arith.constant 0 : i32
      %add3A_441 = vector.broadcast %add3A_440 : i32 to vector<16xi32>
      %add3A_442 = arith.addi %sub3A_435, %add3A_441 : vector<16xi32>
      tpu.vector_store_idx %arg6[%add3A_442], %gather3A_439 : memref<4096xi32, #tpu.memory_space<vmem>>[vector<16xi32>], vector<16xi32>,
      %add3A_443 = arith.constant 1 : i32
      %add3A_444 = vector.broadcast %add3A_443 : i32 to vector<16xi32>
      %add3A_445 = arith.addi %mul3A_414, %add3A_444 : vector<16xi32>
      %gather3A_446 = tpu.vector_load_idx %arg4[%add3A_445] : memref<40000xi32, #tpu.memory_space<vmem>>[vector<16xi32>], vector<16xi32>,
      %add3A_447 = arith.constant 1 : i32
      %add3A_448 = vector.broadcast %add3A_447 : i32 to vector<16xi32>
      %add3A_449 = arith.addi %sub3A_435, %add3A_448 : vector<16xi32>
      tpu.vector_store_idx %arg6[%add3A_449], %gather3A_446 : memref<4096xi32, #tpu.memory_space<vmem>>[vector<16xi32>], vector<16xi32>,
      %add3A_450 = arith.constant 2 : i32
      %add3A_451 = vector.broadcast %add3A_450 : i32 to vector<16xi32>
      %add3A_452 = arith.addi %mul3A_414, %add3A_451 : vector<16xi32>
      %gather3A_453 = tpu.vector_load_idx %arg4[%add3A_452] : memref<40000xi32, #tpu.memory_space<vmem>>[vector<16xi32>], vector<16xi32>,
      %add3A_454 = arith.constant 2 : i32
      %add3A_455 = vector.broadcast %add3A_454 : i32 to vector<16xi32>
      %add3A_456 = arith.addi %sub3A_435, %add3A_455 : vector<16xi32>
      tpu.vector_store_idx %arg6[%add3A_456], %gather3A_453 : memref<4096xi32, #tpu.memory_space<vmem>>[vector<16xi32>], vector<16xi32>,
      %scan3A_457 = arith.constant 0 : i32
      %scan3A_458 = arith.constant 5 : i32
      %scan3A_459 = arith.addi %scan3A_192, %scan3A_458 : i32
      %mul3A_460 = arith.constant 16 : i32
      %mul3A_461 = arith.muli %scan3A_459, %mul3A_460 : i32
      %add3A_462 = arith.constant 0 : i32
      %add3A_463 = arith.addi %add3A_462, %mul3A_461 : i32
      %get3A_464 = arith.index_cast %add3A_463 : i32 to index
      %get3A_465 = tpu.vector_load %arg5[%get3A_464] {strides = array<i32>} : memref<10560xi32, #tpu.memory_space<vmem>>, vector<16xi32>,
      %mul3A_466 = arith.constant 4 : i32
      %mul3A_467 = vector.broadcast %mul3A_466 : i32 to vector<16xi32>
      %mul3A_468 = arith.muli %get3A_465, %mul3A_467 : vector<16xi32>
      %mul3A_469 = arith.constant 16 : i32
      %mul3A_470 = arith.muli %scan3A_459, %mul3A_469 : i32
      %add3A_471 = vector.broadcast %mul3A_470 : i32 to vector<16xi32>
      %add3A_472 = arith.addi %add3A_471, %iota3A : vector<16xi32>
      %mul3A_473 = arith.constant 993 : i32
      %mul3A_474 = vector.broadcast %mul3A_473 : i32 to vector<16xi32>
      %mul3A_475 = arith.muli %add3A_472, %mul3A_474 : vector<16xi32>
      %shift_right_arithmetic3A_476 = arith.constant 15 : i32
      %shift_right_arithmetic3A_477 = vector.broadcast %shift_right_arithmetic3A_476 : i32 to vector<16xi32>
      %shift_right_arithmetic3A_478 = arith.shrsi %mul3A_475, %shift_right_arithmetic3A_477 : vector<16xi32>
      %mul3A_479 = arith.constant 128 : i32
      %mul3A_480 = vector.broadcast %mul3A_479 : i32 to vector<16xi32>
      %mul3A_481 = arith.muli %shift_right_arithmetic3A_478, %mul3A_480 : vector<16xi32>
      %mul3A_482 = arith.constant 3 : i32
      %mul3A_483 = vector.broadcast %mul3A_482 : i32 to vector<16xi32>
      %mul3A_484 = arith.muli %add3A_472, %mul3A_483 : vector<16xi32>
      %add3A_485 = arith.addi %mul3A_481, %mul3A_484 : vector<16xi32>
      %mul3A_486 = arith.constant 99 : i32
      %mul3A_487 = vector.broadcast %mul3A_486 : i32 to vector<16xi32>
      %mul3A_488 = arith.muli %shift_right_arithmetic3A_478, %mul3A_487 : vector<16xi32>
      %sub3A_489 = arith.subi %add3A_485, %mul3A_488 : vector<16xi32>
      %add3A_490 = arith.constant 0 : i32
      %add3A_491 = vector.broadcast %add3A_490 : i32 to vector<16xi32>
      %add3A_492 = arith.addi %mul3A_468, %add3A_491 : vector<16xi32>
      %gather3A_493 = tpu.vector_load_idx %arg4[%add3A_492] : memref<40000xi32, #tpu.memory_space<vmem>>[vector<16xi32>], vector<16xi32>,
      %add3A_494 = arith.constant 0 : i32
      %add3A_495 = vector.broadcast %add3A_494 : i32 to vector<16xi32>
      %add3A_496 = arith.addi %sub3A_489, %add3A_495 : vector<16xi32>
      tpu.vector_store_idx %arg6[%add3A_496], %gather3A_493 : memref<4096xi32, #tpu.memory_space<vmem>>[vector<16xi32>], vector<16xi32>,
      %add3A_497 = arith.constant 1 : i32
      %add3A_498 = vector.broadcast %add3A_497 : i32 to vector<16xi32>
      %add3A_499 = arith.addi %mul3A_468, %add3A_498 : vector<16xi32>
      %gather3A_500 = tpu.vector_load_idx %arg4[%add3A_499] : memref<40000xi32, #tpu.memory_space<vmem>>[vector<16xi32>], vector<16xi32>,
      %add3A_501 = arith.constant 1 : i32
      %add3A_502 = vector.broadcast %add3A_501 : i32 to vector<16xi32>
      %add3A_503 = arith.addi %sub3A_489, %add3A_502 : vector<16xi32>
      tpu.vector_store_idx %arg6[%add3A_503], %gather3A_500 : memref<4096xi32, #tpu.memory_space<vmem>>[vector<16xi32>], vector<16xi32>,
      %add3A_504 = arith.constant 2 : i32
      %add3A_505 = vector.broadcast %add3A_504 : i32 to vector<16xi32>
      %add3A_506 = arith.addi %mul3A_468, %add3A_505 : vector<16xi32>
      %gather3A_507 = tpu.vector_load_idx %arg4[%add3A_506] : memref<40000xi32, #tpu.memory_space<vmem>>[vector<16xi32>], vector<16xi32>,
      %add3A_508 = arith.constant 2 : i32
      %add3A_509 = vector.broadcast %add3A_508 : i32 to vector<16xi32>
      %add3A_510 = arith.addi %sub3A_489, %add3A_509 : vector<16xi32>
      tpu.vector_store_idx %arg6[%add3A_510], %gather3A_507 : memref<4096xi32, #tpu.memory_space<vmem>>[vector<16xi32>], vector<16xi32>,
      %scan3A_511 = arith.constant 0 : i32
      scf.yield %scan3A_511 : i32
    }
    %scan3A_28 = arith.constant 66 : i32
    %mul3A_29 = arith.constant 320 : i32
    %mul3A_30 = arith.muli %add3A, %mul3A_29 : i32
    %add3A_31 = arith.constant 0 : i32
    %add3A_32 = arith.addi %mul3A_30, %add3A_31 : i32
    %mul3A_33 = arith.constant 128 : i32
    %mul3A_34 = arith.muli %add3A_32, %mul3A_33 : i32
    %dma_start3A_35 = tpu.memref_slice %arg3[%mul3A_34] : memref<1310720xi32, #tpu.memory_space<hbm>> -> memref<4096xi32, #tpu.memory_space<hbm>>
    %dma_start3A_36 = tpu.memref_slice %arg3[%mul3A_34] : memref<1310720xi32, #tpu.memory_space<hbm>> -> memref<4096xi32, #tpu.memory_space<hbm>>
    tpu.enqueue_dma source(%arg6 : memref<4096xi32, #tpu.memory_space<vmem>>) target(%dma_start3A_36 : memref<4096xi32, #tpu.memory_space<hbm>>) target_semaphore(%arg9 : memref<!tpu.dma_semaphore, #tpu.memory_space<semaphore_mem>>)
    %scan3A_37 = arith.constant 0 : i32
    %scan3A_38 = arith.constant 0 : i32
    %scan3A_39 = arith.constant 66 : i32
    %scan3A_40 = arith.addi %scan3A_38, %scan3A_39 : i32
    %scan3A_41 = arith.constant 6 : i32
    %scan3A_42 = scf.for %scan3A_192 = %scan3A_38 to %scan3A_40 step %scan3A_41 iter_args(%scan3A_193 = %scan3A_37) -> (i32)  : i32 {
      %mul3A_194 = arith.constant 16 : i32
      %mul3A_195 = arith.muli %scan3A_192, %mul3A_194 : i32
      %add3A_196 = arith.constant 1056 : i32
      %add3A_197 = arith.addi %add3A_196, %mul3A_195 : i32
      %get3A = arith.index_cast %add3A_197 : i32 to index
      %get3A_198 = tpu.vector_load %arg5[%get3A] {strides = array<i32>} : memref<10560xi32, #tpu.memory_space<vmem>>, vector<16xi32>,
      %mul3A_199 = arith.constant 4 : i32
      %mul3A_200 = vector.broadcast %mul3A_199 : i32 to vector<16xi32>
      %mul3A_201 = arith.muli %get3A_198, %mul3A_200 : vector<16xi32>
      %mul3A_202 = arith.constant 16 : i32
      %mul3A_203 = arith.muli %scan3A_192, %mul3A_202 : i32
      %add3A_204 = vector.broadcast %mul3A_203 : i32 to vector<16xi32>
      %add3A_205 = arith.addi %add3A_204, %iota3A : vector<16xi32>
      %mul3A_206 = arith.constant 993 : i32
      %mul3A_207 = vector.broadcast %mul3A_206 : i32 to vector<16xi32>
      %mul3A_208 = arith.muli %add3A_205, %mul3A_207 : vector<16xi32>
      %shift_right_arithmetic3A = arith.constant 15 : i32
      %shift_right_arithmetic3A_209 = vector.broadcast %shift_right_arithmetic3A : i32 to vector<16xi32>
      %shift_right_arithmetic3A_210 = arith.shrsi %mul3A_208, %shift_right_arithmetic3A_209 : vector<16xi32>
      %mul3A_211 = arith.constant 128 : i32
      %mul3A_212 = vector.broadcast %mul3A_211 : i32 to vector<16xi32>
      %mul3A_213 = arith.muli %shift_right_arithmetic3A_210, %mul3A_212 : vector<16xi32>
      %mul3A_214 = arith.constant 3 : i32
      %mul3A_215 = vector.broadcast %mul3A_214 : i32 to vector<16xi32>
      %mul3A_216 = arith.muli %add3A_205, %mul3A_215 : vector<16xi32>
      %add3A_217 = arith.addi %mul3A_213, %mul3A_216 : vector<16xi32>
      %mul3A_218 = arith.constant 99 : i32
      %mul3A_219 = vector.broadcast %mul3A_218 : i32 to vector<16xi32>
      %mul3A_220 = arith.muli %shift_right_arithmetic3A_210, %mul3A_219 : vector<16xi32>
      %sub3A = arith.subi %add3A_217, %mul3A_220 : vector<16xi32>
      %add3A_221 = arith.constant 0 : i32
      %add3A_222 = vector.broadcast %add3A_221 : i32 to vector<16xi32>
      %add3A_223 = arith.addi %mul3A_201, %add3A_222 : vector<16xi32>
      %gather3A = tpu.vector_load_idx %arg4[%add3A_223] : memref<40000xi32, #tpu.memory_space<vmem>>[vector<16xi32>], vector<16xi32>,
      %add3A_224 = arith.constant 0 : i32
      %add3A_225 = vector.broadcast %add3A_224 : i32 to vector<16xi32>
      %add3A_226 = arith.addi %sub3A, %add3A_225 : vector<16xi32>
      tpu.vector_store_idx %arg7[%add3A_226], %gather3A : memref<4096xi32, #tpu.memory_space<vmem>>[vector<16xi32>], vector<16xi32>,
      %add3A_227 = arith.constant 1 : i32
      %add3A_228 = vector.broadcast %add3A_227 : i32 to vector<16xi32>
      %add3A_229 = arith.addi %mul3A_201, %add3A_228 : vector<16xi32>
      %gather3A_230 = tpu.vector_load_idx %arg4[%add3A_229] : memref<40000xi32, #tpu.memory_space<vmem>>[vector<16xi32>], vector<16xi32>,
      %add3A_231 = arith.constant 1 : i32
      %add3A_232 = vector.broadcast %add3A_231 : i32 to vector<16xi32>
      %add3A_233 = arith.addi %sub3A, %add3A_232 : vector<16xi32>
      tpu.vector_store_idx %arg7[%add3A_233], %gather3A_230 : memref<4096xi32, #tpu.memory_space<vmem>>[vector<16xi32>], vector<16xi32>,
      %add3A_234 = arith.constant 2 : i32
      %add3A_235 = vector.broadcast %add3A_234 : i32 to vector<16xi32>
      %add3A_236 = arith.addi %mul3A_201, %add3A_235 : vector<16xi32>
      %gather3A_237 = tpu.vector_load_idx %arg4[%add3A_236] : memref<40000xi32, #tpu.memory_space<vmem>>[vector<16xi32>], vector<16xi32>,
      %add3A_238 = arith.constant 2 : i32
      %add3A_239 = vector.broadcast %add3A_238 : i32 to vector<16xi32>
      %add3A_240 = arith.addi %sub3A, %add3A_239 : vector<16xi32>
      tpu.vector_store_idx %arg7[%add3A_240], %gather3A_237 : memref<4096xi32, #tpu.memory_space<vmem>>[vector<16xi32>], vector<16xi32>,
      %scan3A_241 = arith.constant 0 : i32
      %scan3A_242 = arith.constant 1 : i32
      %scan3A_243 = arith.addi %scan3A_192, %scan3A_242 : i32
      %mul3A_244 = arith.constant 16 : i32
      %mul3A_245 = arith.muli %scan3A_243, %mul3A_244 : i32
      %add3A_246 = arith.constant 1056 : i32
      %add3A_247 = arith.addi %add3A_246, %mul3A_245 : i32
      %get3A_248 = arith.index_cast %add3A_247 : i32 to index
      %get3A_249 = tpu.vector_load %arg5[%get3A_248] {strides = array<i32>} : memref<10560xi32, #tpu.memory_space<vmem>>, vector<16xi32>,
      %mul3A_250 = arith.constant 4 : i32
      %mul3A_251 = vector.broadcast %mul3A_250 : i32 to vector<16xi32>
      %mul3A_252 = arith.muli %get3A_249, %mul3A_251 : vector<16xi32>
      %mul3A_253 = arith.constant 16 : i32
      %mul3A_254 = arith.muli %scan3A_243, %mul3A_253 : i32
      %add3A_255 = vector.broadcast %mul3A_254 : i32 to vector<16xi32>
      %add3A_256 = arith.addi %add3A_255, %iota3A : vector<16xi32>
      %mul3A_257 = arith.constant 993 : i32
      %mul3A_258 = vector.broadcast %mul3A_257 : i32 to vector<16xi32>
      %mul3A_259 = arith.muli %add3A_256, %mul3A_258 : vector<16xi32>
      %shift_right_arithmetic3A_260 = arith.constant 15 : i32
      %shift_right_arithmetic3A_261 = vector.broadcast %shift_right_arithmetic3A_260 : i32 to vector<16xi32>
      %shift_right_arithmetic3A_262 = arith.shrsi %mul3A_259, %shift_right_arithmetic3A_261 : vector<16xi32>
      %mul3A_263 = arith.constant 128 : i32
      %mul3A_264 = vector.broadcast %mul3A_263 : i32 to vector<16xi32>
      %mul3A_265 = arith.muli %shift_right_arithmetic3A_262, %mul3A_264 : vector<16xi32>
      %mul3A_266 = arith.constant 3 : i32
      %mul3A_267 = vector.broadcast %mul3A_266 : i32 to vector<16xi32>
      %mul3A_268 = arith.muli %add3A_256, %mul3A_267 : vector<16xi32>
      %add3A_269 = arith.addi %mul3A_265, %mul3A_268 : vector<16xi32>
      %mul3A_270 = arith.constant 99 : i32
      %mul3A_271 = vector.broadcast %mul3A_270 : i32 to vector<16xi32>
      %mul3A_272 = arith.muli %shift_right_arithmetic3A_262, %mul3A_271 : vector<16xi32>
      %sub3A_273 = arith.subi %add3A_269, %mul3A_272 : vector<16xi32>
      %add3A_274 = arith.constant 0 : i32
      %add3A_275 = vector.broadcast %add3A_274 : i32 to vector<16xi32>
      %add3A_276 = arith.addi %mul3A_252, %add3A_275 : vector<16xi32>
      %gather3A_277 = tpu.vector_load_idx %arg4[%add3A_276] : memref<40000xi32, #tpu.memory_space<vmem>>[vector<16xi32>], vector<16xi32>,
      %add3A_278 = arith.constant 0 : i32
      %add3A_279 = vector.broadcast %add3A_278 : i32 to vector<16xi32>
      %add3A_280 = arith.addi %sub3A_273, %add3A_279 : vector<16xi32>
      tpu.vector_store_idx %arg7[%add3A_280], %gather3A_277 : memref<4096xi32, #tpu.memory_space<vmem>>[vector<16xi32>], vector<16xi32>,
      %add3A_281 = arith.constant 1 : i32
      %add3A_282 = vector.broadcast %add3A_281 : i32 to vector<16xi32>
      %add3A_283 = arith.addi %mul3A_252, %add3A_282 : vector<16xi32>
      %gather3A_284 = tpu.vector_load_idx %arg4[%add3A_283] : memref<40000xi32, #tpu.memory_space<vmem>>[vector<16xi32>], vector<16xi32>,
      %add3A_285 = arith.constant 1 : i32
      %add3A_286 = vector.broadcast %add3A_285 : i32 to vector<16xi32>
      %add3A_287 = arith.addi %sub3A_273, %add3A_286 : vector<16xi32>
      tpu.vector_store_idx %arg7[%add3A_287], %gather3A_284 : memref<4096xi32, #tpu.memory_space<vmem>>[vector<16xi32>], vector<16xi32>,
      %add3A_288 = arith.constant 2 : i32
      %add3A_289 = vector.broadcast %add3A_288 : i32 to vector<16xi32>
      %add3A_290 = arith.addi %mul3A_252, %add3A_289 : vector<16xi32>
      %gather3A_291 = tpu.vector_load_idx %arg4[%add3A_290] : memref<40000xi32, #tpu.memory_space<vmem>>[vector<16xi32>], vector<16xi32>,
      %add3A_292 = arith.constant 2 : i32
      %add3A_293 = vector.broadcast %add3A_292 : i32 to vector<16xi32>
      %add3A_294 = arith.addi %sub3A_273, %add3A_293 : vector<16xi32>
      tpu.vector_store_idx %arg7[%add3A_294], %gather3A_291 : memref<4096xi32, #tpu.memory_space<vmem>>[vector<16xi32>], vector<16xi32>,
      %scan3A_295 = arith.constant 0 : i32
      %scan3A_296 = arith.constant 2 : i32
      %scan3A_297 = arith.addi %scan3A_192, %scan3A_296 : i32
      %mul3A_298 = arith.constant 16 : i32
      %mul3A_299 = arith.muli %scan3A_297, %mul3A_298 : i32
      %add3A_300 = arith.constant 1056 : i32
      %add3A_301 = arith.addi %add3A_300, %mul3A_299 : i32
      %get3A_302 = arith.index_cast %add3A_301 : i32 to index
      %get3A_303 = tpu.vector_load %arg5[%get3A_302] {strides = array<i32>} : memref<10560xi32, #tpu.memory_space<vmem>>, vector<16xi32>,
      %mul3A_304 = arith.constant 4 : i32
      %mul3A_305 = vector.broadcast %mul3A_304 : i32 to vector<16xi32>
      %mul3A_306 = arith.muli %get3A_303, %mul3A_305 : vector<16xi32>
      %mul3A_307 = arith.constant 16 : i32
      %mul3A_308 = arith.muli %scan3A_297, %mul3A_307 : i32
      %add3A_309 = vector.broadcast %mul3A_308 : i32 to vector<16xi32>
      %add3A_310 = arith.addi %add3A_309, %iota3A : vector<16xi32>
      %mul3A_311 = arith.constant 993 : i32
      %mul3A_312 = vector.broadcast %mul3A_311 : i32 to vector<16xi32>
      %mul3A_313 = arith.muli %add3A_310, %mul3A_312 : vector<16xi32>
      %shift_right_arithmetic3A_314 = arith.constant 15 : i32
      %shift_right_arithmetic3A_315 = vector.broadcast %shift_right_arithmetic3A_314 : i32 to vector<16xi32>
      %shift_right_arithmetic3A_316 = arith.shrsi %mul3A_313, %shift_right_arithmetic3A_315 : vector<16xi32>
      %mul3A_317 = arith.constant 128 : i32
      %mul3A_318 = vector.broadcast %mul3A_317 : i32 to vector<16xi32>
      %mul3A_319 = arith.muli %shift_right_arithmetic3A_316, %mul3A_318 : vector<16xi32>
      %mul3A_320 = arith.constant 3 : i32
      %mul3A_321 = vector.broadcast %mul3A_320 : i32 to vector<16xi32>
      %mul3A_322 = arith.muli %add3A_310, %mul3A_321 : vector<16xi32>
      %add3A_323 = arith.addi %mul3A_319, %mul3A_322 : vector<16xi32>
      %mul3A_324 = arith.constant 99 : i32
      %mul3A_325 = vector.broadcast %mul3A_324 : i32 to vector<16xi32>
      %mul3A_326 = arith.muli %shift_right_arithmetic3A_316, %mul3A_325 : vector<16xi32>
      %sub3A_327 = arith.subi %add3A_323, %mul3A_326 : vector<16xi32>
      %add3A_328 = arith.constant 0 : i32
      %add3A_329 = vector.broadcast %add3A_328 : i32 to vector<16xi32>
      %add3A_330 = arith.addi %mul3A_306, %add3A_329 : vector<16xi32>
      %gather3A_331 = tpu.vector_load_idx %arg4[%add3A_330] : memref<40000xi32, #tpu.memory_space<vmem>>[vector<16xi32>], vector<16xi32>,
      %add3A_332 = arith.constant 0 : i32
      %add3A_333 = vector.broadcast %add3A_332 : i32 to vector<16xi32>
      %add3A_334 = arith.addi %sub3A_327, %add3A_333 : vector<16xi32>
      tpu.vector_store_idx %arg7[%add3A_334], %gather3A_331 : memref<4096xi32, #tpu.memory_space<vmem>>[vector<16xi32>], vector<16xi32>,
      %add3A_335 = arith.constant 1 : i32
      %add3A_336 = vector.broadcast %add3A_335 : i32 to vector<16xi32>
      %add3A_337 = arith.addi %mul3A_306, %add3A_336 : vector<16xi32>
      %gather3A_338 = tpu.vector_load_idx %arg4[%add3A_337] : memref<40000xi32, #tpu.memory_space<vmem>>[vector<16xi32>], vector<16xi32>,
      %add3A_339 = arith.constant 1 : i32
      %add3A_340 = vector.broadcast %add3A_339 : i32 to vector<16xi32>
      %add3A_341 = arith.addi %sub3A_327, %add3A_340 : vector<16xi32>
      tpu.vector_store_idx %arg7[%add3A_341], %gather3A_338 : memref<4096xi32, #tpu.memory_space<vmem>>[vector<16xi32>], vector<16xi32>,
      %add3A_342 = arith.constant 2 : i32
      %add3A_343 = vector.broadcast %add3A_342 : i32 to vector<16xi32>
      %add3A_344 = arith.addi %mul3A_306, %add3A_343 : vector<16xi32>
      %gather3A_345 = tpu.vector_load_idx %arg4[%add3A_344] : memref<40000xi32, #tpu.memory_space<vmem>>[vector<16xi32>], vector<16xi32>,
      %add3A_346 = arith.constant 2 : i32
      %add3A_347 = vector.broadcast %add3A_346 : i32 to vector<16xi32>
      %add3A_348 = arith.addi %sub3A_327, %add3A_347 : vector<16xi32>
      tpu.vector_store_idx %arg7[%add3A_348], %gather3A_345 : memref<4096xi32, #tpu.memory_space<vmem>>[vector<16xi32>], vector<16xi32>,
      %scan3A_349 = arith.constant 0 : i32
      %scan3A_350 = arith.constant 3 : i32
      %scan3A_351 = arith.addi %scan3A_192, %scan3A_350 : i32
      %mul3A_352 = arith.constant 16 : i32
      %mul3A_353 = arith.muli %scan3A_351, %mul3A_352 : i32
      %add3A_354 = arith.constant 1056 : i32
      %add3A_355 = arith.addi %add3A_354, %mul3A_353 : i32
      %get3A_356 = arith.index_cast %add3A_355 : i32 to index
      %get3A_357 = tpu.vector_load %arg5[%get3A_356] {strides = array<i32>} : memref<10560xi32, #tpu.memory_space<vmem>>, vector<16xi32>,
      %mul3A_358 = arith.constant 4 : i32
      %mul3A_359 = vector.broadcast %mul3A_358 : i32 to vector<16xi32>
      %mul3A_360 = arith.muli %get3A_357, %mul3A_359 : vector<16xi32>
      %mul3A_361 = arith.constant 16 : i32
      %mul3A_362 = arith.muli %scan3A_351, %mul3A_361 : i32
      %add3A_363 = vector.broadcast %mul3A_362 : i32 to vector<16xi32>
      %add3A_364 = arith.addi %add3A_363, %iota3A : vector<16xi32>
      %mul3A_365 = arith.constant 993 : i32
      %mul3A_366 = vector.broadcast %mul3A_365 : i32 to vector<16xi32>
      %mul3A_367 = arith.muli %add3A_364, %mul3A_366 : vector<16xi32>
      %shift_right_arithmetic3A_368 = arith.constant 15 : i32
      %shift_right_arithmetic3A_369 = vector.broadcast %shift_right_arithmetic3A_368 : i32 to vector<16xi32>
      %shift_right_arithmetic3A_370 = arith.shrsi %mul3A_367, %shift_right_arithmetic3A_369 : vector<16xi32>
      %mul3A_371 = arith.constant 128 : i32
      %mul3A_372 = vector.broadcast %mul3A_371 : i32 to vector<16xi32>
      %mul3A_373 = arith.muli %shift_right_arithmetic3A_370, %mul3A_372 : vector<16xi32>
      %mul3A_374 = arith.constant 3 : i32
      %mul3A_375 = vector.broadcast %mul3A_374 : i32 to vector<16xi32>
      %mul3A_376 = arith.muli %add3A_364, %mul3A_375 : vector<16xi32>
      %add3A_377 = arith.addi %mul3A_373, %mul3A_376 : vector<16xi32>
      %mul3A_378 = arith.constant 99 : i32
      %mul3A_379 = vector.broadcast %mul3A_378 : i32 to vector<16xi32>
      %mul3A_380 = arith.muli %shift_right_arithmetic3A_370, %mul3A_379 : vector<16xi32>
      %sub3A_381 = arith.subi %add3A_377, %mul3A_380 : vector<16xi32>
      %add3A_382 = arith.constant 0 : i32
      %add3A_383 = vector.broadcast %add3A_382 : i32 to vector<16xi32>
      %add3A_384 = arith.addi %mul3A_360, %add3A_383 : vector<16xi32>
      %gather3A_385 = tpu.vector_load_idx %arg4[%add3A_384] : memref<40000xi32, #tpu.memory_space<vmem>>[vector<16xi32>], vector<16xi32>,
      %add3A_386 = arith.constant 0 : i32
      %add3A_387 = vector.broadcast %add3A_386 : i32 to vector<16xi32>
      %add3A_388 = arith.addi %sub3A_381, %add3A_387 : vector<16xi32>
      tpu.vector_store_idx %arg7[%add3A_388], %gather3A_385 : memref<4096xi32, #tpu.memory_space<vmem>>[vector<16xi32>], vector<16xi32>,
      %add3A_389 = arith.constant 1 : i32
      %add3A_390 = vector.broadcast %add3A_389 : i32 to vector<16xi32>
      %add3A_391 = arith.addi %mul3A_360, %add3A_390 : vector<16xi32>
      %gather3A_392 = tpu.vector_load_idx %arg4[%add3A_391] : memref<40000xi32, #tpu.memory_space<vmem>>[vector<16xi32>], vector<16xi32>,
      %add3A_393 = arith.constant 1 : i32
      %add3A_394 = vector.broadcast %add3A_393 : i32 to vector<16xi32>
      %add3A_395 = arith.addi %sub3A_381, %add3A_394 : vector<16xi32>
      tpu.vector_store_idx %arg7[%add3A_395], %gather3A_392 : memref<4096xi32, #tpu.memory_space<vmem>>[vector<16xi32>], vector<16xi32>,
      %add3A_396 = arith.constant 2 : i32
      %add3A_397 = vector.broadcast %add3A_396 : i32 to vector<16xi32>
      %add3A_398 = arith.addi %mul3A_360, %add3A_397 : vector<16xi32>
      %gather3A_399 = tpu.vector_load_idx %arg4[%add3A_398] : memref<40000xi32, #tpu.memory_space<vmem>>[vector<16xi32>], vector<16xi32>,
      %add3A_400 = arith.constant 2 : i32
      %add3A_401 = vector.broadcast %add3A_400 : i32 to vector<16xi32>
      %add3A_402 = arith.addi %sub3A_381, %add3A_401 : vector<16xi32>
      tpu.vector_store_idx %arg7[%add3A_402], %gather3A_399 : memref<4096xi32, #tpu.memory_space<vmem>>[vector<16xi32>], vector<16xi32>,
      %scan3A_403 = arith.constant 0 : i32
      %scan3A_404 = arith.constant 4 : i32
      %scan3A_405 = arith.addi %scan3A_192, %scan3A_404 : i32
      %mul3A_406 = arith.constant 16 : i32
      %mul3A_407 = arith.muli %scan3A_405, %mul3A_406 : i32
      %add3A_408 = arith.constant 1056 : i32
      %add3A_409 = arith.addi %add3A_408, %mul3A_407 : i32
      %get3A_410 = arith.index_cast %add3A_409 : i32 to index
      %get3A_411 = tpu.vector_load %arg5[%get3A_410] {strides = array<i32>} : memref<10560xi32, #tpu.memory_space<vmem>>, vector<16xi32>,
      %mul3A_412 = arith.constant 4 : i32
      %mul3A_413 = vector.broadcast %mul3A_412 : i32 to vector<16xi32>
      %mul3A_414 = arith.muli %get3A_411, %mul3A_413 : vector<16xi32>
      %mul3A_415 = arith.constant 16 : i32
      %mul3A_416 = arith.muli %scan3A_405, %mul3A_415 : i32
      %add3A_417 = vector.broadcast %mul3A_416 : i32 to vector<16xi32>
      %add3A_418 = arith.addi %add3A_417, %iota3A : vector<16xi32>
      %mul3A_419 = arith.constant 993 : i32
      %mul3A_420 = vector.broadcast %mul3A_419 : i32 to vector<16xi32>
      %mul3A_421 = arith.muli %add3A_418, %mul3A_420 : vector<16xi32>
      %shift_right_arithmetic3A_422 = arith.constant 15 : i32
      %shift_right_arithmetic3A_423 = vector.broadcast %shift_right_arithmetic3A_422 : i32 to vector<16xi32>
      %shift_right_arithmetic3A_424 = arith.shrsi %mul3A_421, %shift_right_arithmetic3A_423 : vector<16xi32>
      %mul3A_425 = arith.constant 128 : i32
      %mul3A_426 = vector.broadcast %mul3A_425 : i32 to vector<16xi32>
      %mul3A_427 = arith.muli %shift_right_arithmetic3A_424, %mul3A_426 : vector<16xi32>
      %mul3A_428 = arith.constant 3 : i32
      %mul3A_429 = vector.broadcast %mul3A_428 : i32 to vector<16xi32>
      %mul3A_430 = arith.muli %add3A_418, %mul3A_429 : vector<16xi32>
      %add3A_431 = arith.addi %mul3A_427, %mul3A_430 : vector<16xi32>
      %mul3A_432 = arith.constant 99 : i32
      %mul3A_433 = vector.broadcast %mul3A_432 : i32 to vector<16xi32>
      %mul3A_434 = arith.muli %shift_right_arithmetic3A_424, %mul3A_433 : vector<16xi32>
      %sub3A_435 = arith.subi %add3A_431, %mul3A_434 : vector<16xi32>
      %add3A_436 = arith.constant 0 : i32
      %add3A_437 = vector.broadcast %add3A_436 : i32 to vector<16xi32>
      %add3A_438 = arith.addi %mul3A_414, %add3A_437 : vector<16xi32>
      %gather3A_439 = tpu.vector_load_idx %arg4[%add3A_438] : memref<40000xi32, #tpu.memory_space<vmem>>[vector<16xi32>], vector<16xi32>,
      %add3A_440 = arith.constant 0 : i32
      %add3A_441 = vector.broadcast %add3A_440 : i32 to vector<16xi32>
      %add3A_442 = arith.addi %sub3A_435, %add3A_441 : vector<16xi32>
      tpu.vector_store_idx %arg7[%add3A_442], %gather3A_439 : memref<4096xi32, #tpu.memory_space<vmem>>[vector<16xi32>], vector<16xi32>,
      %add3A_443 = arith.constant 1 : i32
      %add3A_444 = vector.broadcast %add3A_443 : i32 to vector<16xi32>
      %add3A_445 = arith.addi %mul3A_414, %add3A_444 : vector<16xi32>
      %gather3A_446 = tpu.vector_load_idx %arg4[%add3A_445] : memref<40000xi32, #tpu.memory_space<vmem>>[vector<16xi32>], vector<16xi32>,
      %add3A_447 = arith.constant 1 : i32
      %add3A_448 = vector.broadcast %add3A_447 : i32 to vector<16xi32>
      %add3A_449 = arith.addi %sub3A_435, %add3A_448 : vector<16xi32>
      tpu.vector_store_idx %arg7[%add3A_449], %gather3A_446 : memref<4096xi32, #tpu.memory_space<vmem>>[vector<16xi32>], vector<16xi32>,
      %add3A_450 = arith.constant 2 : i32
      %add3A_451 = vector.broadcast %add3A_450 : i32 to vector<16xi32>
      %add3A_452 = arith.addi %mul3A_414, %add3A_451 : vector<16xi32>
      %gather3A_453 = tpu.vector_load_idx %arg4[%add3A_452] : memref<40000xi32, #tpu.memory_space<vmem>>[vector<16xi32>], vector<16xi32>,
      %add3A_454 = arith.constant 2 : i32
      %add3A_455 = vector.broadcast %add3A_454 : i32 to vector<16xi32>
      %add3A_456 = arith.addi %sub3A_435, %add3A_455 : vector<16xi32>
      tpu.vector_store_idx %arg7[%add3A_456], %gather3A_453 : memref<4096xi32, #tpu.memory_space<vmem>>[vector<16xi32>], vector<16xi32>,
      %scan3A_457 = arith.constant 0 : i32
      %scan3A_458 = arith.constant 5 : i32
      %scan3A_459 = arith.addi %scan3A_192, %scan3A_458 : i32
      %mul3A_460 = arith.constant 16 : i32
      %mul3A_461 = arith.muli %scan3A_459, %mul3A_460 : i32
      %add3A_462 = arith.constant 1056 : i32
      %add3A_463 = arith.addi %add3A_462, %mul3A_461 : i32
      %get3A_464 = arith.index_cast %add3A_463 : i32 to index
      %get3A_465 = tpu.vector_load %arg5[%get3A_464] {strides = array<i32>} : memref<10560xi32, #tpu.memory_space<vmem>>, vector<16xi32>,
      %mul3A_466 = arith.constant 4 : i32
      %mul3A_467 = vector.broadcast %mul3A_466 : i32 to vector<16xi32>
      %mul3A_468 = arith.muli %get3A_465, %mul3A_467 : vector<16xi32>
      %mul3A_469 = arith.constant 16 : i32
      %mul3A_470 = arith.muli %scan3A_459, %mul3A_469 : i32
      %add3A_471 = vector.broadcast %mul3A_470 : i32 to vector<16xi32>
      %add3A_472 = arith.addi %add3A_471, %iota3A : vector<16xi32>
      %mul3A_473 = arith.constant 993 : i32
      %mul3A_474 = vector.broadcast %mul3A_473 : i32 to vector<16xi32>
      %mul3A_475 = arith.muli %add3A_472, %mul3A_474 : vector<16xi32>
      %shift_right_arithmetic3A_476 = arith.constant 15 : i32
      %shift_right_arithmetic3A_477 = vector.broadcast %shift_right_arithmetic3A_476 : i32 to vector<16xi32>
      %shift_right_arithmetic3A_478 = arith.shrsi %mul3A_475, %shift_right_arithmetic3A_477 : vector<16xi32>
      %mul3A_479 = arith.constant 128 : i32
      %mul3A_480 = vector.broadcast %mul3A_479 : i32 to vector<16xi32>
      %mul3A_481 = arith.muli %shift_right_arithmetic3A_478, %mul3A_480 : vector<16xi32>
      %mul3A_482 = arith.constant 3 : i32
      %mul3A_483 = vector.broadcast %mul3A_482 : i32 to vector<16xi32>
      %mul3A_484 = arith.muli %add3A_472, %mul3A_483 : vector<16xi32>
      %add3A_485 = arith.addi %mul3A_481, %mul3A_484 : vector<16xi32>
      %mul3A_486 = arith.constant 99 : i32
      %mul3A_487 = vector.broadcast %mul3A_486 : i32 to vector<16xi32>
      %mul3A_488 = arith.muli %shift_right_arithmetic3A_478, %mul3A_487 : vector<16xi32>
      %sub3A_489 = arith.subi %add3A_485, %mul3A_488 : vector<16xi32>
      %add3A_490 = arith.constant 0 : i32
      %add3A_491 = vector.broadcast %add3A_490 : i32 to vector<16xi32>
      %add3A_492 = arith.addi %mul3A_468, %add3A_491 : vector<16xi32>
      %gather3A_493 = tpu.vector_load_idx %arg4[%add3A_492] : memref<40000xi32, #tpu.memory_space<vmem>>[vector<16xi32>], vector<16xi32>,
      %add3A_494 = arith.constant 0 : i32
      %add3A_495 = vector.broadcast %add3A_494 : i32 to vector<16xi32>
      %add3A_496 = arith.addi %sub3A_489, %add3A_495 : vector<16xi32>
      tpu.vector_store_idx %arg7[%add3A_496], %gather3A_493 : memref<4096xi32, #tpu.memory_space<vmem>>[vector<16xi32>], vector<16xi32>,
      %add3A_497 = arith.constant 1 : i32
      %add3A_498 = vector.broadcast %add3A_497 : i32 to vector<16xi32>
      %add3A_499 = arith.addi %mul3A_468, %add3A_498 : vector<16xi32>
      %gather3A_500 = tpu.vector_load_idx %arg4[%add3A_499] : memref<40000xi32, #tpu.memory_space<vmem>>[vector<16xi32>], vector<16xi32>,
      %add3A_501 = arith.constant 1 : i32
      %add3A_502 = vector.broadcast %add3A_501 : i32 to vector<16xi32>
      %add3A_503 = arith.addi %sub3A_489, %add3A_502 : vector<16xi32>
      tpu.vector_store_idx %arg7[%add3A_503], %gather3A_500 : memref<4096xi32, #tpu.memory_space<vmem>>[vector<16xi32>], vector<16xi32>,
      %add3A_504 = arith.constant 2 : i32
      %add3A_505 = vector.broadcast %add3A_504 : i32 to vector<16xi32>
      %add3A_506 = arith.addi %mul3A_468, %add3A_505 : vector<16xi32>
      %gather3A_507 = tpu.vector_load_idx %arg4[%add3A_506] : memref<40000xi32, #tpu.memory_space<vmem>>[vector<16xi32>], vector<16xi32>,
      %add3A_508 = arith.constant 2 : i32
      %add3A_509 = vector.broadcast %add3A_508 : i32 to vector<16xi32>
      %add3A_510 = arith.addi %sub3A_489, %add3A_509 : vector<16xi32>
      tpu.vector_store_idx %arg7[%add3A_510], %gather3A_507 : memref<4096xi32, #tpu.memory_space<vmem>>[vector<16xi32>], vector<16xi32>,
      %scan3A_511 = arith.constant 0 : i32
      scf.yield %scan3A_511 : i32
    }
    %scan3A_43 = arith.constant 66 : i32
    %mul3A_44 = arith.constant 320 : i32
    %mul3A_45 = arith.muli %add3A, %mul3A_44 : i32
    %add3A_46 = arith.constant 32 : i32
    %add3A_47 = arith.addi %mul3A_45, %add3A_46 : i32
    %mul3A_48 = arith.constant 128 : i32
    %mul3A_49 = arith.muli %add3A_47, %mul3A_48 : i32
    %dma_start3A_50 = tpu.memref_slice %arg3[%mul3A_49] : memref<1310720xi32, #tpu.memory_space<hbm>> -> memref<4096xi32, #tpu.memory_space<hbm>>
    %dma_start3A_51 = tpu.memref_slice %arg3[%mul3A_49] : memref<1310720xi32, #tpu.memory_space<hbm>> -> memref<4096xi32, #tpu.memory_space<hbm>>
    tpu.enqueue_dma source(%arg7 : memref<4096xi32, #tpu.memory_space<vmem>>) target(%dma_start3A_51 : memref<4096xi32, #tpu.memory_space<hbm>>) target_semaphore(%arg9 : memref<!tpu.dma_semaphore, #tpu.memory_space<semaphore_mem>>)
    %dma_wait3A_52 = tpu.memref_slice %arg3[%mul3A_34] : memref<1310720xi32, #tpu.memory_space<hbm>> -> memref<4096xi32, #tpu.memory_space<hbm>>
    %dma_wait3A_53 = tpu.memref_slice %arg3[%mul3A_34] : memref<1310720xi32, #tpu.memory_space<hbm>> -> memref<4096xi32, #tpu.memory_space<hbm>>
    tpu.wait_dma2 semaphore(%arg9 : memref<!tpu.dma_semaphore, #tpu.memory_space<semaphore_mem>>) src(%arg6 : memref<4096xi32, #tpu.memory_space<vmem>>) dst(%dma_wait3A_53 : memref<4096xi32, #tpu.memory_space<hbm>>)
    %scan3A_54 = arith.constant 0 : i32
    %scan3A_55 = arith.constant 0 : i32
    %scan3A_56 = arith.constant 66 : i32
    %scan3A_57 = arith.addi %scan3A_55, %scan3A_56 : i32
    %scan3A_58 = arith.constant 6 : i32
    %scan3A_59 = scf.for %scan3A_192 = %scan3A_55 to %scan3A_57 step %scan3A_58 iter_args(%scan3A_193 = %scan3A_54) -> (i32)  : i32 {
      %mul3A_194 = arith.constant 16 : i32
      %mul3A_195 = arith.muli %scan3A_192, %mul3A_194 : i32
      %add3A_196 = arith.constant 2112 : i32
      %add3A_197 = arith.addi %add3A_196, %mul3A_195 : i32
      %get3A = arith.index_cast %add3A_197 : i32 to index
      %get3A_198 = tpu.vector_load %arg5[%get3A] {strides = array<i32>} : memref<10560xi32, #tpu.memory_space<vmem>>, vector<16xi32>,
      %mul3A_199 = arith.constant 4 : i32
      %mul3A_200 = vector.broadcast %mul3A_199 : i32 to vector<16xi32>
      %mul3A_201 = arith.muli %get3A_198, %mul3A_200 : vector<16xi32>
      %mul3A_202 = arith.constant 16 : i32
      %mul3A_203 = arith.muli %scan3A_192, %mul3A_202 : i32
      %add3A_204 = vector.broadcast %mul3A_203 : i32 to vector<16xi32>
      %add3A_205 = arith.addi %add3A_204, %iota3A : vector<16xi32>
      %mul3A_206 = arith.constant 993 : i32
      %mul3A_207 = vector.broadcast %mul3A_206 : i32 to vector<16xi32>
      %mul3A_208 = arith.muli %add3A_205, %mul3A_207 : vector<16xi32>
      %shift_right_arithmetic3A = arith.constant 15 : i32
      %shift_right_arithmetic3A_209 = vector.broadcast %shift_right_arithmetic3A : i32 to vector<16xi32>
      %shift_right_arithmetic3A_210 = arith.shrsi %mul3A_208, %shift_right_arithmetic3A_209 : vector<16xi32>
      %mul3A_211 = arith.constant 128 : i32
      %mul3A_212 = vector.broadcast %mul3A_211 : i32 to vector<16xi32>
      %mul3A_213 = arith.muli %shift_right_arithmetic3A_210, %mul3A_212 : vector<16xi32>
      %mul3A_214 = arith.constant 3 : i32
      %mul3A_215 = vector.broadcast %mul3A_214 : i32 to vector<16xi32>
      %mul3A_216 = arith.muli %add3A_205, %mul3A_215 : vector<16xi32>
      %add3A_217 = arith.addi %mul3A_213, %mul3A_216 : vector<16xi32>
      %mul3A_218 = arith.constant 99 : i32
      %mul3A_219 = vector.broadcast %mul3A_218 : i32 to vector<16xi32>
      %mul3A_220 = arith.muli %shift_right_arithmetic3A_210, %mul3A_219 : vector<16xi32>
      %sub3A = arith.subi %add3A_217, %mul3A_220 : vector<16xi32>
      %add3A_221 = arith.constant 0 : i32
      %add3A_222 = vector.broadcast %add3A_221 : i32 to vector<16xi32>
      %add3A_223 = arith.addi %mul3A_201, %add3A_222 : vector<16xi32>
      %gather3A = tpu.vector_load_idx %arg4[%add3A_223] : memref<40000xi32, #tpu.memory_space<vmem>>[vector<16xi32>], vector<16xi32>,
      %add3A_224 = arith.constant 0 : i32
      %add3A_225 = vector.broadcast %add3A_224 : i32 to vector<16xi32>
      %add3A_226 = arith.addi %sub3A, %add3A_225 : vector<16xi32>
      tpu.vector_store_idx %arg6[%add3A_226], %gather3A : memref<4096xi32, #tpu.memory_space<vmem>>[vector<16xi32>], vector<16xi32>,
      %add3A_227 = arith.constant 1 : i32
      %add3A_228 = vector.broadcast %add3A_227 : i32 to vector<16xi32>
      %add3A_229 = arith.addi %mul3A_201, %add3A_228 : vector<16xi32>
      %gather3A_230 = tpu.vector_load_idx %arg4[%add3A_229] : memref<40000xi32, #tpu.memory_space<vmem>>[vector<16xi32>], vector<16xi32>,
      %add3A_231 = arith.constant 1 : i32
      %add3A_232 = vector.broadcast %add3A_231 : i32 to vector<16xi32>
      %add3A_233 = arith.addi %sub3A, %add3A_232 : vector<16xi32>
      tpu.vector_store_idx %arg6[%add3A_233], %gather3A_230 : memref<4096xi32, #tpu.memory_space<vmem>>[vector<16xi32>], vector<16xi32>,
      %add3A_234 = arith.constant 2 : i32
      %add3A_235 = vector.broadcast %add3A_234 : i32 to vector<16xi32>
      %add3A_236 = arith.addi %mul3A_201, %add3A_235 : vector<16xi32>
      %gather3A_237 = tpu.vector_load_idx %arg4[%add3A_236] : memref<40000xi32, #tpu.memory_space<vmem>>[vector<16xi32>], vector<16xi32>,
      %add3A_238 = arith.constant 2 : i32
      %add3A_239 = vector.broadcast %add3A_238 : i32 to vector<16xi32>
      %add3A_240 = arith.addi %sub3A, %add3A_239 : vector<16xi32>
      tpu.vector_store_idx %arg6[%add3A_240], %gather3A_237 : memref<4096xi32, #tpu.memory_space<vmem>>[vector<16xi32>], vector<16xi32>,
      %scan3A_241 = arith.constant 0 : i32
      %scan3A_242 = arith.constant 1 : i32
      %scan3A_243 = arith.addi %scan3A_192, %scan3A_242 : i32
      %mul3A_244 = arith.constant 16 : i32
      %mul3A_245 = arith.muli %scan3A_243, %mul3A_244 : i32
      %add3A_246 = arith.constant 2112 : i32
      %add3A_247 = arith.addi %add3A_246, %mul3A_245 : i32
      %get3A_248 = arith.index_cast %add3A_247 : i32 to index
      %get3A_249 = tpu.vector_load %arg5[%get3A_248] {strides = array<i32>} : memref<10560xi32, #tpu.memory_space<vmem>>, vector<16xi32>,
      %mul3A_250 = arith.constant 4 : i32
      %mul3A_251 = vector.broadcast %mul3A_250 : i32 to vector<16xi32>
      %mul3A_252 = arith.muli %get3A_249, %mul3A_251 : vector<16xi32>
      %mul3A_253 = arith.constant 16 : i32
      %mul3A_254 = arith.muli %scan3A_243, %mul3A_253 : i32
      %add3A_255 = vector.broadcast %mul3A_254 : i32 to vector<16xi32>
      %add3A_256 = arith.addi %add3A_255, %iota3A : vector<16xi32>
      %mul3A_257 = arith.constant 993 : i32
      %mul3A_258 = vector.broadcast %mul3A_257 : i32 to vector<16xi32>
      %mul3A_259 = arith.muli %add3A_256, %mul3A_258 : vector<16xi32>
      %shift_right_arithmetic3A_260 = arith.constant 15 : i32
      %shift_right_arithmetic3A_261 = vector.broadcast %shift_right_arithmetic3A_260 : i32 to vector<16xi32>
      %shift_right_arithmetic3A_262 = arith.shrsi %mul3A_259, %shift_right_arithmetic3A_261 : vector<16xi32>
      %mul3A_263 = arith.constant 128 : i32
      %mul3A_264 = vector.broadcast %mul3A_263 : i32 to vector<16xi32>
      %mul3A_265 = arith.muli %shift_right_arithmetic3A_262, %mul3A_264 : vector<16xi32>
      %mul3A_266 = arith.constant 3 : i32
      %mul3A_267 = vector.broadcast %mul3A_266 : i32 to vector<16xi32>
      %mul3A_268 = arith.muli %add3A_256, %mul3A_267 : vector<16xi32>
      %add3A_269 = arith.addi %mul3A_265, %mul3A_268 : vector<16xi32>
      %mul3A_270 = arith.constant 99 : i32
      %mul3A_271 = vector.broadcast %mul3A_270 : i32 to vector<16xi32>
      %mul3A_272 = arith.muli %shift_right_arithmetic3A_262, %mul3A_271 : vector<16xi32>
      %sub3A_273 = arith.subi %add3A_269, %mul3A_272 : vector<16xi32>
      %add3A_274 = arith.constant 0 : i32
      %add3A_275 = vector.broadcast %add3A_274 : i32 to vector<16xi32>
      %add3A_276 = arith.addi %mul3A_252, %add3A_275 : vector<16xi32>
      %gather3A_277 = tpu.vector_load_idx %arg4[%add3A_276] : memref<40000xi32, #tpu.memory_space<vmem>>[vector<16xi32>], vector<16xi32>,
      %add3A_278 = arith.constant 0 : i32
      %add3A_279 = vector.broadcast %add3A_278 : i32 to vector<16xi32>
      %add3A_280 = arith.addi %sub3A_273, %add3A_279 : vector<16xi32>
      tpu.vector_store_idx %arg6[%add3A_280], %gather3A_277 : memref<4096xi32, #tpu.memory_space<vmem>>[vector<16xi32>], vector<16xi32>,
      %add3A_281 = arith.constant 1 : i32
      %add3A_282 = vector.broadcast %add3A_281 : i32 to vector<16xi32>
      %add3A_283 = arith.addi %mul3A_252, %add3A_282 : vector<16xi32>
      %gather3A_284 = tpu.vector_load_idx %arg4[%add3A_283] : memref<40000xi32, #tpu.memory_space<vmem>>[vector<16xi32>], vector<16xi32>,
      %add3A_285 = arith.constant 1 : i32
      %add3A_286 = vector.broadcast %add3A_285 : i32 to vector<16xi32>
      %add3A_287 = arith.addi %sub3A_273, %add3A_286 : vector<16xi32>
      tpu.vector_store_idx %arg6[%add3A_287], %gather3A_284 : memref<4096xi32, #tpu.memory_space<vmem>>[vector<16xi32>], vector<16xi32>,
      %add3A_288 = arith.constant 2 : i32
      %add3A_289 = vector.broadcast %add3A_288 : i32 to vector<16xi32>
      %add3A_290 = arith.addi %mul3A_252, %add3A_289 : vector<16xi32>
      %gather3A_291 = tpu.vector_load_idx %arg4[%add3A_290] : memref<40000xi32, #tpu.memory_space<vmem>>[vector<16xi32>], vector<16xi32>,
      %add3A_292 = arith.constant 2 : i32
      %add3A_293 = vector.broadcast %add3A_292 : i32 to vector<16xi32>
      %add3A_294 = arith.addi %sub3A_273, %add3A_293 : vector<16xi32>
      tpu.vector_store_idx %arg6[%add3A_294], %gather3A_291 : memref<4096xi32, #tpu.memory_space<vmem>>[vector<16xi32>], vector<16xi32>,
      %scan3A_295 = arith.constant 0 : i32
      %scan3A_296 = arith.constant 2 : i32
      %scan3A_297 = arith.addi %scan3A_192, %scan3A_296 : i32
      %mul3A_298 = arith.constant 16 : i32
      %mul3A_299 = arith.muli %scan3A_297, %mul3A_298 : i32
      %add3A_300 = arith.constant 2112 : i32
      %add3A_301 = arith.addi %add3A_300, %mul3A_299 : i32
      %get3A_302 = arith.index_cast %add3A_301 : i32 to index
      %get3A_303 = tpu.vector_load %arg5[%get3A_302] {strides = array<i32>} : memref<10560xi32, #tpu.memory_space<vmem>>, vector<16xi32>,
      %mul3A_304 = arith.constant 4 : i32
      %mul3A_305 = vector.broadcast %mul3A_304 : i32 to vector<16xi32>
      %mul3A_306 = arith.muli %get3A_303, %mul3A_305 : vector<16xi32>
      %mul3A_307 = arith.constant 16 : i32
      %mul3A_308 = arith.muli %scan3A_297, %mul3A_307 : i32
      %add3A_309 = vector.broadcast %mul3A_308 : i32 to vector<16xi32>
      %add3A_310 = arith.addi %add3A_309, %iota3A : vector<16xi32>
      %mul3A_311 = arith.constant 993 : i32
      %mul3A_312 = vector.broadcast %mul3A_311 : i32 to vector<16xi32>
      %mul3A_313 = arith.muli %add3A_310, %mul3A_312 : vector<16xi32>
      %shift_right_arithmetic3A_314 = arith.constant 15 : i32
      %shift_right_arithmetic3A_315 = vector.broadcast %shift_right_arithmetic3A_314 : i32 to vector<16xi32>
      %shift_right_arithmetic3A_316 = arith.shrsi %mul3A_313, %shift_right_arithmetic3A_315 : vector<16xi32>
      %mul3A_317 = arith.constant 128 : i32
      %mul3A_318 = vector.broadcast %mul3A_317 : i32 to vector<16xi32>
      %mul3A_319 = arith.muli %shift_right_arithmetic3A_316, %mul3A_318 : vector<16xi32>
      %mul3A_320 = arith.constant 3 : i32
      %mul3A_321 = vector.broadcast %mul3A_320 : i32 to vector<16xi32>
      %mul3A_322 = arith.muli %add3A_310, %mul3A_321 : vector<16xi32>
      %add3A_323 = arith.addi %mul3A_319, %mul3A_322 : vector<16xi32>
      %mul3A_324 = arith.constant 99 : i32
      %mul3A_325 = vector.broadcast %mul3A_324 : i32 to vector<16xi32>
      %mul3A_326 = arith.muli %shift_right_arithmetic3A_316, %mul3A_325 : vector<16xi32>
      %sub3A_327 = arith.subi %add3A_323, %mul3A_326 : vector<16xi32>
      %add3A_328 = arith.constant 0 : i32
      %add3A_329 = vector.broadcast %add3A_328 : i32 to vector<16xi32>
      %add3A_330 = arith.addi %mul3A_306, %add3A_329 : vector<16xi32>
      %gather3A_331 = tpu.vector_load_idx %arg4[%add3A_330] : memref<40000xi32, #tpu.memory_space<vmem>>[vector<16xi32>], vector<16xi32>,
      %add3A_332 = arith.constant 0 : i32
      %add3A_333 = vector.broadcast %add3A_332 : i32 to vector<16xi32>
      %add3A_334 = arith.addi %sub3A_327, %add3A_333 : vector<16xi32>
      tpu.vector_store_idx %arg6[%add3A_334], %gather3A_331 : memref<4096xi32, #tpu.memory_space<vmem>>[vector<16xi32>], vector<16xi32>,
      %add3A_335 = arith.constant 1 : i32
      %add3A_336 = vector.broadcast %add3A_335 : i32 to vector<16xi32>
      %add3A_337 = arith.addi %mul3A_306, %add3A_336 : vector<16xi32>
      %gather3A_338 = tpu.vector_load_idx %arg4[%add3A_337] : memref<40000xi32, #tpu.memory_space<vmem>>[vector<16xi32>], vector<16xi32>,
      %add3A_339 = arith.constant 1 : i32
      %add3A_340 = vector.broadcast %add3A_339 : i32 to vector<16xi32>
      %add3A_341 = arith.addi %sub3A_327, %add3A_340 : vector<16xi32>
      tpu.vector_store_idx %arg6[%add3A_341], %gather3A_338 : memref<4096xi32, #tpu.memory_space<vmem>>[vector<16xi32>], vector<16xi32>,
      %add3A_342 = arith.constant 2 : i32
      %add3A_343 = vector.broadcast %add3A_342 : i32 to vector<16xi32>
      %add3A_344 = arith.addi %mul3A_306, %add3A_343 : vector<16xi32>
      %gather3A_345 = tpu.vector_load_idx %arg4[%add3A_344] : memref<40000xi32, #tpu.memory_space<vmem>>[vector<16xi32>], vector<16xi32>,
      %add3A_346 = arith.constant 2 : i32
      %add3A_347 = vector.broadcast %add3A_346 : i32 to vector<16xi32>
      %add3A_348 = arith.addi %sub3A_327, %add3A_347 : vector<16xi32>
      tpu.vector_store_idx %arg6[%add3A_348], %gather3A_345 : memref<4096xi32, #tpu.memory_space<vmem>>[vector<16xi32>], vector<16xi32>,
      %scan3A_349 = arith.constant 0 : i32
      %scan3A_350 = arith.constant 3 : i32
      %scan3A_351 = arith.addi %scan3A_192, %scan3A_350 : i32
      %mul3A_352 = arith.constant 16 : i32
      %mul3A_353 = arith.muli %scan3A_351, %mul3A_352 : i32
      %add3A_354 = arith.constant 2112 : i32
      %add3A_355 = arith.addi %add3A_354, %mul3A_353 : i32
      %get3A_356 = arith.index_cast %add3A_355 : i32 to index
      %get3A_357 = tpu.vector_load %arg5[%get3A_356] {strides = array<i32>} : memref<10560xi32, #tpu.memory_space<vmem>>, vector<16xi32>,
      %mul3A_358 = arith.constant 4 : i32
      %mul3A_359 = vector.broadcast %mul3A_358 : i32 to vector<16xi32>
      %mul3A_360 = arith.muli %get3A_357, %mul3A_359 : vector<16xi32>
      %mul3A_361 = arith.constant 16 : i32
      %mul3A_362 = arith.muli %scan3A_351, %mul3A_361 : i32
      %add3A_363 = vector.broadcast %mul3A_362 : i32 to vector<16xi32>
      %add3A_364 = arith.addi %add3A_363, %iota3A : vector<16xi32>
      %mul3A_365 = arith.constant 993 : i32
      %mul3A_366 = vector.broadcast %mul3A_365 : i32 to vector<16xi32>
      %mul3A_367 = arith.muli %add3A_364, %mul3A_366 : vector<16xi32>
      %shift_right_arithmetic3A_368 = arith.constant 15 : i32
      %shift_right_arithmetic3A_369 = vector.broadcast %shift_right_arithmetic3A_368 : i32 to vector<16xi32>
      %shift_right_arithmetic3A_370 = arith.shrsi %mul3A_367, %shift_right_arithmetic3A_369 : vector<16xi32>
      %mul3A_371 = arith.constant 128 : i32
      %mul3A_372 = vector.broadcast %mul3A_371 : i32 to vector<16xi32>
      %mul3A_373 = arith.muli %shift_right_arithmetic3A_370, %mul3A_372 : vector<16xi32>
      %mul3A_374 = arith.constant 3 : i32
      %mul3A_375 = vector.broadcast %mul3A_374 : i32 to vector<16xi32>
      %mul3A_376 = arith.muli %add3A_364, %mul3A_375 : vector<16xi32>
      %add3A_377 = arith.addi %mul3A_373, %mul3A_376 : vector<16xi32>
      %mul3A_378 = arith.constant 99 : i32
      %mul3A_379 = vector.broadcast %mul3A_378 : i32 to vector<16xi32>
      %mul3A_380 = arith.muli %shift_right_arithmetic3A_370, %mul3A_379 : vector<16xi32>
      %sub3A_381 = arith.subi %add3A_377, %mul3A_380 : vector<16xi32>
      %add3A_382 = arith.constant 0 : i32
      %add3A_383 = vector.broadcast %add3A_382 : i32 to vector<16xi32>
      %add3A_384 = arith.addi %mul3A_360, %add3A_383 : vector<16xi32>
      %gather3A_385 = tpu.vector_load_idx %arg4[%add3A_384] : memref<40000xi32, #tpu.memory_space<vmem>>[vector<16xi32>], vector<16xi32>,
      %add3A_386 = arith.constant 0 : i32
      %add3A_387 = vector.broadcast %add3A_386 : i32 to vector<16xi32>
      %add3A_388 = arith.addi %sub3A_381, %add3A_387 : vector<16xi32>
      tpu.vector_store_idx %arg6[%add3A_388], %gather3A_385 : memref<4096xi32, #tpu.memory_space<vmem>>[vector<16xi32>], vector<16xi32>,
      %add3A_389 = arith.constant 1 : i32
      %add3A_390 = vector.broadcast %add3A_389 : i32 to vector<16xi32>
      %add3A_391 = arith.addi %mul3A_360, %add3A_390 : vector<16xi32>
      %gather3A_392 = tpu.vector_load_idx %arg4[%add3A_391] : memref<40000xi32, #tpu.memory_space<vmem>>[vector<16xi32>], vector<16xi32>,
      %add3A_393 = arith.constant 1 : i32
      %add3A_394 = vector.broadcast %add3A_393 : i32 to vector<16xi32>
      %add3A_395 = arith.addi %sub3A_381, %add3A_394 : vector<16xi32>
      tpu.vector_store_idx %arg6[%add3A_395], %gather3A_392 : memref<4096xi32, #tpu.memory_space<vmem>>[vector<16xi32>], vector<16xi32>,
      %add3A_396 = arith.constant 2 : i32
      %add3A_397 = vector.broadcast %add3A_396 : i32 to vector<16xi32>
      %add3A_398 = arith.addi %mul3A_360, %add3A_397 : vector<16xi32>
      %gather3A_399 = tpu.vector_load_idx %arg4[%add3A_398] : memref<40000xi32, #tpu.memory_space<vmem>>[vector<16xi32>], vector<16xi32>,
      %add3A_400 = arith.constant 2 : i32
      %add3A_401 = vector.broadcast %add3A_400 : i32 to vector<16xi32>
      %add3A_402 = arith.addi %sub3A_381, %add3A_401 : vector<16xi32>
      tpu.vector_store_idx %arg6[%add3A_402], %gather3A_399 : memref<4096xi32, #tpu.memory_space<vmem>>[vector<16xi32>], vector<16xi32>,
      %scan3A_403 = arith.constant 0 : i32
      %scan3A_404 = arith.constant 4 : i32
      %scan3A_405 = arith.addi %scan3A_192, %scan3A_404 : i32
      %mul3A_406 = arith.constant 16 : i32
      %mul3A_407 = arith.muli %scan3A_405, %mul3A_406 : i32
      %add3A_408 = arith.constant 2112 : i32
      %add3A_409 = arith.addi %add3A_408, %mul3A_407 : i32
      %get3A_410 = arith.index_cast %add3A_409 : i32 to index
      %get3A_411 = tpu.vector_load %arg5[%get3A_410] {strides = array<i32>} : memref<10560xi32, #tpu.memory_space<vmem>>, vector<16xi32>,
      %mul3A_412 = arith.constant 4 : i32
      %mul3A_413 = vector.broadcast %mul3A_412 : i32 to vector<16xi32>
      %mul3A_414 = arith.muli %get3A_411, %mul3A_413 : vector<16xi32>
      %mul3A_415 = arith.constant 16 : i32
      %mul3A_416 = arith.muli %scan3A_405, %mul3A_415 : i32
      %add3A_417 = vector.broadcast %mul3A_416 : i32 to vector<16xi32>
      %add3A_418 = arith.addi %add3A_417, %iota3A : vector<16xi32>
      %mul3A_419 = arith.constant 993 : i32
      %mul3A_420 = vector.broadcast %mul3A_419 : i32 to vector<16xi32>
      %mul3A_421 = arith.muli %add3A_418, %mul3A_420 : vector<16xi32>
      %shift_right_arithmetic3A_422 = arith.constant 15 : i32
      %shift_right_arithmetic3A_423 = vector.broadcast %shift_right_arithmetic3A_422 : i32 to vector<16xi32>
      %shift_right_arithmetic3A_424 = arith.shrsi %mul3A_421, %shift_right_arithmetic3A_423 : vector<16xi32>
      %mul3A_425 = arith.constant 128 : i32
      %mul3A_426 = vector.broadcast %mul3A_425 : i32 to vector<16xi32>
      %mul3A_427 = arith.muli %shift_right_arithmetic3A_424, %mul3A_426 : vector<16xi32>
      %mul3A_428 = arith.constant 3 : i32
      %mul3A_429 = vector.broadcast %mul3A_428 : i32 to vector<16xi32>
      %mul3A_430 = arith.muli %add3A_418, %mul3A_429 : vector<16xi32>
      %add3A_431 = arith.addi %mul3A_427, %mul3A_430 : vector<16xi32>
      %mul3A_432 = arith.constant 99 : i32
      %mul3A_433 = vector.broadcast %mul3A_432 : i32 to vector<16xi32>
      %mul3A_434 = arith.muli %shift_right_arithmetic3A_424, %mul3A_433 : vector<16xi32>
      %sub3A_435 = arith.subi %add3A_431, %mul3A_434 : vector<16xi32>
      %add3A_436 = arith.constant 0 : i32
      %add3A_437 = vector.broadcast %add3A_436 : i32 to vector<16xi32>
      %add3A_438 = arith.addi %mul3A_414, %add3A_437 : vector<16xi32>
      %gather3A_439 = tpu.vector_load_idx %arg4[%add3A_438] : memref<40000xi32, #tpu.memory_space<vmem>>[vector<16xi32>], vector<16xi32>,
      %add3A_440 = arith.constant 0 : i32
      %add3A_441 = vector.broadcast %add3A_440 : i32 to vector<16xi32>
      %add3A_442 = arith.addi %sub3A_435, %add3A_441 : vector<16xi32>
      tpu.vector_store_idx %arg6[%add3A_442], %gather3A_439 : memref<4096xi32, #tpu.memory_space<vmem>>[vector<16xi32>], vector<16xi32>,
      %add3A_443 = arith.constant 1 : i32
      %add3A_444 = vector.broadcast %add3A_443 : i32 to vector<16xi32>
      %add3A_445 = arith.addi %mul3A_414, %add3A_444 : vector<16xi32>
      %gather3A_446 = tpu.vector_load_idx %arg4[%add3A_445] : memref<40000xi32, #tpu.memory_space<vmem>>[vector<16xi32>], vector<16xi32>,
      %add3A_447 = arith.constant 1 : i32
      %add3A_448 = vector.broadcast %add3A_447 : i32 to vector<16xi32>
      %add3A_449 = arith.addi %sub3A_435, %add3A_448 : vector<16xi32>
      tpu.vector_store_idx %arg6[%add3A_449], %gather3A_446 : memref<4096xi32, #tpu.memory_space<vmem>>[vector<16xi32>], vector<16xi32>,
      %add3A_450 = arith.constant 2 : i32
      %add3A_451 = vector.broadcast %add3A_450 : i32 to vector<16xi32>
      %add3A_452 = arith.addi %mul3A_414, %add3A_451 : vector<16xi32>
      %gather3A_453 = tpu.vector_load_idx %arg4[%add3A_452] : memref<40000xi32, #tpu.memory_space<vmem>>[vector<16xi32>], vector<16xi32>,
      %add3A_454 = arith.constant 2 : i32
      %add3A_455 = vector.broadcast %add3A_454 : i32 to vector<16xi32>
      %add3A_456 = arith.addi %sub3A_435, %add3A_455 : vector<16xi32>
      tpu.vector_store_idx %arg6[%add3A_456], %gather3A_453 : memref<4096xi32, #tpu.memory_space<vmem>>[vector<16xi32>], vector<16xi32>,
      %scan3A_457 = arith.constant 0 : i32
      %scan3A_458 = arith.constant 5 : i32
      %scan3A_459 = arith.addi %scan3A_192, %scan3A_458 : i32
      %mul3A_460 = arith.constant 16 : i32
      %mul3A_461 = arith.muli %scan3A_459, %mul3A_460 : i32
      %add3A_462 = arith.constant 2112 : i32
      %add3A_463 = arith.addi %add3A_462, %mul3A_461 : i32
      %get3A_464 = arith.index_cast %add3A_463 : i32 to index
      %get3A_465 = tpu.vector_load %arg5[%get3A_464] {strides = array<i32>} : memref<10560xi32, #tpu.memory_space<vmem>>, vector<16xi32>,
      %mul3A_466 = arith.constant 4 : i32
      %mul3A_467 = vector.broadcast %mul3A_466 : i32 to vector<16xi32>
      %mul3A_468 = arith.muli %get3A_465, %mul3A_467 : vector<16xi32>
      %mul3A_469 = arith.constant 16 : i32
      %mul3A_470 = arith.muli %scan3A_459, %mul3A_469 : i32
      %add3A_471 = vector.broadcast %mul3A_470 : i32 to vector<16xi32>
      %add3A_472 = arith.addi %add3A_471, %iota3A : vector<16xi32>
      %mul3A_473 = arith.constant 993 : i32
      %mul3A_474 = vector.broadcast %mul3A_473 : i32 to vector<16xi32>
      %mul3A_475 = arith.muli %add3A_472, %mul3A_474 : vector<16xi32>
      %shift_right_arithmetic3A_476 = arith.constant 15 : i32
      %shift_right_arithmetic3A_477 = vector.broadcast %shift_right_arithmetic3A_476 : i32 to vector<16xi32>
      %shift_right_arithmetic3A_478 = arith.shrsi %mul3A_475, %shift_right_arithmetic3A_477 : vector<16xi32>
      %mul3A_479 = arith.constant 128 : i32
      %mul3A_480 = vector.broadcast %mul3A_479 : i32 to vector<16xi32>
      %mul3A_481 = arith.muli %shift_right_arithmetic3A_478, %mul3A_480 : vector<16xi32>
      %mul3A_482 = arith.constant 3 : i32
      %mul3A_483 = vector.broadcast %mul3A_482 : i32 to vector<16xi32>
      %mul3A_484 = arith.muli %add3A_472, %mul3A_483 : vector<16xi32>
      %add3A_485 = arith.addi %mul3A_481, %mul3A_484 : vector<16xi32>
      %mul3A_486 = arith.constant 99 : i32
      %mul3A_487 = vector.broadcast %mul3A_486 : i32 to vector<16xi32>
      %mul3A_488 = arith.muli %shift_right_arithmetic3A_478, %mul3A_487 : vector<16xi32>
      %sub3A_489 = arith.subi %add3A_485, %mul3A_488 : vector<16xi32>
      %add3A_490 = arith.constant 0 : i32
      %add3A_491 = vector.broadcast %add3A_490 : i32 to vector<16xi32>
      %add3A_492 = arith.addi %mul3A_468, %add3A_491 : vector<16xi32>
      %gather3A_493 = tpu.vector_load_idx %arg4[%add3A_492] : memref<40000xi32, #tpu.memory_space<vmem>>[vector<16xi32>], vector<16xi32>,
      %add3A_494 = arith.constant 0 : i32
      %add3A_495 = vector.broadcast %add3A_494 : i32 to vector<16xi32>
      %add3A_496 = arith.addi %sub3A_489, %add3A_495 : vector<16xi32>
      tpu.vector_store_idx %arg6[%add3A_496], %gather3A_493 : memref<4096xi32, #tpu.memory_space<vmem>>[vector<16xi32>], vector<16xi32>,
      %add3A_497 = arith.constant 1 : i32
      %add3A_498 = vector.broadcast %add3A_497 : i32 to vector<16xi32>
      %add3A_499 = arith.addi %mul3A_468, %add3A_498 : vector<16xi32>
      %gather3A_500 = tpu.vector_load_idx %arg4[%add3A_499] : memref<40000xi32, #tpu.memory_space<vmem>>[vector<16xi32>], vector<16xi32>,
      %add3A_501 = arith.constant 1 : i32
      %add3A_502 = vector.broadcast %add3A_501 : i32 to vector<16xi32>
      %add3A_503 = arith.addi %sub3A_489, %add3A_502 : vector<16xi32>
      tpu.vector_store_idx %arg6[%add3A_503], %gather3A_500 : memref<4096xi32, #tpu.memory_space<vmem>>[vector<16xi32>], vector<16xi32>,
      %add3A_504 = arith.constant 2 : i32
      %add3A_505 = vector.broadcast %add3A_504 : i32 to vector<16xi32>
      %add3A_506 = arith.addi %mul3A_468, %add3A_505 : vector<16xi32>
      %gather3A_507 = tpu.vector_load_idx %arg4[%add3A_506] : memref<40000xi32, #tpu.memory_space<vmem>>[vector<16xi32>], vector<16xi32>,
      %add3A_508 = arith.constant 2 : i32
      %add3A_509 = vector.broadcast %add3A_508 : i32 to vector<16xi32>
      %add3A_510 = arith.addi %sub3A_489, %add3A_509 : vector<16xi32>
      tpu.vector_store_idx %arg6[%add3A_510], %gather3A_507 : memref<4096xi32, #tpu.memory_space<vmem>>[vector<16xi32>], vector<16xi32>,
      %scan3A_511 = arith.constant 0 : i32
      scf.yield %scan3A_511 : i32
    }
    %scan3A_60 = arith.constant 66 : i32
    %mul3A_61 = arith.constant 320 : i32
    %mul3A_62 = arith.muli %add3A, %mul3A_61 : i32
    %add3A_63 = arith.constant 64 : i32
    %add3A_64 = arith.addi %mul3A_62, %add3A_63 : i32
    %mul3A_65 = arith.constant 128 : i32
    %mul3A_66 = arith.muli %add3A_64, %mul3A_65 : i32
    %dma_start3A_67 = tpu.memref_slice %arg3[%mul3A_66] : memref<1310720xi32, #tpu.memory_space<hbm>> -> memref<4096xi32, #tpu.memory_space<hbm>>
    %dma_start3A_68 = tpu.memref_slice %arg3[%mul3A_66] : memref<1310720xi32, #tpu.memory_space<hbm>> -> memref<4096xi32, #tpu.memory_space<hbm>>
    tpu.enqueue_dma source(%arg6 : memref<4096xi32, #tpu.memory_space<vmem>>) target(%dma_start3A_68 : memref<4096xi32, #tpu.memory_space<hbm>>) target_semaphore(%arg9 : memref<!tpu.dma_semaphore, #tpu.memory_space<semaphore_mem>>)
    %dma_wait3A_69 = tpu.memref_slice %arg3[%mul3A_49] : memref<1310720xi32, #tpu.memory_space<hbm>> -> memref<4096xi32, #tpu.memory_space<hbm>>
    %dma_wait3A_70 = tpu.memref_slice %arg3[%mul3A_49] : memref<1310720xi32, #tpu.memory_space<hbm>> -> memref<4096xi32, #tpu.memory_space<hbm>>
    tpu.wait_dma2 semaphore(%arg9 : memref<!tpu.dma_semaphore, #tpu.memory_space<semaphore_mem>>) src(%arg7 : memref<4096xi32, #tpu.memory_space<vmem>>) dst(%dma_wait3A_70 : memref<4096xi32, #tpu.memory_space<hbm>>)
    %scan3A_71 = arith.constant 0 : i32
    %scan3A_72 = arith.constant 0 : i32
    %scan3A_73 = arith.constant 66 : i32
    %scan3A_74 = arith.addi %scan3A_72, %scan3A_73 : i32
    %scan3A_75 = arith.constant 6 : i32
    %scan3A_76 = scf.for %scan3A_192 = %scan3A_72 to %scan3A_74 step %scan3A_75 iter_args(%scan3A_193 = %scan3A_71) -> (i32)  : i32 {
      %mul3A_194 = arith.constant 16 : i32
      %mul3A_195 = arith.muli %scan3A_192, %mul3A_194 : i32
      %add3A_196 = arith.constant 3168 : i32
      %add3A_197 = arith.addi %add3A_196, %mul3A_195 : i32
      %get3A = arith.index_cast %add3A_197 : i32 to index
      %get3A_198 = tpu.vector_load %arg5[%get3A] {strides = array<i32>} : memref<10560xi32, #tpu.memory_space<vmem>>, vector<16xi32>,
      %mul3A_199 = arith.constant 4 : i32
      %mul3A_200 = vector.broadcast %mul3A_199 : i32 to vector<16xi32>
      %mul3A_201 = arith.muli %get3A_198, %mul3A_200 : vector<16xi32>
      %mul3A_202 = arith.constant 16 : i32
      %mul3A_203 = arith.muli %scan3A_192, %mul3A_202 : i32
      %add3A_204 = vector.broadcast %mul3A_203 : i32 to vector<16xi32>
      %add3A_205 = arith.addi %add3A_204, %iota3A : vector<16xi32>
      %mul3A_206 = arith.constant 993 : i32
      %mul3A_207 = vector.broadcast %mul3A_206 : i32 to vector<16xi32>
      %mul3A_208 = arith.muli %add3A_205, %mul3A_207 : vector<16xi32>
      %shift_right_arithmetic3A = arith.constant 15 : i32
      %shift_right_arithmetic3A_209 = vector.broadcast %shift_right_arithmetic3A : i32 to vector<16xi32>
      %shift_right_arithmetic3A_210 = arith.shrsi %mul3A_208, %shift_right_arithmetic3A_209 : vector<16xi32>
      %mul3A_211 = arith.constant 128 : i32
      %mul3A_212 = vector.broadcast %mul3A_211 : i32 to vector<16xi32>
      %mul3A_213 = arith.muli %shift_right_arithmetic3A_210, %mul3A_212 : vector<16xi32>
      %mul3A_214 = arith.constant 3 : i32
      %mul3A_215 = vector.broadcast %mul3A_214 : i32 to vector<16xi32>
      %mul3A_216 = arith.muli %add3A_205, %mul3A_215 : vector<16xi32>
      %add3A_217 = arith.addi %mul3A_213, %mul3A_216 : vector<16xi32>
      %mul3A_218 = arith.constant 99 : i32
      %mul3A_219 = vector.broadcast %mul3A_218 : i32 to vector<16xi32>
      %mul3A_220 = arith.muli %shift_right_arithmetic3A_210, %mul3A_219 : vector<16xi32>
      %sub3A = arith.subi %add3A_217, %mul3A_220 : vector<16xi32>
      %add3A_221 = arith.constant 0 : i32
      %add3A_222 = vector.broadcast %add3A_221 : i32 to vector<16xi32>
      %add3A_223 = arith.addi %mul3A_201, %add3A_222 : vector<16xi32>
      %gather3A = tpu.vector_load_idx %arg4[%add3A_223] : memref<40000xi32, #tpu.memory_space<vmem>>[vector<16xi32>], vector<16xi32>,
      %add3A_224 = arith.constant 0 : i32
      %add3A_225 = vector.broadcast %add3A_224 : i32 to vector<16xi32>
      %add3A_226 = arith.addi %sub3A, %add3A_225 : vector<16xi32>
      tpu.vector_store_idx %arg7[%add3A_226], %gather3A : memref<4096xi32, #tpu.memory_space<vmem>>[vector<16xi32>], vector<16xi32>,
      %add3A_227 = arith.constant 1 : i32
      %add3A_228 = vector.broadcast %add3A_227 : i32 to vector<16xi32>
      %add3A_229 = arith.addi %mul3A_201, %add3A_228 : vector<16xi32>
      %gather3A_230 = tpu.vector_load_idx %arg4[%add3A_229] : memref<40000xi32, #tpu.memory_space<vmem>>[vector<16xi32>], vector<16xi32>,
      %add3A_231 = arith.constant 1 : i32
      %add3A_232 = vector.broadcast %add3A_231 : i32 to vector<16xi32>
      %add3A_233 = arith.addi %sub3A, %add3A_232 : vector<16xi32>
      tpu.vector_store_idx %arg7[%add3A_233], %gather3A_230 : memref<4096xi32, #tpu.memory_space<vmem>>[vector<16xi32>], vector<16xi32>,
      %add3A_234 = arith.constant 2 : i32
      %add3A_235 = vector.broadcast %add3A_234 : i32 to vector<16xi32>
      %add3A_236 = arith.addi %mul3A_201, %add3A_235 : vector<16xi32>
      %gather3A_237 = tpu.vector_load_idx %arg4[%add3A_236] : memref<40000xi32, #tpu.memory_space<vmem>>[vector<16xi32>], vector<16xi32>,
      %add3A_238 = arith.constant 2 : i32
      %add3A_239 = vector.broadcast %add3A_238 : i32 to vector<16xi32>
      %add3A_240 = arith.addi %sub3A, %add3A_239 : vector<16xi32>
      tpu.vector_store_idx %arg7[%add3A_240], %gather3A_237 : memref<4096xi32, #tpu.memory_space<vmem>>[vector<16xi32>], vector<16xi32>,
      %scan3A_241 = arith.constant 0 : i32
      %scan3A_242 = arith.constant 1 : i32
      %scan3A_243 = arith.addi %scan3A_192, %scan3A_242 : i32
      %mul3A_244 = arith.constant 16 : i32
      %mul3A_245 = arith.muli %scan3A_243, %mul3A_244 : i32
      %add3A_246 = arith.constant 3168 : i32
      %add3A_247 = arith.addi %add3A_246, %mul3A_245 : i32
      %get3A_248 = arith.index_cast %add3A_247 : i32 to index
      %get3A_249 = tpu.vector_load %arg5[%get3A_248] {strides = array<i32>} : memref<10560xi32, #tpu.memory_space<vmem>>, vector<16xi32>,
      %mul3A_250 = arith.constant 4 : i32
      %mul3A_251 = vector.broadcast %mul3A_250 : i32 to vector<16xi32>
      %mul3A_252 = arith.muli %get3A_249, %mul3A_251 : vector<16xi32>
      %mul3A_253 = arith.constant 16 : i32
      %mul3A_254 = arith.muli %scan3A_243, %mul3A_253 : i32
      %add3A_255 = vector.broadcast %mul3A_254 : i32 to vector<16xi32>
      %add3A_256 = arith.addi %add3A_255, %iota3A : vector<16xi32>
      %mul3A_257 = arith.constant 993 : i32
      %mul3A_258 = vector.broadcast %mul3A_257 : i32 to vector<16xi32>
      %mul3A_259 = arith.muli %add3A_256, %mul3A_258 : vector<16xi32>
      %shift_right_arithmetic3A_260 = arith.constant 15 : i32
      %shift_right_arithmetic3A_261 = vector.broadcast %shift_right_arithmetic3A_260 : i32 to vector<16xi32>
      %shift_right_arithmetic3A_262 = arith.shrsi %mul3A_259, %shift_right_arithmetic3A_261 : vector<16xi32>
      %mul3A_263 = arith.constant 128 : i32
      %mul3A_264 = vector.broadcast %mul3A_263 : i32 to vector<16xi32>
      %mul3A_265 = arith.muli %shift_right_arithmetic3A_262, %mul3A_264 : vector<16xi32>
      %mul3A_266 = arith.constant 3 : i32
      %mul3A_267 = vector.broadcast %mul3A_266 : i32 to vector<16xi32>
      %mul3A_268 = arith.muli %add3A_256, %mul3A_267 : vector<16xi32>
      %add3A_269 = arith.addi %mul3A_265, %mul3A_268 : vector<16xi32>
      %mul3A_270 = arith.constant 99 : i32
      %mul3A_271 = vector.broadcast %mul3A_270 : i32 to vector<16xi32>
      %mul3A_272 = arith.muli %shift_right_arithmetic3A_262, %mul3A_271 : vector<16xi32>
      %sub3A_273 = arith.subi %add3A_269, %mul3A_272 : vector<16xi32>
      %add3A_274 = arith.constant 0 : i32
      %add3A_275 = vector.broadcast %add3A_274 : i32 to vector<16xi32>
      %add3A_276 = arith.addi %mul3A_252, %add3A_275 : vector<16xi32>
      %gather3A_277 = tpu.vector_load_idx %arg4[%add3A_276] : memref<40000xi32, #tpu.memory_space<vmem>>[vector<16xi32>], vector<16xi32>,
      %add3A_278 = arith.constant 0 : i32
      %add3A_279 = vector.broadcast %add3A_278 : i32 to vector<16xi32>
      %add3A_280 = arith.addi %sub3A_273, %add3A_279 : vector<16xi32>
      tpu.vector_store_idx %arg7[%add3A_280], %gather3A_277 : memref<4096xi32, #tpu.memory_space<vmem>>[vector<16xi32>], vector<16xi32>,
      %add3A_281 = arith.constant 1 : i32
      %add3A_282 = vector.broadcast %add3A_281 : i32 to vector<16xi32>
      %add3A_283 = arith.addi %mul3A_252, %add3A_282 : vector<16xi32>
      %gather3A_284 = tpu.vector_load_idx %arg4[%add3A_283] : memref<40000xi32, #tpu.memory_space<vmem>>[vector<16xi32>], vector<16xi32>,
      %add3A_285 = arith.constant 1 : i32
      %add3A_286 = vector.broadcast %add3A_285 : i32 to vector<16xi32>
      %add3A_287 = arith.addi %sub3A_273, %add3A_286 : vector<16xi32>
      tpu.vector_store_idx %arg7[%add3A_287], %gather3A_284 : memref<4096xi32, #tpu.memory_space<vmem>>[vector<16xi32>], vector<16xi32>,
      %add3A_288 = arith.constant 2 : i32
      %add3A_289 = vector.broadcast %add3A_288 : i32 to vector<16xi32>
      %add3A_290 = arith.addi %mul3A_252, %add3A_289 : vector<16xi32>
      %gather3A_291 = tpu.vector_load_idx %arg4[%add3A_290] : memref<40000xi32, #tpu.memory_space<vmem>>[vector<16xi32>], vector<16xi32>,
      %add3A_292 = arith.constant 2 : i32
      %add3A_293 = vector.broadcast %add3A_292 : i32 to vector<16xi32>
      %add3A_294 = arith.addi %sub3A_273, %add3A_293 : vector<16xi32>
      tpu.vector_store_idx %arg7[%add3A_294], %gather3A_291 : memref<4096xi32, #tpu.memory_space<vmem>>[vector<16xi32>], vector<16xi32>,
      %scan3A_295 = arith.constant 0 : i32
      %scan3A_296 = arith.constant 2 : i32
      %scan3A_297 = arith.addi %scan3A_192, %scan3A_296 : i32
      %mul3A_298 = arith.constant 16 : i32
      %mul3A_299 = arith.muli %scan3A_297, %mul3A_298 : i32
      %add3A_300 = arith.constant 3168 : i32
      %add3A_301 = arith.addi %add3A_300, %mul3A_299 : i32
      %get3A_302 = arith.index_cast %add3A_301 : i32 to index
      %get3A_303 = tpu.vector_load %arg5[%get3A_302] {strides = array<i32>} : memref<10560xi32, #tpu.memory_space<vmem>>, vector<16xi32>,
      %mul3A_304 = arith.constant 4 : i32
      %mul3A_305 = vector.broadcast %mul3A_304 : i32 to vector<16xi32>
      %mul3A_306 = arith.muli %get3A_303, %mul3A_305 : vector<16xi32>
      %mul3A_307 = arith.constant 16 : i32
      %mul3A_308 = arith.muli %scan3A_297, %mul3A_307 : i32
      %add3A_309 = vector.broadcast %mul3A_308 : i32 to vector<16xi32>
      %add3A_310 = arith.addi %add3A_309, %iota3A : vector<16xi32>
      %mul3A_311 = arith.constant 993 : i32
      %mul3A_312 = vector.broadcast %mul3A_311 : i32 to vector<16xi32>
      %mul3A_313 = arith.muli %add3A_310, %mul3A_312 : vector<16xi32>
      %shift_right_arithmetic3A_314 = arith.constant 15 : i32
      %shift_right_arithmetic3A_315 = vector.broadcast %shift_right_arithmetic3A_314 : i32 to vector<16xi32>
      %shift_right_arithmetic3A_316 = arith.shrsi %mul3A_313, %shift_right_arithmetic3A_315 : vector<16xi32>
      %mul3A_317 = arith.constant 128 : i32
      %mul3A_318 = vector.broadcast %mul3A_317 : i32 to vector<16xi32>
      %mul3A_319 = arith.muli %shift_right_arithmetic3A_316, %mul3A_318 : vector<16xi32>
      %mul3A_320 = arith.constant 3 : i32
      %mul3A_321 = vector.broadcast %mul3A_320 : i32 to vector<16xi32>
      %mul3A_322 = arith.muli %add3A_310, %mul3A_321 : vector<16xi32>
      %add3A_323 = arith.addi %mul3A_319, %mul3A_322 : vector<16xi32>
      %mul3A_324 = arith.constant 99 : i32
      %mul3A_325 = vector.broadcast %mul3A_324 : i32 to vector<16xi32>
      %mul3A_326 = arith.muli %shift_right_arithmetic3A_316, %mul3A_325 : vector<16xi32>
      %sub3A_327 = arith.subi %add3A_323, %mul3A_326 : vector<16xi32>
      %add3A_328 = arith.constant 0 : i32
      %add3A_329 = vector.broadcast %add3A_328 : i32 to vector<16xi32>
      %add3A_330 = arith.addi %mul3A_306, %add3A_329 : vector<16xi32>
      %gather3A_331 = tpu.vector_load_idx %arg4[%add3A_330] : memref<40000xi32, #tpu.memory_space<vmem>>[vector<16xi32>], vector<16xi32>,
      %add3A_332 = arith.constant 0 : i32
      %add3A_333 = vector.broadcast %add3A_332 : i32 to vector<16xi32>
      %add3A_334 = arith.addi %sub3A_327, %add3A_333 : vector<16xi32>
      tpu.vector_store_idx %arg7[%add3A_334], %gather3A_331 : memref<4096xi32, #tpu.memory_space<vmem>>[vector<16xi32>], vector<16xi32>,
      %add3A_335 = arith.constant 1 : i32
      %add3A_336 = vector.broadcast %add3A_335 : i32 to vector<16xi32>
      %add3A_337 = arith.addi %mul3A_306, %add3A_336 : vector<16xi32>
      %gather3A_338 = tpu.vector_load_idx %arg4[%add3A_337] : memref<40000xi32, #tpu.memory_space<vmem>>[vector<16xi32>], vector<16xi32>,
      %add3A_339 = arith.constant 1 : i32
      %add3A_340 = vector.broadcast %add3A_339 : i32 to vector<16xi32>
      %add3A_341 = arith.addi %sub3A_327, %add3A_340 : vector<16xi32>
      tpu.vector_store_idx %arg7[%add3A_341], %gather3A_338 : memref<4096xi32, #tpu.memory_space<vmem>>[vector<16xi32>], vector<16xi32>,
      %add3A_342 = arith.constant 2 : i32
      %add3A_343 = vector.broadcast %add3A_342 : i32 to vector<16xi32>
      %add3A_344 = arith.addi %mul3A_306, %add3A_343 : vector<16xi32>
      %gather3A_345 = tpu.vector_load_idx %arg4[%add3A_344] : memref<40000xi32, #tpu.memory_space<vmem>>[vector<16xi32>], vector<16xi32>,
      %add3A_346 = arith.constant 2 : i32
      %add3A_347 = vector.broadcast %add3A_346 : i32 to vector<16xi32>
      %add3A_348 = arith.addi %sub3A_327, %add3A_347 : vector<16xi32>
      tpu.vector_store_idx %arg7[%add3A_348], %gather3A_345 : memref<4096xi32, #tpu.memory_space<vmem>>[vector<16xi32>], vector<16xi32>,
      %scan3A_349 = arith.constant 0 : i32
      %scan3A_350 = arith.constant 3 : i32
      %scan3A_351 = arith.addi %scan3A_192, %scan3A_350 : i32
      %mul3A_352 = arith.constant 16 : i32
      %mul3A_353 = arith.muli %scan3A_351, %mul3A_352 : i32
      %add3A_354 = arith.constant 3168 : i32
      %add3A_355 = arith.addi %add3A_354, %mul3A_353 : i32
      %get3A_356 = arith.index_cast %add3A_355 : i32 to index
      %get3A_357 = tpu.vector_load %arg5[%get3A_356] {strides = array<i32>} : memref<10560xi32, #tpu.memory_space<vmem>>, vector<16xi32>,
      %mul3A_358 = arith.constant 4 : i32
      %mul3A_359 = vector.broadcast %mul3A_358 : i32 to vector<16xi32>
      %mul3A_360 = arith.muli %get3A_357, %mul3A_359 : vector<16xi32>
      %mul3A_361 = arith.constant 16 : i32
      %mul3A_362 = arith.muli %scan3A_351, %mul3A_361 : i32
      %add3A_363 = vector.broadcast %mul3A_362 : i32 to vector<16xi32>
      %add3A_364 = arith.addi %add3A_363, %iota3A : vector<16xi32>
      %mul3A_365 = arith.constant 993 : i32
      %mul3A_366 = vector.broadcast %mul3A_365 : i32 to vector<16xi32>
      %mul3A_367 = arith.muli %add3A_364, %mul3A_366 : vector<16xi32>
      %shift_right_arithmetic3A_368 = arith.constant 15 : i32
      %shift_right_arithmetic3A_369 = vector.broadcast %shift_right_arithmetic3A_368 : i32 to vector<16xi32>
      %shift_right_arithmetic3A_370 = arith.shrsi %mul3A_367, %shift_right_arithmetic3A_369 : vector<16xi32>
      %mul3A_371 = arith.constant 128 : i32
      %mul3A_372 = vector.broadcast %mul3A_371 : i32 to vector<16xi32>
      %mul3A_373 = arith.muli %shift_right_arithmetic3A_370, %mul3A_372 : vector<16xi32>
      %mul3A_374 = arith.constant 3 : i32
      %mul3A_375 = vector.broadcast %mul3A_374 : i32 to vector<16xi32>
      %mul3A_376 = arith.muli %add3A_364, %mul3A_375 : vector<16xi32>
      %add3A_377 = arith.addi %mul3A_373, %mul3A_376 : vector<16xi32>
      %mul3A_378 = arith.constant 99 : i32
      %mul3A_379 = vector.broadcast %mul3A_378 : i32 to vector<16xi32>
      %mul3A_380 = arith.muli %shift_right_arithmetic3A_370, %mul3A_379 : vector<16xi32>
      %sub3A_381 = arith.subi %add3A_377, %mul3A_380 : vector<16xi32>
      %add3A_382 = arith.constant 0 : i32
      %add3A_383 = vector.broadcast %add3A_382 : i32 to vector<16xi32>
      %add3A_384 = arith.addi %mul3A_360, %add3A_383 : vector<16xi32>
      %gather3A_385 = tpu.vector_load_idx %arg4[%add3A_384] : memref<40000xi32, #tpu.memory_space<vmem>>[vector<16xi32>], vector<16xi32>,
      %add3A_386 = arith.constant 0 : i32
      %add3A_387 = vector.broadcast %add3A_386 : i32 to vector<16xi32>
      %add3A_388 = arith.addi %sub3A_381, %add3A_387 : vector<16xi32>
      tpu.vector_store_idx %arg7[%add3A_388], %gather3A_385 : memref<4096xi32, #tpu.memory_space<vmem>>[vector<16xi32>], vector<16xi32>,
      %add3A_389 = arith.constant 1 : i32
      %add3A_390 = vector.broadcast %add3A_389 : i32 to vector<16xi32>
      %add3A_391 = arith.addi %mul3A_360, %add3A_390 : vector<16xi32>
      %gather3A_392 = tpu.vector_load_idx %arg4[%add3A_391] : memref<40000xi32, #tpu.memory_space<vmem>>[vector<16xi32>], vector<16xi32>,
      %add3A_393 = arith.constant 1 : i32
      %add3A_394 = vector.broadcast %add3A_393 : i32 to vector<16xi32>
      %add3A_395 = arith.addi %sub3A_381, %add3A_394 : vector<16xi32>
      tpu.vector_store_idx %arg7[%add3A_395], %gather3A_392 : memref<4096xi32, #tpu.memory_space<vmem>>[vector<16xi32>], vector<16xi32>,
      %add3A_396 = arith.constant 2 : i32
      %add3A_397 = vector.broadcast %add3A_396 : i32 to vector<16xi32>
      %add3A_398 = arith.addi %mul3A_360, %add3A_397 : vector<16xi32>
      %gather3A_399 = tpu.vector_load_idx %arg4[%add3A_398] : memref<40000xi32, #tpu.memory_space<vmem>>[vector<16xi32>], vector<16xi32>,
      %add3A_400 = arith.constant 2 : i32
      %add3A_401 = vector.broadcast %add3A_400 : i32 to vector<16xi32>
      %add3A_402 = arith.addi %sub3A_381, %add3A_401 : vector<16xi32>
      tpu.vector_store_idx %arg7[%add3A_402], %gather3A_399 : memref<4096xi32, #tpu.memory_space<vmem>>[vector<16xi32>], vector<16xi32>,
      %scan3A_403 = arith.constant 0 : i32
      %scan3A_404 = arith.constant 4 : i32
      %scan3A_405 = arith.addi %scan3A_192, %scan3A_404 : i32
      %mul3A_406 = arith.constant 16 : i32
      %mul3A_407 = arith.muli %scan3A_405, %mul3A_406 : i32
      %add3A_408 = arith.constant 3168 : i32
      %add3A_409 = arith.addi %add3A_408, %mul3A_407 : i32
      %get3A_410 = arith.index_cast %add3A_409 : i32 to index
      %get3A_411 = tpu.vector_load %arg5[%get3A_410] {strides = array<i32>} : memref<10560xi32, #tpu.memory_space<vmem>>, vector<16xi32>,
      %mul3A_412 = arith.constant 4 : i32
      %mul3A_413 = vector.broadcast %mul3A_412 : i32 to vector<16xi32>
      %mul3A_414 = arith.muli %get3A_411, %mul3A_413 : vector<16xi32>
      %mul3A_415 = arith.constant 16 : i32
      %mul3A_416 = arith.muli %scan3A_405, %mul3A_415 : i32
      %add3A_417 = vector.broadcast %mul3A_416 : i32 to vector<16xi32>
      %add3A_418 = arith.addi %add3A_417, %iota3A : vector<16xi32>
      %mul3A_419 = arith.constant 993 : i32
      %mul3A_420 = vector.broadcast %mul3A_419 : i32 to vector<16xi32>
      %mul3A_421 = arith.muli %add3A_418, %mul3A_420 : vector<16xi32>
      %shift_right_arithmetic3A_422 = arith.constant 15 : i32
      %shift_right_arithmetic3A_423 = vector.broadcast %shift_right_arithmetic3A_422 : i32 to vector<16xi32>
      %shift_right_arithmetic3A_424 = arith.shrsi %mul3A_421, %shift_right_arithmetic3A_423 : vector<16xi32>
      %mul3A_425 = arith.constant 128 : i32
      %mul3A_426 = vector.broadcast %mul3A_425 : i32 to vector<16xi32>
      %mul3A_427 = arith.muli %shift_right_arithmetic3A_424, %mul3A_426 : vector<16xi32>
      %mul3A_428 = arith.constant 3 : i32
      %mul3A_429 = vector.broadcast %mul3A_428 : i32 to vector<16xi32>
      %mul3A_430 = arith.muli %add3A_418, %mul3A_429 : vector<16xi32>
      %add3A_431 = arith.addi %mul3A_427, %mul3A_430 : vector<16xi32>
      %mul3A_432 = arith.constant 99 : i32
      %mul3A_433 = vector.broadcast %mul3A_432 : i32 to vector<16xi32>
      %mul3A_434 = arith.muli %shift_right_arithmetic3A_424, %mul3A_433 : vector<16xi32>
      %sub3A_435 = arith.subi %add3A_431, %mul3A_434 : vector<16xi32>
      %add3A_436 = arith.constant 0 : i32
      %add3A_437 = vector.broadcast %add3A_436 : i32 to vector<16xi32>
      %add3A_438 = arith.addi %mul3A_414, %add3A_437 : vector<16xi32>
      %gather3A_439 = tpu.vector_load_idx %arg4[%add3A_438] : memref<40000xi32, #tpu.memory_space<vmem>>[vector<16xi32>], vector<16xi32>,
      %add3A_440 = arith.constant 0 : i32
      %add3A_441 = vector.broadcast %add3A_440 : i32 to vector<16xi32>
      %add3A_442 = arith.addi %sub3A_435, %add3A_441 : vector<16xi32>
      tpu.vector_store_idx %arg7[%add3A_442], %gather3A_439 : memref<4096xi32, #tpu.memory_space<vmem>>[vector<16xi32>], vector<16xi32>,
      %add3A_443 = arith.constant 1 : i32
      %add3A_444 = vector.broadcast %add3A_443 : i32 to vector<16xi32>
      %add3A_445 = arith.addi %mul3A_414, %add3A_444 : vector<16xi32>
      %gather3A_446 = tpu.vector_load_idx %arg4[%add3A_445] : memref<40000xi32, #tpu.memory_space<vmem>>[vector<16xi32>], vector<16xi32>,
      %add3A_447 = arith.constant 1 : i32
      %add3A_448 = vector.broadcast %add3A_447 : i32 to vector<16xi32>
      %add3A_449 = arith.addi %sub3A_435, %add3A_448 : vector<16xi32>
      tpu.vector_store_idx %arg7[%add3A_449], %gather3A_446 : memref<4096xi32, #tpu.memory_space<vmem>>[vector<16xi32>], vector<16xi32>,
      %add3A_450 = arith.constant 2 : i32
      %add3A_451 = vector.broadcast %add3A_450 : i32 to vector<16xi32>
      %add3A_452 = arith.addi %mul3A_414, %add3A_451 : vector<16xi32>
      %gather3A_453 = tpu.vector_load_idx %arg4[%add3A_452] : memref<40000xi32, #tpu.memory_space<vmem>>[vector<16xi32>], vector<16xi32>,
      %add3A_454 = arith.constant 2 : i32
      %add3A_455 = vector.broadcast %add3A_454 : i32 to vector<16xi32>
      %add3A_456 = arith.addi %sub3A_435, %add3A_455 : vector<16xi32>
      tpu.vector_store_idx %arg7[%add3A_456], %gather3A_453 : memref<4096xi32, #tpu.memory_space<vmem>>[vector<16xi32>], vector<16xi32>,
      %scan3A_457 = arith.constant 0 : i32
      %scan3A_458 = arith.constant 5 : i32
      %scan3A_459 = arith.addi %scan3A_192, %scan3A_458 : i32
      %mul3A_460 = arith.constant 16 : i32
      %mul3A_461 = arith.muli %scan3A_459, %mul3A_460 : i32
      %add3A_462 = arith.constant 3168 : i32
      %add3A_463 = arith.addi %add3A_462, %mul3A_461 : i32
      %get3A_464 = arith.index_cast %add3A_463 : i32 to index
      %get3A_465 = tpu.vector_load %arg5[%get3A_464] {strides = array<i32>} : memref<10560xi32, #tpu.memory_space<vmem>>, vector<16xi32>,
      %mul3A_466 = arith.constant 4 : i32
      %mul3A_467 = vector.broadcast %mul3A_466 : i32 to vector<16xi32>
      %mul3A_468 = arith.muli %get3A_465, %mul3A_467 : vector<16xi32>
      %mul3A_469 = arith.constant 16 : i32
      %mul3A_470 = arith.muli %scan3A_459, %mul3A_469 : i32
      %add3A_471 = vector.broadcast %mul3A_470 : i32 to vector<16xi32>
      %add3A_472 = arith.addi %add3A_471, %iota3A : vector<16xi32>
      %mul3A_473 = arith.constant 993 : i32
      %mul3A_474 = vector.broadcast %mul3A_473 : i32 to vector<16xi32>
      %mul3A_475 = arith.muli %add3A_472, %mul3A_474 : vector<16xi32>
      %shift_right_arithmetic3A_476 = arith.constant 15 : i32
      %shift_right_arithmetic3A_477 = vector.broadcast %shift_right_arithmetic3A_476 : i32 to vector<16xi32>
      %shift_right_arithmetic3A_478 = arith.shrsi %mul3A_475, %shift_right_arithmetic3A_477 : vector<16xi32>
      %mul3A_479 = arith.constant 128 : i32
      %mul3A_480 = vector.broadcast %mul3A_479 : i32 to vector<16xi32>
      %mul3A_481 = arith.muli %shift_right_arithmetic3A_478, %mul3A_480 : vector<16xi32>
      %mul3A_482 = arith.constant 3 : i32
      %mul3A_483 = vector.broadcast %mul3A_482 : i32 to vector<16xi32>
      %mul3A_484 = arith.muli %add3A_472, %mul3A_483 : vector<16xi32>
      %add3A_485 = arith.addi %mul3A_481, %mul3A_484 : vector<16xi32>
      %mul3A_486 = arith.constant 99 : i32
      %mul3A_487 = vector.broadcast %mul3A_486 : i32 to vector<16xi32>
      %mul3A_488 = arith.muli %shift_right_arithmetic3A_478, %mul3A_487 : vector<16xi32>
      %sub3A_489 = arith.subi %add3A_485, %mul3A_488 : vector<16xi32>
      %add3A_490 = arith.constant 0 : i32
      %add3A_491 = vector.broadcast %add3A_490 : i32 to vector<16xi32>
      %add3A_492 = arith.addi %mul3A_468, %add3A_491 : vector<16xi32>
      %gather3A_493 = tpu.vector_load_idx %arg4[%add3A_492] : memref<40000xi32, #tpu.memory_space<vmem>>[vector<16xi32>], vector<16xi32>,
      %add3A_494 = arith.constant 0 : i32
      %add3A_495 = vector.broadcast %add3A_494 : i32 to vector<16xi32>
      %add3A_496 = arith.addi %sub3A_489, %add3A_495 : vector<16xi32>
      tpu.vector_store_idx %arg7[%add3A_496], %gather3A_493 : memref<4096xi32, #tpu.memory_space<vmem>>[vector<16xi32>], vector<16xi32>,
      %add3A_497 = arith.constant 1 : i32
      %add3A_498 = vector.broadcast %add3A_497 : i32 to vector<16xi32>
      %add3A_499 = arith.addi %mul3A_468, %add3A_498 : vector<16xi32>
      %gather3A_500 = tpu.vector_load_idx %arg4[%add3A_499] : memref<40000xi32, #tpu.memory_space<vmem>>[vector<16xi32>], vector<16xi32>,
      %add3A_501 = arith.constant 1 : i32
      %add3A_502 = vector.broadcast %add3A_501 : i32 to vector<16xi32>
      %add3A_503 = arith.addi %sub3A_489, %add3A_502 : vector<16xi32>
      tpu.vector_store_idx %arg7[%add3A_503], %gather3A_500 : memref<4096xi32, #tpu.memory_space<vmem>>[vector<16xi32>], vector<16xi32>,
      %add3A_504 = arith.constant 2 : i32
      %add3A_505 = vector.broadcast %add3A_504 : i32 to vector<16xi32>
      %add3A_506 = arith.addi %mul3A_468, %add3A_505 : vector<16xi32>
      %gather3A_507 = tpu.vector_load_idx %arg4[%add3A_506] : memref<40000xi32, #tpu.memory_space<vmem>>[vector<16xi32>], vector<16xi32>,
      %add3A_508 = arith.constant 2 : i32
      %add3A_509 = vector.broadcast %add3A_508 : i32 to vector<16xi32>
      %add3A_510 = arith.addi %sub3A_489, %add3A_509 : vector<16xi32>
      tpu.vector_store_idx %arg7[%add3A_510], %gather3A_507 : memref<4096xi32, #tpu.memory_space<vmem>>[vector<16xi32>], vector<16xi32>,
      %scan3A_511 = arith.constant 0 : i32
      scf.yield %scan3A_511 : i32
    }
    %scan3A_77 = arith.constant 66 : i32
    %mul3A_78 = arith.constant 320 : i32
    %mul3A_79 = arith.muli %add3A, %mul3A_78 : i32
    %add3A_80 = arith.constant 96 : i32
    %add3A_81 = arith.addi %mul3A_79, %add3A_80 : i32
    %mul3A_82 = arith.constant 128 : i32
    %mul3A_83 = arith.muli %add3A_81, %mul3A_82 : i32
    %dma_start3A_84 = tpu.memref_slice %arg3[%mul3A_83] : memref<1310720xi32, #tpu.memory_space<hbm>> -> memref<4096xi32, #tpu.memory_space<hbm>>
    %dma_start3A_85 = tpu.memref_slice %arg3[%mul3A_83] : memref<1310720xi32, #tpu.memory_space<hbm>> -> memref<4096xi32, #tpu.memory_space<hbm>>
    tpu.enqueue_dma source(%arg7 : memref<4096xi32, #tpu.memory_space<vmem>>) target(%dma_start3A_85 : memref<4096xi32, #tpu.memory_space<hbm>>) target_semaphore(%arg9 : memref<!tpu.dma_semaphore, #tpu.memory_space<semaphore_mem>>)
    %dma_wait3A_86 = tpu.memref_slice %arg3[%mul3A_66] : memref<1310720xi32, #tpu.memory_space<hbm>> -> memref<4096xi32, #tpu.memory_space<hbm>>
    %dma_wait3A_87 = tpu.memref_slice %arg3[%mul3A_66] : memref<1310720xi32, #tpu.memory_space<hbm>> -> memref<4096xi32, #tpu.memory_space<hbm>>
    tpu.wait_dma2 semaphore(%arg9 : memref<!tpu.dma_semaphore, #tpu.memory_space<semaphore_mem>>) src(%arg6 : memref<4096xi32, #tpu.memory_space<vmem>>) dst(%dma_wait3A_87 : memref<4096xi32, #tpu.memory_space<hbm>>)
    %scan3A_88 = arith.constant 0 : i32
    %scan3A_89 = arith.constant 0 : i32
    %scan3A_90 = arith.constant 66 : i32
    %scan3A_91 = arith.addi %scan3A_89, %scan3A_90 : i32
    %scan3A_92 = arith.constant 6 : i32
    %scan3A_93 = scf.for %scan3A_192 = %scan3A_89 to %scan3A_91 step %scan3A_92 iter_args(%scan3A_193 = %scan3A_88) -> (i32)  : i32 {
      %mul3A_194 = arith.constant 16 : i32
      %mul3A_195 = arith.muli %scan3A_192, %mul3A_194 : i32
      %add3A_196 = arith.constant 4224 : i32
      %add3A_197 = arith.addi %add3A_196, %mul3A_195 : i32
      %get3A = arith.index_cast %add3A_197 : i32 to index
      %get3A_198 = tpu.vector_load %arg5[%get3A] {strides = array<i32>} : memref<10560xi32, #tpu.memory_space<vmem>>, vector<16xi32>,
      %mul3A_199 = arith.constant 4 : i32
      %mul3A_200 = vector.broadcast %mul3A_199 : i32 to vector<16xi32>
      %mul3A_201 = arith.muli %get3A_198, %mul3A_200 : vector<16xi32>
      %mul3A_202 = arith.constant 16 : i32
      %mul3A_203 = arith.muli %scan3A_192, %mul3A_202 : i32
      %add3A_204 = vector.broadcast %mul3A_203 : i32 to vector<16xi32>
      %add3A_205 = arith.addi %add3A_204, %iota3A : vector<16xi32>
      %mul3A_206 = arith.constant 993 : i32
      %mul3A_207 = vector.broadcast %mul3A_206 : i32 to vector<16xi32>
      %mul3A_208 = arith.muli %add3A_205, %mul3A_207 : vector<16xi32>
      %shift_right_arithmetic3A = arith.constant 15 : i32
      %shift_right_arithmetic3A_209 = vector.broadcast %shift_right_arithmetic3A : i32 to vector<16xi32>
      %shift_right_arithmetic3A_210 = arith.shrsi %mul3A_208, %shift_right_arithmetic3A_209 : vector<16xi32>
      %mul3A_211 = arith.constant 128 : i32
      %mul3A_212 = vector.broadcast %mul3A_211 : i32 to vector<16xi32>
      %mul3A_213 = arith.muli %shift_right_arithmetic3A_210, %mul3A_212 : vector<16xi32>
      %mul3A_214 = arith.constant 3 : i32
      %mul3A_215 = vector.broadcast %mul3A_214 : i32 to vector<16xi32>
      %mul3A_216 = arith.muli %add3A_205, %mul3A_215 : vector<16xi32>
      %add3A_217 = arith.addi %mul3A_213, %mul3A_216 : vector<16xi32>
      %mul3A_218 = arith.constant 99 : i32
      %mul3A_219 = vector.broadcast %mul3A_218 : i32 to vector<16xi32>
      %mul3A_220 = arith.muli %shift_right_arithmetic3A_210, %mul3A_219 : vector<16xi32>
      %sub3A = arith.subi %add3A_217, %mul3A_220 : vector<16xi32>
      %add3A_221 = arith.constant 0 : i32
      %add3A_222 = vector.broadcast %add3A_221 : i32 to vector<16xi32>
      %add3A_223 = arith.addi %mul3A_201, %add3A_222 : vector<16xi32>
      %gather3A = tpu.vector_load_idx %arg4[%add3A_223] : memref<40000xi32, #tpu.memory_space<vmem>>[vector<16xi32>], vector<16xi32>,
      %add3A_224 = arith.constant 0 : i32
      %add3A_225 = vector.broadcast %add3A_224 : i32 to vector<16xi32>
      %add3A_226 = arith.addi %sub3A, %add3A_225 : vector<16xi32>
      tpu.vector_store_idx %arg6[%add3A_226], %gather3A : memref<4096xi32, #tpu.memory_space<vmem>>[vector<16xi32>], vector<16xi32>,
      %add3A_227 = arith.constant 1 : i32
      %add3A_228 = vector.broadcast %add3A_227 : i32 to vector<16xi32>
      %add3A_229 = arith.addi %mul3A_201, %add3A_228 : vector<16xi32>
      %gather3A_230 = tpu.vector_load_idx %arg4[%add3A_229] : memref<40000xi32, #tpu.memory_space<vmem>>[vector<16xi32>], vector<16xi32>,
      %add3A_231 = arith.constant 1 : i32
      %add3A_232 = vector.broadcast %add3A_231 : i32 to vector<16xi32>
      %add3A_233 = arith.addi %sub3A, %add3A_232 : vector<16xi32>
      tpu.vector_store_idx %arg6[%add3A_233], %gather3A_230 : memref<4096xi32, #tpu.memory_space<vmem>>[vector<16xi32>], vector<16xi32>,
      %add3A_234 = arith.constant 2 : i32
      %add3A_235 = vector.broadcast %add3A_234 : i32 to vector<16xi32>
      %add3A_236 = arith.addi %mul3A_201, %add3A_235 : vector<16xi32>
      %gather3A_237 = tpu.vector_load_idx %arg4[%add3A_236] : memref<40000xi32, #tpu.memory_space<vmem>>[vector<16xi32>], vector<16xi32>,
      %add3A_238 = arith.constant 2 : i32
      %add3A_239 = vector.broadcast %add3A_238 : i32 to vector<16xi32>
      %add3A_240 = arith.addi %sub3A, %add3A_239 : vector<16xi32>
      tpu.vector_store_idx %arg6[%add3A_240], %gather3A_237 : memref<4096xi32, #tpu.memory_space<vmem>>[vector<16xi32>], vector<16xi32>,
      %scan3A_241 = arith.constant 0 : i32
      %scan3A_242 = arith.constant 1 : i32
      %scan3A_243 = arith.addi %scan3A_192, %scan3A_242 : i32
      %mul3A_244 = arith.constant 16 : i32
      %mul3A_245 = arith.muli %scan3A_243, %mul3A_244 : i32
      %add3A_246 = arith.constant 4224 : i32
      %add3A_247 = arith.addi %add3A_246, %mul3A_245 : i32
      %get3A_248 = arith.index_cast %add3A_247 : i32 to index
      %get3A_249 = tpu.vector_load %arg5[%get3A_248] {strides = array<i32>} : memref<10560xi32, #tpu.memory_space<vmem>>, vector<16xi32>,
      %mul3A_250 = arith.constant 4 : i32
      %mul3A_251 = vector.broadcast %mul3A_250 : i32 to vector<16xi32>
      %mul3A_252 = arith.muli %get3A_249, %mul3A_251 : vector<16xi32>
      %mul3A_253 = arith.constant 16 : i32
      %mul3A_254 = arith.muli %scan3A_243, %mul3A_253 : i32
      %add3A_255 = vector.broadcast %mul3A_254 : i32 to vector<16xi32>
      %add3A_256 = arith.addi %add3A_255, %iota3A : vector<16xi32>
      %mul3A_257 = arith.constant 993 : i32
      %mul3A_258 = vector.broadcast %mul3A_257 : i32 to vector<16xi32>
      %mul3A_259 = arith.muli %add3A_256, %mul3A_258 : vector<16xi32>
      %shift_right_arithmetic3A_260 = arith.constant 15 : i32
      %shift_right_arithmetic3A_261 = vector.broadcast %shift_right_arithmetic3A_260 : i32 to vector<16xi32>
      %shift_right_arithmetic3A_262 = arith.shrsi %mul3A_259, %shift_right_arithmetic3A_261 : vector<16xi32>
      %mul3A_263 = arith.constant 128 : i32
      %mul3A_264 = vector.broadcast %mul3A_263 : i32 to vector<16xi32>
      %mul3A_265 = arith.muli %shift_right_arithmetic3A_262, %mul3A_264 : vector<16xi32>
      %mul3A_266 = arith.constant 3 : i32
      %mul3A_267 = vector.broadcast %mul3A_266 : i32 to vector<16xi32>
      %mul3A_268 = arith.muli %add3A_256, %mul3A_267 : vector<16xi32>
      %add3A_269 = arith.addi %mul3A_265, %mul3A_268 : vector<16xi32>
      %mul3A_270 = arith.constant 99 : i32
      %mul3A_271 = vector.broadcast %mul3A_270 : i32 to vector<16xi32>
      %mul3A_272 = arith.muli %shift_right_arithmetic3A_262, %mul3A_271 : vector<16xi32>
      %sub3A_273 = arith.subi %add3A_269, %mul3A_272 : vector<16xi32>
      %add3A_274 = arith.constant 0 : i32
      %add3A_275 = vector.broadcast %add3A_274 : i32 to vector<16xi32>
      %add3A_276 = arith.addi %mul3A_252, %add3A_275 : vector<16xi32>
      %gather3A_277 = tpu.vector_load_idx %arg4[%add3A_276] : memref<40000xi32, #tpu.memory_space<vmem>>[vector<16xi32>], vector<16xi32>,
      %add3A_278 = arith.constant 0 : i32
      %add3A_279 = vector.broadcast %add3A_278 : i32 to vector<16xi32>
      %add3A_280 = arith.addi %sub3A_273, %add3A_279 : vector<16xi32>
      tpu.vector_store_idx %arg6[%add3A_280], %gather3A_277 : memref<4096xi32, #tpu.memory_space<vmem>>[vector<16xi32>], vector<16xi32>,
      %add3A_281 = arith.constant 1 : i32
      %add3A_282 = vector.broadcast %add3A_281 : i32 to vector<16xi32>
      %add3A_283 = arith.addi %mul3A_252, %add3A_282 : vector<16xi32>
      %gather3A_284 = tpu.vector_load_idx %arg4[%add3A_283] : memref<40000xi32, #tpu.memory_space<vmem>>[vector<16xi32>], vector<16xi32>,
      %add3A_285 = arith.constant 1 : i32
      %add3A_286 = vector.broadcast %add3A_285 : i32 to vector<16xi32>
      %add3A_287 = arith.addi %sub3A_273, %add3A_286 : vector<16xi32>
      tpu.vector_store_idx %arg6[%add3A_287], %gather3A_284 : memref<4096xi32, #tpu.memory_space<vmem>>[vector<16xi32>], vector<16xi32>,
      %add3A_288 = arith.constant 2 : i32
      %add3A_289 = vector.broadcast %add3A_288 : i32 to vector<16xi32>
      %add3A_290 = arith.addi %mul3A_252, %add3A_289 : vector<16xi32>
      %gather3A_291 = tpu.vector_load_idx %arg4[%add3A_290] : memref<40000xi32, #tpu.memory_space<vmem>>[vector<16xi32>], vector<16xi32>,
      %add3A_292 = arith.constant 2 : i32
      %add3A_293 = vector.broadcast %add3A_292 : i32 to vector<16xi32>
      %add3A_294 = arith.addi %sub3A_273, %add3A_293 : vector<16xi32>
      tpu.vector_store_idx %arg6[%add3A_294], %gather3A_291 : memref<4096xi32, #tpu.memory_space<vmem>>[vector<16xi32>], vector<16xi32>,
      %scan3A_295 = arith.constant 0 : i32
      %scan3A_296 = arith.constant 2 : i32
      %scan3A_297 = arith.addi %scan3A_192, %scan3A_296 : i32
      %mul3A_298 = arith.constant 16 : i32
      %mul3A_299 = arith.muli %scan3A_297, %mul3A_298 : i32
      %add3A_300 = arith.constant 4224 : i32
      %add3A_301 = arith.addi %add3A_300, %mul3A_299 : i32
      %get3A_302 = arith.index_cast %add3A_301 : i32 to index
      %get3A_303 = tpu.vector_load %arg5[%get3A_302] {strides = array<i32>} : memref<10560xi32, #tpu.memory_space<vmem>>, vector<16xi32>,
      %mul3A_304 = arith.constant 4 : i32
      %mul3A_305 = vector.broadcast %mul3A_304 : i32 to vector<16xi32>
      %mul3A_306 = arith.muli %get3A_303, %mul3A_305 : vector<16xi32>
      %mul3A_307 = arith.constant 16 : i32
      %mul3A_308 = arith.muli %scan3A_297, %mul3A_307 : i32
      %add3A_309 = vector.broadcast %mul3A_308 : i32 to vector<16xi32>
      %add3A_310 = arith.addi %add3A_309, %iota3A : vector<16xi32>
      %mul3A_311 = arith.constant 993 : i32
      %mul3A_312 = vector.broadcast %mul3A_311 : i32 to vector<16xi32>
      %mul3A_313 = arith.muli %add3A_310, %mul3A_312 : vector<16xi32>
      %shift_right_arithmetic3A_314 = arith.constant 15 : i32
      %shift_right_arithmetic3A_315 = vector.broadcast %shift_right_arithmetic3A_314 : i32 to vector<16xi32>
      %shift_right_arithmetic3A_316 = arith.shrsi %mul3A_313, %shift_right_arithmetic3A_315 : vector<16xi32>
      %mul3A_317 = arith.constant 128 : i32
      %mul3A_318 = vector.broadcast %mul3A_317 : i32 to vector<16xi32>
      %mul3A_319 = arith.muli %shift_right_arithmetic3A_316, %mul3A_318 : vector<16xi32>
      %mul3A_320 = arith.constant 3 : i32
      %mul3A_321 = vector.broadcast %mul3A_320 : i32 to vector<16xi32>
      %mul3A_322 = arith.muli %add3A_310, %mul3A_321 : vector<16xi32>
      %add3A_323 = arith.addi %mul3A_319, %mul3A_322 : vector<16xi32>
      %mul3A_324 = arith.constant 99 : i32
      %mul3A_325 = vector.broadcast %mul3A_324 : i32 to vector<16xi32>
      %mul3A_326 = arith.muli %shift_right_arithmetic3A_316, %mul3A_325 : vector<16xi32>
      %sub3A_327 = arith.subi %add3A_323, %mul3A_326 : vector<16xi32>
      %add3A_328 = arith.constant 0 : i32
      %add3A_329 = vector.broadcast %add3A_328 : i32 to vector<16xi32>
      %add3A_330 = arith.addi %mul3A_306, %add3A_329 : vector<16xi32>
      %gather3A_331 = tpu.vector_load_idx %arg4[%add3A_330] : memref<40000xi32, #tpu.memory_space<vmem>>[vector<16xi32>], vector<16xi32>,
      %add3A_332 = arith.constant 0 : i32
      %add3A_333 = vector.broadcast %add3A_332 : i32 to vector<16xi32>
      %add3A_334 = arith.addi %sub3A_327, %add3A_333 : vector<16xi32>
      tpu.vector_store_idx %arg6[%add3A_334], %gather3A_331 : memref<4096xi32, #tpu.memory_space<vmem>>[vector<16xi32>], vector<16xi32>,
      %add3A_335 = arith.constant 1 : i32
      %add3A_336 = vector.broadcast %add3A_335 : i32 to vector<16xi32>
      %add3A_337 = arith.addi %mul3A_306, %add3A_336 : vector<16xi32>
      %gather3A_338 = tpu.vector_load_idx %arg4[%add3A_337] : memref<40000xi32, #tpu.memory_space<vmem>>[vector<16xi32>], vector<16xi32>,
      %add3A_339 = arith.constant 1 : i32
      %add3A_340 = vector.broadcast %add3A_339 : i32 to vector<16xi32>
      %add3A_341 = arith.addi %sub3A_327, %add3A_340 : vector<16xi32>
      tpu.vector_store_idx %arg6[%add3A_341], %gather3A_338 : memref<4096xi32, #tpu.memory_space<vmem>>[vector<16xi32>], vector<16xi32>,
      %add3A_342 = arith.constant 2 : i32
      %add3A_343 = vector.broadcast %add3A_342 : i32 to vector<16xi32>
      %add3A_344 = arith.addi %mul3A_306, %add3A_343 : vector<16xi32>
      %gather3A_345 = tpu.vector_load_idx %arg4[%add3A_344] : memref<40000xi32, #tpu.memory_space<vmem>>[vector<16xi32>], vector<16xi32>,
      %add3A_346 = arith.constant 2 : i32
      %add3A_347 = vector.broadcast %add3A_346 : i32 to vector<16xi32>
      %add3A_348 = arith.addi %sub3A_327, %add3A_347 : vector<16xi32>
      tpu.vector_store_idx %arg6[%add3A_348], %gather3A_345 : memref<4096xi32, #tpu.memory_space<vmem>>[vector<16xi32>], vector<16xi32>,
      %scan3A_349 = arith.constant 0 : i32
      %scan3A_350 = arith.constant 3 : i32
      %scan3A_351 = arith.addi %scan3A_192, %scan3A_350 : i32
      %mul3A_352 = arith.constant 16 : i32
      %mul3A_353 = arith.muli %scan3A_351, %mul3A_352 : i32
      %add3A_354 = arith.constant 4224 : i32
      %add3A_355 = arith.addi %add3A_354, %mul3A_353 : i32
      %get3A_356 = arith.index_cast %add3A_355 : i32 to index
      %get3A_357 = tpu.vector_load %arg5[%get3A_356] {strides = array<i32>} : memref<10560xi32, #tpu.memory_space<vmem>>, vector<16xi32>,
      %mul3A_358 = arith.constant 4 : i32
      %mul3A_359 = vector.broadcast %mul3A_358 : i32 to vector<16xi32>
      %mul3A_360 = arith.muli %get3A_357, %mul3A_359 : vector<16xi32>
      %mul3A_361 = arith.constant 16 : i32
      %mul3A_362 = arith.muli %scan3A_351, %mul3A_361 : i32
      %add3A_363 = vector.broadcast %mul3A_362 : i32 to vector<16xi32>
      %add3A_364 = arith.addi %add3A_363, %iota3A : vector<16xi32>
      %mul3A_365 = arith.constant 993 : i32
      %mul3A_366 = vector.broadcast %mul3A_365 : i32 to vector<16xi32>
      %mul3A_367 = arith.muli %add3A_364, %mul3A_366 : vector<16xi32>
      %shift_right_arithmetic3A_368 = arith.constant 15 : i32
      %shift_right_arithmetic3A_369 = vector.broadcast %shift_right_arithmetic3A_368 : i32 to vector<16xi32>
      %shift_right_arithmetic3A_370 = arith.shrsi %mul3A_367, %shift_right_arithmetic3A_369 : vector<16xi32>
      %mul3A_371 = arith.constant 128 : i32
      %mul3A_372 = vector.broadcast %mul3A_371 : i32 to vector<16xi32>
      %mul3A_373 = arith.muli %shift_right_arithmetic3A_370, %mul3A_372 : vector<16xi32>
      %mul3A_374 = arith.constant 3 : i32
      %mul3A_375 = vector.broadcast %mul3A_374 : i32 to vector<16xi32>
      %mul3A_376 = arith.muli %add3A_364, %mul3A_375 : vector<16xi32>
      %add3A_377 = arith.addi %mul3A_373, %mul3A_376 : vector<16xi32>
      %mul3A_378 = arith.constant 99 : i32
      %mul3A_379 = vector.broadcast %mul3A_378 : i32 to vector<16xi32>
      %mul3A_380 = arith.muli %shift_right_arithmetic3A_370, %mul3A_379 : vector<16xi32>
      %sub3A_381 = arith.subi %add3A_377, %mul3A_380 : vector<16xi32>
      %add3A_382 = arith.constant 0 : i32
      %add3A_383 = vector.broadcast %add3A_382 : i32 to vector<16xi32>
      %add3A_384 = arith.addi %mul3A_360, %add3A_383 : vector<16xi32>
      %gather3A_385 = tpu.vector_load_idx %arg4[%add3A_384] : memref<40000xi32, #tpu.memory_space<vmem>>[vector<16xi32>], vector<16xi32>,
      %add3A_386 = arith.constant 0 : i32
      %add3A_387 = vector.broadcast %add3A_386 : i32 to vector<16xi32>
      %add3A_388 = arith.addi %sub3A_381, %add3A_387 : vector<16xi32>
      tpu.vector_store_idx %arg6[%add3A_388], %gather3A_385 : memref<4096xi32, #tpu.memory_space<vmem>>[vector<16xi32>], vector<16xi32>,
      %add3A_389 = arith.constant 1 : i32
      %add3A_390 = vector.broadcast %add3A_389 : i32 to vector<16xi32>
      %add3A_391 = arith.addi %mul3A_360, %add3A_390 : vector<16xi32>
      %gather3A_392 = tpu.vector_load_idx %arg4[%add3A_391] : memref<40000xi32, #tpu.memory_space<vmem>>[vector<16xi32>], vector<16xi32>,
      %add3A_393 = arith.constant 1 : i32
      %add3A_394 = vector.broadcast %add3A_393 : i32 to vector<16xi32>
      %add3A_395 = arith.addi %sub3A_381, %add3A_394 : vector<16xi32>
      tpu.vector_store_idx %arg6[%add3A_395], %gather3A_392 : memref<4096xi32, #tpu.memory_space<vmem>>[vector<16xi32>], vector<16xi32>,
      %add3A_396 = arith.constant 2 : i32
      %add3A_397 = vector.broadcast %add3A_396 : i32 to vector<16xi32>
      %add3A_398 = arith.addi %mul3A_360, %add3A_397 : vector<16xi32>
      %gather3A_399 = tpu.vector_load_idx %arg4[%add3A_398] : memref<40000xi32, #tpu.memory_space<vmem>>[vector<16xi32>], vector<16xi32>,
      %add3A_400 = arith.constant 2 : i32
      %add3A_401 = vector.broadcast %add3A_400 : i32 to vector<16xi32>
      %add3A_402 = arith.addi %sub3A_381, %add3A_401 : vector<16xi32>
      tpu.vector_store_idx %arg6[%add3A_402], %gather3A_399 : memref<4096xi32, #tpu.memory_space<vmem>>[vector<16xi32>], vector<16xi32>,
      %scan3A_403 = arith.constant 0 : i32
      %scan3A_404 = arith.constant 4 : i32
      %scan3A_405 = arith.addi %scan3A_192, %scan3A_404 : i32
      %mul3A_406 = arith.constant 16 : i32
      %mul3A_407 = arith.muli %scan3A_405, %mul3A_406 : i32
      %add3A_408 = arith.constant 4224 : i32
      %add3A_409 = arith.addi %add3A_408, %mul3A_407 : i32
      %get3A_410 = arith.index_cast %add3A_409 : i32 to index
      %get3A_411 = tpu.vector_load %arg5[%get3A_410] {strides = array<i32>} : memref<10560xi32, #tpu.memory_space<vmem>>, vector<16xi32>,
      %mul3A_412 = arith.constant 4 : i32
      %mul3A_413 = vector.broadcast %mul3A_412 : i32 to vector<16xi32>
      %mul3A_414 = arith.muli %get3A_411, %mul3A_413 : vector<16xi32>
      %mul3A_415 = arith.constant 16 : i32
      %mul3A_416 = arith.muli %scan3A_405, %mul3A_415 : i32
      %add3A_417 = vector.broadcast %mul3A_416 : i32 to vector<16xi32>
      %add3A_418 = arith.addi %add3A_417, %iota3A : vector<16xi32>
      %mul3A_419 = arith.constant 993 : i32
      %mul3A_420 = vector.broadcast %mul3A_419 : i32 to vector<16xi32>
      %mul3A_421 = arith.muli %add3A_418, %mul3A_420 : vector<16xi32>
      %shift_right_arithmetic3A_422 = arith.constant 15 : i32
      %shift_right_arithmetic3A_423 = vector.broadcast %shift_right_arithmetic3A_422 : i32 to vector<16xi32>
      %shift_right_arithmetic3A_424 = arith.shrsi %mul3A_421, %shift_right_arithmetic3A_423 : vector<16xi32>
      %mul3A_425 = arith.constant 128 : i32
      %mul3A_426 = vector.broadcast %mul3A_425 : i32 to vector<16xi32>
      %mul3A_427 = arith.muli %shift_right_arithmetic3A_424, %mul3A_426 : vector<16xi32>
      %mul3A_428 = arith.constant 3 : i32
      %mul3A_429 = vector.broadcast %mul3A_428 : i32 to vector<16xi32>
      %mul3A_430 = arith.muli %add3A_418, %mul3A_429 : vector<16xi32>
      %add3A_431 = arith.addi %mul3A_427, %mul3A_430 : vector<16xi32>
      %mul3A_432 = arith.constant 99 : i32
      %mul3A_433 = vector.broadcast %mul3A_432 : i32 to vector<16xi32>
      %mul3A_434 = arith.muli %shift_right_arithmetic3A_424, %mul3A_433 : vector<16xi32>
      %sub3A_435 = arith.subi %add3A_431, %mul3A_434 : vector<16xi32>
      %add3A_436 = arith.constant 0 : i32
      %add3A_437 = vector.broadcast %add3A_436 : i32 to vector<16xi32>
      %add3A_438 = arith.addi %mul3A_414, %add3A_437 : vector<16xi32>
      %gather3A_439 = tpu.vector_load_idx %arg4[%add3A_438] : memref<40000xi32, #tpu.memory_space<vmem>>[vector<16xi32>], vector<16xi32>,
      %add3A_440 = arith.constant 0 : i32
      %add3A_441 = vector.broadcast %add3A_440 : i32 to vector<16xi32>
      %add3A_442 = arith.addi %sub3A_435, %add3A_441 : vector<16xi32>
      tpu.vector_store_idx %arg6[%add3A_442], %gather3A_439 : memref<4096xi32, #tpu.memory_space<vmem>>[vector<16xi32>], vector<16xi32>,
      %add3A_443 = arith.constant 1 : i32
      %add3A_444 = vector.broadcast %add3A_443 : i32 to vector<16xi32>
      %add3A_445 = arith.addi %mul3A_414, %add3A_444 : vector<16xi32>
      %gather3A_446 = tpu.vector_load_idx %arg4[%add3A_445] : memref<40000xi32, #tpu.memory_space<vmem>>[vector<16xi32>], vector<16xi32>,
      %add3A_447 = arith.constant 1 : i32
      %add3A_448 = vector.broadcast %add3A_447 : i32 to vector<16xi32>
      %add3A_449 = arith.addi %sub3A_435, %add3A_448 : vector<16xi32>
      tpu.vector_store_idx %arg6[%add3A_449], %gather3A_446 : memref<4096xi32, #tpu.memory_space<vmem>>[vector<16xi32>], vector<16xi32>,
      %add3A_450 = arith.constant 2 : i32
      %add3A_451 = vector.broadcast %add3A_450 : i32 to vector<16xi32>
      %add3A_452 = arith.addi %mul3A_414, %add3A_451 : vector<16xi32>
      %gather3A_453 = tpu.vector_load_idx %arg4[%add3A_452] : memref<40000xi32, #tpu.memory_space<vmem>>[vector<16xi32>], vector<16xi32>,
      %add3A_454 = arith.constant 2 : i32
      %add3A_455 = vector.broadcast %add3A_454 : i32 to vector<16xi32>
      %add3A_456 = arith.addi %sub3A_435, %add3A_455 : vector<16xi32>
      tpu.vector_store_idx %arg6[%add3A_456], %gather3A_453 : memref<4096xi32, #tpu.memory_space<vmem>>[vector<16xi32>], vector<16xi32>,
      %scan3A_457 = arith.constant 0 : i32
      %scan3A_458 = arith.constant 5 : i32
      %scan3A_459 = arith.addi %scan3A_192, %scan3A_458 : i32
      %mul3A_460 = arith.constant 16 : i32
      %mul3A_461 = arith.muli %scan3A_459, %mul3A_460 : i32
      %add3A_462 = arith.constant 4224 : i32
      %add3A_463 = arith.addi %add3A_462, %mul3A_461 : i32
      %get3A_464 = arith.index_cast %add3A_463 : i32 to index
      %get3A_465 = tpu.vector_load %arg5[%get3A_464] {strides = array<i32>} : memref<10560xi32, #tpu.memory_space<vmem>>, vector<16xi32>,
      %mul3A_466 = arith.constant 4 : i32
      %mul3A_467 = vector.broadcast %mul3A_466 : i32 to vector<16xi32>
      %mul3A_468 = arith.muli %get3A_465, %mul3A_467 : vector<16xi32>
      %mul3A_469 = arith.constant 16 : i32
      %mul3A_470 = arith.muli %scan3A_459, %mul3A_469 : i32
      %add3A_471 = vector.broadcast %mul3A_470 : i32 to vector<16xi32>
      %add3A_472 = arith.addi %add3A_471, %iota3A : vector<16xi32>
      %mul3A_473 = arith.constant 993 : i32
      %mul3A_474 = vector.broadcast %mul3A_473 : i32 to vector<16xi32>
      %mul3A_475 = arith.muli %add3A_472, %mul3A_474 : vector<16xi32>
      %shift_right_arithmetic3A_476 = arith.constant 15 : i32
      %shift_right_arithmetic3A_477 = vector.broadcast %shift_right_arithmetic3A_476 : i32 to vector<16xi32>
      %shift_right_arithmetic3A_478 = arith.shrsi %mul3A_475, %shift_right_arithmetic3A_477 : vector<16xi32>
      %mul3A_479 = arith.constant 128 : i32
      %mul3A_480 = vector.broadcast %mul3A_479 : i32 to vector<16xi32>
      %mul3A_481 = arith.muli %shift_right_arithmetic3A_478, %mul3A_480 : vector<16xi32>
      %mul3A_482 = arith.constant 3 : i32
      %mul3A_483 = vector.broadcast %mul3A_482 : i32 to vector<16xi32>
      %mul3A_484 = arith.muli %add3A_472, %mul3A_483 : vector<16xi32>
      %add3A_485 = arith.addi %mul3A_481, %mul3A_484 : vector<16xi32>
      %mul3A_486 = arith.constant 99 : i32
      %mul3A_487 = vector.broadcast %mul3A_486 : i32 to vector<16xi32>
      %mul3A_488 = arith.muli %shift_right_arithmetic3A_478, %mul3A_487 : vector<16xi32>
      %sub3A_489 = arith.subi %add3A_485, %mul3A_488 : vector<16xi32>
      %add3A_490 = arith.constant 0 : i32
      %add3A_491 = vector.broadcast %add3A_490 : i32 to vector<16xi32>
      %add3A_492 = arith.addi %mul3A_468, %add3A_491 : vector<16xi32>
      %gather3A_493 = tpu.vector_load_idx %arg4[%add3A_492] : memref<40000xi32, #tpu.memory_space<vmem>>[vector<16xi32>], vector<16xi32>,
      %add3A_494 = arith.constant 0 : i32
      %add3A_495 = vector.broadcast %add3A_494 : i32 to vector<16xi32>
      %add3A_496 = arith.addi %sub3A_489, %add3A_495 : vector<16xi32>
      tpu.vector_store_idx %arg6[%add3A_496], %gather3A_493 : memref<4096xi32, #tpu.memory_space<vmem>>[vector<16xi32>], vector<16xi32>,
      %add3A_497 = arith.constant 1 : i32
      %add3A_498 = vector.broadcast %add3A_497 : i32 to vector<16xi32>
      %add3A_499 = arith.addi %mul3A_468, %add3A_498 : vector<16xi32>
      %gather3A_500 = tpu.vector_load_idx %arg4[%add3A_499] : memref<40000xi32, #tpu.memory_space<vmem>>[vector<16xi32>], vector<16xi32>,
      %add3A_501 = arith.constant 1 : i32
      %add3A_502 = vector.broadcast %add3A_501 : i32 to vector<16xi32>
      %add3A_503 = arith.addi %sub3A_489, %add3A_502 : vector<16xi32>
      tpu.vector_store_idx %arg6[%add3A_503], %gather3A_500 : memref<4096xi32, #tpu.memory_space<vmem>>[vector<16xi32>], vector<16xi32>,
      %add3A_504 = arith.constant 2 : i32
      %add3A_505 = vector.broadcast %add3A_504 : i32 to vector<16xi32>
      %add3A_506 = arith.addi %mul3A_468, %add3A_505 : vector<16xi32>
      %gather3A_507 = tpu.vector_load_idx %arg4[%add3A_506] : memref<40000xi32, #tpu.memory_space<vmem>>[vector<16xi32>], vector<16xi32>,
      %add3A_508 = arith.constant 2 : i32
      %add3A_509 = vector.broadcast %add3A_508 : i32 to vector<16xi32>
      %add3A_510 = arith.addi %sub3A_489, %add3A_509 : vector<16xi32>
      tpu.vector_store_idx %arg6[%add3A_510], %gather3A_507 : memref<4096xi32, #tpu.memory_space<vmem>>[vector<16xi32>], vector<16xi32>,
      %scan3A_511 = arith.constant 0 : i32
      scf.yield %scan3A_511 : i32
    }
    %scan3A_94 = arith.constant 66 : i32
    %mul3A_95 = arith.constant 320 : i32
    %mul3A_96 = arith.muli %add3A, %mul3A_95 : i32
    %add3A_97 = arith.constant 128 : i32
    %add3A_98 = arith.addi %mul3A_96, %add3A_97 : i32
    %mul3A_99 = arith.constant 128 : i32
    %mul3A_100 = arith.muli %add3A_98, %mul3A_99 : i32
    %dma_start3A_101 = tpu.memref_slice %arg3[%mul3A_100] : memref<1310720xi32, #tpu.memory_space<hbm>> -> memref<4096xi32, #tpu.memory_space<hbm>>
    %dma_start3A_102 = tpu.memref_slice %arg3[%mul3A_100] : memref<1310720xi32, #tpu.memory_space<hbm>> -> memref<4096xi32, #tpu.memory_space<hbm>>
    tpu.enqueue_dma source(%arg6 : memref<4096xi32, #tpu.memory_space<vmem>>) target(%dma_start3A_102 : memref<4096xi32, #tpu.memory_space<hbm>>) target_semaphore(%arg9 : memref<!tpu.dma_semaphore, #tpu.memory_space<semaphore_mem>>)
    %dma_wait3A_103 = tpu.memref_slice %arg3[%mul3A_83] : memref<1310720xi32, #tpu.memory_space<hbm>> -> memref<4096xi32, #tpu.memory_space<hbm>>
    %dma_wait3A_104 = tpu.memref_slice %arg3[%mul3A_83] : memref<1310720xi32, #tpu.memory_space<hbm>> -> memref<4096xi32, #tpu.memory_space<hbm>>
    tpu.wait_dma2 semaphore(%arg9 : memref<!tpu.dma_semaphore, #tpu.memory_space<semaphore_mem>>) src(%arg7 : memref<4096xi32, #tpu.memory_space<vmem>>) dst(%dma_wait3A_104 : memref<4096xi32, #tpu.memory_space<hbm>>)
    %scan3A_105 = arith.constant 0 : i32
    %scan3A_106 = arith.constant 0 : i32
    %scan3A_107 = arith.constant 66 : i32
    %scan3A_108 = arith.addi %scan3A_106, %scan3A_107 : i32
    %scan3A_109 = arith.constant 6 : i32
    %scan3A_110 = scf.for %scan3A_192 = %scan3A_106 to %scan3A_108 step %scan3A_109 iter_args(%scan3A_193 = %scan3A_105) -> (i32)  : i32 {
      %mul3A_194 = arith.constant 16 : i32
      %mul3A_195 = arith.muli %scan3A_192, %mul3A_194 : i32
      %add3A_196 = arith.constant 5280 : i32
      %add3A_197 = arith.addi %add3A_196, %mul3A_195 : i32
      %get3A = arith.index_cast %add3A_197 : i32 to index
      %get3A_198 = tpu.vector_load %arg5[%get3A] {strides = array<i32>} : memref<10560xi32, #tpu.memory_space<vmem>>, vector<16xi32>,
      %mul3A_199 = arith.constant 4 : i32
      %mul3A_200 = vector.broadcast %mul3A_199 : i32 to vector<16xi32>
      %mul3A_201 = arith.muli %get3A_198, %mul3A_200 : vector<16xi32>
      %mul3A_202 = arith.constant 16 : i32
      %mul3A_203 = arith.muli %scan3A_192, %mul3A_202 : i32
      %add3A_204 = vector.broadcast %mul3A_203 : i32 to vector<16xi32>
      %add3A_205 = arith.addi %add3A_204, %iota3A : vector<16xi32>
      %mul3A_206 = arith.constant 993 : i32
      %mul3A_207 = vector.broadcast %mul3A_206 : i32 to vector<16xi32>
      %mul3A_208 = arith.muli %add3A_205, %mul3A_207 : vector<16xi32>
      %shift_right_arithmetic3A = arith.constant 15 : i32
      %shift_right_arithmetic3A_209 = vector.broadcast %shift_right_arithmetic3A : i32 to vector<16xi32>
      %shift_right_arithmetic3A_210 = arith.shrsi %mul3A_208, %shift_right_arithmetic3A_209 : vector<16xi32>
      %mul3A_211 = arith.constant 128 : i32
      %mul3A_212 = vector.broadcast %mul3A_211 : i32 to vector<16xi32>
      %mul3A_213 = arith.muli %shift_right_arithmetic3A_210, %mul3A_212 : vector<16xi32>
      %mul3A_214 = arith.constant 3 : i32
      %mul3A_215 = vector.broadcast %mul3A_214 : i32 to vector<16xi32>
      %mul3A_216 = arith.muli %add3A_205, %mul3A_215 : vector<16xi32>
      %add3A_217 = arith.addi %mul3A_213, %mul3A_216 : vector<16xi32>
      %mul3A_218 = arith.constant 99 : i32
      %mul3A_219 = vector.broadcast %mul3A_218 : i32 to vector<16xi32>
      %mul3A_220 = arith.muli %shift_right_arithmetic3A_210, %mul3A_219 : vector<16xi32>
      %sub3A = arith.subi %add3A_217, %mul3A_220 : vector<16xi32>
      %add3A_221 = arith.constant 0 : i32
      %add3A_222 = vector.broadcast %add3A_221 : i32 to vector<16xi32>
      %add3A_223 = arith.addi %mul3A_201, %add3A_222 : vector<16xi32>
      %gather3A = tpu.vector_load_idx %arg4[%add3A_223] : memref<40000xi32, #tpu.memory_space<vmem>>[vector<16xi32>], vector<16xi32>,
      %add3A_224 = arith.constant 0 : i32
      %add3A_225 = vector.broadcast %add3A_224 : i32 to vector<16xi32>
      %add3A_226 = arith.addi %sub3A, %add3A_225 : vector<16xi32>
      tpu.vector_store_idx %arg7[%add3A_226], %gather3A : memref<4096xi32, #tpu.memory_space<vmem>>[vector<16xi32>], vector<16xi32>,
      %add3A_227 = arith.constant 1 : i32
      %add3A_228 = vector.broadcast %add3A_227 : i32 to vector<16xi32>
      %add3A_229 = arith.addi %mul3A_201, %add3A_228 : vector<16xi32>
      %gather3A_230 = tpu.vector_load_idx %arg4[%add3A_229] : memref<40000xi32, #tpu.memory_space<vmem>>[vector<16xi32>], vector<16xi32>,
      %add3A_231 = arith.constant 1 : i32
      %add3A_232 = vector.broadcast %add3A_231 : i32 to vector<16xi32>
      %add3A_233 = arith.addi %sub3A, %add3A_232 : vector<16xi32>
      tpu.vector_store_idx %arg7[%add3A_233], %gather3A_230 : memref<4096xi32, #tpu.memory_space<vmem>>[vector<16xi32>], vector<16xi32>,
      %add3A_234 = arith.constant 2 : i32
      %add3A_235 = vector.broadcast %add3A_234 : i32 to vector<16xi32>
      %add3A_236 = arith.addi %mul3A_201, %add3A_235 : vector<16xi32>
      %gather3A_237 = tpu.vector_load_idx %arg4[%add3A_236] : memref<40000xi32, #tpu.memory_space<vmem>>[vector<16xi32>], vector<16xi32>,
      %add3A_238 = arith.constant 2 : i32
      %add3A_239 = vector.broadcast %add3A_238 : i32 to vector<16xi32>
      %add3A_240 = arith.addi %sub3A, %add3A_239 : vector<16xi32>
      tpu.vector_store_idx %arg7[%add3A_240], %gather3A_237 : memref<4096xi32, #tpu.memory_space<vmem>>[vector<16xi32>], vector<16xi32>,
      %scan3A_241 = arith.constant 0 : i32
      %scan3A_242 = arith.constant 1 : i32
      %scan3A_243 = arith.addi %scan3A_192, %scan3A_242 : i32
      %mul3A_244 = arith.constant 16 : i32
      %mul3A_245 = arith.muli %scan3A_243, %mul3A_244 : i32
      %add3A_246 = arith.constant 5280 : i32
      %add3A_247 = arith.addi %add3A_246, %mul3A_245 : i32
      %get3A_248 = arith.index_cast %add3A_247 : i32 to index
      %get3A_249 = tpu.vector_load %arg5[%get3A_248] {strides = array<i32>} : memref<10560xi32, #tpu.memory_space<vmem>>, vector<16xi32>,
      %mul3A_250 = arith.constant 4 : i32
      %mul3A_251 = vector.broadcast %mul3A_250 : i32 to vector<16xi32>
      %mul3A_252 = arith.muli %get3A_249, %mul3A_251 : vector<16xi32>
      %mul3A_253 = arith.constant 16 : i32
      %mul3A_254 = arith.muli %scan3A_243, %mul3A_253 : i32
      %add3A_255 = vector.broadcast %mul3A_254 : i32 to vector<16xi32>
      %add3A_256 = arith.addi %add3A_255, %iota3A : vector<16xi32>
      %mul3A_257 = arith.constant 993 : i32
      %mul3A_258 = vector.broadcast %mul3A_257 : i32 to vector<16xi32>
      %mul3A_259 = arith.muli %add3A_256, %mul3A_258 : vector<16xi32>
      %shift_right_arithmetic3A_260 = arith.constant 15 : i32
      %shift_right_arithmetic3A_261 = vector.broadcast %shift_right_arithmetic3A_260 : i32 to vector<16xi32>
      %shift_right_arithmetic3A_262 = arith.shrsi %mul3A_259, %shift_right_arithmetic3A_261 : vector<16xi32>
      %mul3A_263 = arith.constant 128 : i32
      %mul3A_264 = vector.broadcast %mul3A_263 : i32 to vector<16xi32>
      %mul3A_265 = arith.muli %shift_right_arithmetic3A_262, %mul3A_264 : vector<16xi32>
      %mul3A_266 = arith.constant 3 : i32
      %mul3A_267 = vector.broadcast %mul3A_266 : i32 to vector<16xi32>
      %mul3A_268 = arith.muli %add3A_256, %mul3A_267 : vector<16xi32>
      %add3A_269 = arith.addi %mul3A_265, %mul3A_268 : vector<16xi32>
      %mul3A_270 = arith.constant 99 : i32
      %mul3A_271 = vector.broadcast %mul3A_270 : i32 to vector<16xi32>
      %mul3A_272 = arith.muli %shift_right_arithmetic3A_262, %mul3A_271 : vector<16xi32>
      %sub3A_273 = arith.subi %add3A_269, %mul3A_272 : vector<16xi32>
      %add3A_274 = arith.constant 0 : i32
      %add3A_275 = vector.broadcast %add3A_274 : i32 to vector<16xi32>
      %add3A_276 = arith.addi %mul3A_252, %add3A_275 : vector<16xi32>
      %gather3A_277 = tpu.vector_load_idx %arg4[%add3A_276] : memref<40000xi32, #tpu.memory_space<vmem>>[vector<16xi32>], vector<16xi32>,
      %add3A_278 = arith.constant 0 : i32
      %add3A_279 = vector.broadcast %add3A_278 : i32 to vector<16xi32>
      %add3A_280 = arith.addi %sub3A_273, %add3A_279 : vector<16xi32>
      tpu.vector_store_idx %arg7[%add3A_280], %gather3A_277 : memref<4096xi32, #tpu.memory_space<vmem>>[vector<16xi32>], vector<16xi32>,
      %add3A_281 = arith.constant 1 : i32
      %add3A_282 = vector.broadcast %add3A_281 : i32 to vector<16xi32>
      %add3A_283 = arith.addi %mul3A_252, %add3A_282 : vector<16xi32>
      %gather3A_284 = tpu.vector_load_idx %arg4[%add3A_283] : memref<40000xi32, #tpu.memory_space<vmem>>[vector<16xi32>], vector<16xi32>,
      %add3A_285 = arith.constant 1 : i32
      %add3A_286 = vector.broadcast %add3A_285 : i32 to vector<16xi32>
      %add3A_287 = arith.addi %sub3A_273, %add3A_286 : vector<16xi32>
      tpu.vector_store_idx %arg7[%add3A_287], %gather3A_284 : memref<4096xi32, #tpu.memory_space<vmem>>[vector<16xi32>], vector<16xi32>,
      %add3A_288 = arith.constant 2 : i32
      %add3A_289 = vector.broadcast %add3A_288 : i32 to vector<16xi32>
      %add3A_290 = arith.addi %mul3A_252, %add3A_289 : vector<16xi32>
      %gather3A_291 = tpu.vector_load_idx %arg4[%add3A_290] : memref<40000xi32, #tpu.memory_space<vmem>>[vector<16xi32>], vector<16xi32>,
      %add3A_292 = arith.constant 2 : i32
      %add3A_293 = vector.broadcast %add3A_292 : i32 to vector<16xi32>
      %add3A_294 = arith.addi %sub3A_273, %add3A_293 : vector<16xi32>
      tpu.vector_store_idx %arg7[%add3A_294], %gather3A_291 : memref<4096xi32, #tpu.memory_space<vmem>>[vector<16xi32>], vector<16xi32>,
      %scan3A_295 = arith.constant 0 : i32
      %scan3A_296 = arith.constant 2 : i32
      %scan3A_297 = arith.addi %scan3A_192, %scan3A_296 : i32
      %mul3A_298 = arith.constant 16 : i32
      %mul3A_299 = arith.muli %scan3A_297, %mul3A_298 : i32
      %add3A_300 = arith.constant 5280 : i32
      %add3A_301 = arith.addi %add3A_300, %mul3A_299 : i32
      %get3A_302 = arith.index_cast %add3A_301 : i32 to index
      %get3A_303 = tpu.vector_load %arg5[%get3A_302] {strides = array<i32>} : memref<10560xi32, #tpu.memory_space<vmem>>, vector<16xi32>,
      %mul3A_304 = arith.constant 4 : i32
      %mul3A_305 = vector.broadcast %mul3A_304 : i32 to vector<16xi32>
      %mul3A_306 = arith.muli %get3A_303, %mul3A_305 : vector<16xi32>
      %mul3A_307 = arith.constant 16 : i32
      %mul3A_308 = arith.muli %scan3A_297, %mul3A_307 : i32
      %add3A_309 = vector.broadcast %mul3A_308 : i32 to vector<16xi32>
      %add3A_310 = arith.addi %add3A_309, %iota3A : vector<16xi32>
      %mul3A_311 = arith.constant 993 : i32
      %mul3A_312 = vector.broadcast %mul3A_311 : i32 to vector<16xi32>
      %mul3A_313 = arith.muli %add3A_310, %mul3A_312 : vector<16xi32>
      %shift_right_arithmetic3A_314 = arith.constant 15 : i32
      %shift_right_arithmetic3A_315 = vector.broadcast %shift_right_arithmetic3A_314 : i32 to vector<16xi32>
      %shift_right_arithmetic3A_316 = arith.shrsi %mul3A_313, %shift_right_arithmetic3A_315 : vector<16xi32>
      %mul3A_317 = arith.constant 128 : i32
      %mul3A_318 = vector.broadcast %mul3A_317 : i32 to vector<16xi32>
      %mul3A_319 = arith.muli %shift_right_arithmetic3A_316, %mul3A_318 : vector<16xi32>
      %mul3A_320 = arith.constant 3 : i32
      %mul3A_321 = vector.broadcast %mul3A_320 : i32 to vector<16xi32>
      %mul3A_322 = arith.muli %add3A_310, %mul3A_321 : vector<16xi32>
      %add3A_323 = arith.addi %mul3A_319, %mul3A_322 : vector<16xi32>
      %mul3A_324 = arith.constant 99 : i32
      %mul3A_325 = vector.broadcast %mul3A_324 : i32 to vector<16xi32>
      %mul3A_326 = arith.muli %shift_right_arithmetic3A_316, %mul3A_325 : vector<16xi32>
      %sub3A_327 = arith.subi %add3A_323, %mul3A_326 : vector<16xi32>
      %add3A_328 = arith.constant 0 : i32
      %add3A_329 = vector.broadcast %add3A_328 : i32 to vector<16xi32>
      %add3A_330 = arith.addi %mul3A_306, %add3A_329 : vector<16xi32>
      %gather3A_331 = tpu.vector_load_idx %arg4[%add3A_330] : memref<40000xi32, #tpu.memory_space<vmem>>[vector<16xi32>], vector<16xi32>,
      %add3A_332 = arith.constant 0 : i32
      %add3A_333 = vector.broadcast %add3A_332 : i32 to vector<16xi32>
      %add3A_334 = arith.addi %sub3A_327, %add3A_333 : vector<16xi32>
      tpu.vector_store_idx %arg7[%add3A_334], %gather3A_331 : memref<4096xi32, #tpu.memory_space<vmem>>[vector<16xi32>], vector<16xi32>,
      %add3A_335 = arith.constant 1 : i32
      %add3A_336 = vector.broadcast %add3A_335 : i32 to vector<16xi32>
      %add3A_337 = arith.addi %mul3A_306, %add3A_336 : vector<16xi32>
      %gather3A_338 = tpu.vector_load_idx %arg4[%add3A_337] : memref<40000xi32, #tpu.memory_space<vmem>>[vector<16xi32>], vector<16xi32>,
      %add3A_339 = arith.constant 1 : i32
      %add3A_340 = vector.broadcast %add3A_339 : i32 to vector<16xi32>
      %add3A_341 = arith.addi %sub3A_327, %add3A_340 : vector<16xi32>
      tpu.vector_store_idx %arg7[%add3A_341], %gather3A_338 : memref<4096xi32, #tpu.memory_space<vmem>>[vector<16xi32>], vector<16xi32>,
      %add3A_342 = arith.constant 2 : i32
      %add3A_343 = vector.broadcast %add3A_342 : i32 to vector<16xi32>
      %add3A_344 = arith.addi %mul3A_306, %add3A_343 : vector<16xi32>
      %gather3A_345 = tpu.vector_load_idx %arg4[%add3A_344] : memref<40000xi32, #tpu.memory_space<vmem>>[vector<16xi32>], vector<16xi32>,
      %add3A_346 = arith.constant 2 : i32
      %add3A_347 = vector.broadcast %add3A_346 : i32 to vector<16xi32>
      %add3A_348 = arith.addi %sub3A_327, %add3A_347 : vector<16xi32>
      tpu.vector_store_idx %arg7[%add3A_348], %gather3A_345 : memref<4096xi32, #tpu.memory_space<vmem>>[vector<16xi32>], vector<16xi32>,
      %scan3A_349 = arith.constant 0 : i32
      %scan3A_350 = arith.constant 3 : i32
      %scan3A_351 = arith.addi %scan3A_192, %scan3A_350 : i32
      %mul3A_352 = arith.constant 16 : i32
      %mul3A_353 = arith.muli %scan3A_351, %mul3A_352 : i32
      %add3A_354 = arith.constant 5280 : i32
      %add3A_355 = arith.addi %add3A_354, %mul3A_353 : i32
      %get3A_356 = arith.index_cast %add3A_355 : i32 to index
      %get3A_357 = tpu.vector_load %arg5[%get3A_356] {strides = array<i32>} : memref<10560xi32, #tpu.memory_space<vmem>>, vector<16xi32>,
      %mul3A_358 = arith.constant 4 : i32
      %mul3A_359 = vector.broadcast %mul3A_358 : i32 to vector<16xi32>
      %mul3A_360 = arith.muli %get3A_357, %mul3A_359 : vector<16xi32>
      %mul3A_361 = arith.constant 16 : i32
      %mul3A_362 = arith.muli %scan3A_351, %mul3A_361 : i32
      %add3A_363 = vector.broadcast %mul3A_362 : i32 to vector<16xi32>
      %add3A_364 = arith.addi %add3A_363, %iota3A : vector<16xi32>
      %mul3A_365 = arith.constant 993 : i32
      %mul3A_366 = vector.broadcast %mul3A_365 : i32 to vector<16xi32>
      %mul3A_367 = arith.muli %add3A_364, %mul3A_366 : vector<16xi32>
      %shift_right_arithmetic3A_368 = arith.constant 15 : i32
      %shift_right_arithmetic3A_369 = vector.broadcast %shift_right_arithmetic3A_368 : i32 to vector<16xi32>
      %shift_right_arithmetic3A_370 = arith.shrsi %mul3A_367, %shift_right_arithmetic3A_369 : vector<16xi32>
      %mul3A_371 = arith.constant 128 : i32
      %mul3A_372 = vector.broadcast %mul3A_371 : i32 to vector<16xi32>
      %mul3A_373 = arith.muli %shift_right_arithmetic3A_370, %mul3A_372 : vector<16xi32>
      %mul3A_374 = arith.constant 3 : i32
      %mul3A_375 = vector.broadcast %mul3A_374 : i32 to vector<16xi32>
      %mul3A_376 = arith.muli %add3A_364, %mul3A_375 : vector<16xi32>
      %add3A_377 = arith.addi %mul3A_373, %mul3A_376 : vector<16xi32>
      %mul3A_378 = arith.constant 99 : i32
      %mul3A_379 = vector.broadcast %mul3A_378 : i32 to vector<16xi32>
      %mul3A_380 = arith.muli %shift_right_arithmetic3A_370, %mul3A_379 : vector<16xi32>
      %sub3A_381 = arith.subi %add3A_377, %mul3A_380 : vector<16xi32>
      %add3A_382 = arith.constant 0 : i32
      %add3A_383 = vector.broadcast %add3A_382 : i32 to vector<16xi32>
      %add3A_384 = arith.addi %mul3A_360, %add3A_383 : vector<16xi32>
      %gather3A_385 = tpu.vector_load_idx %arg4[%add3A_384] : memref<40000xi32, #tpu.memory_space<vmem>>[vector<16xi32>], vector<16xi32>,
      %add3A_386 = arith.constant 0 : i32
      %add3A_387 = vector.broadcast %add3A_386 : i32 to vector<16xi32>
      %add3A_388 = arith.addi %sub3A_381, %add3A_387 : vector<16xi32>
      tpu.vector_store_idx %arg7[%add3A_388], %gather3A_385 : memref<4096xi32, #tpu.memory_space<vmem>>[vector<16xi32>], vector<16xi32>,
      %add3A_389 = arith.constant 1 : i32
      %add3A_390 = vector.broadcast %add3A_389 : i32 to vector<16xi32>
      %add3A_391 = arith.addi %mul3A_360, %add3A_390 : vector<16xi32>
      %gather3A_392 = tpu.vector_load_idx %arg4[%add3A_391] : memref<40000xi32, #tpu.memory_space<vmem>>[vector<16xi32>], vector<16xi32>,
      %add3A_393 = arith.constant 1 : i32
      %add3A_394 = vector.broadcast %add3A_393 : i32 to vector<16xi32>
      %add3A_395 = arith.addi %sub3A_381, %add3A_394 : vector<16xi32>
      tpu.vector_store_idx %arg7[%add3A_395], %gather3A_392 : memref<4096xi32, #tpu.memory_space<vmem>>[vector<16xi32>], vector<16xi32>,
      %add3A_396 = arith.constant 2 : i32
      %add3A_397 = vector.broadcast %add3A_396 : i32 to vector<16xi32>
      %add3A_398 = arith.addi %mul3A_360, %add3A_397 : vector<16xi32>
      %gather3A_399 = tpu.vector_load_idx %arg4[%add3A_398] : memref<40000xi32, #tpu.memory_space<vmem>>[vector<16xi32>], vector<16xi32>,
      %add3A_400 = arith.constant 2 : i32
      %add3A_401 = vector.broadcast %add3A_400 : i32 to vector<16xi32>
      %add3A_402 = arith.addi %sub3A_381, %add3A_401 : vector<16xi32>
      tpu.vector_store_idx %arg7[%add3A_402], %gather3A_399 : memref<4096xi32, #tpu.memory_space<vmem>>[vector<16xi32>], vector<16xi32>,
      %scan3A_403 = arith.constant 0 : i32
      %scan3A_404 = arith.constant 4 : i32
      %scan3A_405 = arith.addi %scan3A_192, %scan3A_404 : i32
      %mul3A_406 = arith.constant 16 : i32
      %mul3A_407 = arith.muli %scan3A_405, %mul3A_406 : i32
      %add3A_408 = arith.constant 5280 : i32
      %add3A_409 = arith.addi %add3A_408, %mul3A_407 : i32
      %get3A_410 = arith.index_cast %add3A_409 : i32 to index
      %get3A_411 = tpu.vector_load %arg5[%get3A_410] {strides = array<i32>} : memref<10560xi32, #tpu.memory_space<vmem>>, vector<16xi32>,
      %mul3A_412 = arith.constant 4 : i32
      %mul3A_413 = vector.broadcast %mul3A_412 : i32 to vector<16xi32>
      %mul3A_414 = arith.muli %get3A_411, %mul3A_413 : vector<16xi32>
      %mul3A_415 = arith.constant 16 : i32
      %mul3A_416 = arith.muli %scan3A_405, %mul3A_415 : i32
      %add3A_417 = vector.broadcast %mul3A_416 : i32 to vector<16xi32>
      %add3A_418 = arith.addi %add3A_417, %iota3A : vector<16xi32>
      %mul3A_419 = arith.constant 993 : i32
      %mul3A_420 = vector.broadcast %mul3A_419 : i32 to vector<16xi32>
      %mul3A_421 = arith.muli %add3A_418, %mul3A_420 : vector<16xi32>
      %shift_right_arithmetic3A_422 = arith.constant 15 : i32
      %shift_right_arithmetic3A_423 = vector.broadcast %shift_right_arithmetic3A_422 : i32 to vector<16xi32>
      %shift_right_arithmetic3A_424 = arith.shrsi %mul3A_421, %shift_right_arithmetic3A_423 : vector<16xi32>
      %mul3A_425 = arith.constant 128 : i32
      %mul3A_426 = vector.broadcast %mul3A_425 : i32 to vector<16xi32>
      %mul3A_427 = arith.muli %shift_right_arithmetic3A_424, %mul3A_426 : vector<16xi32>
      %mul3A_428 = arith.constant 3 : i32
      %mul3A_429 = vector.broadcast %mul3A_428 : i32 to vector<16xi32>
      %mul3A_430 = arith.muli %add3A_418, %mul3A_429 : vector<16xi32>
      %add3A_431 = arith.addi %mul3A_427, %mul3A_430 : vector<16xi32>
      %mul3A_432 = arith.constant 99 : i32
      %mul3A_433 = vector.broadcast %mul3A_432 : i32 to vector<16xi32>
      %mul3A_434 = arith.muli %shift_right_arithmetic3A_424, %mul3A_433 : vector<16xi32>
      %sub3A_435 = arith.subi %add3A_431, %mul3A_434 : vector<16xi32>
      %add3A_436 = arith.constant 0 : i32
      %add3A_437 = vector.broadcast %add3A_436 : i32 to vector<16xi32>
      %add3A_438 = arith.addi %mul3A_414, %add3A_437 : vector<16xi32>
      %gather3A_439 = tpu.vector_load_idx %arg4[%add3A_438] : memref<40000xi32, #tpu.memory_space<vmem>>[vector<16xi32>], vector<16xi32>,
      %add3A_440 = arith.constant 0 : i32
      %add3A_441 = vector.broadcast %add3A_440 : i32 to vector<16xi32>
      %add3A_442 = arith.addi %sub3A_435, %add3A_441 : vector<16xi32>
      tpu.vector_store_idx %arg7[%add3A_442], %gather3A_439 : memref<4096xi32, #tpu.memory_space<vmem>>[vector<16xi32>], vector<16xi32>,
      %add3A_443 = arith.constant 1 : i32
      %add3A_444 = vector.broadcast %add3A_443 : i32 to vector<16xi32>
      %add3A_445 = arith.addi %mul3A_414, %add3A_444 : vector<16xi32>
      %gather3A_446 = tpu.vector_load_idx %arg4[%add3A_445] : memref<40000xi32, #tpu.memory_space<vmem>>[vector<16xi32>], vector<16xi32>,
      %add3A_447 = arith.constant 1 : i32
      %add3A_448 = vector.broadcast %add3A_447 : i32 to vector<16xi32>
      %add3A_449 = arith.addi %sub3A_435, %add3A_448 : vector<16xi32>
      tpu.vector_store_idx %arg7[%add3A_449], %gather3A_446 : memref<4096xi32, #tpu.memory_space<vmem>>[vector<16xi32>], vector<16xi32>,
      %add3A_450 = arith.constant 2 : i32
      %add3A_451 = vector.broadcast %add3A_450 : i32 to vector<16xi32>
      %add3A_452 = arith.addi %mul3A_414, %add3A_451 : vector<16xi32>
      %gather3A_453 = tpu.vector_load_idx %arg4[%add3A_452] : memref<40000xi32, #tpu.memory_space<vmem>>[vector<16xi32>], vector<16xi32>,
      %add3A_454 = arith.constant 2 : i32
      %add3A_455 = vector.broadcast %add3A_454 : i32 to vector<16xi32>
      %add3A_456 = arith.addi %sub3A_435, %add3A_455 : vector<16xi32>
      tpu.vector_store_idx %arg7[%add3A_456], %gather3A_453 : memref<4096xi32, #tpu.memory_space<vmem>>[vector<16xi32>], vector<16xi32>,
      %scan3A_457 = arith.constant 0 : i32
      %scan3A_458 = arith.constant 5 : i32
      %scan3A_459 = arith.addi %scan3A_192, %scan3A_458 : i32
      %mul3A_460 = arith.constant 16 : i32
      %mul3A_461 = arith.muli %scan3A_459, %mul3A_460 : i32
      %add3A_462 = arith.constant 5280 : i32
      %add3A_463 = arith.addi %add3A_462, %mul3A_461 : i32
      %get3A_464 = arith.index_cast %add3A_463 : i32 to index
      %get3A_465 = tpu.vector_load %arg5[%get3A_464] {strides = array<i32>} : memref<10560xi32, #tpu.memory_space<vmem>>, vector<16xi32>,
      %mul3A_466 = arith.constant 4 : i32
      %mul3A_467 = vector.broadcast %mul3A_466 : i32 to vector<16xi32>
      %mul3A_468 = arith.muli %get3A_465, %mul3A_467 : vector<16xi32>
      %mul3A_469 = arith.constant 16 : i32
      %mul3A_470 = arith.muli %scan3A_459, %mul3A_469 : i32
      %add3A_471 = vector.broadcast %mul3A_470 : i32 to vector<16xi32>
      %add3A_472 = arith.addi %add3A_471, %iota3A : vector<16xi32>
      %mul3A_473 = arith.constant 993 : i32
      %mul3A_474 = vector.broadcast %mul3A_473 : i32 to vector<16xi32>
      %mul3A_475 = arith.muli %add3A_472, %mul3A_474 : vector<16xi32>
      %shift_right_arithmetic3A_476 = arith.constant 15 : i32
      %shift_right_arithmetic3A_477 = vector.broadcast %shift_right_arithmetic3A_476 : i32 to vector<16xi32>
      %shift_right_arithmetic3A_478 = arith.shrsi %mul3A_475, %shift_right_arithmetic3A_477 : vector<16xi32>
      %mul3A_479 = arith.constant 128 : i32
      %mul3A_480 = vector.broadcast %mul3A_479 : i32 to vector<16xi32>
      %mul3A_481 = arith.muli %shift_right_arithmetic3A_478, %mul3A_480 : vector<16xi32>
      %mul3A_482 = arith.constant 3 : i32
      %mul3A_483 = vector.broadcast %mul3A_482 : i32 to vector<16xi32>
      %mul3A_484 = arith.muli %add3A_472, %mul3A_483 : vector<16xi32>
      %add3A_485 = arith.addi %mul3A_481, %mul3A_484 : vector<16xi32>
      %mul3A_486 = arith.constant 99 : i32
      %mul3A_487 = vector.broadcast %mul3A_486 : i32 to vector<16xi32>
      %mul3A_488 = arith.muli %shift_right_arithmetic3A_478, %mul3A_487 : vector<16xi32>
      %sub3A_489 = arith.subi %add3A_485, %mul3A_488 : vector<16xi32>
      %add3A_490 = arith.constant 0 : i32
      %add3A_491 = vector.broadcast %add3A_490 : i32 to vector<16xi32>
      %add3A_492 = arith.addi %mul3A_468, %add3A_491 : vector<16xi32>
      %gather3A_493 = tpu.vector_load_idx %arg4[%add3A_492] : memref<40000xi32, #tpu.memory_space<vmem>>[vector<16xi32>], vector<16xi32>,
      %add3A_494 = arith.constant 0 : i32
      %add3A_495 = vector.broadcast %add3A_494 : i32 to vector<16xi32>
      %add3A_496 = arith.addi %sub3A_489, %add3A_495 : vector<16xi32>
      tpu.vector_store_idx %arg7[%add3A_496], %gather3A_493 : memref<4096xi32, #tpu.memory_space<vmem>>[vector<16xi32>], vector<16xi32>,
      %add3A_497 = arith.constant 1 : i32
      %add3A_498 = vector.broadcast %add3A_497 : i32 to vector<16xi32>
      %add3A_499 = arith.addi %mul3A_468, %add3A_498 : vector<16xi32>
      %gather3A_500 = tpu.vector_load_idx %arg4[%add3A_499] : memref<40000xi32, #tpu.memory_space<vmem>>[vector<16xi32>], vector<16xi32>,
      %add3A_501 = arith.constant 1 : i32
      %add3A_502 = vector.broadcast %add3A_501 : i32 to vector<16xi32>
      %add3A_503 = arith.addi %sub3A_489, %add3A_502 : vector<16xi32>
      tpu.vector_store_idx %arg7[%add3A_503], %gather3A_500 : memref<4096xi32, #tpu.memory_space<vmem>>[vector<16xi32>], vector<16xi32>,
      %add3A_504 = arith.constant 2 : i32
      %add3A_505 = vector.broadcast %add3A_504 : i32 to vector<16xi32>
      %add3A_506 = arith.addi %mul3A_468, %add3A_505 : vector<16xi32>
      %gather3A_507 = tpu.vector_load_idx %arg4[%add3A_506] : memref<40000xi32, #tpu.memory_space<vmem>>[vector<16xi32>], vector<16xi32>,
      %add3A_508 = arith.constant 2 : i32
      %add3A_509 = vector.broadcast %add3A_508 : i32 to vector<16xi32>
      %add3A_510 = arith.addi %sub3A_489, %add3A_509 : vector<16xi32>
      tpu.vector_store_idx %arg7[%add3A_510], %gather3A_507 : memref<4096xi32, #tpu.memory_space<vmem>>[vector<16xi32>], vector<16xi32>,
      %scan3A_511 = arith.constant 0 : i32
      scf.yield %scan3A_511 : i32
    }
    %scan3A_111 = arith.constant 66 : i32
    %mul3A_112 = arith.constant 320 : i32
    %mul3A_113 = arith.muli %add3A, %mul3A_112 : i32
    %add3A_114 = arith.constant 160 : i32
    %add3A_115 = arith.addi %mul3A_113, %add3A_114 : i32
    %mul3A_116 = arith.constant 128 : i32
    %mul3A_117 = arith.muli %add3A_115, %mul3A_116 : i32
    %dma_start3A_118 = tpu.memref_slice %arg3[%mul3A_117] : memref<1310720xi32, #tpu.memory_space<hbm>> -> memref<4096xi32, #tpu.memory_space<hbm>>
    %dma_start3A_119 = tpu.memref_slice %arg3[%mul3A_117] : memref<1310720xi32, #tpu.memory_space<hbm>> -> memref<4096xi32, #tpu.memory_space<hbm>>
    tpu.enqueue_dma source(%arg7 : memref<4096xi32, #tpu.memory_space<vmem>>) target(%dma_start3A_119 : memref<4096xi32, #tpu.memory_space<hbm>>) target_semaphore(%arg9 : memref<!tpu.dma_semaphore, #tpu.memory_space<semaphore_mem>>)
    %dma_wait3A_120 = tpu.memref_slice %arg3[%mul3A_100] : memref<1310720xi32, #tpu.memory_space<hbm>> -> memref<4096xi32, #tpu.memory_space<hbm>>
    %dma_wait3A_121 = tpu.memref_slice %arg3[%mul3A_100] : memref<1310720xi32, #tpu.memory_space<hbm>> -> memref<4096xi32, #tpu.memory_space<hbm>>
    tpu.wait_dma2 semaphore(%arg9 : memref<!tpu.dma_semaphore, #tpu.memory_space<semaphore_mem>>) src(%arg6 : memref<4096xi32, #tpu.memory_space<vmem>>) dst(%dma_wait3A_121 : memref<4096xi32, #tpu.memory_space<hbm>>)
    %scan3A_122 = arith.constant 0 : i32
    %scan3A_123 = arith.constant 0 : i32
    %scan3A_124 = arith.constant 66 : i32
    %scan3A_125 = arith.addi %scan3A_123, %scan3A_124 : i32
    %scan3A_126 = arith.constant 6 : i32
    %scan3A_127 = scf.for %scan3A_192 = %scan3A_123 to %scan3A_125 step %scan3A_126 iter_args(%scan3A_193 = %scan3A_122) -> (i32)  : i32 {
      %mul3A_194 = arith.constant 16 : i32
      %mul3A_195 = arith.muli %scan3A_192, %mul3A_194 : i32
      %add3A_196 = arith.constant 6336 : i32
      %add3A_197 = arith.addi %add3A_196, %mul3A_195 : i32
      %get3A = arith.index_cast %add3A_197 : i32 to index
      %get3A_198 = tpu.vector_load %arg5[%get3A] {strides = array<i32>} : memref<10560xi32, #tpu.memory_space<vmem>>, vector<16xi32>,
      %mul3A_199 = arith.constant 4 : i32
      %mul3A_200 = vector.broadcast %mul3A_199 : i32 to vector<16xi32>
      %mul3A_201 = arith.muli %get3A_198, %mul3A_200 : vector<16xi32>
      %mul3A_202 = arith.constant 16 : i32
      %mul3A_203 = arith.muli %scan3A_192, %mul3A_202 : i32
      %add3A_204 = vector.broadcast %mul3A_203 : i32 to vector<16xi32>
      %add3A_205 = arith.addi %add3A_204, %iota3A : vector<16xi32>
      %mul3A_206 = arith.constant 993 : i32
      %mul3A_207 = vector.broadcast %mul3A_206 : i32 to vector<16xi32>
      %mul3A_208 = arith.muli %add3A_205, %mul3A_207 : vector<16xi32>
      %shift_right_arithmetic3A = arith.constant 15 : i32
      %shift_right_arithmetic3A_209 = vector.broadcast %shift_right_arithmetic3A : i32 to vector<16xi32>
      %shift_right_arithmetic3A_210 = arith.shrsi %mul3A_208, %shift_right_arithmetic3A_209 : vector<16xi32>
      %mul3A_211 = arith.constant 128 : i32
      %mul3A_212 = vector.broadcast %mul3A_211 : i32 to vector<16xi32>
      %mul3A_213 = arith.muli %shift_right_arithmetic3A_210, %mul3A_212 : vector<16xi32>
      %mul3A_214 = arith.constant 3 : i32
      %mul3A_215 = vector.broadcast %mul3A_214 : i32 to vector<16xi32>
      %mul3A_216 = arith.muli %add3A_205, %mul3A_215 : vector<16xi32>
      %add3A_217 = arith.addi %mul3A_213, %mul3A_216 : vector<16xi32>
      %mul3A_218 = arith.constant 99 : i32
      %mul3A_219 = vector.broadcast %mul3A_218 : i32 to vector<16xi32>
      %mul3A_220 = arith.muli %shift_right_arithmetic3A_210, %mul3A_219 : vector<16xi32>
      %sub3A = arith.subi %add3A_217, %mul3A_220 : vector<16xi32>
      %add3A_221 = arith.constant 0 : i32
      %add3A_222 = vector.broadcast %add3A_221 : i32 to vector<16xi32>
      %add3A_223 = arith.addi %mul3A_201, %add3A_222 : vector<16xi32>
      %gather3A = tpu.vector_load_idx %arg4[%add3A_223] : memref<40000xi32, #tpu.memory_space<vmem>>[vector<16xi32>], vector<16xi32>,
      %add3A_224 = arith.constant 0 : i32
      %add3A_225 = vector.broadcast %add3A_224 : i32 to vector<16xi32>
      %add3A_226 = arith.addi %sub3A, %add3A_225 : vector<16xi32>
      tpu.vector_store_idx %arg6[%add3A_226], %gather3A : memref<4096xi32, #tpu.memory_space<vmem>>[vector<16xi32>], vector<16xi32>,
      %add3A_227 = arith.constant 1 : i32
      %add3A_228 = vector.broadcast %add3A_227 : i32 to vector<16xi32>
      %add3A_229 = arith.addi %mul3A_201, %add3A_228 : vector<16xi32>
      %gather3A_230 = tpu.vector_load_idx %arg4[%add3A_229] : memref<40000xi32, #tpu.memory_space<vmem>>[vector<16xi32>], vector<16xi32>,
      %add3A_231 = arith.constant 1 : i32
      %add3A_232 = vector.broadcast %add3A_231 : i32 to vector<16xi32>
      %add3A_233 = arith.addi %sub3A, %add3A_232 : vector<16xi32>
      tpu.vector_store_idx %arg6[%add3A_233], %gather3A_230 : memref<4096xi32, #tpu.memory_space<vmem>>[vector<16xi32>], vector<16xi32>,
      %add3A_234 = arith.constant 2 : i32
      %add3A_235 = vector.broadcast %add3A_234 : i32 to vector<16xi32>
      %add3A_236 = arith.addi %mul3A_201, %add3A_235 : vector<16xi32>
      %gather3A_237 = tpu.vector_load_idx %arg4[%add3A_236] : memref<40000xi32, #tpu.memory_space<vmem>>[vector<16xi32>], vector<16xi32>,
      %add3A_238 = arith.constant 2 : i32
      %add3A_239 = vector.broadcast %add3A_238 : i32 to vector<16xi32>
      %add3A_240 = arith.addi %sub3A, %add3A_239 : vector<16xi32>
      tpu.vector_store_idx %arg6[%add3A_240], %gather3A_237 : memref<4096xi32, #tpu.memory_space<vmem>>[vector<16xi32>], vector<16xi32>,
      %scan3A_241 = arith.constant 0 : i32
      %scan3A_242 = arith.constant 1 : i32
      %scan3A_243 = arith.addi %scan3A_192, %scan3A_242 : i32
      %mul3A_244 = arith.constant 16 : i32
      %mul3A_245 = arith.muli %scan3A_243, %mul3A_244 : i32
      %add3A_246 = arith.constant 6336 : i32
      %add3A_247 = arith.addi %add3A_246, %mul3A_245 : i32
      %get3A_248 = arith.index_cast %add3A_247 : i32 to index
      %get3A_249 = tpu.vector_load %arg5[%get3A_248] {strides = array<i32>} : memref<10560xi32, #tpu.memory_space<vmem>>, vector<16xi32>,
      %mul3A_250 = arith.constant 4 : i32
      %mul3A_251 = vector.broadcast %mul3A_250 : i32 to vector<16xi32>
      %mul3A_252 = arith.muli %get3A_249, %mul3A_251 : vector<16xi32>
      %mul3A_253 = arith.constant 16 : i32
      %mul3A_254 = arith.muli %scan3A_243, %mul3A_253 : i32
      %add3A_255 = vector.broadcast %mul3A_254 : i32 to vector<16xi32>
      %add3A_256 = arith.addi %add3A_255, %iota3A : vector<16xi32>
      %mul3A_257 = arith.constant 993 : i32
      %mul3A_258 = vector.broadcast %mul3A_257 : i32 to vector<16xi32>
      %mul3A_259 = arith.muli %add3A_256, %mul3A_258 : vector<16xi32>
      %shift_right_arithmetic3A_260 = arith.constant 15 : i32
      %shift_right_arithmetic3A_261 = vector.broadcast %shift_right_arithmetic3A_260 : i32 to vector<16xi32>
      %shift_right_arithmetic3A_262 = arith.shrsi %mul3A_259, %shift_right_arithmetic3A_261 : vector<16xi32>
      %mul3A_263 = arith.constant 128 : i32
      %mul3A_264 = vector.broadcast %mul3A_263 : i32 to vector<16xi32>
      %mul3A_265 = arith.muli %shift_right_arithmetic3A_262, %mul3A_264 : vector<16xi32>
      %mul3A_266 = arith.constant 3 : i32
      %mul3A_267 = vector.broadcast %mul3A_266 : i32 to vector<16xi32>
      %mul3A_268 = arith.muli %add3A_256, %mul3A_267 : vector<16xi32>
      %add3A_269 = arith.addi %mul3A_265, %mul3A_268 : vector<16xi32>
      %mul3A_270 = arith.constant 99 : i32
      %mul3A_271 = vector.broadcast %mul3A_270 : i32 to vector<16xi32>
      %mul3A_272 = arith.muli %shift_right_arithmetic3A_262, %mul3A_271 : vector<16xi32>
      %sub3A_273 = arith.subi %add3A_269, %mul3A_272 : vector<16xi32>
      %add3A_274 = arith.constant 0 : i32
      %add3A_275 = vector.broadcast %add3A_274 : i32 to vector<16xi32>
      %add3A_276 = arith.addi %mul3A_252, %add3A_275 : vector<16xi32>
      %gather3A_277 = tpu.vector_load_idx %arg4[%add3A_276] : memref<40000xi32, #tpu.memory_space<vmem>>[vector<16xi32>], vector<16xi32>,
      %add3A_278 = arith.constant 0 : i32
      %add3A_279 = vector.broadcast %add3A_278 : i32 to vector<16xi32>
      %add3A_280 = arith.addi %sub3A_273, %add3A_279 : vector<16xi32>
      tpu.vector_store_idx %arg6[%add3A_280], %gather3A_277 : memref<4096xi32, #tpu.memory_space<vmem>>[vector<16xi32>], vector<16xi32>,
      %add3A_281 = arith.constant 1 : i32
      %add3A_282 = vector.broadcast %add3A_281 : i32 to vector<16xi32>
      %add3A_283 = arith.addi %mul3A_252, %add3A_282 : vector<16xi32>
      %gather3A_284 = tpu.vector_load_idx %arg4[%add3A_283] : memref<40000xi32, #tpu.memory_space<vmem>>[vector<16xi32>], vector<16xi32>,
      %add3A_285 = arith.constant 1 : i32
      %add3A_286 = vector.broadcast %add3A_285 : i32 to vector<16xi32>
      %add3A_287 = arith.addi %sub3A_273, %add3A_286 : vector<16xi32>
      tpu.vector_store_idx %arg6[%add3A_287], %gather3A_284 : memref<4096xi32, #tpu.memory_space<vmem>>[vector<16xi32>], vector<16xi32>,
      %add3A_288 = arith.constant 2 : i32
      %add3A_289 = vector.broadcast %add3A_288 : i32 to vector<16xi32>
      %add3A_290 = arith.addi %mul3A_252, %add3A_289 : vector<16xi32>
      %gather3A_291 = tpu.vector_load_idx %arg4[%add3A_290] : memref<40000xi32, #tpu.memory_space<vmem>>[vector<16xi32>], vector<16xi32>,
      %add3A_292 = arith.constant 2 : i32
      %add3A_293 = vector.broadcast %add3A_292 : i32 to vector<16xi32>
      %add3A_294 = arith.addi %sub3A_273, %add3A_293 : vector<16xi32>
      tpu.vector_store_idx %arg6[%add3A_294], %gather3A_291 : memref<4096xi32, #tpu.memory_space<vmem>>[vector<16xi32>], vector<16xi32>,
      %scan3A_295 = arith.constant 0 : i32
      %scan3A_296 = arith.constant 2 : i32
      %scan3A_297 = arith.addi %scan3A_192, %scan3A_296 : i32
      %mul3A_298 = arith.constant 16 : i32
      %mul3A_299 = arith.muli %scan3A_297, %mul3A_298 : i32
      %add3A_300 = arith.constant 6336 : i32
      %add3A_301 = arith.addi %add3A_300, %mul3A_299 : i32
      %get3A_302 = arith.index_cast %add3A_301 : i32 to index
      %get3A_303 = tpu.vector_load %arg5[%get3A_302] {strides = array<i32>} : memref<10560xi32, #tpu.memory_space<vmem>>, vector<16xi32>,
      %mul3A_304 = arith.constant 4 : i32
      %mul3A_305 = vector.broadcast %mul3A_304 : i32 to vector<16xi32>
      %mul3A_306 = arith.muli %get3A_303, %mul3A_305 : vector<16xi32>
      %mul3A_307 = arith.constant 16 : i32
      %mul3A_308 = arith.muli %scan3A_297, %mul3A_307 : i32
      %add3A_309 = vector.broadcast %mul3A_308 : i32 to vector<16xi32>
      %add3A_310 = arith.addi %add3A_309, %iota3A : vector<16xi32>
      %mul3A_311 = arith.constant 993 : i32
      %mul3A_312 = vector.broadcast %mul3A_311 : i32 to vector<16xi32>
      %mul3A_313 = arith.muli %add3A_310, %mul3A_312 : vector<16xi32>
      %shift_right_arithmetic3A_314 = arith.constant 15 : i32
      %shift_right_arithmetic3A_315 = vector.broadcast %shift_right_arithmetic3A_314 : i32 to vector<16xi32>
      %shift_right_arithmetic3A_316 = arith.shrsi %mul3A_313, %shift_right_arithmetic3A_315 : vector<16xi32>
      %mul3A_317 = arith.constant 128 : i32
      %mul3A_318 = vector.broadcast %mul3A_317 : i32 to vector<16xi32>
      %mul3A_319 = arith.muli %shift_right_arithmetic3A_316, %mul3A_318 : vector<16xi32>
      %mul3A_320 = arith.constant 3 : i32
      %mul3A_321 = vector.broadcast %mul3A_320 : i32 to vector<16xi32>
      %mul3A_322 = arith.muli %add3A_310, %mul3A_321 : vector<16xi32>
      %add3A_323 = arith.addi %mul3A_319, %mul3A_322 : vector<16xi32>
      %mul3A_324 = arith.constant 99 : i32
      %mul3A_325 = vector.broadcast %mul3A_324 : i32 to vector<16xi32>
      %mul3A_326 = arith.muli %shift_right_arithmetic3A_316, %mul3A_325 : vector<16xi32>
      %sub3A_327 = arith.subi %add3A_323, %mul3A_326 : vector<16xi32>
      %add3A_328 = arith.constant 0 : i32
      %add3A_329 = vector.broadcast %add3A_328 : i32 to vector<16xi32>
      %add3A_330 = arith.addi %mul3A_306, %add3A_329 : vector<16xi32>
      %gather3A_331 = tpu.vector_load_idx %arg4[%add3A_330] : memref<40000xi32, #tpu.memory_space<vmem>>[vector<16xi32>], vector<16xi32>,
      %add3A_332 = arith.constant 0 : i32
      %add3A_333 = vector.broadcast %add3A_332 : i32 to vector<16xi32>
      %add3A_334 = arith.addi %sub3A_327, %add3A_333 : vector<16xi32>
      tpu.vector_store_idx %arg6[%add3A_334], %gather3A_331 : memref<4096xi32, #tpu.memory_space<vmem>>[vector<16xi32>], vector<16xi32>,
      %add3A_335 = arith.constant 1 : i32
      %add3A_336 = vector.broadcast %add3A_335 : i32 to vector<16xi32>
      %add3A_337 = arith.addi %mul3A_306, %add3A_336 : vector<16xi32>
      %gather3A_338 = tpu.vector_load_idx %arg4[%add3A_337] : memref<40000xi32, #tpu.memory_space<vmem>>[vector<16xi32>], vector<16xi32>,
      %add3A_339 = arith.constant 1 : i32
      %add3A_340 = vector.broadcast %add3A_339 : i32 to vector<16xi32>
      %add3A_341 = arith.addi %sub3A_327, %add3A_340 : vector<16xi32>
      tpu.vector_store_idx %arg6[%add3A_341], %gather3A_338 : memref<4096xi32, #tpu.memory_space<vmem>>[vector<16xi32>], vector<16xi32>,
      %add3A_342 = arith.constant 2 : i32
      %add3A_343 = vector.broadcast %add3A_342 : i32 to vector<16xi32>
      %add3A_344 = arith.addi %mul3A_306, %add3A_343 : vector<16xi32>
      %gather3A_345 = tpu.vector_load_idx %arg4[%add3A_344] : memref<40000xi32, #tpu.memory_space<vmem>>[vector<16xi32>], vector<16xi32>,
      %add3A_346 = arith.constant 2 : i32
      %add3A_347 = vector.broadcast %add3A_346 : i32 to vector<16xi32>
      %add3A_348 = arith.addi %sub3A_327, %add3A_347 : vector<16xi32>
      tpu.vector_store_idx %arg6[%add3A_348], %gather3A_345 : memref<4096xi32, #tpu.memory_space<vmem>>[vector<16xi32>], vector<16xi32>,
      %scan3A_349 = arith.constant 0 : i32
      %scan3A_350 = arith.constant 3 : i32
      %scan3A_351 = arith.addi %scan3A_192, %scan3A_350 : i32
      %mul3A_352 = arith.constant 16 : i32
      %mul3A_353 = arith.muli %scan3A_351, %mul3A_352 : i32
      %add3A_354 = arith.constant 6336 : i32
      %add3A_355 = arith.addi %add3A_354, %mul3A_353 : i32
      %get3A_356 = arith.index_cast %add3A_355 : i32 to index
      %get3A_357 = tpu.vector_load %arg5[%get3A_356] {strides = array<i32>} : memref<10560xi32, #tpu.memory_space<vmem>>, vector<16xi32>,
      %mul3A_358 = arith.constant 4 : i32
      %mul3A_359 = vector.broadcast %mul3A_358 : i32 to vector<16xi32>
      %mul3A_360 = arith.muli %get3A_357, %mul3A_359 : vector<16xi32>
      %mul3A_361 = arith.constant 16 : i32
      %mul3A_362 = arith.muli %scan3A_351, %mul3A_361 : i32
      %add3A_363 = vector.broadcast %mul3A_362 : i32 to vector<16xi32>
      %add3A_364 = arith.addi %add3A_363, %iota3A : vector<16xi32>
      %mul3A_365 = arith.constant 993 : i32
      %mul3A_366 = vector.broadcast %mul3A_365 : i32 to vector<16xi32>
      %mul3A_367 = arith.muli %add3A_364, %mul3A_366 : vector<16xi32>
      %shift_right_arithmetic3A_368 = arith.constant 15 : i32
      %shift_right_arithmetic3A_369 = vector.broadcast %shift_right_arithmetic3A_368 : i32 to vector<16xi32>
      %shift_right_arithmetic3A_370 = arith.shrsi %mul3A_367, %shift_right_arithmetic3A_369 : vector<16xi32>
      %mul3A_371 = arith.constant 128 : i32
      %mul3A_372 = vector.broadcast %mul3A_371 : i32 to vector<16xi32>
      %mul3A_373 = arith.muli %shift_right_arithmetic3A_370, %mul3A_372 : vector<16xi32>
      %mul3A_374 = arith.constant 3 : i32
      %mul3A_375 = vector.broadcast %mul3A_374 : i32 to vector<16xi32>
      %mul3A_376 = arith.muli %add3A_364, %mul3A_375 : vector<16xi32>
      %add3A_377 = arith.addi %mul3A_373, %mul3A_376 : vector<16xi32>
      %mul3A_378 = arith.constant 99 : i32
      %mul3A_379 = vector.broadcast %mul3A_378 : i32 to vector<16xi32>
      %mul3A_380 = arith.muli %shift_right_arithmetic3A_370, %mul3A_379 : vector<16xi32>
      %sub3A_381 = arith.subi %add3A_377, %mul3A_380 : vector<16xi32>
      %add3A_382 = arith.constant 0 : i32
      %add3A_383 = vector.broadcast %add3A_382 : i32 to vector<16xi32>
      %add3A_384 = arith.addi %mul3A_360, %add3A_383 : vector<16xi32>
      %gather3A_385 = tpu.vector_load_idx %arg4[%add3A_384] : memref<40000xi32, #tpu.memory_space<vmem>>[vector<16xi32>], vector<16xi32>,
      %add3A_386 = arith.constant 0 : i32
      %add3A_387 = vector.broadcast %add3A_386 : i32 to vector<16xi32>
      %add3A_388 = arith.addi %sub3A_381, %add3A_387 : vector<16xi32>
      tpu.vector_store_idx %arg6[%add3A_388], %gather3A_385 : memref<4096xi32, #tpu.memory_space<vmem>>[vector<16xi32>], vector<16xi32>,
      %add3A_389 = arith.constant 1 : i32
      %add3A_390 = vector.broadcast %add3A_389 : i32 to vector<16xi32>
      %add3A_391 = arith.addi %mul3A_360, %add3A_390 : vector<16xi32>
      %gather3A_392 = tpu.vector_load_idx %arg4[%add3A_391] : memref<40000xi32, #tpu.memory_space<vmem>>[vector<16xi32>], vector<16xi32>,
      %add3A_393 = arith.constant 1 : i32
      %add3A_394 = vector.broadcast %add3A_393 : i32 to vector<16xi32>
      %add3A_395 = arith.addi %sub3A_381, %add3A_394 : vector<16xi32>
      tpu.vector_store_idx %arg6[%add3A_395], %gather3A_392 : memref<4096xi32, #tpu.memory_space<vmem>>[vector<16xi32>], vector<16xi32>,
      %add3A_396 = arith.constant 2 : i32
      %add3A_397 = vector.broadcast %add3A_396 : i32 to vector<16xi32>
      %add3A_398 = arith.addi %mul3A_360, %add3A_397 : vector<16xi32>
      %gather3A_399 = tpu.vector_load_idx %arg4[%add3A_398] : memref<40000xi32, #tpu.memory_space<vmem>>[vector<16xi32>], vector<16xi32>,
      %add3A_400 = arith.constant 2 : i32
      %add3A_401 = vector.broadcast %add3A_400 : i32 to vector<16xi32>
      %add3A_402 = arith.addi %sub3A_381, %add3A_401 : vector<16xi32>
      tpu.vector_store_idx %arg6[%add3A_402], %gather3A_399 : memref<4096xi32, #tpu.memory_space<vmem>>[vector<16xi32>], vector<16xi32>,
      %scan3A_403 = arith.constant 0 : i32
      %scan3A_404 = arith.constant 4 : i32
      %scan3A_405 = arith.addi %scan3A_192, %scan3A_404 : i32
      %mul3A_406 = arith.constant 16 : i32
      %mul3A_407 = arith.muli %scan3A_405, %mul3A_406 : i32
      %add3A_408 = arith.constant 6336 : i32
      %add3A_409 = arith.addi %add3A_408, %mul3A_407 : i32
      %get3A_410 = arith.index_cast %add3A_409 : i32 to index
      %get3A_411 = tpu.vector_load %arg5[%get3A_410] {strides = array<i32>} : memref<10560xi32, #tpu.memory_space<vmem>>, vector<16xi32>,
      %mul3A_412 = arith.constant 4 : i32
      %mul3A_413 = vector.broadcast %mul3A_412 : i32 to vector<16xi32>
      %mul3A_414 = arith.muli %get3A_411, %mul3A_413 : vector<16xi32>
      %mul3A_415 = arith.constant 16 : i32
      %mul3A_416 = arith.muli %scan3A_405, %mul3A_415 : i32
      %add3A_417 = vector.broadcast %mul3A_416 : i32 to vector<16xi32>
      %add3A_418 = arith.addi %add3A_417, %iota3A : vector<16xi32>
      %mul3A_419 = arith.constant 993 : i32
      %mul3A_420 = vector.broadcast %mul3A_419 : i32 to vector<16xi32>
      %mul3A_421 = arith.muli %add3A_418, %mul3A_420 : vector<16xi32>
      %shift_right_arithmetic3A_422 = arith.constant 15 : i32
      %shift_right_arithmetic3A_423 = vector.broadcast %shift_right_arithmetic3A_422 : i32 to vector<16xi32>
      %shift_right_arithmetic3A_424 = arith.shrsi %mul3A_421, %shift_right_arithmetic3A_423 : vector<16xi32>
      %mul3A_425 = arith.constant 128 : i32
      %mul3A_426 = vector.broadcast %mul3A_425 : i32 to vector<16xi32>
      %mul3A_427 = arith.muli %shift_right_arithmetic3A_424, %mul3A_426 : vector<16xi32>
      %mul3A_428 = arith.constant 3 : i32
      %mul3A_429 = vector.broadcast %mul3A_428 : i32 to vector<16xi32>
      %mul3A_430 = arith.muli %add3A_418, %mul3A_429 : vector<16xi32>
      %add3A_431 = arith.addi %mul3A_427, %mul3A_430 : vector<16xi32>
      %mul3A_432 = arith.constant 99 : i32
      %mul3A_433 = vector.broadcast %mul3A_432 : i32 to vector<16xi32>
      %mul3A_434 = arith.muli %shift_right_arithmetic3A_424, %mul3A_433 : vector<16xi32>
      %sub3A_435 = arith.subi %add3A_431, %mul3A_434 : vector<16xi32>
      %add3A_436 = arith.constant 0 : i32
      %add3A_437 = vector.broadcast %add3A_436 : i32 to vector<16xi32>
      %add3A_438 = arith.addi %mul3A_414, %add3A_437 : vector<16xi32>
      %gather3A_439 = tpu.vector_load_idx %arg4[%add3A_438] : memref<40000xi32, #tpu.memory_space<vmem>>[vector<16xi32>], vector<16xi32>,
      %add3A_440 = arith.constant 0 : i32
      %add3A_441 = vector.broadcast %add3A_440 : i32 to vector<16xi32>
      %add3A_442 = arith.addi %sub3A_435, %add3A_441 : vector<16xi32>
      tpu.vector_store_idx %arg6[%add3A_442], %gather3A_439 : memref<4096xi32, #tpu.memory_space<vmem>>[vector<16xi32>], vector<16xi32>,
      %add3A_443 = arith.constant 1 : i32
      %add3A_444 = vector.broadcast %add3A_443 : i32 to vector<16xi32>
      %add3A_445 = arith.addi %mul3A_414, %add3A_444 : vector<16xi32>
      %gather3A_446 = tpu.vector_load_idx %arg4[%add3A_445] : memref<40000xi32, #tpu.memory_space<vmem>>[vector<16xi32>], vector<16xi32>,
      %add3A_447 = arith.constant 1 : i32
      %add3A_448 = vector.broadcast %add3A_447 : i32 to vector<16xi32>
      %add3A_449 = arith.addi %sub3A_435, %add3A_448 : vector<16xi32>
      tpu.vector_store_idx %arg6[%add3A_449], %gather3A_446 : memref<4096xi32, #tpu.memory_space<vmem>>[vector<16xi32>], vector<16xi32>,
      %add3A_450 = arith.constant 2 : i32
      %add3A_451 = vector.broadcast %add3A_450 : i32 to vector<16xi32>
      %add3A_452 = arith.addi %mul3A_414, %add3A_451 : vector<16xi32>
      %gather3A_453 = tpu.vector_load_idx %arg4[%add3A_452] : memref<40000xi32, #tpu.memory_space<vmem>>[vector<16xi32>], vector<16xi32>,
      %add3A_454 = arith.constant 2 : i32
      %add3A_455 = vector.broadcast %add3A_454 : i32 to vector<16xi32>
      %add3A_456 = arith.addi %sub3A_435, %add3A_455 : vector<16xi32>
      tpu.vector_store_idx %arg6[%add3A_456], %gather3A_453 : memref<4096xi32, #tpu.memory_space<vmem>>[vector<16xi32>], vector<16xi32>,
      %scan3A_457 = arith.constant 0 : i32
      %scan3A_458 = arith.constant 5 : i32
      %scan3A_459 = arith.addi %scan3A_192, %scan3A_458 : i32
      %mul3A_460 = arith.constant 16 : i32
      %mul3A_461 = arith.muli %scan3A_459, %mul3A_460 : i32
      %add3A_462 = arith.constant 6336 : i32
      %add3A_463 = arith.addi %add3A_462, %mul3A_461 : i32
      %get3A_464 = arith.index_cast %add3A_463 : i32 to index
      %get3A_465 = tpu.vector_load %arg5[%get3A_464] {strides = array<i32>} : memref<10560xi32, #tpu.memory_space<vmem>>, vector<16xi32>,
      %mul3A_466 = arith.constant 4 : i32
      %mul3A_467 = vector.broadcast %mul3A_466 : i32 to vector<16xi32>
      %mul3A_468 = arith.muli %get3A_465, %mul3A_467 : vector<16xi32>
      %mul3A_469 = arith.constant 16 : i32
      %mul3A_470 = arith.muli %scan3A_459, %mul3A_469 : i32
      %add3A_471 = vector.broadcast %mul3A_470 : i32 to vector<16xi32>
      %add3A_472 = arith.addi %add3A_471, %iota3A : vector<16xi32>
      %mul3A_473 = arith.constant 993 : i32
      %mul3A_474 = vector.broadcast %mul3A_473 : i32 to vector<16xi32>
      %mul3A_475 = arith.muli %add3A_472, %mul3A_474 : vector<16xi32>
      %shift_right_arithmetic3A_476 = arith.constant 15 : i32
      %shift_right_arithmetic3A_477 = vector.broadcast %shift_right_arithmetic3A_476 : i32 to vector<16xi32>
      %shift_right_arithmetic3A_478 = arith.shrsi %mul3A_475, %shift_right_arithmetic3A_477 : vector<16xi32>
      %mul3A_479 = arith.constant 128 : i32
      %mul3A_480 = vector.broadcast %mul3A_479 : i32 to vector<16xi32>
      %mul3A_481 = arith.muli %shift_right_arithmetic3A_478, %mul3A_480 : vector<16xi32>
      %mul3A_482 = arith.constant 3 : i32
      %mul3A_483 = vector.broadcast %mul3A_482 : i32 to vector<16xi32>
      %mul3A_484 = arith.muli %add3A_472, %mul3A_483 : vector<16xi32>
      %add3A_485 = arith.addi %mul3A_481, %mul3A_484 : vector<16xi32>
      %mul3A_486 = arith.constant 99 : i32
      %mul3A_487 = vector.broadcast %mul3A_486 : i32 to vector<16xi32>
      %mul3A_488 = arith.muli %shift_right_arithmetic3A_478, %mul3A_487 : vector<16xi32>
      %sub3A_489 = arith.subi %add3A_485, %mul3A_488 : vector<16xi32>
      %add3A_490 = arith.constant 0 : i32
      %add3A_491 = vector.broadcast %add3A_490 : i32 to vector<16xi32>
      %add3A_492 = arith.addi %mul3A_468, %add3A_491 : vector<16xi32>
      %gather3A_493 = tpu.vector_load_idx %arg4[%add3A_492] : memref<40000xi32, #tpu.memory_space<vmem>>[vector<16xi32>], vector<16xi32>,
      %add3A_494 = arith.constant 0 : i32
      %add3A_495 = vector.broadcast %add3A_494 : i32 to vector<16xi32>
      %add3A_496 = arith.addi %sub3A_489, %add3A_495 : vector<16xi32>
      tpu.vector_store_idx %arg6[%add3A_496], %gather3A_493 : memref<4096xi32, #tpu.memory_space<vmem>>[vector<16xi32>], vector<16xi32>,
      %add3A_497 = arith.constant 1 : i32
      %add3A_498 = vector.broadcast %add3A_497 : i32 to vector<16xi32>
      %add3A_499 = arith.addi %mul3A_468, %add3A_498 : vector<16xi32>
      %gather3A_500 = tpu.vector_load_idx %arg4[%add3A_499] : memref<40000xi32, #tpu.memory_space<vmem>>[vector<16xi32>], vector<16xi32>,
      %add3A_501 = arith.constant 1 : i32
      %add3A_502 = vector.broadcast %add3A_501 : i32 to vector<16xi32>
      %add3A_503 = arith.addi %sub3A_489, %add3A_502 : vector<16xi32>
      tpu.vector_store_idx %arg6[%add3A_503], %gather3A_500 : memref<4096xi32, #tpu.memory_space<vmem>>[vector<16xi32>], vector<16xi32>,
      %add3A_504 = arith.constant 2 : i32
      %add3A_505 = vector.broadcast %add3A_504 : i32 to vector<16xi32>
      %add3A_506 = arith.addi %mul3A_468, %add3A_505 : vector<16xi32>
      %gather3A_507 = tpu.vector_load_idx %arg4[%add3A_506] : memref<40000xi32, #tpu.memory_space<vmem>>[vector<16xi32>], vector<16xi32>,
      %add3A_508 = arith.constant 2 : i32
      %add3A_509 = vector.broadcast %add3A_508 : i32 to vector<16xi32>
      %add3A_510 = arith.addi %sub3A_489, %add3A_509 : vector<16xi32>
      tpu.vector_store_idx %arg6[%add3A_510], %gather3A_507 : memref<4096xi32, #tpu.memory_space<vmem>>[vector<16xi32>], vector<16xi32>,
      %scan3A_511 = arith.constant 0 : i32
      scf.yield %scan3A_511 : i32
    }
    %scan3A_128 = arith.constant 66 : i32
    %mul3A_129 = arith.constant 320 : i32
    %mul3A_130 = arith.muli %add3A, %mul3A_129 : i32
    %add3A_131 = arith.constant 192 : i32
    %add3A_132 = arith.addi %mul3A_130, %add3A_131 : i32
    %mul3A_133 = arith.constant 128 : i32
    %mul3A_134 = arith.muli %add3A_132, %mul3A_133 : i32
    %dma_start3A_135 = tpu.memref_slice %arg3[%mul3A_134] : memref<1310720xi32, #tpu.memory_space<hbm>> -> memref<4096xi32, #tpu.memory_space<hbm>>
    %dma_start3A_136 = tpu.memref_slice %arg3[%mul3A_134] : memref<1310720xi32, #tpu.memory_space<hbm>> -> memref<4096xi32, #tpu.memory_space<hbm>>
    tpu.enqueue_dma source(%arg6 : memref<4096xi32, #tpu.memory_space<vmem>>) target(%dma_start3A_136 : memref<4096xi32, #tpu.memory_space<hbm>>) target_semaphore(%arg9 : memref<!tpu.dma_semaphore, #tpu.memory_space<semaphore_mem>>)
    %dma_wait3A_137 = tpu.memref_slice %arg3[%mul3A_117] : memref<1310720xi32, #tpu.memory_space<hbm>> -> memref<4096xi32, #tpu.memory_space<hbm>>
    %dma_wait3A_138 = tpu.memref_slice %arg3[%mul3A_117] : memref<1310720xi32, #tpu.memory_space<hbm>> -> memref<4096xi32, #tpu.memory_space<hbm>>
    tpu.wait_dma2 semaphore(%arg9 : memref<!tpu.dma_semaphore, #tpu.memory_space<semaphore_mem>>) src(%arg7 : memref<4096xi32, #tpu.memory_space<vmem>>) dst(%dma_wait3A_138 : memref<4096xi32, #tpu.memory_space<hbm>>)
    %scan3A_139 = arith.constant 0 : i32
    %scan3A_140 = arith.constant 0 : i32
    %scan3A_141 = arith.constant 66 : i32
    %scan3A_142 = arith.addi %scan3A_140, %scan3A_141 : i32
    %scan3A_143 = arith.constant 6 : i32
    %scan3A_144 = scf.for %scan3A_192 = %scan3A_140 to %scan3A_142 step %scan3A_143 iter_args(%scan3A_193 = %scan3A_139) -> (i32)  : i32 {
      %mul3A_194 = arith.constant 16 : i32
      %mul3A_195 = arith.muli %scan3A_192, %mul3A_194 : i32
      %add3A_196 = arith.constant 7392 : i32
      %add3A_197 = arith.addi %add3A_196, %mul3A_195 : i32
      %get3A = arith.index_cast %add3A_197 : i32 to index
      %get3A_198 = tpu.vector_load %arg5[%get3A] {strides = array<i32>} : memref<10560xi32, #tpu.memory_space<vmem>>, vector<16xi32>,
      %mul3A_199 = arith.constant 4 : i32
      %mul3A_200 = vector.broadcast %mul3A_199 : i32 to vector<16xi32>
      %mul3A_201 = arith.muli %get3A_198, %mul3A_200 : vector<16xi32>
      %mul3A_202 = arith.constant 16 : i32
      %mul3A_203 = arith.muli %scan3A_192, %mul3A_202 : i32
      %add3A_204 = vector.broadcast %mul3A_203 : i32 to vector<16xi32>
      %add3A_205 = arith.addi %add3A_204, %iota3A : vector<16xi32>
      %mul3A_206 = arith.constant 993 : i32
      %mul3A_207 = vector.broadcast %mul3A_206 : i32 to vector<16xi32>
      %mul3A_208 = arith.muli %add3A_205, %mul3A_207 : vector<16xi32>
      %shift_right_arithmetic3A = arith.constant 15 : i32
      %shift_right_arithmetic3A_209 = vector.broadcast %shift_right_arithmetic3A : i32 to vector<16xi32>
      %shift_right_arithmetic3A_210 = arith.shrsi %mul3A_208, %shift_right_arithmetic3A_209 : vector<16xi32>
      %mul3A_211 = arith.constant 128 : i32
      %mul3A_212 = vector.broadcast %mul3A_211 : i32 to vector<16xi32>
      %mul3A_213 = arith.muli %shift_right_arithmetic3A_210, %mul3A_212 : vector<16xi32>
      %mul3A_214 = arith.constant 3 : i32
      %mul3A_215 = vector.broadcast %mul3A_214 : i32 to vector<16xi32>
      %mul3A_216 = arith.muli %add3A_205, %mul3A_215 : vector<16xi32>
      %add3A_217 = arith.addi %mul3A_213, %mul3A_216 : vector<16xi32>
      %mul3A_218 = arith.constant 99 : i32
      %mul3A_219 = vector.broadcast %mul3A_218 : i32 to vector<16xi32>
      %mul3A_220 = arith.muli %shift_right_arithmetic3A_210, %mul3A_219 : vector<16xi32>
      %sub3A = arith.subi %add3A_217, %mul3A_220 : vector<16xi32>
      %add3A_221 = arith.constant 0 : i32
      %add3A_222 = vector.broadcast %add3A_221 : i32 to vector<16xi32>
      %add3A_223 = arith.addi %mul3A_201, %add3A_222 : vector<16xi32>
      %gather3A = tpu.vector_load_idx %arg4[%add3A_223] : memref<40000xi32, #tpu.memory_space<vmem>>[vector<16xi32>], vector<16xi32>,
      %add3A_224 = arith.constant 0 : i32
      %add3A_225 = vector.broadcast %add3A_224 : i32 to vector<16xi32>
      %add3A_226 = arith.addi %sub3A, %add3A_225 : vector<16xi32>
      tpu.vector_store_idx %arg7[%add3A_226], %gather3A : memref<4096xi32, #tpu.memory_space<vmem>>[vector<16xi32>], vector<16xi32>,
      %add3A_227 = arith.constant 1 : i32
      %add3A_228 = vector.broadcast %add3A_227 : i32 to vector<16xi32>
      %add3A_229 = arith.addi %mul3A_201, %add3A_228 : vector<16xi32>
      %gather3A_230 = tpu.vector_load_idx %arg4[%add3A_229] : memref<40000xi32, #tpu.memory_space<vmem>>[vector<16xi32>], vector<16xi32>,
      %add3A_231 = arith.constant 1 : i32
      %add3A_232 = vector.broadcast %add3A_231 : i32 to vector<16xi32>
      %add3A_233 = arith.addi %sub3A, %add3A_232 : vector<16xi32>
      tpu.vector_store_idx %arg7[%add3A_233], %gather3A_230 : memref<4096xi32, #tpu.memory_space<vmem>>[vector<16xi32>], vector<16xi32>,
      %add3A_234 = arith.constant 2 : i32
      %add3A_235 = vector.broadcast %add3A_234 : i32 to vector<16xi32>
      %add3A_236 = arith.addi %mul3A_201, %add3A_235 : vector<16xi32>
      %gather3A_237 = tpu.vector_load_idx %arg4[%add3A_236] : memref<40000xi32, #tpu.memory_space<vmem>>[vector<16xi32>], vector<16xi32>,
      %add3A_238 = arith.constant 2 : i32
      %add3A_239 = vector.broadcast %add3A_238 : i32 to vector<16xi32>
      %add3A_240 = arith.addi %sub3A, %add3A_239 : vector<16xi32>
      tpu.vector_store_idx %arg7[%add3A_240], %gather3A_237 : memref<4096xi32, #tpu.memory_space<vmem>>[vector<16xi32>], vector<16xi32>,
      %scan3A_241 = arith.constant 0 : i32
      %scan3A_242 = arith.constant 1 : i32
      %scan3A_243 = arith.addi %scan3A_192, %scan3A_242 : i32
      %mul3A_244 = arith.constant 16 : i32
      %mul3A_245 = arith.muli %scan3A_243, %mul3A_244 : i32
      %add3A_246 = arith.constant 7392 : i32
      %add3A_247 = arith.addi %add3A_246, %mul3A_245 : i32
      %get3A_248 = arith.index_cast %add3A_247 : i32 to index
      %get3A_249 = tpu.vector_load %arg5[%get3A_248] {strides = array<i32>} : memref<10560xi32, #tpu.memory_space<vmem>>, vector<16xi32>,
      %mul3A_250 = arith.constant 4 : i32
      %mul3A_251 = vector.broadcast %mul3A_250 : i32 to vector<16xi32>
      %mul3A_252 = arith.muli %get3A_249, %mul3A_251 : vector<16xi32>
      %mul3A_253 = arith.constant 16 : i32
      %mul3A_254 = arith.muli %scan3A_243, %mul3A_253 : i32
      %add3A_255 = vector.broadcast %mul3A_254 : i32 to vector<16xi32>
      %add3A_256 = arith.addi %add3A_255, %iota3A : vector<16xi32>
      %mul3A_257 = arith.constant 993 : i32
      %mul3A_258 = vector.broadcast %mul3A_257 : i32 to vector<16xi32>
      %mul3A_259 = arith.muli %add3A_256, %mul3A_258 : vector<16xi32>
      %shift_right_arithmetic3A_260 = arith.constant 15 : i32
      %shift_right_arithmetic3A_261 = vector.broadcast %shift_right_arithmetic3A_260 : i32 to vector<16xi32>
      %shift_right_arithmetic3A_262 = arith.shrsi %mul3A_259, %shift_right_arithmetic3A_261 : vector<16xi32>
      %mul3A_263 = arith.constant 128 : i32
      %mul3A_264 = vector.broadcast %mul3A_263 : i32 to vector<16xi32>
      %mul3A_265 = arith.muli %shift_right_arithmetic3A_262, %mul3A_264 : vector<16xi32>
      %mul3A_266 = arith.constant 3 : i32
      %mul3A_267 = vector.broadcast %mul3A_266 : i32 to vector<16xi32>
      %mul3A_268 = arith.muli %add3A_256, %mul3A_267 : vector<16xi32>
      %add3A_269 = arith.addi %mul3A_265, %mul3A_268 : vector<16xi32>
      %mul3A_270 = arith.constant 99 : i32
      %mul3A_271 = vector.broadcast %mul3A_270 : i32 to vector<16xi32>
      %mul3A_272 = arith.muli %shift_right_arithmetic3A_262, %mul3A_271 : vector<16xi32>
      %sub3A_273 = arith.subi %add3A_269, %mul3A_272 : vector<16xi32>
      %add3A_274 = arith.constant 0 : i32
      %add3A_275 = vector.broadcast %add3A_274 : i32 to vector<16xi32>
      %add3A_276 = arith.addi %mul3A_252, %add3A_275 : vector<16xi32>
      %gather3A_277 = tpu.vector_load_idx %arg4[%add3A_276] : memref<40000xi32, #tpu.memory_space<vmem>>[vector<16xi32>], vector<16xi32>,
      %add3A_278 = arith.constant 0 : i32
      %add3A_279 = vector.broadcast %add3A_278 : i32 to vector<16xi32>
      %add3A_280 = arith.addi %sub3A_273, %add3A_279 : vector<16xi32>
      tpu.vector_store_idx %arg7[%add3A_280], %gather3A_277 : memref<4096xi32, #tpu.memory_space<vmem>>[vector<16xi32>], vector<16xi32>,
      %add3A_281 = arith.constant 1 : i32
      %add3A_282 = vector.broadcast %add3A_281 : i32 to vector<16xi32>
      %add3A_283 = arith.addi %mul3A_252, %add3A_282 : vector<16xi32>
      %gather3A_284 = tpu.vector_load_idx %arg4[%add3A_283] : memref<40000xi32, #tpu.memory_space<vmem>>[vector<16xi32>], vector<16xi32>,
      %add3A_285 = arith.constant 1 : i32
      %add3A_286 = vector.broadcast %add3A_285 : i32 to vector<16xi32>
      %add3A_287 = arith.addi %sub3A_273, %add3A_286 : vector<16xi32>
      tpu.vector_store_idx %arg7[%add3A_287], %gather3A_284 : memref<4096xi32, #tpu.memory_space<vmem>>[vector<16xi32>], vector<16xi32>,
      %add3A_288 = arith.constant 2 : i32
      %add3A_289 = vector.broadcast %add3A_288 : i32 to vector<16xi32>
      %add3A_290 = arith.addi %mul3A_252, %add3A_289 : vector<16xi32>
      %gather3A_291 = tpu.vector_load_idx %arg4[%add3A_290] : memref<40000xi32, #tpu.memory_space<vmem>>[vector<16xi32>], vector<16xi32>,
      %add3A_292 = arith.constant 2 : i32
      %add3A_293 = vector.broadcast %add3A_292 : i32 to vector<16xi32>
      %add3A_294 = arith.addi %sub3A_273, %add3A_293 : vector<16xi32>
      tpu.vector_store_idx %arg7[%add3A_294], %gather3A_291 : memref<4096xi32, #tpu.memory_space<vmem>>[vector<16xi32>], vector<16xi32>,
      %scan3A_295 = arith.constant 0 : i32
      %scan3A_296 = arith.constant 2 : i32
      %scan3A_297 = arith.addi %scan3A_192, %scan3A_296 : i32
      %mul3A_298 = arith.constant 16 : i32
      %mul3A_299 = arith.muli %scan3A_297, %mul3A_298 : i32
      %add3A_300 = arith.constant 7392 : i32
      %add3A_301 = arith.addi %add3A_300, %mul3A_299 : i32
      %get3A_302 = arith.index_cast %add3A_301 : i32 to index
      %get3A_303 = tpu.vector_load %arg5[%get3A_302] {strides = array<i32>} : memref<10560xi32, #tpu.memory_space<vmem>>, vector<16xi32>,
      %mul3A_304 = arith.constant 4 : i32
      %mul3A_305 = vector.broadcast %mul3A_304 : i32 to vector<16xi32>
      %mul3A_306 = arith.muli %get3A_303, %mul3A_305 : vector<16xi32>
      %mul3A_307 = arith.constant 16 : i32
      %mul3A_308 = arith.muli %scan3A_297, %mul3A_307 : i32
      %add3A_309 = vector.broadcast %mul3A_308 : i32 to vector<16xi32>
      %add3A_310 = arith.addi %add3A_309, %iota3A : vector<16xi32>
      %mul3A_311 = arith.constant 993 : i32
      %mul3A_312 = vector.broadcast %mul3A_311 : i32 to vector<16xi32>
      %mul3A_313 = arith.muli %add3A_310, %mul3A_312 : vector<16xi32>
      %shift_right_arithmetic3A_314 = arith.constant 15 : i32
      %shift_right_arithmetic3A_315 = vector.broadcast %shift_right_arithmetic3A_314 : i32 to vector<16xi32>
      %shift_right_arithmetic3A_316 = arith.shrsi %mul3A_313, %shift_right_arithmetic3A_315 : vector<16xi32>
      %mul3A_317 = arith.constant 128 : i32
      %mul3A_318 = vector.broadcast %mul3A_317 : i32 to vector<16xi32>
      %mul3A_319 = arith.muli %shift_right_arithmetic3A_316, %mul3A_318 : vector<16xi32>
      %mul3A_320 = arith.constant 3 : i32
      %mul3A_321 = vector.broadcast %mul3A_320 : i32 to vector<16xi32>
      %mul3A_322 = arith.muli %add3A_310, %mul3A_321 : vector<16xi32>
      %add3A_323 = arith.addi %mul3A_319, %mul3A_322 : vector<16xi32>
      %mul3A_324 = arith.constant 99 : i32
      %mul3A_325 = vector.broadcast %mul3A_324 : i32 to vector<16xi32>
      %mul3A_326 = arith.muli %shift_right_arithmetic3A_316, %mul3A_325 : vector<16xi32>
      %sub3A_327 = arith.subi %add3A_323, %mul3A_326 : vector<16xi32>
      %add3A_328 = arith.constant 0 : i32
      %add3A_329 = vector.broadcast %add3A_328 : i32 to vector<16xi32>
      %add3A_330 = arith.addi %mul3A_306, %add3A_329 : vector<16xi32>
      %gather3A_331 = tpu.vector_load_idx %arg4[%add3A_330] : memref<40000xi32, #tpu.memory_space<vmem>>[vector<16xi32>], vector<16xi32>,
      %add3A_332 = arith.constant 0 : i32
      %add3A_333 = vector.broadcast %add3A_332 : i32 to vector<16xi32>
      %add3A_334 = arith.addi %sub3A_327, %add3A_333 : vector<16xi32>
      tpu.vector_store_idx %arg7[%add3A_334], %gather3A_331 : memref<4096xi32, #tpu.memory_space<vmem>>[vector<16xi32>], vector<16xi32>,
      %add3A_335 = arith.constant 1 : i32
      %add3A_336 = vector.broadcast %add3A_335 : i32 to vector<16xi32>
      %add3A_337 = arith.addi %mul3A_306, %add3A_336 : vector<16xi32>
      %gather3A_338 = tpu.vector_load_idx %arg4[%add3A_337] : memref<40000xi32, #tpu.memory_space<vmem>>[vector<16xi32>], vector<16xi32>,
      %add3A_339 = arith.constant 1 : i32
      %add3A_340 = vector.broadcast %add3A_339 : i32 to vector<16xi32>
      %add3A_341 = arith.addi %sub3A_327, %add3A_340 : vector<16xi32>
      tpu.vector_store_idx %arg7[%add3A_341], %gather3A_338 : memref<4096xi32, #tpu.memory_space<vmem>>[vector<16xi32>], vector<16xi32>,
      %add3A_342 = arith.constant 2 : i32
      %add3A_343 = vector.broadcast %add3A_342 : i32 to vector<16xi32>
      %add3A_344 = arith.addi %mul3A_306, %add3A_343 : vector<16xi32>
      %gather3A_345 = tpu.vector_load_idx %arg4[%add3A_344] : memref<40000xi32, #tpu.memory_space<vmem>>[vector<16xi32>], vector<16xi32>,
      %add3A_346 = arith.constant 2 : i32
      %add3A_347 = vector.broadcast %add3A_346 : i32 to vector<16xi32>
      %add3A_348 = arith.addi %sub3A_327, %add3A_347 : vector<16xi32>
      tpu.vector_store_idx %arg7[%add3A_348], %gather3A_345 : memref<4096xi32, #tpu.memory_space<vmem>>[vector<16xi32>], vector<16xi32>,
      %scan3A_349 = arith.constant 0 : i32
      %scan3A_350 = arith.constant 3 : i32
      %scan3A_351 = arith.addi %scan3A_192, %scan3A_350 : i32
      %mul3A_352 = arith.constant 16 : i32
      %mul3A_353 = arith.muli %scan3A_351, %mul3A_352 : i32
      %add3A_354 = arith.constant 7392 : i32
      %add3A_355 = arith.addi %add3A_354, %mul3A_353 : i32
      %get3A_356 = arith.index_cast %add3A_355 : i32 to index
      %get3A_357 = tpu.vector_load %arg5[%get3A_356] {strides = array<i32>} : memref<10560xi32, #tpu.memory_space<vmem>>, vector<16xi32>,
      %mul3A_358 = arith.constant 4 : i32
      %mul3A_359 = vector.broadcast %mul3A_358 : i32 to vector<16xi32>
      %mul3A_360 = arith.muli %get3A_357, %mul3A_359 : vector<16xi32>
      %mul3A_361 = arith.constant 16 : i32
      %mul3A_362 = arith.muli %scan3A_351, %mul3A_361 : i32
      %add3A_363 = vector.broadcast %mul3A_362 : i32 to vector<16xi32>
      %add3A_364 = arith.addi %add3A_363, %iota3A : vector<16xi32>
      %mul3A_365 = arith.constant 993 : i32
      %mul3A_366 = vector.broadcast %mul3A_365 : i32 to vector<16xi32>
      %mul3A_367 = arith.muli %add3A_364, %mul3A_366 : vector<16xi32>
      %shift_right_arithmetic3A_368 = arith.constant 15 : i32
      %shift_right_arithmetic3A_369 = vector.broadcast %shift_right_arithmetic3A_368 : i32 to vector<16xi32>
      %shift_right_arithmetic3A_370 = arith.shrsi %mul3A_367, %shift_right_arithmetic3A_369 : vector<16xi32>
      %mul3A_371 = arith.constant 128 : i32
      %mul3A_372 = vector.broadcast %mul3A_371 : i32 to vector<16xi32>
      %mul3A_373 = arith.muli %shift_right_arithmetic3A_370, %mul3A_372 : vector<16xi32>
      %mul3A_374 = arith.constant 3 : i32
      %mul3A_375 = vector.broadcast %mul3A_374 : i32 to vector<16xi32>
      %mul3A_376 = arith.muli %add3A_364, %mul3A_375 : vector<16xi32>
      %add3A_377 = arith.addi %mul3A_373, %mul3A_376 : vector<16xi32>
      %mul3A_378 = arith.constant 99 : i32
      %mul3A_379 = vector.broadcast %mul3A_378 : i32 to vector<16xi32>
      %mul3A_380 = arith.muli %shift_right_arithmetic3A_370, %mul3A_379 : vector<16xi32>
      %sub3A_381 = arith.subi %add3A_377, %mul3A_380 : vector<16xi32>
      %add3A_382 = arith.constant 0 : i32
      %add3A_383 = vector.broadcast %add3A_382 : i32 to vector<16xi32>
      %add3A_384 = arith.addi %mul3A_360, %add3A_383 : vector<16xi32>
      %gather3A_385 = tpu.vector_load_idx %arg4[%add3A_384] : memref<40000xi32, #tpu.memory_space<vmem>>[vector<16xi32>], vector<16xi32>,
      %add3A_386 = arith.constant 0 : i32
      %add3A_387 = vector.broadcast %add3A_386 : i32 to vector<16xi32>
      %add3A_388 = arith.addi %sub3A_381, %add3A_387 : vector<16xi32>
      tpu.vector_store_idx %arg7[%add3A_388], %gather3A_385 : memref<4096xi32, #tpu.memory_space<vmem>>[vector<16xi32>], vector<16xi32>,
      %add3A_389 = arith.constant 1 : i32
      %add3A_390 = vector.broadcast %add3A_389 : i32 to vector<16xi32>
      %add3A_391 = arith.addi %mul3A_360, %add3A_390 : vector<16xi32>
      %gather3A_392 = tpu.vector_load_idx %arg4[%add3A_391] : memref<40000xi32, #tpu.memory_space<vmem>>[vector<16xi32>], vector<16xi32>,
      %add3A_393 = arith.constant 1 : i32
      %add3A_394 = vector.broadcast %add3A_393 : i32 to vector<16xi32>
      %add3A_395 = arith.addi %sub3A_381, %add3A_394 : vector<16xi32>
      tpu.vector_store_idx %arg7[%add3A_395], %gather3A_392 : memref<4096xi32, #tpu.memory_space<vmem>>[vector<16xi32>], vector<16xi32>,
      %add3A_396 = arith.constant 2 : i32
      %add3A_397 = vector.broadcast %add3A_396 : i32 to vector<16xi32>
      %add3A_398 = arith.addi %mul3A_360, %add3A_397 : vector<16xi32>
      %gather3A_399 = tpu.vector_load_idx %arg4[%add3A_398] : memref<40000xi32, #tpu.memory_space<vmem>>[vector<16xi32>], vector<16xi32>,
      %add3A_400 = arith.constant 2 : i32
      %add3A_401 = vector.broadcast %add3A_400 : i32 to vector<16xi32>
      %add3A_402 = arith.addi %sub3A_381, %add3A_401 : vector<16xi32>
      tpu.vector_store_idx %arg7[%add3A_402], %gather3A_399 : memref<4096xi32, #tpu.memory_space<vmem>>[vector<16xi32>], vector<16xi32>,
      %scan3A_403 = arith.constant 0 : i32
      %scan3A_404 = arith.constant 4 : i32
      %scan3A_405 = arith.addi %scan3A_192, %scan3A_404 : i32
      %mul3A_406 = arith.constant 16 : i32
      %mul3A_407 = arith.muli %scan3A_405, %mul3A_406 : i32
      %add3A_408 = arith.constant 7392 : i32
      %add3A_409 = arith.addi %add3A_408, %mul3A_407 : i32
      %get3A_410 = arith.index_cast %add3A_409 : i32 to index
      %get3A_411 = tpu.vector_load %arg5[%get3A_410] {strides = array<i32>} : memref<10560xi32, #tpu.memory_space<vmem>>, vector<16xi32>,
      %mul3A_412 = arith.constant 4 : i32
      %mul3A_413 = vector.broadcast %mul3A_412 : i32 to vector<16xi32>
      %mul3A_414 = arith.muli %get3A_411, %mul3A_413 : vector<16xi32>
      %mul3A_415 = arith.constant 16 : i32
      %mul3A_416 = arith.muli %scan3A_405, %mul3A_415 : i32
      %add3A_417 = vector.broadcast %mul3A_416 : i32 to vector<16xi32>
      %add3A_418 = arith.addi %add3A_417, %iota3A : vector<16xi32>
      %mul3A_419 = arith.constant 993 : i32
      %mul3A_420 = vector.broadcast %mul3A_419 : i32 to vector<16xi32>
      %mul3A_421 = arith.muli %add3A_418, %mul3A_420 : vector<16xi32>
      %shift_right_arithmetic3A_422 = arith.constant 15 : i32
      %shift_right_arithmetic3A_423 = vector.broadcast %shift_right_arithmetic3A_422 : i32 to vector<16xi32>
      %shift_right_arithmetic3A_424 = arith.shrsi %mul3A_421, %shift_right_arithmetic3A_423 : vector<16xi32>
      %mul3A_425 = arith.constant 128 : i32
      %mul3A_426 = vector.broadcast %mul3A_425 : i32 to vector<16xi32>
      %mul3A_427 = arith.muli %shift_right_arithmetic3A_424, %mul3A_426 : vector<16xi32>
      %mul3A_428 = arith.constant 3 : i32
      %mul3A_429 = vector.broadcast %mul3A_428 : i32 to vector<16xi32>
      %mul3A_430 = arith.muli %add3A_418, %mul3A_429 : vector<16xi32>
      %add3A_431 = arith.addi %mul3A_427, %mul3A_430 : vector<16xi32>
      %mul3A_432 = arith.constant 99 : i32
      %mul3A_433 = vector.broadcast %mul3A_432 : i32 to vector<16xi32>
      %mul3A_434 = arith.muli %shift_right_arithmetic3A_424, %mul3A_433 : vector<16xi32>
      %sub3A_435 = arith.subi %add3A_431, %mul3A_434 : vector<16xi32>
      %add3A_436 = arith.constant 0 : i32
      %add3A_437 = vector.broadcast %add3A_436 : i32 to vector<16xi32>
      %add3A_438 = arith.addi %mul3A_414, %add3A_437 : vector<16xi32>
      %gather3A_439 = tpu.vector_load_idx %arg4[%add3A_438] : memref<40000xi32, #tpu.memory_space<vmem>>[vector<16xi32>], vector<16xi32>,
      %add3A_440 = arith.constant 0 : i32
      %add3A_441 = vector.broadcast %add3A_440 : i32 to vector<16xi32>
      %add3A_442 = arith.addi %sub3A_435, %add3A_441 : vector<16xi32>
      tpu.vector_store_idx %arg7[%add3A_442], %gather3A_439 : memref<4096xi32, #tpu.memory_space<vmem>>[vector<16xi32>], vector<16xi32>,
      %add3A_443 = arith.constant 1 : i32
      %add3A_444 = vector.broadcast %add3A_443 : i32 to vector<16xi32>
      %add3A_445 = arith.addi %mul3A_414, %add3A_444 : vector<16xi32>
      %gather3A_446 = tpu.vector_load_idx %arg4[%add3A_445] : memref<40000xi32, #tpu.memory_space<vmem>>[vector<16xi32>], vector<16xi32>,
      %add3A_447 = arith.constant 1 : i32
      %add3A_448 = vector.broadcast %add3A_447 : i32 to vector<16xi32>
      %add3A_449 = arith.addi %sub3A_435, %add3A_448 : vector<16xi32>
      tpu.vector_store_idx %arg7[%add3A_449], %gather3A_446 : memref<4096xi32, #tpu.memory_space<vmem>>[vector<16xi32>], vector<16xi32>,
      %add3A_450 = arith.constant 2 : i32
      %add3A_451 = vector.broadcast %add3A_450 : i32 to vector<16xi32>
      %add3A_452 = arith.addi %mul3A_414, %add3A_451 : vector<16xi32>
      %gather3A_453 = tpu.vector_load_idx %arg4[%add3A_452] : memref<40000xi32, #tpu.memory_space<vmem>>[vector<16xi32>], vector<16xi32>,
      %add3A_454 = arith.constant 2 : i32
      %add3A_455 = vector.broadcast %add3A_454 : i32 to vector<16xi32>
      %add3A_456 = arith.addi %sub3A_435, %add3A_455 : vector<16xi32>
      tpu.vector_store_idx %arg7[%add3A_456], %gather3A_453 : memref<4096xi32, #tpu.memory_space<vmem>>[vector<16xi32>], vector<16xi32>,
      %scan3A_457 = arith.constant 0 : i32
      %scan3A_458 = arith.constant 5 : i32
      %scan3A_459 = arith.addi %scan3A_192, %scan3A_458 : i32
      %mul3A_460 = arith.constant 16 : i32
      %mul3A_461 = arith.muli %scan3A_459, %mul3A_460 : i32
      %add3A_462 = arith.constant 7392 : i32
      %add3A_463 = arith.addi %add3A_462, %mul3A_461 : i32
      %get3A_464 = arith.index_cast %add3A_463 : i32 to index
      %get3A_465 = tpu.vector_load %arg5[%get3A_464] {strides = array<i32>} : memref<10560xi32, #tpu.memory_space<vmem>>, vector<16xi32>,
      %mul3A_466 = arith.constant 4 : i32
      %mul3A_467 = vector.broadcast %mul3A_466 : i32 to vector<16xi32>
      %mul3A_468 = arith.muli %get3A_465, %mul3A_467 : vector<16xi32>
      %mul3A_469 = arith.constant 16 : i32
      %mul3A_470 = arith.muli %scan3A_459, %mul3A_469 : i32
      %add3A_471 = vector.broadcast %mul3A_470 : i32 to vector<16xi32>
      %add3A_472 = arith.addi %add3A_471, %iota3A : vector<16xi32>
      %mul3A_473 = arith.constant 993 : i32
      %mul3A_474 = vector.broadcast %mul3A_473 : i32 to vector<16xi32>
      %mul3A_475 = arith.muli %add3A_472, %mul3A_474 : vector<16xi32>
      %shift_right_arithmetic3A_476 = arith.constant 15 : i32
      %shift_right_arithmetic3A_477 = vector.broadcast %shift_right_arithmetic3A_476 : i32 to vector<16xi32>
      %shift_right_arithmetic3A_478 = arith.shrsi %mul3A_475, %shift_right_arithmetic3A_477 : vector<16xi32>
      %mul3A_479 = arith.constant 128 : i32
      %mul3A_480 = vector.broadcast %mul3A_479 : i32 to vector<16xi32>
      %mul3A_481 = arith.muli %shift_right_arithmetic3A_478, %mul3A_480 : vector<16xi32>
      %mul3A_482 = arith.constant 3 : i32
      %mul3A_483 = vector.broadcast %mul3A_482 : i32 to vector<16xi32>
      %mul3A_484 = arith.muli %add3A_472, %mul3A_483 : vector<16xi32>
      %add3A_485 = arith.addi %mul3A_481, %mul3A_484 : vector<16xi32>
      %mul3A_486 = arith.constant 99 : i32
      %mul3A_487 = vector.broadcast %mul3A_486 : i32 to vector<16xi32>
      %mul3A_488 = arith.muli %shift_right_arithmetic3A_478, %mul3A_487 : vector<16xi32>
      %sub3A_489 = arith.subi %add3A_485, %mul3A_488 : vector<16xi32>
      %add3A_490 = arith.constant 0 : i32
      %add3A_491 = vector.broadcast %add3A_490 : i32 to vector<16xi32>
      %add3A_492 = arith.addi %mul3A_468, %add3A_491 : vector<16xi32>
      %gather3A_493 = tpu.vector_load_idx %arg4[%add3A_492] : memref<40000xi32, #tpu.memory_space<vmem>>[vector<16xi32>], vector<16xi32>,
      %add3A_494 = arith.constant 0 : i32
      %add3A_495 = vector.broadcast %add3A_494 : i32 to vector<16xi32>
      %add3A_496 = arith.addi %sub3A_489, %add3A_495 : vector<16xi32>
      tpu.vector_store_idx %arg7[%add3A_496], %gather3A_493 : memref<4096xi32, #tpu.memory_space<vmem>>[vector<16xi32>], vector<16xi32>,
      %add3A_497 = arith.constant 1 : i32
      %add3A_498 = vector.broadcast %add3A_497 : i32 to vector<16xi32>
      %add3A_499 = arith.addi %mul3A_468, %add3A_498 : vector<16xi32>
      %gather3A_500 = tpu.vector_load_idx %arg4[%add3A_499] : memref<40000xi32, #tpu.memory_space<vmem>>[vector<16xi32>], vector<16xi32>,
      %add3A_501 = arith.constant 1 : i32
      %add3A_502 = vector.broadcast %add3A_501 : i32 to vector<16xi32>
      %add3A_503 = arith.addi %sub3A_489, %add3A_502 : vector<16xi32>
      tpu.vector_store_idx %arg7[%add3A_503], %gather3A_500 : memref<4096xi32, #tpu.memory_space<vmem>>[vector<16xi32>], vector<16xi32>,
      %add3A_504 = arith.constant 2 : i32
      %add3A_505 = vector.broadcast %add3A_504 : i32 to vector<16xi32>
      %add3A_506 = arith.addi %mul3A_468, %add3A_505 : vector<16xi32>
      %gather3A_507 = tpu.vector_load_idx %arg4[%add3A_506] : memref<40000xi32, #tpu.memory_space<vmem>>[vector<16xi32>], vector<16xi32>,
      %add3A_508 = arith.constant 2 : i32
      %add3A_509 = vector.broadcast %add3A_508 : i32 to vector<16xi32>
      %add3A_510 = arith.addi %sub3A_489, %add3A_509 : vector<16xi32>
      tpu.vector_store_idx %arg7[%add3A_510], %gather3A_507 : memref<4096xi32, #tpu.memory_space<vmem>>[vector<16xi32>], vector<16xi32>,
      %scan3A_511 = arith.constant 0 : i32
      scf.yield %scan3A_511 : i32
    }
    %scan3A_145 = arith.constant 66 : i32
    %mul3A_146 = arith.constant 320 : i32
    %mul3A_147 = arith.muli %add3A, %mul3A_146 : i32
    %add3A_148 = arith.constant 224 : i32
    %add3A_149 = arith.addi %mul3A_147, %add3A_148 : i32
    %mul3A_150 = arith.constant 128 : i32
    %mul3A_151 = arith.muli %add3A_149, %mul3A_150 : i32
    %dma_start3A_152 = tpu.memref_slice %arg3[%mul3A_151] : memref<1310720xi32, #tpu.memory_space<hbm>> -> memref<4096xi32, #tpu.memory_space<hbm>>
    %dma_start3A_153 = tpu.memref_slice %arg3[%mul3A_151] : memref<1310720xi32, #tpu.memory_space<hbm>> -> memref<4096xi32, #tpu.memory_space<hbm>>
    tpu.enqueue_dma source(%arg7 : memref<4096xi32, #tpu.memory_space<vmem>>) target(%dma_start3A_153 : memref<4096xi32, #tpu.memory_space<hbm>>) target_semaphore(%arg9 : memref<!tpu.dma_semaphore, #tpu.memory_space<semaphore_mem>>)
    %dma_wait3A_154 = tpu.memref_slice %arg3[%mul3A_134] : memref<1310720xi32, #tpu.memory_space<hbm>> -> memref<4096xi32, #tpu.memory_space<hbm>>
    %dma_wait3A_155 = tpu.memref_slice %arg3[%mul3A_134] : memref<1310720xi32, #tpu.memory_space<hbm>> -> memref<4096xi32, #tpu.memory_space<hbm>>
    tpu.wait_dma2 semaphore(%arg9 : memref<!tpu.dma_semaphore, #tpu.memory_space<semaphore_mem>>) src(%arg6 : memref<4096xi32, #tpu.memory_space<vmem>>) dst(%dma_wait3A_155 : memref<4096xi32, #tpu.memory_space<hbm>>)
    %scan3A_156 = arith.constant 0 : i32
    %scan3A_157 = arith.constant 0 : i32
    %scan3A_158 = arith.constant 66 : i32
    %scan3A_159 = arith.addi %scan3A_157, %scan3A_158 : i32
    %scan3A_160 = arith.constant 6 : i32
    %scan3A_161 = scf.for %scan3A_192 = %scan3A_157 to %scan3A_159 step %scan3A_160 iter_args(%scan3A_193 = %scan3A_156) -> (i32)  : i32 {
      %mul3A_194 = arith.constant 16 : i32
      %mul3A_195 = arith.muli %scan3A_192, %mul3A_194 : i32
      %add3A_196 = arith.constant 8448 : i32
      %add3A_197 = arith.addi %add3A_196, %mul3A_195 : i32
      %get3A = arith.index_cast %add3A_197 : i32 to index
      %get3A_198 = tpu.vector_load %arg5[%get3A] {strides = array<i32>} : memref<10560xi32, #tpu.memory_space<vmem>>, vector<16xi32>,
      %mul3A_199 = arith.constant 4 : i32
      %mul3A_200 = vector.broadcast %mul3A_199 : i32 to vector<16xi32>
      %mul3A_201 = arith.muli %get3A_198, %mul3A_200 : vector<16xi32>
      %mul3A_202 = arith.constant 16 : i32
      %mul3A_203 = arith.muli %scan3A_192, %mul3A_202 : i32
      %add3A_204 = vector.broadcast %mul3A_203 : i32 to vector<16xi32>
      %add3A_205 = arith.addi %add3A_204, %iota3A : vector<16xi32>
      %mul3A_206 = arith.constant 993 : i32
      %mul3A_207 = vector.broadcast %mul3A_206 : i32 to vector<16xi32>
      %mul3A_208 = arith.muli %add3A_205, %mul3A_207 : vector<16xi32>
      %shift_right_arithmetic3A = arith.constant 15 : i32
      %shift_right_arithmetic3A_209 = vector.broadcast %shift_right_arithmetic3A : i32 to vector<16xi32>
      %shift_right_arithmetic3A_210 = arith.shrsi %mul3A_208, %shift_right_arithmetic3A_209 : vector<16xi32>
      %mul3A_211 = arith.constant 128 : i32
      %mul3A_212 = vector.broadcast %mul3A_211 : i32 to vector<16xi32>
      %mul3A_213 = arith.muli %shift_right_arithmetic3A_210, %mul3A_212 : vector<16xi32>
      %mul3A_214 = arith.constant 3 : i32
      %mul3A_215 = vector.broadcast %mul3A_214 : i32 to vector<16xi32>
      %mul3A_216 = arith.muli %add3A_205, %mul3A_215 : vector<16xi32>
      %add3A_217 = arith.addi %mul3A_213, %mul3A_216 : vector<16xi32>
      %mul3A_218 = arith.constant 99 : i32
      %mul3A_219 = vector.broadcast %mul3A_218 : i32 to vector<16xi32>
      %mul3A_220 = arith.muli %shift_right_arithmetic3A_210, %mul3A_219 : vector<16xi32>
      %sub3A = arith.subi %add3A_217, %mul3A_220 : vector<16xi32>
      %add3A_221 = arith.constant 0 : i32
      %add3A_222 = vector.broadcast %add3A_221 : i32 to vector<16xi32>
      %add3A_223 = arith.addi %mul3A_201, %add3A_222 : vector<16xi32>
      %gather3A = tpu.vector_load_idx %arg4[%add3A_223] : memref<40000xi32, #tpu.memory_space<vmem>>[vector<16xi32>], vector<16xi32>,
      %add3A_224 = arith.constant 0 : i32
      %add3A_225 = vector.broadcast %add3A_224 : i32 to vector<16xi32>
      %add3A_226 = arith.addi %sub3A, %add3A_225 : vector<16xi32>
      tpu.vector_store_idx %arg6[%add3A_226], %gather3A : memref<4096xi32, #tpu.memory_space<vmem>>[vector<16xi32>], vector<16xi32>,
      %add3A_227 = arith.constant 1 : i32
      %add3A_228 = vector.broadcast %add3A_227 : i32 to vector<16xi32>
      %add3A_229 = arith.addi %mul3A_201, %add3A_228 : vector<16xi32>
      %gather3A_230 = tpu.vector_load_idx %arg4[%add3A_229] : memref<40000xi32, #tpu.memory_space<vmem>>[vector<16xi32>], vector<16xi32>,
      %add3A_231 = arith.constant 1 : i32
      %add3A_232 = vector.broadcast %add3A_231 : i32 to vector<16xi32>
      %add3A_233 = arith.addi %sub3A, %add3A_232 : vector<16xi32>
      tpu.vector_store_idx %arg6[%add3A_233], %gather3A_230 : memref<4096xi32, #tpu.memory_space<vmem>>[vector<16xi32>], vector<16xi32>,
      %add3A_234 = arith.constant 2 : i32
      %add3A_235 = vector.broadcast %add3A_234 : i32 to vector<16xi32>
      %add3A_236 = arith.addi %mul3A_201, %add3A_235 : vector<16xi32>
      %gather3A_237 = tpu.vector_load_idx %arg4[%add3A_236] : memref<40000xi32, #tpu.memory_space<vmem>>[vector<16xi32>], vector<16xi32>,
      %add3A_238 = arith.constant 2 : i32
      %add3A_239 = vector.broadcast %add3A_238 : i32 to vector<16xi32>
      %add3A_240 = arith.addi %sub3A, %add3A_239 : vector<16xi32>
      tpu.vector_store_idx %arg6[%add3A_240], %gather3A_237 : memref<4096xi32, #tpu.memory_space<vmem>>[vector<16xi32>], vector<16xi32>,
      %scan3A_241 = arith.constant 0 : i32
      %scan3A_242 = arith.constant 1 : i32
      %scan3A_243 = arith.addi %scan3A_192, %scan3A_242 : i32
      %mul3A_244 = arith.constant 16 : i32
      %mul3A_245 = arith.muli %scan3A_243, %mul3A_244 : i32
      %add3A_246 = arith.constant 8448 : i32
      %add3A_247 = arith.addi %add3A_246, %mul3A_245 : i32
      %get3A_248 = arith.index_cast %add3A_247 : i32 to index
      %get3A_249 = tpu.vector_load %arg5[%get3A_248] {strides = array<i32>} : memref<10560xi32, #tpu.memory_space<vmem>>, vector<16xi32>,
      %mul3A_250 = arith.constant 4 : i32
      %mul3A_251 = vector.broadcast %mul3A_250 : i32 to vector<16xi32>
      %mul3A_252 = arith.muli %get3A_249, %mul3A_251 : vector<16xi32>
      %mul3A_253 = arith.constant 16 : i32
      %mul3A_254 = arith.muli %scan3A_243, %mul3A_253 : i32
      %add3A_255 = vector.broadcast %mul3A_254 : i32 to vector<16xi32>
      %add3A_256 = arith.addi %add3A_255, %iota3A : vector<16xi32>
      %mul3A_257 = arith.constant 993 : i32
      %mul3A_258 = vector.broadcast %mul3A_257 : i32 to vector<16xi32>
      %mul3A_259 = arith.muli %add3A_256, %mul3A_258 : vector<16xi32>
      %shift_right_arithmetic3A_260 = arith.constant 15 : i32
      %shift_right_arithmetic3A_261 = vector.broadcast %shift_right_arithmetic3A_260 : i32 to vector<16xi32>
      %shift_right_arithmetic3A_262 = arith.shrsi %mul3A_259, %shift_right_arithmetic3A_261 : vector<16xi32>
      %mul3A_263 = arith.constant 128 : i32
      %mul3A_264 = vector.broadcast %mul3A_263 : i32 to vector<16xi32>
      %mul3A_265 = arith.muli %shift_right_arithmetic3A_262, %mul3A_264 : vector<16xi32>
      %mul3A_266 = arith.constant 3 : i32
      %mul3A_267 = vector.broadcast %mul3A_266 : i32 to vector<16xi32>
      %mul3A_268 = arith.muli %add3A_256, %mul3A_267 : vector<16xi32>
      %add3A_269 = arith.addi %mul3A_265, %mul3A_268 : vector<16xi32>
      %mul3A_270 = arith.constant 99 : i32
      %mul3A_271 = vector.broadcast %mul3A_270 : i32 to vector<16xi32>
      %mul3A_272 = arith.muli %shift_right_arithmetic3A_262, %mul3A_271 : vector<16xi32>
      %sub3A_273 = arith.subi %add3A_269, %mul3A_272 : vector<16xi32>
      %add3A_274 = arith.constant 0 : i32
      %add3A_275 = vector.broadcast %add3A_274 : i32 to vector<16xi32>
      %add3A_276 = arith.addi %mul3A_252, %add3A_275 : vector<16xi32>
      %gather3A_277 = tpu.vector_load_idx %arg4[%add3A_276] : memref<40000xi32, #tpu.memory_space<vmem>>[vector<16xi32>], vector<16xi32>,
      %add3A_278 = arith.constant 0 : i32
      %add3A_279 = vector.broadcast %add3A_278 : i32 to vector<16xi32>
      %add3A_280 = arith.addi %sub3A_273, %add3A_279 : vector<16xi32>
      tpu.vector_store_idx %arg6[%add3A_280], %gather3A_277 : memref<4096xi32, #tpu.memory_space<vmem>>[vector<16xi32>], vector<16xi32>,
      %add3A_281 = arith.constant 1 : i32
      %add3A_282 = vector.broadcast %add3A_281 : i32 to vector<16xi32>
      %add3A_283 = arith.addi %mul3A_252, %add3A_282 : vector<16xi32>
      %gather3A_284 = tpu.vector_load_idx %arg4[%add3A_283] : memref<40000xi32, #tpu.memory_space<vmem>>[vector<16xi32>], vector<16xi32>,
      %add3A_285 = arith.constant 1 : i32
      %add3A_286 = vector.broadcast %add3A_285 : i32 to vector<16xi32>
      %add3A_287 = arith.addi %sub3A_273, %add3A_286 : vector<16xi32>
      tpu.vector_store_idx %arg6[%add3A_287], %gather3A_284 : memref<4096xi32, #tpu.memory_space<vmem>>[vector<16xi32>], vector<16xi32>,
      %add3A_288 = arith.constant 2 : i32
      %add3A_289 = vector.broadcast %add3A_288 : i32 to vector<16xi32>
      %add3A_290 = arith.addi %mul3A_252, %add3A_289 : vector<16xi32>
      %gather3A_291 = tpu.vector_load_idx %arg4[%add3A_290] : memref<40000xi32, #tpu.memory_space<vmem>>[vector<16xi32>], vector<16xi32>,
      %add3A_292 = arith.constant 2 : i32
      %add3A_293 = vector.broadcast %add3A_292 : i32 to vector<16xi32>
      %add3A_294 = arith.addi %sub3A_273, %add3A_293 : vector<16xi32>
      tpu.vector_store_idx %arg6[%add3A_294], %gather3A_291 : memref<4096xi32, #tpu.memory_space<vmem>>[vector<16xi32>], vector<16xi32>,
      %scan3A_295 = arith.constant 0 : i32
      %scan3A_296 = arith.constant 2 : i32
      %scan3A_297 = arith.addi %scan3A_192, %scan3A_296 : i32
      %mul3A_298 = arith.constant 16 : i32
      %mul3A_299 = arith.muli %scan3A_297, %mul3A_298 : i32
      %add3A_300 = arith.constant 8448 : i32
      %add3A_301 = arith.addi %add3A_300, %mul3A_299 : i32
      %get3A_302 = arith.index_cast %add3A_301 : i32 to index
      %get3A_303 = tpu.vector_load %arg5[%get3A_302] {strides = array<i32>} : memref<10560xi32, #tpu.memory_space<vmem>>, vector<16xi32>,
      %mul3A_304 = arith.constant 4 : i32
      %mul3A_305 = vector.broadcast %mul3A_304 : i32 to vector<16xi32>
      %mul3A_306 = arith.muli %get3A_303, %mul3A_305 : vector<16xi32>
      %mul3A_307 = arith.constant 16 : i32
      %mul3A_308 = arith.muli %scan3A_297, %mul3A_307 : i32
      %add3A_309 = vector.broadcast %mul3A_308 : i32 to vector<16xi32>
      %add3A_310 = arith.addi %add3A_309, %iota3A : vector<16xi32>
      %mul3A_311 = arith.constant 993 : i32
      %mul3A_312 = vector.broadcast %mul3A_311 : i32 to vector<16xi32>
      %mul3A_313 = arith.muli %add3A_310, %mul3A_312 : vector<16xi32>
      %shift_right_arithmetic3A_314 = arith.constant 15 : i32
      %shift_right_arithmetic3A_315 = vector.broadcast %shift_right_arithmetic3A_314 : i32 to vector<16xi32>
      %shift_right_arithmetic3A_316 = arith.shrsi %mul3A_313, %shift_right_arithmetic3A_315 : vector<16xi32>
      %mul3A_317 = arith.constant 128 : i32
      %mul3A_318 = vector.broadcast %mul3A_317 : i32 to vector<16xi32>
      %mul3A_319 = arith.muli %shift_right_arithmetic3A_316, %mul3A_318 : vector<16xi32>
      %mul3A_320 = arith.constant 3 : i32
      %mul3A_321 = vector.broadcast %mul3A_320 : i32 to vector<16xi32>
      %mul3A_322 = arith.muli %add3A_310, %mul3A_321 : vector<16xi32>
      %add3A_323 = arith.addi %mul3A_319, %mul3A_322 : vector<16xi32>
      %mul3A_324 = arith.constant 99 : i32
      %mul3A_325 = vector.broadcast %mul3A_324 : i32 to vector<16xi32>
      %mul3A_326 = arith.muli %shift_right_arithmetic3A_316, %mul3A_325 : vector<16xi32>
      %sub3A_327 = arith.subi %add3A_323, %mul3A_326 : vector<16xi32>
      %add3A_328 = arith.constant 0 : i32
      %add3A_329 = vector.broadcast %add3A_328 : i32 to vector<16xi32>
      %add3A_330 = arith.addi %mul3A_306, %add3A_329 : vector<16xi32>
      %gather3A_331 = tpu.vector_load_idx %arg4[%add3A_330] : memref<40000xi32, #tpu.memory_space<vmem>>[vector<16xi32>], vector<16xi32>,
      %add3A_332 = arith.constant 0 : i32
      %add3A_333 = vector.broadcast %add3A_332 : i32 to vector<16xi32>
      %add3A_334 = arith.addi %sub3A_327, %add3A_333 : vector<16xi32>
      tpu.vector_store_idx %arg6[%add3A_334], %gather3A_331 : memref<4096xi32, #tpu.memory_space<vmem>>[vector<16xi32>], vector<16xi32>,
      %add3A_335 = arith.constant 1 : i32
      %add3A_336 = vector.broadcast %add3A_335 : i32 to vector<16xi32>
      %add3A_337 = arith.addi %mul3A_306, %add3A_336 : vector<16xi32>
      %gather3A_338 = tpu.vector_load_idx %arg4[%add3A_337] : memref<40000xi32, #tpu.memory_space<vmem>>[vector<16xi32>], vector<16xi32>,
      %add3A_339 = arith.constant 1 : i32
      %add3A_340 = vector.broadcast %add3A_339 : i32 to vector<16xi32>
      %add3A_341 = arith.addi %sub3A_327, %add3A_340 : vector<16xi32>
      tpu.vector_store_idx %arg6[%add3A_341], %gather3A_338 : memref<4096xi32, #tpu.memory_space<vmem>>[vector<16xi32>], vector<16xi32>,
      %add3A_342 = arith.constant 2 : i32
      %add3A_343 = vector.broadcast %add3A_342 : i32 to vector<16xi32>
      %add3A_344 = arith.addi %mul3A_306, %add3A_343 : vector<16xi32>
      %gather3A_345 = tpu.vector_load_idx %arg4[%add3A_344] : memref<40000xi32, #tpu.memory_space<vmem>>[vector<16xi32>], vector<16xi32>,
      %add3A_346 = arith.constant 2 : i32
      %add3A_347 = vector.broadcast %add3A_346 : i32 to vector<16xi32>
      %add3A_348 = arith.addi %sub3A_327, %add3A_347 : vector<16xi32>
      tpu.vector_store_idx %arg6[%add3A_348], %gather3A_345 : memref<4096xi32, #tpu.memory_space<vmem>>[vector<16xi32>], vector<16xi32>,
      %scan3A_349 = arith.constant 0 : i32
      %scan3A_350 = arith.constant 3 : i32
      %scan3A_351 = arith.addi %scan3A_192, %scan3A_350 : i32
      %mul3A_352 = arith.constant 16 : i32
      %mul3A_353 = arith.muli %scan3A_351, %mul3A_352 : i32
      %add3A_354 = arith.constant 8448 : i32
      %add3A_355 = arith.addi %add3A_354, %mul3A_353 : i32
      %get3A_356 = arith.index_cast %add3A_355 : i32 to index
      %get3A_357 = tpu.vector_load %arg5[%get3A_356] {strides = array<i32>} : memref<10560xi32, #tpu.memory_space<vmem>>, vector<16xi32>,
      %mul3A_358 = arith.constant 4 : i32
      %mul3A_359 = vector.broadcast %mul3A_358 : i32 to vector<16xi32>
      %mul3A_360 = arith.muli %get3A_357, %mul3A_359 : vector<16xi32>
      %mul3A_361 = arith.constant 16 : i32
      %mul3A_362 = arith.muli %scan3A_351, %mul3A_361 : i32
      %add3A_363 = vector.broadcast %mul3A_362 : i32 to vector<16xi32>
      %add3A_364 = arith.addi %add3A_363, %iota3A : vector<16xi32>
      %mul3A_365 = arith.constant 993 : i32
      %mul3A_366 = vector.broadcast %mul3A_365 : i32 to vector<16xi32>
      %mul3A_367 = arith.muli %add3A_364, %mul3A_366 : vector<16xi32>
      %shift_right_arithmetic3A_368 = arith.constant 15 : i32
      %shift_right_arithmetic3A_369 = vector.broadcast %shift_right_arithmetic3A_368 : i32 to vector<16xi32>
      %shift_right_arithmetic3A_370 = arith.shrsi %mul3A_367, %shift_right_arithmetic3A_369 : vector<16xi32>
      %mul3A_371 = arith.constant 128 : i32
      %mul3A_372 = vector.broadcast %mul3A_371 : i32 to vector<16xi32>
      %mul3A_373 = arith.muli %shift_right_arithmetic3A_370, %mul3A_372 : vector<16xi32>
      %mul3A_374 = arith.constant 3 : i32
      %mul3A_375 = vector.broadcast %mul3A_374 : i32 to vector<16xi32>
      %mul3A_376 = arith.muli %add3A_364, %mul3A_375 : vector<16xi32>
      %add3A_377 = arith.addi %mul3A_373, %mul3A_376 : vector<16xi32>
      %mul3A_378 = arith.constant 99 : i32
      %mul3A_379 = vector.broadcast %mul3A_378 : i32 to vector<16xi32>
      %mul3A_380 = arith.muli %shift_right_arithmetic3A_370, %mul3A_379 : vector<16xi32>
      %sub3A_381 = arith.subi %add3A_377, %mul3A_380 : vector<16xi32>
      %add3A_382 = arith.constant 0 : i32
      %add3A_383 = vector.broadcast %add3A_382 : i32 to vector<16xi32>
      %add3A_384 = arith.addi %mul3A_360, %add3A_383 : vector<16xi32>
      %gather3A_385 = tpu.vector_load_idx %arg4[%add3A_384] : memref<40000xi32, #tpu.memory_space<vmem>>[vector<16xi32>], vector<16xi32>,
      %add3A_386 = arith.constant 0 : i32
      %add3A_387 = vector.broadcast %add3A_386 : i32 to vector<16xi32>
      %add3A_388 = arith.addi %sub3A_381, %add3A_387 : vector<16xi32>
      tpu.vector_store_idx %arg6[%add3A_388], %gather3A_385 : memref<4096xi32, #tpu.memory_space<vmem>>[vector<16xi32>], vector<16xi32>,
      %add3A_389 = arith.constant 1 : i32
      %add3A_390 = vector.broadcast %add3A_389 : i32 to vector<16xi32>
      %add3A_391 = arith.addi %mul3A_360, %add3A_390 : vector<16xi32>
      %gather3A_392 = tpu.vector_load_idx %arg4[%add3A_391] : memref<40000xi32, #tpu.memory_space<vmem>>[vector<16xi32>], vector<16xi32>,
      %add3A_393 = arith.constant 1 : i32
      %add3A_394 = vector.broadcast %add3A_393 : i32 to vector<16xi32>
      %add3A_395 = arith.addi %sub3A_381, %add3A_394 : vector<16xi32>
      tpu.vector_store_idx %arg6[%add3A_395], %gather3A_392 : memref<4096xi32, #tpu.memory_space<vmem>>[vector<16xi32>], vector<16xi32>,
      %add3A_396 = arith.constant 2 : i32
      %add3A_397 = vector.broadcast %add3A_396 : i32 to vector<16xi32>
      %add3A_398 = arith.addi %mul3A_360, %add3A_397 : vector<16xi32>
      %gather3A_399 = tpu.vector_load_idx %arg4[%add3A_398] : memref<40000xi32, #tpu.memory_space<vmem>>[vector<16xi32>], vector<16xi32>,
      %add3A_400 = arith.constant 2 : i32
      %add3A_401 = vector.broadcast %add3A_400 : i32 to vector<16xi32>
      %add3A_402 = arith.addi %sub3A_381, %add3A_401 : vector<16xi32>
      tpu.vector_store_idx %arg6[%add3A_402], %gather3A_399 : memref<4096xi32, #tpu.memory_space<vmem>>[vector<16xi32>], vector<16xi32>,
      %scan3A_403 = arith.constant 0 : i32
      %scan3A_404 = arith.constant 4 : i32
      %scan3A_405 = arith.addi %scan3A_192, %scan3A_404 : i32
      %mul3A_406 = arith.constant 16 : i32
      %mul3A_407 = arith.muli %scan3A_405, %mul3A_406 : i32
      %add3A_408 = arith.constant 8448 : i32
      %add3A_409 = arith.addi %add3A_408, %mul3A_407 : i32
      %get3A_410 = arith.index_cast %add3A_409 : i32 to index
      %get3A_411 = tpu.vector_load %arg5[%get3A_410] {strides = array<i32>} : memref<10560xi32, #tpu.memory_space<vmem>>, vector<16xi32>,
      %mul3A_412 = arith.constant 4 : i32
      %mul3A_413 = vector.broadcast %mul3A_412 : i32 to vector<16xi32>
      %mul3A_414 = arith.muli %get3A_411, %mul3A_413 : vector<16xi32>
      %mul3A_415 = arith.constant 16 : i32
      %mul3A_416 = arith.muli %scan3A_405, %mul3A_415 : i32
      %add3A_417 = vector.broadcast %mul3A_416 : i32 to vector<16xi32>
      %add3A_418 = arith.addi %add3A_417, %iota3A : vector<16xi32>
      %mul3A_419 = arith.constant 993 : i32
      %mul3A_420 = vector.broadcast %mul3A_419 : i32 to vector<16xi32>
      %mul3A_421 = arith.muli %add3A_418, %mul3A_420 : vector<16xi32>
      %shift_right_arithmetic3A_422 = arith.constant 15 : i32
      %shift_right_arithmetic3A_423 = vector.broadcast %shift_right_arithmetic3A_422 : i32 to vector<16xi32>
      %shift_right_arithmetic3A_424 = arith.shrsi %mul3A_421, %shift_right_arithmetic3A_423 : vector<16xi32>
      %mul3A_425 = arith.constant 128 : i32
      %mul3A_426 = vector.broadcast %mul3A_425 : i32 to vector<16xi32>
      %mul3A_427 = arith.muli %shift_right_arithmetic3A_424, %mul3A_426 : vector<16xi32>
      %mul3A_428 = arith.constant 3 : i32
      %mul3A_429 = vector.broadcast %mul3A_428 : i32 to vector<16xi32>
      %mul3A_430 = arith.muli %add3A_418, %mul3A_429 : vector<16xi32>
      %add3A_431 = arith.addi %mul3A_427, %mul3A_430 : vector<16xi32>
      %mul3A_432 = arith.constant 99 : i32
      %mul3A_433 = vector.broadcast %mul3A_432 : i32 to vector<16xi32>
      %mul3A_434 = arith.muli %shift_right_arithmetic3A_424, %mul3A_433 : vector<16xi32>
      %sub3A_435 = arith.subi %add3A_431, %mul3A_434 : vector<16xi32>
      %add3A_436 = arith.constant 0 : i32
      %add3A_437 = vector.broadcast %add3A_436 : i32 to vector<16xi32>
      %add3A_438 = arith.addi %mul3A_414, %add3A_437 : vector<16xi32>
      %gather3A_439 = tpu.vector_load_idx %arg4[%add3A_438] : memref<40000xi32, #tpu.memory_space<vmem>>[vector<16xi32>], vector<16xi32>,
      %add3A_440 = arith.constant 0 : i32
      %add3A_441 = vector.broadcast %add3A_440 : i32 to vector<16xi32>
      %add3A_442 = arith.addi %sub3A_435, %add3A_441 : vector<16xi32>
      tpu.vector_store_idx %arg6[%add3A_442], %gather3A_439 : memref<4096xi32, #tpu.memory_space<vmem>>[vector<16xi32>], vector<16xi32>,
      %add3A_443 = arith.constant 1 : i32
      %add3A_444 = vector.broadcast %add3A_443 : i32 to vector<16xi32>
      %add3A_445 = arith.addi %mul3A_414, %add3A_444 : vector<16xi32>
      %gather3A_446 = tpu.vector_load_idx %arg4[%add3A_445] : memref<40000xi32, #tpu.memory_space<vmem>>[vector<16xi32>], vector<16xi32>,
      %add3A_447 = arith.constant 1 : i32
      %add3A_448 = vector.broadcast %add3A_447 : i32 to vector<16xi32>
      %add3A_449 = arith.addi %sub3A_435, %add3A_448 : vector<16xi32>
      tpu.vector_store_idx %arg6[%add3A_449], %gather3A_446 : memref<4096xi32, #tpu.memory_space<vmem>>[vector<16xi32>], vector<16xi32>,
      %add3A_450 = arith.constant 2 : i32
      %add3A_451 = vector.broadcast %add3A_450 : i32 to vector<16xi32>
      %add3A_452 = arith.addi %mul3A_414, %add3A_451 : vector<16xi32>
      %gather3A_453 = tpu.vector_load_idx %arg4[%add3A_452] : memref<40000xi32, #tpu.memory_space<vmem>>[vector<16xi32>], vector<16xi32>,
      %add3A_454 = arith.constant 2 : i32
      %add3A_455 = vector.broadcast %add3A_454 : i32 to vector<16xi32>
      %add3A_456 = arith.addi %sub3A_435, %add3A_455 : vector<16xi32>
      tpu.vector_store_idx %arg6[%add3A_456], %gather3A_453 : memref<4096xi32, #tpu.memory_space<vmem>>[vector<16xi32>], vector<16xi32>,
      %scan3A_457 = arith.constant 0 : i32
      %scan3A_458 = arith.constant 5 : i32
      %scan3A_459 = arith.addi %scan3A_192, %scan3A_458 : i32
      %mul3A_460 = arith.constant 16 : i32
      %mul3A_461 = arith.muli %scan3A_459, %mul3A_460 : i32
      %add3A_462 = arith.constant 8448 : i32
      %add3A_463 = arith.addi %add3A_462, %mul3A_461 : i32
      %get3A_464 = arith.index_cast %add3A_463 : i32 to index
      %get3A_465 = tpu.vector_load %arg5[%get3A_464] {strides = array<i32>} : memref<10560xi32, #tpu.memory_space<vmem>>, vector<16xi32>,
      %mul3A_466 = arith.constant 4 : i32
      %mul3A_467 = vector.broadcast %mul3A_466 : i32 to vector<16xi32>
      %mul3A_468 = arith.muli %get3A_465, %mul3A_467 : vector<16xi32>
      %mul3A_469 = arith.constant 16 : i32
      %mul3A_470 = arith.muli %scan3A_459, %mul3A_469 : i32
      %add3A_471 = vector.broadcast %mul3A_470 : i32 to vector<16xi32>
      %add3A_472 = arith.addi %add3A_471, %iota3A : vector<16xi32>
      %mul3A_473 = arith.constant 993 : i32
      %mul3A_474 = vector.broadcast %mul3A_473 : i32 to vector<16xi32>
      %mul3A_475 = arith.muli %add3A_472, %mul3A_474 : vector<16xi32>
      %shift_right_arithmetic3A_476 = arith.constant 15 : i32
      %shift_right_arithmetic3A_477 = vector.broadcast %shift_right_arithmetic3A_476 : i32 to vector<16xi32>
      %shift_right_arithmetic3A_478 = arith.shrsi %mul3A_475, %shift_right_arithmetic3A_477 : vector<16xi32>
      %mul3A_479 = arith.constant 128 : i32
      %mul3A_480 = vector.broadcast %mul3A_479 : i32 to vector<16xi32>
      %mul3A_481 = arith.muli %shift_right_arithmetic3A_478, %mul3A_480 : vector<16xi32>
      %mul3A_482 = arith.constant 3 : i32
      %mul3A_483 = vector.broadcast %mul3A_482 : i32 to vector<16xi32>
      %mul3A_484 = arith.muli %add3A_472, %mul3A_483 : vector<16xi32>
      %add3A_485 = arith.addi %mul3A_481, %mul3A_484 : vector<16xi32>
      %mul3A_486 = arith.constant 99 : i32
      %mul3A_487 = vector.broadcast %mul3A_486 : i32 to vector<16xi32>
      %mul3A_488 = arith.muli %shift_right_arithmetic3A_478, %mul3A_487 : vector<16xi32>
      %sub3A_489 = arith.subi %add3A_485, %mul3A_488 : vector<16xi32>
      %add3A_490 = arith.constant 0 : i32
      %add3A_491 = vector.broadcast %add3A_490 : i32 to vector<16xi32>
      %add3A_492 = arith.addi %mul3A_468, %add3A_491 : vector<16xi32>
      %gather3A_493 = tpu.vector_load_idx %arg4[%add3A_492] : memref<40000xi32, #tpu.memory_space<vmem>>[vector<16xi32>], vector<16xi32>,
      %add3A_494 = arith.constant 0 : i32
      %add3A_495 = vector.broadcast %add3A_494 : i32 to vector<16xi32>
      %add3A_496 = arith.addi %sub3A_489, %add3A_495 : vector<16xi32>
      tpu.vector_store_idx %arg6[%add3A_496], %gather3A_493 : memref<4096xi32, #tpu.memory_space<vmem>>[vector<16xi32>], vector<16xi32>,
      %add3A_497 = arith.constant 1 : i32
      %add3A_498 = vector.broadcast %add3A_497 : i32 to vector<16xi32>
      %add3A_499 = arith.addi %mul3A_468, %add3A_498 : vector<16xi32>
      %gather3A_500 = tpu.vector_load_idx %arg4[%add3A_499] : memref<40000xi32, #tpu.memory_space<vmem>>[vector<16xi32>], vector<16xi32>,
      %add3A_501 = arith.constant 1 : i32
      %add3A_502 = vector.broadcast %add3A_501 : i32 to vector<16xi32>
      %add3A_503 = arith.addi %sub3A_489, %add3A_502 : vector<16xi32>
      tpu.vector_store_idx %arg6[%add3A_503], %gather3A_500 : memref<4096xi32, #tpu.memory_space<vmem>>[vector<16xi32>], vector<16xi32>,
      %add3A_504 = arith.constant 2 : i32
      %add3A_505 = vector.broadcast %add3A_504 : i32 to vector<16xi32>
      %add3A_506 = arith.addi %mul3A_468, %add3A_505 : vector<16xi32>
      %gather3A_507 = tpu.vector_load_idx %arg4[%add3A_506] : memref<40000xi32, #tpu.memory_space<vmem>>[vector<16xi32>], vector<16xi32>,
      %add3A_508 = arith.constant 2 : i32
      %add3A_509 = vector.broadcast %add3A_508 : i32 to vector<16xi32>
      %add3A_510 = arith.addi %sub3A_489, %add3A_509 : vector<16xi32>
      tpu.vector_store_idx %arg6[%add3A_510], %gather3A_507 : memref<4096xi32, #tpu.memory_space<vmem>>[vector<16xi32>], vector<16xi32>,
      %scan3A_511 = arith.constant 0 : i32
      scf.yield %scan3A_511 : i32
    }
    %scan3A_162 = arith.constant 66 : i32
    %mul3A_163 = arith.constant 320 : i32
    %mul3A_164 = arith.muli %add3A, %mul3A_163 : i32
    %add3A_165 = arith.constant 256 : i32
    %add3A_166 = arith.addi %mul3A_164, %add3A_165 : i32
    %mul3A_167 = arith.constant 128 : i32
    %mul3A_168 = arith.muli %add3A_166, %mul3A_167 : i32
    %dma_start3A_169 = tpu.memref_slice %arg3[%mul3A_168] : memref<1310720xi32, #tpu.memory_space<hbm>> -> memref<4096xi32, #tpu.memory_space<hbm>>
    %dma_start3A_170 = tpu.memref_slice %arg3[%mul3A_168] : memref<1310720xi32, #tpu.memory_space<hbm>> -> memref<4096xi32, #tpu.memory_space<hbm>>
    tpu.enqueue_dma source(%arg6 : memref<4096xi32, #tpu.memory_space<vmem>>) target(%dma_start3A_170 : memref<4096xi32, #tpu.memory_space<hbm>>) target_semaphore(%arg9 : memref<!tpu.dma_semaphore, #tpu.memory_space<semaphore_mem>>)
    %dma_wait3A_171 = tpu.memref_slice %arg3[%mul3A_151] : memref<1310720xi32, #tpu.memory_space<hbm>> -> memref<4096xi32, #tpu.memory_space<hbm>>
    %dma_wait3A_172 = tpu.memref_slice %arg3[%mul3A_151] : memref<1310720xi32, #tpu.memory_space<hbm>> -> memref<4096xi32, #tpu.memory_space<hbm>>
    tpu.wait_dma2 semaphore(%arg9 : memref<!tpu.dma_semaphore, #tpu.memory_space<semaphore_mem>>) src(%arg7 : memref<4096xi32, #tpu.memory_space<vmem>>) dst(%dma_wait3A_172 : memref<4096xi32, #tpu.memory_space<hbm>>)
    %scan3A_173 = arith.constant 0 : i32
    %scan3A_174 = arith.constant 0 : i32
    %scan3A_175 = arith.constant 66 : i32
    %scan3A_176 = arith.addi %scan3A_174, %scan3A_175 : i32
    %scan3A_177 = arith.constant 6 : i32
    %scan3A_178 = scf.for %scan3A_192 = %scan3A_174 to %scan3A_176 step %scan3A_177 iter_args(%scan3A_193 = %scan3A_173) -> (i32)  : i32 {
      %mul3A_194 = arith.constant 16 : i32
      %mul3A_195 = arith.muli %scan3A_192, %mul3A_194 : i32
      %add3A_196 = arith.constant 9504 : i32
      %add3A_197 = arith.addi %add3A_196, %mul3A_195 : i32
      %get3A = arith.index_cast %add3A_197 : i32 to index
      %get3A_198 = tpu.vector_load %arg5[%get3A] {strides = array<i32>} : memref<10560xi32, #tpu.memory_space<vmem>>, vector<16xi32>,
      %mul3A_199 = arith.constant 4 : i32
      %mul3A_200 = vector.broadcast %mul3A_199 : i32 to vector<16xi32>
      %mul3A_201 = arith.muli %get3A_198, %mul3A_200 : vector<16xi32>
      %mul3A_202 = arith.constant 16 : i32
      %mul3A_203 = arith.muli %scan3A_192, %mul3A_202 : i32
      %add3A_204 = vector.broadcast %mul3A_203 : i32 to vector<16xi32>
      %add3A_205 = arith.addi %add3A_204, %iota3A : vector<16xi32>
      %mul3A_206 = arith.constant 993 : i32
      %mul3A_207 = vector.broadcast %mul3A_206 : i32 to vector<16xi32>
      %mul3A_208 = arith.muli %add3A_205, %mul3A_207 : vector<16xi32>
      %shift_right_arithmetic3A = arith.constant 15 : i32
      %shift_right_arithmetic3A_209 = vector.broadcast %shift_right_arithmetic3A : i32 to vector<16xi32>
      %shift_right_arithmetic3A_210 = arith.shrsi %mul3A_208, %shift_right_arithmetic3A_209 : vector<16xi32>
      %mul3A_211 = arith.constant 128 : i32
      %mul3A_212 = vector.broadcast %mul3A_211 : i32 to vector<16xi32>
      %mul3A_213 = arith.muli %shift_right_arithmetic3A_210, %mul3A_212 : vector<16xi32>
      %mul3A_214 = arith.constant 3 : i32
      %mul3A_215 = vector.broadcast %mul3A_214 : i32 to vector<16xi32>
      %mul3A_216 = arith.muli %add3A_205, %mul3A_215 : vector<16xi32>
      %add3A_217 = arith.addi %mul3A_213, %mul3A_216 : vector<16xi32>
      %mul3A_218 = arith.constant 99 : i32
      %mul3A_219 = vector.broadcast %mul3A_218 : i32 to vector<16xi32>
      %mul3A_220 = arith.muli %shift_right_arithmetic3A_210, %mul3A_219 : vector<16xi32>
      %sub3A = arith.subi %add3A_217, %mul3A_220 : vector<16xi32>
      %add3A_221 = arith.constant 0 : i32
      %add3A_222 = vector.broadcast %add3A_221 : i32 to vector<16xi32>
      %add3A_223 = arith.addi %mul3A_201, %add3A_222 : vector<16xi32>
      %gather3A = tpu.vector_load_idx %arg4[%add3A_223] : memref<40000xi32, #tpu.memory_space<vmem>>[vector<16xi32>], vector<16xi32>,
      %add3A_224 = arith.constant 0 : i32
      %add3A_225 = vector.broadcast %add3A_224 : i32 to vector<16xi32>
      %add3A_226 = arith.addi %sub3A, %add3A_225 : vector<16xi32>
      tpu.vector_store_idx %arg7[%add3A_226], %gather3A : memref<4096xi32, #tpu.memory_space<vmem>>[vector<16xi32>], vector<16xi32>,
      %add3A_227 = arith.constant 1 : i32
      %add3A_228 = vector.broadcast %add3A_227 : i32 to vector<16xi32>
      %add3A_229 = arith.addi %mul3A_201, %add3A_228 : vector<16xi32>
      %gather3A_230 = tpu.vector_load_idx %arg4[%add3A_229] : memref<40000xi32, #tpu.memory_space<vmem>>[vector<16xi32>], vector<16xi32>,
      %add3A_231 = arith.constant 1 : i32
      %add3A_232 = vector.broadcast %add3A_231 : i32 to vector<16xi32>
      %add3A_233 = arith.addi %sub3A, %add3A_232 : vector<16xi32>
      tpu.vector_store_idx %arg7[%add3A_233], %gather3A_230 : memref<4096xi32, #tpu.memory_space<vmem>>[vector<16xi32>], vector<16xi32>,
      %add3A_234 = arith.constant 2 : i32
      %add3A_235 = vector.broadcast %add3A_234 : i32 to vector<16xi32>
      %add3A_236 = arith.addi %mul3A_201, %add3A_235 : vector<16xi32>
      %gather3A_237 = tpu.vector_load_idx %arg4[%add3A_236] : memref<40000xi32, #tpu.memory_space<vmem>>[vector<16xi32>], vector<16xi32>,
      %add3A_238 = arith.constant 2 : i32
      %add3A_239 = vector.broadcast %add3A_238 : i32 to vector<16xi32>
      %add3A_240 = arith.addi %sub3A, %add3A_239 : vector<16xi32>
      tpu.vector_store_idx %arg7[%add3A_240], %gather3A_237 : memref<4096xi32, #tpu.memory_space<vmem>>[vector<16xi32>], vector<16xi32>,
      %scan3A_241 = arith.constant 0 : i32
      %scan3A_242 = arith.constant 1 : i32
      %scan3A_243 = arith.addi %scan3A_192, %scan3A_242 : i32
      %mul3A_244 = arith.constant 16 : i32
      %mul3A_245 = arith.muli %scan3A_243, %mul3A_244 : i32
      %add3A_246 = arith.constant 9504 : i32
      %add3A_247 = arith.addi %add3A_246, %mul3A_245 : i32
      %get3A_248 = arith.index_cast %add3A_247 : i32 to index
      %get3A_249 = tpu.vector_load %arg5[%get3A_248] {strides = array<i32>} : memref<10560xi32, #tpu.memory_space<vmem>>, vector<16xi32>,
      %mul3A_250 = arith.constant 4 : i32
      %mul3A_251 = vector.broadcast %mul3A_250 : i32 to vector<16xi32>
      %mul3A_252 = arith.muli %get3A_249, %mul3A_251 : vector<16xi32>
      %mul3A_253 = arith.constant 16 : i32
      %mul3A_254 = arith.muli %scan3A_243, %mul3A_253 : i32
      %add3A_255 = vector.broadcast %mul3A_254 : i32 to vector<16xi32>
      %add3A_256 = arith.addi %add3A_255, %iota3A : vector<16xi32>
      %mul3A_257 = arith.constant 993 : i32
      %mul3A_258 = vector.broadcast %mul3A_257 : i32 to vector<16xi32>
      %mul3A_259 = arith.muli %add3A_256, %mul3A_258 : vector<16xi32>
      %shift_right_arithmetic3A_260 = arith.constant 15 : i32
      %shift_right_arithmetic3A_261 = vector.broadcast %shift_right_arithmetic3A_260 : i32 to vector<16xi32>
      %shift_right_arithmetic3A_262 = arith.shrsi %mul3A_259, %shift_right_arithmetic3A_261 : vector<16xi32>
      %mul3A_263 = arith.constant 128 : i32
      %mul3A_264 = vector.broadcast %mul3A_263 : i32 to vector<16xi32>
      %mul3A_265 = arith.muli %shift_right_arithmetic3A_262, %mul3A_264 : vector<16xi32>
      %mul3A_266 = arith.constant 3 : i32
      %mul3A_267 = vector.broadcast %mul3A_266 : i32 to vector<16xi32>
      %mul3A_268 = arith.muli %add3A_256, %mul3A_267 : vector<16xi32>
      %add3A_269 = arith.addi %mul3A_265, %mul3A_268 : vector<16xi32>
      %mul3A_270 = arith.constant 99 : i32
      %mul3A_271 = vector.broadcast %mul3A_270 : i32 to vector<16xi32>
      %mul3A_272 = arith.muli %shift_right_arithmetic3A_262, %mul3A_271 : vector<16xi32>
      %sub3A_273 = arith.subi %add3A_269, %mul3A_272 : vector<16xi32>
      %add3A_274 = arith.constant 0 : i32
      %add3A_275 = vector.broadcast %add3A_274 : i32 to vector<16xi32>
      %add3A_276 = arith.addi %mul3A_252, %add3A_275 : vector<16xi32>
      %gather3A_277 = tpu.vector_load_idx %arg4[%add3A_276] : memref<40000xi32, #tpu.memory_space<vmem>>[vector<16xi32>], vector<16xi32>,
      %add3A_278 = arith.constant 0 : i32
      %add3A_279 = vector.broadcast %add3A_278 : i32 to vector<16xi32>
      %add3A_280 = arith.addi %sub3A_273, %add3A_279 : vector<16xi32>
      tpu.vector_store_idx %arg7[%add3A_280], %gather3A_277 : memref<4096xi32, #tpu.memory_space<vmem>>[vector<16xi32>], vector<16xi32>,
      %add3A_281 = arith.constant 1 : i32
      %add3A_282 = vector.broadcast %add3A_281 : i32 to vector<16xi32>
      %add3A_283 = arith.addi %mul3A_252, %add3A_282 : vector<16xi32>
      %gather3A_284 = tpu.vector_load_idx %arg4[%add3A_283] : memref<40000xi32, #tpu.memory_space<vmem>>[vector<16xi32>], vector<16xi32>,
      %add3A_285 = arith.constant 1 : i32
      %add3A_286 = vector.broadcast %add3A_285 : i32 to vector<16xi32>
      %add3A_287 = arith.addi %sub3A_273, %add3A_286 : vector<16xi32>
      tpu.vector_store_idx %arg7[%add3A_287], %gather3A_284 : memref<4096xi32, #tpu.memory_space<vmem>>[vector<16xi32>], vector<16xi32>,
      %add3A_288 = arith.constant 2 : i32
      %add3A_289 = vector.broadcast %add3A_288 : i32 to vector<16xi32>
      %add3A_290 = arith.addi %mul3A_252, %add3A_289 : vector<16xi32>
      %gather3A_291 = tpu.vector_load_idx %arg4[%add3A_290] : memref<40000xi32, #tpu.memory_space<vmem>>[vector<16xi32>], vector<16xi32>,
      %add3A_292 = arith.constant 2 : i32
      %add3A_293 = vector.broadcast %add3A_292 : i32 to vector<16xi32>
      %add3A_294 = arith.addi %sub3A_273, %add3A_293 : vector<16xi32>
      tpu.vector_store_idx %arg7[%add3A_294], %gather3A_291 : memref<4096xi32, #tpu.memory_space<vmem>>[vector<16xi32>], vector<16xi32>,
      %scan3A_295 = arith.constant 0 : i32
      %scan3A_296 = arith.constant 2 : i32
      %scan3A_297 = arith.addi %scan3A_192, %scan3A_296 : i32
      %mul3A_298 = arith.constant 16 : i32
      %mul3A_299 = arith.muli %scan3A_297, %mul3A_298 : i32
      %add3A_300 = arith.constant 9504 : i32
      %add3A_301 = arith.addi %add3A_300, %mul3A_299 : i32
      %get3A_302 = arith.index_cast %add3A_301 : i32 to index
      %get3A_303 = tpu.vector_load %arg5[%get3A_302] {strides = array<i32>} : memref<10560xi32, #tpu.memory_space<vmem>>, vector<16xi32>,
      %mul3A_304 = arith.constant 4 : i32
      %mul3A_305 = vector.broadcast %mul3A_304 : i32 to vector<16xi32>
      %mul3A_306 = arith.muli %get3A_303, %mul3A_305 : vector<16xi32>
      %mul3A_307 = arith.constant 16 : i32
      %mul3A_308 = arith.muli %scan3A_297, %mul3A_307 : i32
      %add3A_309 = vector.broadcast %mul3A_308 : i32 to vector<16xi32>
      %add3A_310 = arith.addi %add3A_309, %iota3A : vector<16xi32>
      %mul3A_311 = arith.constant 993 : i32
      %mul3A_312 = vector.broadcast %mul3A_311 : i32 to vector<16xi32>
      %mul3A_313 = arith.muli %add3A_310, %mul3A_312 : vector<16xi32>
      %shift_right_arithmetic3A_314 = arith.constant 15 : i32
      %shift_right_arithmetic3A_315 = vector.broadcast %shift_right_arithmetic3A_314 : i32 to vector<16xi32>
      %shift_right_arithmetic3A_316 = arith.shrsi %mul3A_313, %shift_right_arithmetic3A_315 : vector<16xi32>
      %mul3A_317 = arith.constant 128 : i32
      %mul3A_318 = vector.broadcast %mul3A_317 : i32 to vector<16xi32>
      %mul3A_319 = arith.muli %shift_right_arithmetic3A_316, %mul3A_318 : vector<16xi32>
      %mul3A_320 = arith.constant 3 : i32
      %mul3A_321 = vector.broadcast %mul3A_320 : i32 to vector<16xi32>
      %mul3A_322 = arith.muli %add3A_310, %mul3A_321 : vector<16xi32>
      %add3A_323 = arith.addi %mul3A_319, %mul3A_322 : vector<16xi32>
      %mul3A_324 = arith.constant 99 : i32
      %mul3A_325 = vector.broadcast %mul3A_324 : i32 to vector<16xi32>
      %mul3A_326 = arith.muli %shift_right_arithmetic3A_316, %mul3A_325 : vector<16xi32>
      %sub3A_327 = arith.subi %add3A_323, %mul3A_326 : vector<16xi32>
      %add3A_328 = arith.constant 0 : i32
      %add3A_329 = vector.broadcast %add3A_328 : i32 to vector<16xi32>
      %add3A_330 = arith.addi %mul3A_306, %add3A_329 : vector<16xi32>
      %gather3A_331 = tpu.vector_load_idx %arg4[%add3A_330] : memref<40000xi32, #tpu.memory_space<vmem>>[vector<16xi32>], vector<16xi32>,
      %add3A_332 = arith.constant 0 : i32
      %add3A_333 = vector.broadcast %add3A_332 : i32 to vector<16xi32>
      %add3A_334 = arith.addi %sub3A_327, %add3A_333 : vector<16xi32>
      tpu.vector_store_idx %arg7[%add3A_334], %gather3A_331 : memref<4096xi32, #tpu.memory_space<vmem>>[vector<16xi32>], vector<16xi32>,
      %add3A_335 = arith.constant 1 : i32
      %add3A_336 = vector.broadcast %add3A_335 : i32 to vector<16xi32>
      %add3A_337 = arith.addi %mul3A_306, %add3A_336 : vector<16xi32>
      %gather3A_338 = tpu.vector_load_idx %arg4[%add3A_337] : memref<40000xi32, #tpu.memory_space<vmem>>[vector<16xi32>], vector<16xi32>,
      %add3A_339 = arith.constant 1 : i32
      %add3A_340 = vector.broadcast %add3A_339 : i32 to vector<16xi32>
      %add3A_341 = arith.addi %sub3A_327, %add3A_340 : vector<16xi32>
      tpu.vector_store_idx %arg7[%add3A_341], %gather3A_338 : memref<4096xi32, #tpu.memory_space<vmem>>[vector<16xi32>], vector<16xi32>,
      %add3A_342 = arith.constant 2 : i32
      %add3A_343 = vector.broadcast %add3A_342 : i32 to vector<16xi32>
      %add3A_344 = arith.addi %mul3A_306, %add3A_343 : vector<16xi32>
      %gather3A_345 = tpu.vector_load_idx %arg4[%add3A_344] : memref<40000xi32, #tpu.memory_space<vmem>>[vector<16xi32>], vector<16xi32>,
      %add3A_346 = arith.constant 2 : i32
      %add3A_347 = vector.broadcast %add3A_346 : i32 to vector<16xi32>
      %add3A_348 = arith.addi %sub3A_327, %add3A_347 : vector<16xi32>
      tpu.vector_store_idx %arg7[%add3A_348], %gather3A_345 : memref<4096xi32, #tpu.memory_space<vmem>>[vector<16xi32>], vector<16xi32>,
      %scan3A_349 = arith.constant 0 : i32
      %scan3A_350 = arith.constant 3 : i32
      %scan3A_351 = arith.addi %scan3A_192, %scan3A_350 : i32
      %mul3A_352 = arith.constant 16 : i32
      %mul3A_353 = arith.muli %scan3A_351, %mul3A_352 : i32
      %add3A_354 = arith.constant 9504 : i32
      %add3A_355 = arith.addi %add3A_354, %mul3A_353 : i32
      %get3A_356 = arith.index_cast %add3A_355 : i32 to index
      %get3A_357 = tpu.vector_load %arg5[%get3A_356] {strides = array<i32>} : memref<10560xi32, #tpu.memory_space<vmem>>, vector<16xi32>,
      %mul3A_358 = arith.constant 4 : i32
      %mul3A_359 = vector.broadcast %mul3A_358 : i32 to vector<16xi32>
      %mul3A_360 = arith.muli %get3A_357, %mul3A_359 : vector<16xi32>
      %mul3A_361 = arith.constant 16 : i32
      %mul3A_362 = arith.muli %scan3A_351, %mul3A_361 : i32
      %add3A_363 = vector.broadcast %mul3A_362 : i32 to vector<16xi32>
      %add3A_364 = arith.addi %add3A_363, %iota3A : vector<16xi32>
      %mul3A_365 = arith.constant 993 : i32
      %mul3A_366 = vector.broadcast %mul3A_365 : i32 to vector<16xi32>
      %mul3A_367 = arith.muli %add3A_364, %mul3A_366 : vector<16xi32>
      %shift_right_arithmetic3A_368 = arith.constant 15 : i32
      %shift_right_arithmetic3A_369 = vector.broadcast %shift_right_arithmetic3A_368 : i32 to vector<16xi32>
      %shift_right_arithmetic3A_370 = arith.shrsi %mul3A_367, %shift_right_arithmetic3A_369 : vector<16xi32>
      %mul3A_371 = arith.constant 128 : i32
      %mul3A_372 = vector.broadcast %mul3A_371 : i32 to vector<16xi32>
      %mul3A_373 = arith.muli %shift_right_arithmetic3A_370, %mul3A_372 : vector<16xi32>
      %mul3A_374 = arith.constant 3 : i32
      %mul3A_375 = vector.broadcast %mul3A_374 : i32 to vector<16xi32>
      %mul3A_376 = arith.muli %add3A_364, %mul3A_375 : vector<16xi32>
      %add3A_377 = arith.addi %mul3A_373, %mul3A_376 : vector<16xi32>
      %mul3A_378 = arith.constant 99 : i32
      %mul3A_379 = vector.broadcast %mul3A_378 : i32 to vector<16xi32>
      %mul3A_380 = arith.muli %shift_right_arithmetic3A_370, %mul3A_379 : vector<16xi32>
      %sub3A_381 = arith.subi %add3A_377, %mul3A_380 : vector<16xi32>
      %add3A_382 = arith.constant 0 : i32
      %add3A_383 = vector.broadcast %add3A_382 : i32 to vector<16xi32>
      %add3A_384 = arith.addi %mul3A_360, %add3A_383 : vector<16xi32>
      %gather3A_385 = tpu.vector_load_idx %arg4[%add3A_384] : memref<40000xi32, #tpu.memory_space<vmem>>[vector<16xi32>], vector<16xi32>,
      %add3A_386 = arith.constant 0 : i32
      %add3A_387 = vector.broadcast %add3A_386 : i32 to vector<16xi32>
      %add3A_388 = arith.addi %sub3A_381, %add3A_387 : vector<16xi32>
      tpu.vector_store_idx %arg7[%add3A_388], %gather3A_385 : memref<4096xi32, #tpu.memory_space<vmem>>[vector<16xi32>], vector<16xi32>,
      %add3A_389 = arith.constant 1 : i32
      %add3A_390 = vector.broadcast %add3A_389 : i32 to vector<16xi32>
      %add3A_391 = arith.addi %mul3A_360, %add3A_390 : vector<16xi32>
      %gather3A_392 = tpu.vector_load_idx %arg4[%add3A_391] : memref<40000xi32, #tpu.memory_space<vmem>>[vector<16xi32>], vector<16xi32>,
      %add3A_393 = arith.constant 1 : i32
      %add3A_394 = vector.broadcast %add3A_393 : i32 to vector<16xi32>
      %add3A_395 = arith.addi %sub3A_381, %add3A_394 : vector<16xi32>
      tpu.vector_store_idx %arg7[%add3A_395], %gather3A_392 : memref<4096xi32, #tpu.memory_space<vmem>>[vector<16xi32>], vector<16xi32>,
      %add3A_396 = arith.constant 2 : i32
      %add3A_397 = vector.broadcast %add3A_396 : i32 to vector<16xi32>
      %add3A_398 = arith.addi %mul3A_360, %add3A_397 : vector<16xi32>
      %gather3A_399 = tpu.vector_load_idx %arg4[%add3A_398] : memref<40000xi32, #tpu.memory_space<vmem>>[vector<16xi32>], vector<16xi32>,
      %add3A_400 = arith.constant 2 : i32
      %add3A_401 = vector.broadcast %add3A_400 : i32 to vector<16xi32>
      %add3A_402 = arith.addi %sub3A_381, %add3A_401 : vector<16xi32>
      tpu.vector_store_idx %arg7[%add3A_402], %gather3A_399 : memref<4096xi32, #tpu.memory_space<vmem>>[vector<16xi32>], vector<16xi32>,
      %scan3A_403 = arith.constant 0 : i32
      %scan3A_404 = arith.constant 4 : i32
      %scan3A_405 = arith.addi %scan3A_192, %scan3A_404 : i32
      %mul3A_406 = arith.constant 16 : i32
      %mul3A_407 = arith.muli %scan3A_405, %mul3A_406 : i32
      %add3A_408 = arith.constant 9504 : i32
      %add3A_409 = arith.addi %add3A_408, %mul3A_407 : i32
      %get3A_410 = arith.index_cast %add3A_409 : i32 to index
      %get3A_411 = tpu.vector_load %arg5[%get3A_410] {strides = array<i32>} : memref<10560xi32, #tpu.memory_space<vmem>>, vector<16xi32>,
      %mul3A_412 = arith.constant 4 : i32
      %mul3A_413 = vector.broadcast %mul3A_412 : i32 to vector<16xi32>
      %mul3A_414 = arith.muli %get3A_411, %mul3A_413 : vector<16xi32>
      %mul3A_415 = arith.constant 16 : i32
      %mul3A_416 = arith.muli %scan3A_405, %mul3A_415 : i32
      %add3A_417 = vector.broadcast %mul3A_416 : i32 to vector<16xi32>
      %add3A_418 = arith.addi %add3A_417, %iota3A : vector<16xi32>
      %mul3A_419 = arith.constant 993 : i32
      %mul3A_420 = vector.broadcast %mul3A_419 : i32 to vector<16xi32>
      %mul3A_421 = arith.muli %add3A_418, %mul3A_420 : vector<16xi32>
      %shift_right_arithmetic3A_422 = arith.constant 15 : i32
      %shift_right_arithmetic3A_423 = vector.broadcast %shift_right_arithmetic3A_422 : i32 to vector<16xi32>
      %shift_right_arithmetic3A_424 = arith.shrsi %mul3A_421, %shift_right_arithmetic3A_423 : vector<16xi32>
      %mul3A_425 = arith.constant 128 : i32
      %mul3A_426 = vector.broadcast %mul3A_425 : i32 to vector<16xi32>
      %mul3A_427 = arith.muli %shift_right_arithmetic3A_424, %mul3A_426 : vector<16xi32>
      %mul3A_428 = arith.constant 3 : i32
      %mul3A_429 = vector.broadcast %mul3A_428 : i32 to vector<16xi32>
      %mul3A_430 = arith.muli %add3A_418, %mul3A_429 : vector<16xi32>
      %add3A_431 = arith.addi %mul3A_427, %mul3A_430 : vector<16xi32>
      %mul3A_432 = arith.constant 99 : i32
      %mul3A_433 = vector.broadcast %mul3A_432 : i32 to vector<16xi32>
      %mul3A_434 = arith.muli %shift_right_arithmetic3A_424, %mul3A_433 : vector<16xi32>
      %sub3A_435 = arith.subi %add3A_431, %mul3A_434 : vector<16xi32>
      %add3A_436 = arith.constant 0 : i32
      %add3A_437 = vector.broadcast %add3A_436 : i32 to vector<16xi32>
      %add3A_438 = arith.addi %mul3A_414, %add3A_437 : vector<16xi32>
      %gather3A_439 = tpu.vector_load_idx %arg4[%add3A_438] : memref<40000xi32, #tpu.memory_space<vmem>>[vector<16xi32>], vector<16xi32>,
      %add3A_440 = arith.constant 0 : i32
      %add3A_441 = vector.broadcast %add3A_440 : i32 to vector<16xi32>
      %add3A_442 = arith.addi %sub3A_435, %add3A_441 : vector<16xi32>
      tpu.vector_store_idx %arg7[%add3A_442], %gather3A_439 : memref<4096xi32, #tpu.memory_space<vmem>>[vector<16xi32>], vector<16xi32>,
      %add3A_443 = arith.constant 1 : i32
      %add3A_444 = vector.broadcast %add3A_443 : i32 to vector<16xi32>
      %add3A_445 = arith.addi %mul3A_414, %add3A_444 : vector<16xi32>
      %gather3A_446 = tpu.vector_load_idx %arg4[%add3A_445] : memref<40000xi32, #tpu.memory_space<vmem>>[vector<16xi32>], vector<16xi32>,
      %add3A_447 = arith.constant 1 : i32
      %add3A_448 = vector.broadcast %add3A_447 : i32 to vector<16xi32>
      %add3A_449 = arith.addi %sub3A_435, %add3A_448 : vector<16xi32>
      tpu.vector_store_idx %arg7[%add3A_449], %gather3A_446 : memref<4096xi32, #tpu.memory_space<vmem>>[vector<16xi32>], vector<16xi32>,
      %add3A_450 = arith.constant 2 : i32
      %add3A_451 = vector.broadcast %add3A_450 : i32 to vector<16xi32>
      %add3A_452 = arith.addi %mul3A_414, %add3A_451 : vector<16xi32>
      %gather3A_453 = tpu.vector_load_idx %arg4[%add3A_452] : memref<40000xi32, #tpu.memory_space<vmem>>[vector<16xi32>], vector<16xi32>,
      %add3A_454 = arith.constant 2 : i32
      %add3A_455 = vector.broadcast %add3A_454 : i32 to vector<16xi32>
      %add3A_456 = arith.addi %sub3A_435, %add3A_455 : vector<16xi32>
      tpu.vector_store_idx %arg7[%add3A_456], %gather3A_453 : memref<4096xi32, #tpu.memory_space<vmem>>[vector<16xi32>], vector<16xi32>,
      %scan3A_457 = arith.constant 0 : i32
      %scan3A_458 = arith.constant 5 : i32
      %scan3A_459 = arith.addi %scan3A_192, %scan3A_458 : i32
      %mul3A_460 = arith.constant 16 : i32
      %mul3A_461 = arith.muli %scan3A_459, %mul3A_460 : i32
      %add3A_462 = arith.constant 9504 : i32
      %add3A_463 = arith.addi %add3A_462, %mul3A_461 : i32
      %get3A_464 = arith.index_cast %add3A_463 : i32 to index
      %get3A_465 = tpu.vector_load %arg5[%get3A_464] {strides = array<i32>} : memref<10560xi32, #tpu.memory_space<vmem>>, vector<16xi32>,
      %mul3A_466 = arith.constant 4 : i32
      %mul3A_467 = vector.broadcast %mul3A_466 : i32 to vector<16xi32>
      %mul3A_468 = arith.muli %get3A_465, %mul3A_467 : vector<16xi32>
      %mul3A_469 = arith.constant 16 : i32
      %mul3A_470 = arith.muli %scan3A_459, %mul3A_469 : i32
      %add3A_471 = vector.broadcast %mul3A_470 : i32 to vector<16xi32>
      %add3A_472 = arith.addi %add3A_471, %iota3A : vector<16xi32>
      %mul3A_473 = arith.constant 993 : i32
      %mul3A_474 = vector.broadcast %mul3A_473 : i32 to vector<16xi32>
      %mul3A_475 = arith.muli %add3A_472, %mul3A_474 : vector<16xi32>
      %shift_right_arithmetic3A_476 = arith.constant 15 : i32
      %shift_right_arithmetic3A_477 = vector.broadcast %shift_right_arithmetic3A_476 : i32 to vector<16xi32>
      %shift_right_arithmetic3A_478 = arith.shrsi %mul3A_475, %shift_right_arithmetic3A_477 : vector<16xi32>
      %mul3A_479 = arith.constant 128 : i32
      %mul3A_480 = vector.broadcast %mul3A_479 : i32 to vector<16xi32>
      %mul3A_481 = arith.muli %shift_right_arithmetic3A_478, %mul3A_480 : vector<16xi32>
      %mul3A_482 = arith.constant 3 : i32
      %mul3A_483 = vector.broadcast %mul3A_482 : i32 to vector<16xi32>
      %mul3A_484 = arith.muli %add3A_472, %mul3A_483 : vector<16xi32>
      %add3A_485 = arith.addi %mul3A_481, %mul3A_484 : vector<16xi32>
      %mul3A_486 = arith.constant 99 : i32
      %mul3A_487 = vector.broadcast %mul3A_486 : i32 to vector<16xi32>
      %mul3A_488 = arith.muli %shift_right_arithmetic3A_478, %mul3A_487 : vector<16xi32>
      %sub3A_489 = arith.subi %add3A_485, %mul3A_488 : vector<16xi32>
      %add3A_490 = arith.constant 0 : i32
      %add3A_491 = vector.broadcast %add3A_490 : i32 to vector<16xi32>
      %add3A_492 = arith.addi %mul3A_468, %add3A_491 : vector<16xi32>
      %gather3A_493 = tpu.vector_load_idx %arg4[%add3A_492] : memref<40000xi32, #tpu.memory_space<vmem>>[vector<16xi32>], vector<16xi32>,
      %add3A_494 = arith.constant 0 : i32
      %add3A_495 = vector.broadcast %add3A_494 : i32 to vector<16xi32>
      %add3A_496 = arith.addi %sub3A_489, %add3A_495 : vector<16xi32>
      tpu.vector_store_idx %arg7[%add3A_496], %gather3A_493 : memref<4096xi32, #tpu.memory_space<vmem>>[vector<16xi32>], vector<16xi32>,
      %add3A_497 = arith.constant 1 : i32
      %add3A_498 = vector.broadcast %add3A_497 : i32 to vector<16xi32>
      %add3A_499 = arith.addi %mul3A_468, %add3A_498 : vector<16xi32>
      %gather3A_500 = tpu.vector_load_idx %arg4[%add3A_499] : memref<40000xi32, #tpu.memory_space<vmem>>[vector<16xi32>], vector<16xi32>,
      %add3A_501 = arith.constant 1 : i32
      %add3A_502 = vector.broadcast %add3A_501 : i32 to vector<16xi32>
      %add3A_503 = arith.addi %sub3A_489, %add3A_502 : vector<16xi32>
      tpu.vector_store_idx %arg7[%add3A_503], %gather3A_500 : memref<4096xi32, #tpu.memory_space<vmem>>[vector<16xi32>], vector<16xi32>,
      %add3A_504 = arith.constant 2 : i32
      %add3A_505 = vector.broadcast %add3A_504 : i32 to vector<16xi32>
      %add3A_506 = arith.addi %mul3A_468, %add3A_505 : vector<16xi32>
      %gather3A_507 = tpu.vector_load_idx %arg4[%add3A_506] : memref<40000xi32, #tpu.memory_space<vmem>>[vector<16xi32>], vector<16xi32>,
      %add3A_508 = arith.constant 2 : i32
      %add3A_509 = vector.broadcast %add3A_508 : i32 to vector<16xi32>
      %add3A_510 = arith.addi %sub3A_489, %add3A_509 : vector<16xi32>
      tpu.vector_store_idx %arg7[%add3A_510], %gather3A_507 : memref<4096xi32, #tpu.memory_space<vmem>>[vector<16xi32>], vector<16xi32>,
      %scan3A_511 = arith.constant 0 : i32
      scf.yield %scan3A_511 : i32
    }
    %scan3A_179 = arith.constant 66 : i32
    %mul3A_180 = arith.constant 320 : i32
    %mul3A_181 = arith.muli %add3A, %mul3A_180 : i32
    %add3A_182 = arith.constant 288 : i32
    %add3A_183 = arith.addi %mul3A_181, %add3A_182 : i32
    %mul3A_184 = arith.constant 128 : i32
    %mul3A_185 = arith.muli %add3A_183, %mul3A_184 : i32
    %dma_start3A_186 = tpu.memref_slice %arg3[%mul3A_185] : memref<1310720xi32, #tpu.memory_space<hbm>> -> memref<4096xi32, #tpu.memory_space<hbm>>
    %dma_start3A_187 = tpu.memref_slice %arg3[%mul3A_185] : memref<1310720xi32, #tpu.memory_space<hbm>> -> memref<4096xi32, #tpu.memory_space<hbm>>
    tpu.enqueue_dma source(%arg7 : memref<4096xi32, #tpu.memory_space<vmem>>) target(%dma_start3A_187 : memref<4096xi32, #tpu.memory_space<hbm>>) target_semaphore(%arg9 : memref<!tpu.dma_semaphore, #tpu.memory_space<semaphore_mem>>)
    %dma_wait3A_188 = tpu.memref_slice %arg3[%mul3A_168] : memref<1310720xi32, #tpu.memory_space<hbm>> -> memref<4096xi32, #tpu.memory_space<hbm>>
    %dma_wait3A_189 = tpu.memref_slice %arg3[%mul3A_168] : memref<1310720xi32, #tpu.memory_space<hbm>> -> memref<4096xi32, #tpu.memory_space<hbm>>
    tpu.wait_dma2 semaphore(%arg9 : memref<!tpu.dma_semaphore, #tpu.memory_space<semaphore_mem>>) src(%arg6 : memref<4096xi32, #tpu.memory_space<vmem>>) dst(%dma_wait3A_189 : memref<4096xi32, #tpu.memory_space<hbm>>)
    %dma_wait3A_190 = tpu.memref_slice %arg3[%mul3A_185] : memref<1310720xi32, #tpu.memory_space<hbm>> -> memref<4096xi32, #tpu.memory_space<hbm>>
    %dma_wait3A_191 = tpu.memref_slice %arg3[%mul3A_185] : memref<1310720xi32, #tpu.memory_space<hbm>> -> memref<4096xi32, #tpu.memory_space<hbm>>
    tpu.wait_dma2 semaphore(%arg9 : memref<!tpu.dma_semaphore, #tpu.memory_space<semaphore_mem>>) src(%arg7 : memref<4096xi32, #tpu.memory_space<vmem>>) dst(%dma_wait3A_191 : memref<4096xi32, #tpu.memory_space<hbm>>)
    return
  }
}

</mosaic_0001>

<sc_bundles>
// kernel: kernel.3.cloned.1.call-start
scs
__scs_entry_jumppad:
0x0: {  	(pc) =	sbr.rel $0x88, $3  }
0x1: {  	(tag) =	ssettag $0x0;
	lr =	simm.s32 $0x1  }
0x2: {  	[smem:$0x3F9F] =	sst lr;
	_ =	strace $0xD0000000  }
0x3: {  	_ = 	snop  }
0x4: {  	_ = 	snop  }
0x5: {  	_ = 	snop  }
0x6: {  	_ = 	snop  }
0x7: {  	_ = 	snop  }
__scs_overlays_trampoline_lowered:
0x8: {  	[smem:$0x3FAE] =	sst s0  }
0x9: {  	[smem:$0x3FAF] =	sst s1  }
0xa: {  	[smem:$0x3FB0] =	sst s2  }
0xb: {  	[smem:$0x3FB1] =	sst s3  }
0xc: {  	[smem:$0x3FB2] =	sst s4  }
0xd: {  	[smem:$0x3FB3] =	sst s5  }
0xe: {  	[smem:$0x3FB4] =	sst s6  }
0xf: {  	[smem:$0x3FB5] =	sst s7  }
0x10: {  	[smem:$0x3FB6] =	sst s8  }
0x11: {  	[smem:$0x3FB7] =	sst s9;
	s0 =	simm.s32 @!p0 $0x0  }
0x12: {  	s1 =	sld [smem:$0x3F9D];
	s0 =	simm.s32 @p0 $0x1  }
0x13: {  	[smem:$0x3FB8] =	sst s0;
	s0 =	simm.s32 @!p1 $0x0  }
0x14: {  	s2 =	sld [smem:$0x3F9C];
	s0 =	simm.s32 @p1 $0x1  }
0x15: {  	[smem:$0x3FB9] =	sst s0;
	s0 =	simm.s32 @!p2 $0x0  }
0x16: {  	s3 =	sld [smem:$0x3FDB];
	s0 =	simm.s32 @p2 $0x1  }
0x17: {  	s4 =	simm.s32 $0x1BF5;
	[smem:$0x3FBB] =	sst s0  }
0x18: {  	s0 =	sld [smem:$0x3F9E];
	_ =	swait.ge [sflag:s4], $0x0  }
0x19: {  	s7 =	sld [smem:$0x3F9F]  }
0x1a: {  	s8 =	sadd.s32 $0xFFFFE003, lr  }
0x1b: {  	s9 =	sadd.s32 $0xFFFFFEF7, lr;
	s5 =	simm.s32 $0xFFFFFFFF;
	p2 =	slt.u32 s8, $0xFFFFF086  }
0x1c: {  	p1 =	slt.u32 s9, $0xF7A;
	s5 =	simm.s32 @!p2 $0x0  }
0x1d: {  	s5 =	simm.s32 @p1 $0x1;
	p0 =	seq.s32 s7, s2  }
0x1e: {  	s7 =	smul.u32 @!p0 $0xF7A, s2;
	p2 =	seq.s32 @!p0 s5, $0x0  }
0x1f: {  	s9 =	smul.u32 $0xF7A, s1;
	s8 =	simm.s32 @!p0 $0x1BF5;
	p2 =	por !p2, p0  }
0x20: {  	[sflag:s8] =	ssyncset.s32 @!p0 $0xFFFFF086;
	s6 =	sadd.s32 @!p0 s3, s7;
	s7 =	simm.s32 @!p0 $0x108  }
0x21: {  	s3 =	sadd.s32 s3, s9;
	s6 =	sadd.s32 @!p0 $0x88, s6;
	s7 =	simm.s32 @p2 $0x1082  }
0x22: {  	[simem:s7], [sflag:s8] =	dma.local @!p0 [hbm:s6], $0xF7A  }
0x23: {  	s9 =	sor.u32 $0xD0000000, s2;
	s6 =	simm.s32 $0x108;
	_ =	swait.ge @!p0 [sflag:s8], $0x0  }
0x24: {  	s3 =	sadd.s32 $0x88, s3;
	s6 =	simm.s32 @!p1 $0x1082;
	[sflag:s4] =	ssyncset.s32 $0xFFFFF086  }
0x25: {  	[simem:s6], [sflag:s4] =	dma.local [hbm:s3], $0xF7A  }
0x26: {  	[smem:$0x3F9F] =	sst s1;
	(tag) =	ssettag s2;
	_ =	strace s9  }
0x27: {  	s1 =	sld [smem:$0x3FAF]  }
0x28: {  	s2 =	sld [smem:$0x3FB0]  }
0x29: {  	s4 =	sld [smem:$0x3FB2]  }
0x2a: {  	p0 =	seq.s32 s5, $0x0;
	s5 =	sld [smem:$0x3FB3]  }
0x2b: {  	s6 =	sld [smem:$0x3FB4]  }
0x2c: {  	s7 =	sld [smem:$0x3FB5]  }
0x2d: {  	s3 =	simm.s32 $0x108;
	s8 =	sld [smem:$0x3FB6]  }
0x2e: {  	s3 =	simm.s32 @!p0 $0x1082;
	s9 =	sld [smem:$0x3FB7]  }
0x2f: {  	lr =	sadd.s32 s0, s3;
	s0 =	sld [smem:$0x3FAE]  }
0x30: {  	s3 =	sld [smem:$0x3FB1]  }
0x31: {  	[smem:$0x3FBA] =	sst s10  }
0x32: {  	s10 =	sld [smem:$0x3FB8];
	_ =	sdelay $0x3  }
0x33: {  	p0 =	seq.s32 s10, $0x1;
	s10 =	sld [smem:$0x3FBA];
	_ =	sdelay $0x3  }
0x34: {  	[smem:$0x3FBA] =	sst s10  }
0x35: {  	s10 =	sld [smem:$0x3FB9];
	_ =	sdelay $0x3  }
0x36: {  	p1 =	seq.s32 s10, $0x1;
	s10 =	sld [smem:$0x3FBA];
	_ =	sdelay $0x3  }
0x37: {  	[smem:$0x3FBA] =	sst s10  }
0x38: {  	s10 =	sld [smem:$0x3FBB]  }
0x39: {  	_ = 	snop;
	(pc) =	sbr.ind lr, $3  }
0x3a: {  	_ = 	snop  }
0x3b: {  	_ = 	snop  }
0x3c: {  	p2 =	seq.s32 s10, $0x1;
	s10 =	sld [smem:$0x3FBA]  }
0x3d: {  	_ =	shalt  }
0x3e: {  	_ =	shalt  }
0x3f: {  	_ =	shalt  }
0x40: {  	_ =	shalt  }
0x41: {  	_ =	shalt  }
0x42: {  	_ =	shalt  }
0x43: {  	_ =	shalt  }
0x44: {  	_ =	shalt  }
0x45: {  	_ =	shalt  }
0x46: {  	_ =	shalt  }
0x47: {  	_ =	shalt  }
0x48: {  	_ =	shalt  }
0x49: {  	_ =	shalt  }
0x4a: {  	_ =	shalt  }
0x4b: {  	_ =	shalt  }
0x4c: {  	_ =	shalt  }
0x4d: {  	_ =	shalt  }
0x4e: {  	_ =	shalt  }
0x4f: {  	_ =	shalt  }
0x50: {  	_ =	shalt  }
0x51: {  	_ =	shalt  }
0x52: {  	_ =	shalt  }
0x53: {  	_ =	shalt  }
0x54: {  	_ =	shalt  }
0x55: {  	_ =	shalt  }
0x56: {  	_ =	shalt  }
0x57: {  	_ =	shalt  }
0x58: {  	_ =	shalt  }
0x59: {  	_ =	shalt  }
0x5a: {  	_ =	shalt  }
0x5b: {  	_ =	shalt  }
0x5c: {  	_ =	shalt  }
0x5d: {  	_ =	shalt  }
0x5e: {  	_ =	shalt  }
0x5f: {  	_ =	shalt  }
0x60: {  	_ =	shalt  }
0x61: {  	_ =	shalt  }
0x62: {  	_ =	shalt  }
0x63: {  	_ =	shalt  }
0x64: {  	_ =	shalt  }
0x65: {  	_ =	shalt  }
0x66: {  	_ =	shalt  }
0x67: {  	_ =	shalt  }
0x68: {  	_ =	shalt  }
0x69: {  	_ =	shalt  }
0x6a: {  	_ =	shalt  }
0x6b: {  	_ =	shalt  }
0x6c: {  	_ =	shalt  }
0x6d: {  	_ =	shalt  }
0x6e: {  	_ =	shalt  }
0x6f: {  	_ =	shalt  }
0x70: {  	_ =	shalt  }
0x71: {  	_ =	shalt  }
0x72: {  	_ =	shalt  }
0x73: {  	_ =	shalt  }
0x74: {  	_ =	shalt  }
0x75: {  	_ =	shalt  }
0x76: {  	_ =	shalt  }
0x77: {  	_ =	shalt  }
0x78: {  	_ =	shalt  }
0x79: {  	_ =	shalt  }
0x7a: {  	_ =	shalt  }
0x7b: {  	_ =	shalt  }
0x7c: {  	_ =	shalt  }
0x7d: {  	_ =	shalt  }
0x7e: {  	_ =	shalt  }
0x7f: {  	_ =	shalt  }
0x80: {  	_ =	shalt  }
0x81: {  	_ =	shalt  }
0x82: {  	_ =	shalt  }
0x83: {  	_ =	shalt  }
0x84: {  	_ =	shalt  }
0x85: {  	_ =	shalt  }
0x86: {  	_ =	shalt  }
0x87: {  	_ =	shalt  }
.Lfunc_end0:
.L_simem_size_0:
called_computation_lowered:
.L_overlay_start_0:
0x88: {  	s2 =	sld [smem:$0x3FD9]  }
0x89: {  	s3 =	sld [smem:$0x3FFE];
	_ =	sdelay $0x1  }
0x8a: {  	s1 =	srdreg.scid  }
0x8b: {  	s0 =	sand.u32 $0x1, s1  }
0x8c: {  	s16 =	sshll.u32 s0, $0xA;
	s2 =	sadd.s32 s3, s2  }
0x8d: {  	s2 =	sadd.s32 s2, s16  }
0x8e: {  	[smem:$0x3FC6] =	sst s2  }
0x8f: {  	_ = 	snop  }
0x90: {  	(tm) =	ssettm $0x1  }
0x91: {  	s17 =	sld [smem:$0x3FFB];
	_ =	sdelay $0x3  }
0x92: {  	_ =	strace s17  }
0x93: {  	s2 =	sld [smem:$0x3FFC];
	_ =	sdelay $0x3  }
0x94: {  	_ =	strace s2  }
0x95: {  	s2 =	sld [smem:$0x3FFD];
	_ =	sdelay $0x3  }
0x96: {  	_ =	strace s2  }
0x97: {  	_ =	strace $0x8FFFFFFF  }
0x98: {  	s18 =	sld [smem:$0x3FDB];
	_ =	sdelay $0x1  }
0x99: {  	s19 =	simm.s32 $_scs_section_size  }
0x9a: {  	s4 =	simm.s32 $_size__tile_overlayer_lowered;
	s5 =	simm.s32 $_tile_overlayer_lowered  }
0x9b: {  	s22 =	simm.s32 $0x1BFF;
	s21 =	sshll.u32 s5, $0x1;
	s2 =	sadd.s32 s19, s18  }
0x9c: {  	s6 =	simm.s32 $0x0;
	s20 =	sshll.u32 s4, $0x1;
	s4 =	sadd.s32 s21, s2  }
0x9d: {  	[timem:s6], [sflag:s22] =	dma.local [hbm:s4], s20  }
0x9e: {  	_ =	swait.ge [sflag:s22], s20  }
0x9f: {  	s3 =	ssub.s32 $0x0, s20;
	[sflag:s22] =	ssyncset.done $0x0  }
0xa0: {  	[sflag:s22] =	ssyncadd.s32 s3;
	_ =	sdelay $0x1  }
0xa1: {  	s23 =	simm.s32 $0x1B8B  }
0xa2: {  	_ =	swait.ge [sflag:s23], $0x1  }
0xa3: {  	[sflag:s23] =	ssyncset.done $0x0  }
0xa4: {  	s25 =	simm.s32 $0x1B8E;
	s24 =	sld [smem:$0x3FFE];
	[sflag:s23] =	ssyncadd.s32 $0xFFFFFFFF  }
0xa5: {  	s26 =	simm.s32 $execute0_lowered;
	[smem:$0x3FD2] =	sst s25  }
0xa6: {  	s4 =	sshll.u32 s26, $0x1;
	_ =	strace $0x80000046;
	[dreg:$0x1] =	wrdreg $0xFFFFFFFF  }
0xa7: {  	s28 =	simm.s32 $_size_execute0_lowered;
	s2 =	sadd.s32 s2, s4;
	[dreg:$0x0] =	wrdreg $0x0  }
0xa8: {  	s4 =	sshll.u32 s28, $0x1;
	[dreg:$0x2] =	wrdreg s2  }
0xa9: {  	[dreg:$0x3] =	wrdreg s4  }
0xaa: {  	[dreg:$0x4] =	wrdreg $0xC0  }
0xab: {  	_ =	task [dreg:s6], $0x5FFFF  }
0xac: {  	[dreg:$0x1] =	wrdreg $0xFFFFFFFF  }
0xad: {  	[dreg:$0x0] =	wrdreg $0x60  }
0xae: {  	[dreg:$0x2] =	wrdreg s24  }
0xaf: {  	[dreg:$0x3] =	wrdreg $0x9  }
0xb0: {  	_ =	task.clear_ibuf [dreg:s6], $0x4FFFF;
	_ =	strace $0x90000046  }
0xb1: {  	s29 =	simm.s32 $0x9;
	_ =	strace $0x80000048  }
0xb2: {  	_ =	swait.ge [sflag:s29], $0x1  }
0xb3: {  	[sflag:s29] =	ssyncadd.s32 $0xFFFFFFFF  }
0xb4: {  	_ =	strace $0x90000048  }
0xb5: {  	_ =	sfence  }
0xb6: {  	s30 =	sld [smem:$0x0];
	_ =	sdelay $0x2  }
0xb7: {  	s31 =	sshll.u32 s1, $0xD;
	s1 =	sshrl.u32 s1, $0x2  }
0xb8: {  	s3 =	sand.u32 $0x4000, s31;
	s1 =	sadd.s32 s1, s30  }
0xb9: {  	s0 =	sor.u32 s3, s0;
	s1 =	sshll.u32 s1, $0x11  }
0xba: {  	s0 =	sor.u32 s1, s0  }
0xbb: {  	s0 =	sadd.s32 $0x8F2B, s0  }
0xbc: {  	[sflag:s0] =	ssyncadd.remote.s32 $0x1  }
0xbd: {  	_ =	sfence.sel $0xFFFF  }
0xbe: {  	[dreg:$0x0] =	wrdreg $0xFFFFFFFF;
	(pc) =	sbr.abs _section_cstart, $3  }
0xbf: {  	[dreg:$0x1] =	wrdreg $0xFFFFFFFF  }
0xc0: {  	_ =	task.clear_ibuf [dreg:s6], $0x2FFFF;
	_ =	strace $0x9FFFFFFF  }
0xc1: {  	(tm) =	ssettm $0x7FFFFFFF  }
tec
execute0_lowered:
.L_overlay_start_1:
0x0: {  	(tag) =	ssettag $0x1  }
0x1: {  	s1 =	srdreg.scid  }
0x2: {  	s0 =	stileid.u32;
	s4 =	rddreg [dreg:$0x0];
	s2 =	simm.s32 $0x0  }
0x3: {  	s16 =	simm.s32 $0x9C80;
	s17 =	simm.s32 $0x1;
	s18 =	simm.s32 $0xC600  }
0x4: {  	s19 =	simm.s32 $0xD600;
	s3 =	sand.u32 $0x1, s1;
	s5 =	sshll.u32 s0, $0x1  }
0x5: {  	s20 =	simm.s32 $0x2;
	s1 =	rddreg [dreg:$0x1];
	s5 =	sor.u32 s3, s5  }
0x6: {  	s21 =	simm.s32 $0x0;
	[smem:$0x7FF] =	sst s2;
	s6 =	smul.u32 $0x2940, s5  }
0x7: {  	s10 =	sadd.s32 $0xC000, s4;
	s7 =	ssub.s32 $0x2, s3;
	s8 =	smul.u32 $0x1400, s5  }
0x8: {  	_ =	strace $0x80000047;
	s9 =	sshrl.u32 s7, $0x1;
	s5 =	smul.u32 $0xA000, s5  }
0x9: {  	s3 =	sadd.s32 $0x600, s4;
	s15 =	ssub.s32 s7, s9;
	s30 =	sshrl.u32 s6, $0x3  }
0xa: {  	s4 =	sadd.s32 s10, s8;
	s31 =	sshrl.u32 s5, $0x3;
	s6 =	sadd.s32 s3, s30  }
0xb: {  	s15 =	smax.u32 s15, $0x1;
	s14 =	sadd.s32 s10, s31;
	s5 =	sadd.s32 $0x1388, s6  }
0xc: {  	s6 =	sadd.s32 $0x200, s4;
	s7 =	sadd.s32 $0x400, s14;
	s8 =	sadd.s32 $0x600, s14  }
0xd: {  	s9 =	sadd.s32 $0x800, s14;
	s10 =	sadd.s32 $0xA00, s14;
	s11 =	sadd.s32 $0xC00, s14  }
0xe: {  	v0 =	vimm.s32 $0x0;
	v1 =	vlaneseq.u32;
	s12 =	sadd.s32 $0xE00, s14;
	s13 =	sadd.s32 $0x1000, s14;
	s14 =	sadd.s32 $0x1200, s14  }
.LBB2_1:
0xf: {  	[tilespmem:s2], [sflag:$0x1] =	stream.linear.gather [hbm4b:s3+s2], $0x9C40, $0x38;
	[tilespmem:$0xE600] =	vst v63  }
0x10: {  	s23 =	simm.s32 $0xC620  }
0x11: {  	[tilespmem:s16], [sflag:$0x1] =	stream.linear.gather [hbm4b:s5+s2], $0x2940, $0x38;
	[tilespmem:$0xE600] =	vst v63  }
0x12: {  	s22 =	simm.s32 $0xD620;
	[tilespmem:s23+$0xFFFFFFE0] =	vst v0  }
0x13: {  	[tilespmem:s22+$0xFFFFFFE0] =	vst v0  }
0x14: {  	[tilespmem:s23+$0xFFFFFFF0] =	vst v0  }
0x15: {  	[tilespmem:s22+$0xFFFFFFF0] =	vst v0  }
0x16: {  	[tilespmem:s23+$0x0] =	vst v0  }
0x17: {  	[tilespmem:s22+$0x0] =	vst v0  }
0x18: {  	[tilespmem:s23+$0x10] =	vst v0  }
0x19: {  	s24 =	simm.s32 $0xC660;
	s23 =	simm.s32 $0x0;
	[tilespmem:s22+$0x10] =	vst v0  }
.LBB2_2:
0x1a: {  	[tilespmem:s24+$0xFFFFFFE0] =	vst v0;
	s22 =	sadd.s32 $0x40, s22  }
0x1b: {  	s23 =	sadd.s32 $0x4, s23;
	[tilespmem:s22+$0xFFFFFFE0] =	vst v0  }
0x1c: {  	p0 =	slt.u32 s23, $0xFC;
	[tilespmem:s24+$0xFFFFFFF0] =	vst v0  }
.Ltmp0:
0x1d: {  	[tilespmem:s22+$0xFFFFFFF0] =	vst v0;
	(pc) =	sbr.rel @p0 .LBB2_2-.Ltmp0, $4  }
0x1e: {  	[tilespmem:s24+$0x0] =	vst v0  }
0x1f: {  	[tilespmem:s22+$0x0] =	vst v0  }
0x20: {  	[tilespmem:s24+$0x10] =	vst v0  }
0x21: {  	s24 =	sadd.s32 $0x40, s24;
	[tilespmem:s22+$0x10] =	vst v0  }
0x22: {  	_ =	swait.ge [sflag:s17], $0x9C40  }
0x23: {  	[sflag:s17] =	ssyncset.done $0x0  }
0x24: {  	[sflag:s17] =	ssyncadd.s32 $0xFFFF63C0  }
0x25: {  	_ =	swait.ge [sflag:s17], $0x2940  }
0x26: {  	s22 =	simm.s32 $0xFFFFFFFA;
	[sflag:s17] =	ssyncset.done $0x0  }
0x27: {  	s23 =	simm.s32 $0x0;
	s24 =	simm.s32 $0x9CB0;
	[sflag:s17] =	ssyncadd.s32 $0xFFFFD6C0  }
.LBB2_4:
0x28: {  	v2 =	vld [tilespmem:s24+$0xFFFFFFD0];
	_ =	sdelay $0x3  }
0x29: {  	v3 =	vor.u32 s23, v1  }
0x2a: {  	v4 =	vmul.u32 $0x3E1, v3;
	v2 =	vshll.u32 v2, $0x2;
	_ =	sdelay $0x1  }
0x2b: {  	v3 =	vmul.u32 $0x3, v3;
	v4 =	vshrl.u32 v4, $0xF  }
0x2c: {  	v5 =	vshll.u32 v4, $0x7;
	v4 =	vmul.u32 $0xFFFFFF9D, v4  }
0x2d: {  	v3 =	vadd.s32 v3, v5  }
0x2e: {  	v3 =	vadd.s32 v4, v3;
	v36 =	vld.idx.msk [tilespmem:v2+s2+$0x0], $0xffff  }
0x2f: {  	v37 =	vor.u32 $0x1, v2;
	_ =	sdelay $0x3  }
0x30: {  	[tilespmem:v3+s18+$0x0] =	vst.idx.msk $0xffff, v36  }
0x31: {  	v38 =	vadd.s32 $0x1, v3;
	v4 =	vld.idx.msk [tilespmem:v37+s2+$0x0], $0xffff  }
0x32: {  	v2 =	vor.u32 $0x2, v2;
	_ =	sdelay $0x3  }
0x33: {  	[tilespmem:v38+s18+$0x0] =	vst.idx.msk $0xffff, v4  }
0x34: {  	v3 =	vadd.s32 $0x2, v3;
	v2 =	vld.idx.msk [tilespmem:v2+s2+$0x0], $0xffff;
	_ =	sdelay $0x4  }
0x35: {  	[tilespmem:v3+s18+$0x0] =	vst.idx.msk $0xffff, v2  }
0x36: {  	v2 =	vld [tilespmem:s24+$0xFFFFFFE0];
	_ =	sdelay $0x2  }
0x37: {  	s25 =	sadd.s32 $0x10, s23  }
0x38: {  	v3 =	vor.u32 s25, v1  }
0x39: {  	v39 =	vmul.u32 $0x3E1, v3;
	v2 =	vshll.u32 v2, $0x2;
	_ =	sdelay $0x1  }
0x3a: {  	v3 =	vmul.u32 $0x3, v3;
	v4 =	vshrl.u32 v39, $0xF  }
0x3b: {  	v40 =	vshll.u32 v4, $0x7;
	v4 =	vmul.u32 $0xFFFFFF9D, v4  }
0x3c: {  	v3 =	vadd.s32 v3, v40  }
0x3d: {  	v3 =	vadd.s32 v4, v3;
	v41 =	vld.idx.msk [tilespmem:v2+s2+$0x0], $0xffff  }
0x3e: {  	v42 =	vor.u32 $0x1, v2;
	_ =	sdelay $0x3  }
0x3f: {  	[tilespmem:v3+s18+$0x0] =	vst.idx.msk $0xffff, v41  }
0x40: {  	v43 =	vadd.s32 $0x1, v3;
	v4 =	vld.idx.msk [tilespmem:v42+s2+$0x0], $0xffff  }
0x41: {  	v2 =	vor.u32 $0x2, v2;
	_ =	sdelay $0x3  }
0x42: {  	[tilespmem:v43+s18+$0x0] =	vst.idx.msk $0xffff, v4  }
0x43: {  	v3 =	vadd.s32 $0x2, v3;
	v2 =	vld.idx.msk [tilespmem:v2+s2+$0x0], $0xffff;
	_ =	sdelay $0x4  }
0x44: {  	[tilespmem:v3+s18+$0x0] =	vst.idx.msk $0xffff, v2  }
0x45: {  	v2 =	vld [tilespmem:s24+$0xFFFFFFF0];
	_ =	sdelay $0x2  }
0x46: {  	s28 =	sadd.s32 $0x20, s23  }
0x47: {  	v3 =	vor.u32 s28, v1  }
0x48: {  	v44 =	vmul.u32 $0x3E1, v3;
	v2 =	vshll.u32 v2, $0x2;
	_ =	sdelay $0x1  }
0x49: {  	v3 =	vmul.u32 $0x3, v3;
	v4 =	vshrl.u32 v44, $0xF  }
0x4a: {  	v45 =	vshll.u32 v4, $0x7;
	v4 =	vmul.u32 $0xFFFFFF9D, v4  }
0x4b: {  	v3 =	vadd.s32 v3, v45  }
0x4c: {  	v3 =	vadd.s32 v4, v3;
	v46 =	vld.idx.msk [tilespmem:v2+s2+$0x0], $0xffff  }
0x4d: {  	v47 =	vor.u32 $0x1, v2;
	_ =	sdelay $0x3  }
0x4e: {  	[tilespmem:v3+s18+$0x0] =	vst.idx.msk $0xffff, v46  }
0x4f: {  	v48 =	vadd.s32 $0x1, v3;
	v4 =	vld.idx.msk [tilespmem:v47+s2+$0x0], $0xffff  }
0x50: {  	v2 =	vor.u32 $0x2, v2;
	_ =	sdelay $0x3  }
0x51: {  	[tilespmem:v48+s18+$0x0] =	vst.idx.msk $0xffff, v4  }
0x52: {  	v3 =	vadd.s32 $0x2, v3;
	v2 =	vld.idx.msk [tilespmem:v2+s2+$0x0], $0xffff;
	_ =	sdelay $0x4  }
0x53: {  	[tilespmem:v3+s18+$0x0] =	vst.idx.msk $0xffff, v2  }
0x54: {  	v2 =	vld [tilespmem:s24+$0x0];
	_ =	sdelay $0x2  }
0x55: {  	s29 =	sadd.s32 $0x30, s23  }
0x56: {  	v3 =	vor.u32 s29, v1  }
0x57: {  	v49 =	vmul.u32 $0x3E1, v3;
	v2 =	vshll.u32 v2, $0x2;
	_ =	sdelay $0x1  }
0x58: {  	v3 =	vmul.u32 $0x3, v3;
	v4 =	vshrl.u32 v49, $0xF  }
0x59: {  	v50 =	vshll.u32 v4, $0x7;
	v4 =	vmul.u32 $0xFFFFFF9D, v4  }
0x5a: {  	v3 =	vadd.s32 v3, v50  }
0x5b: {  	v3 =	vadd.s32 v4, v3;
	v51 =	vld.idx.msk [tilespmem:v2+s2+$0x0], $0xffff  }
0x5c: {  	v52 =	vor.u32 $0x1, v2;
	_ =	sdelay $0x3  }
0x5d: {  	[tilespmem:v3+s18+$0x0] =	vst.idx.msk $0xffff, v51  }
0x5e: {  	v53 =	vadd.s32 $0x1, v3;
	v4 =	vld.idx.msk [tilespmem:v52+s2+$0x0], $0xffff  }
0x5f: {  	v2 =	vor.u32 $0x2, v2;
	_ =	sdelay $0x3  }
0x60: {  	[tilespmem:v53+s18+$0x0] =	vst.idx.msk $0xffff, v4  }
0x61: {  	v3 =	vadd.s32 $0x2, v3;
	v2 =	vld.idx.msk [tilespmem:v2+s2+$0x0], $0xffff;
	_ =	sdelay $0x4  }
0x62: {  	[tilespmem:v3+s18+$0x0] =	vst.idx.msk $0xffff, v2  }
0x63: {  	v2 =	vld [tilespmem:s24+$0x10];
	_ =	sdelay $0x2  }
0x64: {  	s30 =	sadd.s32 $0x40, s23  }
0x65: {  	v3 =	vor.u32 s30, v1  }
0x66: {  	v54 =	vmul.u32 $0x3E1, v3;
	v2 =	vshll.u32 v2, $0x2;
	_ =	sdelay $0x1  }
0x67: {  	v3 =	vmul.u32 $0x3, v3;
	v4 =	vshrl.u32 v54, $0xF  }
0x68: {  	v55 =	vshll.u32 v4, $0x7;
	v4 =	vmul.u32 $0xFFFFFF9D, v4  }
0x69: {  	v3 =	vadd.s32 v3, v55  }
0x6a: {  	v3 =	vadd.s32 v4, v3;
	v56 =	vld.idx.msk [tilespmem:v2+s2+$0x0], $0xffff  }
0x6b: {  	v57 =	vor.u32 $0x1, v2;
	_ =	sdelay $0x3  }
0x6c: {  	[tilespmem:v3+s18+$0x0] =	vst.idx.msk $0xffff, v56  }
0x6d: {  	v58 =	vadd.s32 $0x1, v3;
	v4 =	vld.idx.msk [tilespmem:v57+s2+$0x0], $0xffff  }
0x6e: {  	v2 =	vor.u32 $0x2, v2;
	_ =	sdelay $0x3  }
0x6f: {  	[tilespmem:v58+s18+$0x0] =	vst.idx.msk $0xffff, v4  }
0x70: {  	v3 =	vadd.s32 $0x2, v3;
	v2 =	vld.idx.msk [tilespmem:v2+s2+$0x0], $0xffff;
	_ =	sdelay $0x4  }
0x71: {  	[tilespmem:v3+s18+$0x0] =	vst.idx.msk $0xffff, v2  }
0x72: {  	v2 =	vld [tilespmem:s24+$0x20];
	_ =	sdelay $0x2  }
0x73: {  	s31 =	sadd.s32 $0x50, s23  }
0x74: {  	v3 =	vor.u32 s31, v1  }
0x75: {  	v59 =	vmul.u32 $0x3E1, v3;
	v2 =	vshll.u32 v2, $0x2;
	_ =	sdelay $0x1  }
0x76: {  	v3 =	vmul.u32 $0x3, v3;
	v4 =	vshrl.u32 v59, $0xF  }
0x77: {  	v60 =	vshll.u32 v4, $0x7;
	v4 =	vmul.u32 $0xFFFFFF9D, v4  }
0x78: {  	v3 =	vadd.s32 v3, v60  }
0x79: {  	v3 =	vadd.s32 v4, v3;
	v61 =	vld.idx.msk [tilespmem:v2+s2+$0x0], $0xffff  }
0x7a: {  	v62 =	vor.u32 $0x1, v2;
	_ =	sdelay $0x3  }
0x7b: {  	[tilespmem:v3+s18+$0x0] =	vst.idx.msk $0xffff, v61  }
0x7c: {  	v63 =	vadd.s32 $0x1, v3;
	v4 =	vld.idx.msk [tilespmem:v62+s2+$0x0], $0xffff  }
0x7d: {  	v2 =	vor.u32 $0x2, v2;
	_ =	sdelay $0x3  }
0x7e: {  	s22 =	sadd.s32 $0x6, s22;
	[tilespmem:v63+s18+$0x0] =	vst.idx.msk $0xffff, v4  }
0x7f: {  	p0 =	slt.u32 s22, $0x3C;
	v3 =	vadd.s32 $0x2, v3;
	v2 =	vld.idx.msk [tilespmem:v2+s2+$0x0], $0xffff  }
.Ltmp1:
0x80: {  	_ = 	snop;
	(pc) =	sbr.rel @p0 .LBB2_4-.Ltmp1, $2  }
0x81: {  	_ =	sdelay $0x2  }
0x82: {  	s23 =	sadd.s32 $0x60, s23;
	s24 =	sadd.s32 $0x60, s24;
	[tilespmem:v3+s18+$0x0] =	vst.idx.msk $0xffff, v2  }
0x83: {  	[hbm4b:s4+s2] =	stream.linear.scatter [tilespmem:s18], [sflag:$0x2], $0x1000, $0x38;
	[tilespmem:$0xE600] =	vst v63  }
0x84: {  	s22 =	simm.s32 $0xFFFFFFFA;
	s23 =	simm.s32 $0x50;
	s24 =	simm.s32 $0xA0F0  }
.LBB2_6:
0x85: {  	v2 =	vld [tilespmem:s24+$0xFFFFFFB0];
	_ =	sdelay $0x2  }
0x86: {  	s25 =	sadd.s32 $0xFFFFFFB0, s23  }
0x87: {  	v3 =	vor.u32 s25, v1  }
0x88: {  	v4 =	vmul.u32 $0x3E1, v3;
	v2 =	vshll.u32 v2, $0x2;
	_ =	sdelay $0x1  }
0x89: {  	v3 =	vmul.u32 $0x3, v3;
	v4 =	vshrl.u32 v4, $0xF  }
0x8a: {  	v5 =	vshll.u32 v4, $0x7;
	v4 =	vmul.u32 $0xFFFFFF9D, v4  }
0x8b: {  	v3 =	vadd.s32 v3, v5  }
0x8c: {  	v3 =	vadd.s32 v4, v3;
	v36 =	vld.idx.msk [tilespmem:v2+s2+$0x0], $0xffff  }
0x8d: {  	v37 =	vor.u32 $0x1, v2;
	_ =	sdelay $0x3  }
0x8e: {  	[tilespmem:v3+s19+$0x0] =	vst.idx.msk $0xffff, v36  }
0x8f: {  	v38 =	vadd.s32 $0x1, v3;
	v4 =	vld.idx.msk [tilespmem:v37+s2+$0x0], $0xffff  }
0x90: {  	v2 =	vor.u32 $0x2, v2;
	_ =	sdelay $0x3  }
0x91: {  	[tilespmem:v38+s19+$0x0] =	vst.idx.msk $0xffff, v4  }
0x92: {  	v3 =	vadd.s32 $0x2, v3;
	v2 =	vld.idx.msk [tilespmem:v2+s2+$0x0], $0xffff;
	_ =	sdelay $0x4  }
0x93: {  	[tilespmem:v3+s19+$0x0] =	vst.idx.msk $0xffff, v2  }
0x94: {  	v2 =	vld [tilespmem:s24+$0xFFFFFFC0];
	_ =	sdelay $0x2  }
0x95: {  	s28 =	sadd.s32 $0xFFFFFFC0, s23  }
0x96: {  	v3 =	vor.u32 s28, v1  }
0x97: {  	v39 =	vmul.u32 $0x3E1, v3;
	v2 =	vshll.u32 v2, $0x2;
	_ =	sdelay $0x1  }
0x98: {  	v3 =	vmul.u32 $0x3, v3;
	v4 =	vshrl.u32 v39, $0xF  }
0x99: {  	v40 =	vshll.u32 v4, $0x7;
	v4 =	vmul.u32 $0xFFFFFF9D, v4  }
0x9a: {  	v3 =	vadd.s32 v3, v40  }
0x9b: {  	v3 =	vadd.s32 v4, v3;
	v41 =	vld.idx.msk [tilespmem:v2+s2+$0x0], $0xffff  }
0x9c: {  	v42 =	vor.u32 $0x1, v2;
	_ =	sdelay $0x3  }
0x9d: {  	[tilespmem:v3+s19+$0x0] =	vst.idx.msk $0xffff, v41  }
0x9e: {  	v43 =	vadd.s32 $0x1, v3;
	v4 =	vld.idx.msk [tilespmem:v42+s2+$0x0], $0xffff  }
0x9f: {  	v2 =	vor.u32 $0x2, v2;
	_ =	sdelay $0x3  }
0xa0: {  	[tilespmem:v43+s19+$0x0] =	vst.idx.msk $0xffff, v4  }
0xa1: {  	v3 =	vadd.s32 $0x2, v3;
	v2 =	vld.idx.msk [tilespmem:v2+s2+$0x0], $0xffff;
	_ =	sdelay $0x4  }
0xa2: {  	[tilespmem:v3+s19+$0x0] =	vst.idx.msk $0xffff, v2  }
0xa3: {  	v2 =	vld [tilespmem:s24+$0xFFFFFFD0];
	_ =	sdelay $0x2  }
0xa4: {  	s29 =	sadd.s32 $0xFFFFFFD0, s23  }
0xa5: {  	v3 =	vor.u32 s29, v1  }
0xa6: {  	v44 =	vmul.u32 $0x3E1, v3;
	v2 =	vshll.u32 v2, $0x2;
	_ =	sdelay $0x1  }
0xa7: {  	v3 =	vmul.u32 $0x3, v3;
	v4 =	vshrl.u32 v44, $0xF  }
0xa8: {  	v45 =	vshll.u32 v4, $0x7;
	v4 =	vmul.u32 $0xFFFFFF9D, v4  }
0xa9: {  	v3 =	vadd.s32 v3, v45  }
0xaa: {  	v3 =	vadd.s32 v4, v3;
	v46 =	vld.idx.msk [tilespmem:v2+s2+$0x0], $0xffff  }
0xab: {  	v47 =	vor.u32 $0x1, v2;
	_ =	sdelay $0x3  }
0xac: {  	[tilespmem:v3+s19+$0x0] =	vst.idx.msk $0xffff, v46  }
0xad: {  	v48 =	vadd.s32 $0x1, v3;
	v4 =	vld.idx.msk [tilespmem:v47+s2+$0x0], $0xffff  }
0xae: {  	v2 =	vor.u32 $0x2, v2;
	_ =	sdelay $0x3  }
0xaf: {  	[tilespmem:v48+s19+$0x0] =	vst.idx.msk $0xffff, v4  }
0xb0: {  	v3 =	vadd.s32 $0x2, v3;
	v2 =	vld.idx.msk [tilespmem:v2+s2+$0x0], $0xffff;
	_ =	sdelay $0x4  }
0xb1: {  	[tilespmem:v3+s19+$0x0] =	vst.idx.msk $0xffff, v2  }
0xb2: {  	v2 =	vld [tilespmem:s24+$0xFFFFFFE0];
	_ =	sdelay $0x2  }
0xb3: {  	s30 =	sadd.s32 $0xFFFFFFE0, s23  }
0xb4: {  	v3 =	vor.u32 s30, v1  }
0xb5: {  	v49 =	vmul.u32 $0x3E1, v3;
	v2 =	vshll.u32 v2, $0x2;
	_ =	sdelay $0x1  }
0xb6: {  	v3 =	vmul.u32 $0x3, v3;
	v4 =	vshrl.u32 v49, $0xF  }
0xb7: {  	v50 =	vshll.u32 v4, $0x7;
	v4 =	vmul.u32 $0xFFFFFF9D, v4  }
0xb8: {  	v3 =	vadd.s32 v3, v50  }
0xb9: {  	v3 =	vadd.s32 v4, v3;
	v51 =	vld.idx.msk [tilespmem:v2+s2+$0x0], $0xffff  }
0xba: {  	v52 =	vor.u32 $0x1, v2;
	_ =	sdelay $0x3  }
0xbb: {  	[tilespmem:v3+s19+$0x0] =	vst.idx.msk $0xffff, v51  }
0xbc: {  	v53 =	vadd.s32 $0x1, v3;
	v4 =	vld.idx.msk [tilespmem:v52+s2+$0x0], $0xffff  }
0xbd: {  	v2 =	vor.u32 $0x2, v2;
	_ =	sdelay $0x3  }
0xbe: {  	[tilespmem:v53+s19+$0x0] =	vst.idx.msk $0xffff, v4  }
0xbf: {  	v3 =	vadd.s32 $0x2, v3;
	v2 =	vld.idx.msk [tilespmem:v2+s2+$0x0], $0xffff;
	_ =	sdelay $0x4  }
0xc0: {  	[tilespmem:v3+s19+$0x0] =	vst.idx.msk $0xffff, v2  }
0xc1: {  	v2 =	vld [tilespmem:s24+$0xFFFFFFF0];
	_ =	sdelay $0x2  }
0xc2: {  	s31 =	sadd.s32 $0xFFFFFFF0, s23  }
0xc3: {  	v3 =	vor.u32 s31, v1  }
0xc4: {  	v54 =	vmul.u32 $0x3E1, v3;
	v2 =	vshll.u32 v2, $0x2;
	_ =	sdelay $0x1  }
0xc5: {  	v3 =	vmul.u32 $0x3, v3;
	v4 =	vshrl.u32 v54, $0xF  }
0xc6: {  	v55 =	vshll.u32 v4, $0x7;
	v4 =	vmul.u32 $0xFFFFFF9D, v4  }
0xc7: {  	v3 =	vadd.s32 v3, v55  }
0xc8: {  	v3 =	vadd.s32 v4, v3;
	v56 =	vld.idx.msk [tilespmem:v2+s2+$0x0], $0xffff  }
0xc9: {  	v57 =	vor.u32 $0x1, v2;
	_ =	sdelay $0x3  }
0xca: {  	[tilespmem:v3+s19+$0x0] =	vst.idx.msk $0xffff, v56  }
0xcb: {  	v58 =	vadd.s32 $0x1, v3;
	v4 =	vld.idx.msk [tilespmem:v57+s2+$0x0], $0xffff  }
0xcc: {  	v2 =	vor.u32 $0x2, v2;
	_ =	sdelay $0x3  }
0xcd: {  	[tilespmem:v58+s19+$0x0] =	vst.idx.msk $0xffff, v4  }
0xce: {  	v3 =	vadd.s32 $0x2, v3;
	v2 =	vld.idx.msk [tilespmem:v2+s2+$0x0], $0xffff;
	_ =	sdelay $0x4  }
0xcf: {  	[tilespmem:v3+s19+$0x0] =	vst.idx.msk $0xffff, v2  }
0xd0: {  	v2 =	vld [tilespmem:s24+$0x0];
	_ =	sdelay $0x3  }
0xd1: {  	v3 =	vor.u32 s23, v1  }
0xd2: {  	v59 =	vmul.u32 $0x3E1, v3;
	v2 =	vshll.u32 v2, $0x2;
	_ =	sdelay $0x1  }
0xd3: {  	v3 =	vmul.u32 $0x3, v3;
	v4 =	vshrl.u32 v59, $0xF  }
0xd4: {  	v60 =	vshll.u32 v4, $0x7;
	v4 =	vmul.u32 $0xFFFFFF9D, v4  }
0xd5: {  	v3 =	vadd.s32 v3, v60  }
0xd6: {  	v3 =	vadd.s32 v4, v3;
	v61 =	vld.idx.msk [tilespmem:v2+s2+$0x0], $0xffff  }
0xd7: {  	v62 =	vor.u32 $0x1, v2;
	_ =	sdelay $0x3  }
0xd8: {  	[tilespmem:v3+s19+$0x0] =	vst.idx.msk $0xffff, v61  }
0xd9: {  	v63 =	vadd.s32 $0x1, v3;
	v4 =	vld.idx.msk [tilespmem:v62+s2+$0x0], $0xffff  }
0xda: {  	v2 =	vor.u32 $0x2, v2;
	_ =	sdelay $0x3  }
0xdb: {  	s22 =	sadd.s32 $0x6, s22;
	[tilespmem:v63+s19+$0x0] =	vst.idx.msk $0xffff, v4  }
0xdc: {  	p0 =	slt.u32 s22, $0x3C;
	v3 =	vadd.s32 $0x2, v3;
	v2 =	vld.idx.msk [tilespmem:v2+s2+$0x0], $0xffff  }
.Ltmp2:
0xdd: {  	_ = 	snop;
	(pc) =	sbr.rel @p0 .LBB2_6-.Ltmp2, $2  }
0xde: {  	_ =	sdelay $0x2  }
0xdf: {  	s23 =	sadd.s32 $0x60, s23;
	s24 =	sadd.s32 $0x60, s24;
	[tilespmem:v3+s19+$0x0] =	vst.idx.msk $0xffff, v2  }
0xe0: {  	[hbm4b:s6+s2] =	stream.linear.scatter [tilespmem:s19], [sflag:$0x2], $0x1000, $0x38;
	[tilespmem:$0xE600] =	vst v63  }
0xe1: {  	_ =	swait.ge [sflag:s20], $0x1000  }
0xe2: {  	s22 =	simm.s32 $0xFFFFFFFA;
	[sflag:s20] =	ssyncset.done $0x0  }
0xe3: {  	s23 =	simm.s32 $0x50;
	s24 =	simm.s32 $0xA4C0;
	[sflag:s20] =	ssyncadd.s32 $0xFFFFF000  }
.LBB2_8:
0xe4: {  	v2 =	vld [tilespmem:s24+$0x0];
	_ =	sdelay $0x2  }
0xe5: {  	s25 =	sadd.s32 $0xFFFFFFB0, s23  }
0xe6: {  	v3 =	vor.u32 s25, v1  }
0xe7: {  	v4 =	vmul.u32 $0x3E1, v3;
	v2 =	vshll.u32 v2, $0x2;
	_ =	sdelay $0x1  }
0xe8: {  	v3 =	vmul.u32 $0x3, v3;
	v4 =	vshrl.u32 v4, $0xF  }
0xe9: {  	v5 =	vshll.u32 v4, $0x7;
	v4 =	vmul.u32 $0xFFFFFF9D, v4  }
0xea: {  	v3 =	vadd.s32 v3, v5  }
0xeb: {  	v3 =	vadd.s32 v4, v3;
	v36 =	vld.idx.msk [tilespmem:v2+s2+$0x0], $0xffff  }
0xec: {  	v37 =	vor.u32 $0x1, v2;
	_ =	sdelay $0x3  }
0xed: {  	[tilespmem:v3+s18+$0x0] =	vst.idx.msk $0xffff, v36  }
0xee: {  	v38 =	vadd.s32 $0x1, v3;
	v4 =	vld.idx.msk [tilespmem:v37+s2+$0x0], $0xffff  }
0xef: {  	v2 =	vor.u32 $0x2, v2;
	_ =	sdelay $0x3  }
0xf0: {  	[tilespmem:v38+s18+$0x0] =	vst.idx.msk $0xffff, v4  }
0xf1: {  	v3 =	vadd.s32 $0x2, v3;
	v2 =	vld.idx.msk [tilespmem:v2+s2+$0x0], $0xffff;
	_ =	sdelay $0x4  }
0xf2: {  	[tilespmem:v3+s18+$0x0] =	vst.idx.msk $0xffff, v2  }
0xf3: {  	v2 =	vld [tilespmem:s24+$0x10];
	_ =	sdelay $0x2  }
0xf4: {  	s26 =	sadd.s32 $0xFFFFFFC0, s23  }
0xf5: {  	v3 =	vor.u32 s26, v1  }
0xf6: {  	v39 =	vmul.u32 $0x3E1, v3;
	v2 =	vshll.u32 v2, $0x2;
	_ =	sdelay $0x1  }
0xf7: {  	v3 =	vmul.u32 $0x3, v3;
	v4 =	vshrl.u32 v39, $0xF  }
0xf8: {  	v40 =	vshll.u32 v4, $0x7;
	v4 =	vmul.u32 $0xFFFFFF9D, v4  }
0xf9: {  	v3 =	vadd.s32 v3, v40  }
0xfa: {  	v3 =	vadd.s32 v4, v3;
	v41 =	vld.idx.msk [tilespmem:v2+s2+$0x0], $0xffff  }
0xfb: {  	v42 =	vor.u32 $0x1, v2;
	_ =	sdelay $0x3  }
0xfc: {  	[tilespmem:v3+s18+$0x0] =	vst.idx.msk $0xffff, v41  }
0xfd: {  	v43 =	vadd.s32 $0x1, v3;
	v4 =	vld.idx.msk [tilespmem:v42+s2+$0x0], $0xffff  }
0xfe: {  	v2 =	vor.u32 $0x2, v2;
	_ =	sdelay $0x3  }
0xff: {  	[tilespmem:v43+s18+$0x0] =	vst.idx.msk $0xffff, v4  }
0x100: {  	v3 =	vadd.s32 $0x2, v3;
	v2 =	vld.idx.msk [tilespmem:v2+s2+$0x0], $0xffff;
	_ =	sdelay $0x4  }
0x101: {  	[tilespmem:v3+s18+$0x0] =	vst.idx.msk $0xffff, v2  }
0x102: {  	v2 =	vld [tilespmem:s24+$0x20];
	_ =	sdelay $0x2  }
0x103: {  	s29 =	sadd.s32 $0xFFFFFFD0, s23  }
0x104: {  	v3 =	vor.u32 s29, v1  }
0x105: {  	v44 =	vmul.u32 $0x3E1, v3;
	v2 =	vshll.u32 v2, $0x2;
	_ =	sdelay $0x1  }
0x106: {  	v3 =	vmul.u32 $0x3, v3;
	v4 =	vshrl.u32 v44, $0xF  }
0x107: {  	v45 =	vshll.u32 v4, $0x7;
	v4 =	vmul.u32 $0xFFFFFF9D, v4  }
0x108: {  	v3 =	vadd.s32 v3, v45  }
0x109: {  	v3 =	vadd.s32 v4, v3;
	v46 =	vld.idx.msk [tilespmem:v2+s2+$0x0], $0xffff  }
0x10a: {  	v47 =	vor.u32 $0x1, v2;
	_ =	sdelay $0x3  }
0x10b: {  	[tilespmem:v3+s18+$0x0] =	vst.idx.msk $0xffff, v46  }
0x10c: {  	v48 =	vadd.s32 $0x1, v3;
	v4 =	vld.idx.msk [tilespmem:v47+s2+$0x0], $0xffff  }
0x10d: {  	v2 =	vor.u32 $0x2, v2;
	_ =	sdelay $0x3  }
0x10e: {  	[tilespmem:v48+s18+$0x0] =	vst.idx.msk $0xffff, v4  }
0x10f: {  	v3 =	vadd.s32 $0x2, v3;
	v2 =	vld.idx.msk [tilespmem:v2+s2+$0x0], $0xffff;
	_ =	sdelay $0x4  }
0x110: {  	[tilespmem:v3+s18+$0x0] =	vst.idx.msk $0xffff, v2  }
0x111: {  	v2 =	vld [tilespmem:s24+$0x30];
	_ =	sdelay $0x2  }
0x112: {  	s30 =	sadd.s32 $0xFFFFFFE0, s23  }
0x113: {  	v3 =	vor.u32 s30, v1  }
0x114: {  	v49 =	vmul.u32 $0x3E1, v3;
	v2 =	vshll.u32 v2, $0x2;
	_ =	sdelay $0x1  }
0x115: {  	v3 =	vmul.u32 $0x3, v3;
	v4 =	vshrl.u32 v49, $0xF  }
0x116: {  	v50 =	vshll.u32 v4, $0x7;
	v4 =	vmul.u32 $0xFFFFFF9D, v4  }
0x117: {  	v3 =	vadd.s32 v3, v50  }
0x118: {  	v3 =	vadd.s32 v4, v3;
	v51 =	vld.idx.msk [tilespmem:v2+s2+$0x0], $0xffff  }
0x119: {  	v52 =	vor.u32 $0x1, v2;
	_ =	sdelay $0x3  }
0x11a: {  	[tilespmem:v3+s18+$0x0] =	vst.idx.msk $0xffff, v51  }
0x11b: {  	v53 =	vadd.s32 $0x1, v3;
	v4 =	vld.idx.msk [tilespmem:v52+s2+$0x0], $0xffff  }
0x11c: {  	v2 =	vor.u32 $0x2, v2;
	_ =	sdelay $0x3  }
0x11d: {  	[tilespmem:v53+s18+$0x0] =	vst.idx.msk $0xffff, v4  }
0x11e: {  	v3 =	vadd.s32 $0x2, v3;
	v2 =	vld.idx.msk [tilespmem:v2+s2+$0x0], $0xffff;
	_ =	sdelay $0x4  }
0x11f: {  	s25 =	sand.u32 $0x7E0, s25;
	[tilespmem:v3+s18+$0x0] =	vst.idx.msk $0xffff, v2  }
0x120: {  	v2 =	vld [tilespmem:s25+$0xA500];
	_ =	sdelay $0x2  }
0x121: {  	s31 =	sadd.s32 $0xFFFFFFF0, s23  }
0x122: {  	v3 =	vor.u32 s31, v1  }
0x123: {  	v54 =	vmul.u32 $0x3E1, v3;
	v2 =	vshll.u32 v2, $0x2;
	_ =	sdelay $0x1  }
0x124: {  	v3 =	vmul.u32 $0x3, v3;
	v4 =	vshrl.u32 v54, $0xF  }
0x125: {  	v55 =	vshll.u32 v4, $0x7;
	v4 =	vmul.u32 $0xFFFFFF9D, v4  }
0x126: {  	v3 =	vadd.s32 v3, v55  }
0x127: {  	v3 =	vadd.s32 v4, v3;
	v56 =	vld.idx.msk [tilespmem:v2+s2+$0x0], $0xffff  }
0x128: {  	v57 =	vor.u32 $0x1, v2;
	_ =	sdelay $0x3  }
0x129: {  	[tilespmem:v3+s18+$0x0] =	vst.idx.msk $0xffff, v56  }
0x12a: {  	v58 =	vadd.s32 $0x1, v3;
	v4 =	vld.idx.msk [tilespmem:v57+s2+$0x0], $0xffff  }
0x12b: {  	v2 =	vor.u32 $0x2, v2;
	_ =	sdelay $0x3  }
0x12c: {  	[tilespmem:v58+s18+$0x0] =	vst.idx.msk $0xffff, v4  }
0x12d: {  	v3 =	vadd.s32 $0x2, v3;
	v2 =	vld.idx.msk [tilespmem:v2+s2+$0x0], $0xffff;
	_ =	sdelay $0x4  }
0x12e: {  	[tilespmem:v3+s18+$0x0] =	vst.idx.msk $0xffff, v2  }
0x12f: {  	v2 =	vld [tilespmem:s24+$0x50];
	_ =	sdelay $0x3  }
0x130: {  	v3 =	vor.u32 s23, v1  }
0x131: {  	v59 =	vmul.u32 $0x3E1, v3;
	v2 =	vshll.u32 v2, $0x2;
	_ =	sdelay $0x1  }
0x132: {  	v3 =	vmul.u32 $0x3, v3;
	v4 =	vshrl.u32 v59, $0xF  }
0x133: {  	v60 =	vshll.u32 v4, $0x7;
	v4 =	vmul.u32 $0xFFFFFF9D, v4  }
0x134: {  	v3 =	vadd.s32 v3, v60  }
0x135: {  	v3 =	vadd.s32 v4, v3;
	v61 =	vld.idx.msk [tilespmem:v2+s2+$0x0], $0xffff  }
0x136: {  	v62 =	vor.u32 $0x1, v2;
	_ =	sdelay $0x3  }
0x137: {  	[tilespmem:v3+s18+$0x0] =	vst.idx.msk $0xffff, v61  }
0x138: {  	v63 =	vadd.s32 $0x1, v3;
	v4 =	vld.idx.msk [tilespmem:v62+s2+$0x0], $0xffff  }
0x139: {  	v2 =	vor.u32 $0x2, v2;
	_ =	sdelay $0x3  }
0x13a: {  	s22 =	sadd.s32 $0x6, s22;
	[tilespmem:v63+s18+$0x0] =	vst.idx.msk $0xffff, v4  }
0x13b: {  	p0 =	slt.u32 s22, $0x3C;
	v3 =	vadd.s32 $0x2, v3;
	v2 =	vld.idx.msk [tilespmem:v2+s2+$0x0], $0xffff  }
.Ltmp3:
0x13c: {  	_ = 	snop;
	(pc) =	sbr.rel @p0 .LBB2_8-.Ltmp3, $2  }
0x13d: {  	_ =	sdelay $0x2  }
0x13e: {  	s23 =	sadd.s32 $0x60, s23;
	s24 =	sadd.s32 $0x60, s24;
	[tilespmem:v3+s18+$0x0] =	vst.idx.msk $0xffff, v2  }
0x13f: {  	[hbm4b:s7+s2] =	stream.linear.scatter [tilespmem:s18], [sflag:$0x2], $0x1000, $0x38;
	[tilespmem:$0xE600] =	vst v63  }
0x140: {  	_ =	swait.ge [sflag:s20], $0x1000  }
0x141: {  	s22 =	simm.s32 $0xFFFFFFFA;
	[sflag:s20] =	ssyncset.done $0x0  }
0x142: {  	s23 =	simm.s32 $0x50;
	s24 =	simm.s32 $0xA930;
	[sflag:s20] =	ssyncadd.s32 $0xFFFFF000  }
.LBB2_10:
0x143: {  	v2 =	vld [tilespmem:s24+$0xFFFFFFB0];
	_ =	sdelay $0x2  }
0x144: {  	s25 =	sadd.s32 $0xFFFFFFB0, s23  }
0x145: {  	v3 =	vor.u32 s25, v1  }
0x146: {  	v4 =	vmul.u32 $0x3E1, v3;
	v2 =	vshll.u32 v2, $0x2;
	_ =	sdelay $0x1  }
0x147: {  	v3 =	vmul.u32 $0x3, v3;
	v4 =	vshrl.u32 v4, $0xF  }
0x148: {  	v5 =	vshll.u32 v4, $0x7;
	v4 =	vmul.u32 $0xFFFFFF9D, v4  }
0x149: {  	v3 =	vadd.s32 v3, v5  }
0x14a: {  	v3 =	vadd.s32 v4, v3;
	v36 =	vld.idx.msk [tilespmem:v2+s2+$0x0], $0xffff  }
0x14b: {  	v37 =	vor.u32 $0x1, v2;
	_ =	sdelay $0x3  }
0x14c: {  	[tilespmem:v3+s19+$0x0] =	vst.idx.msk $0xffff, v36  }
0x14d: {  	v38 =	vadd.s32 $0x1, v3;
	v4 =	vld.idx.msk [tilespmem:v37+s2+$0x0], $0xffff  }
0x14e: {  	v2 =	vor.u32 $0x2, v2;
	_ =	sdelay $0x3  }
0x14f: {  	[tilespmem:v38+s19+$0x0] =	vst.idx.msk $0xffff, v4  }
0x150: {  	v3 =	vadd.s32 $0x2, v3;
	v2 =	vld.idx.msk [tilespmem:v2+s2+$0x0], $0xffff;
	_ =	sdelay $0x4  }
0x151: {  	[tilespmem:v3+s19+$0x0] =	vst.idx.msk $0xffff, v2  }
0x152: {  	v2 =	vld [tilespmem:s24+$0xFFFFFFC0];
	_ =	sdelay $0x2  }
0x153: {  	s26 =	sadd.s32 $0xFFFFFFC0, s23  }
0x154: {  	v3 =	vor.u32 s26, v1  }
0x155: {  	v39 =	vmul.u32 $0x3E1, v3;
	v2 =	vshll.u32 v2, $0x2;
	_ =	sdelay $0x1  }
0x156: {  	v3 =	vmul.u32 $0x3, v3;
	v4 =	vshrl.u32 v39, $0xF  }
0x157: {  	v40 =	vshll.u32 v4, $0x7;
	v4 =	vmul.u32 $0xFFFFFF9D, v4  }
0x158: {  	v3 =	vadd.s32 v3, v40  }
0x159: {  	v3 =	vadd.s32 v4, v3;
	v41 =	vld.idx.msk [tilespmem:v2+s2+$0x0], $0xffff  }
0x15a: {  	v42 =	vor.u32 $0x1, v2;
	_ =	sdelay $0x3  }
0x15b: {  	[tilespmem:v3+s19+$0x0] =	vst.idx.msk $0xffff, v41  }
0x15c: {  	v43 =	vadd.s32 $0x1, v3;
	v4 =	vld.idx.msk [tilespmem:v42+s2+$0x0], $0xffff  }
0x15d: {  	v2 =	vor.u32 $0x2, v2;
	_ =	sdelay $0x3  }
0x15e: {  	[tilespmem:v43+s19+$0x0] =	vst.idx.msk $0xffff, v4  }
0x15f: {  	v3 =	vadd.s32 $0x2, v3;
	v2 =	vld.idx.msk [tilespmem:v2+s2+$0x0], $0xffff;
	_ =	sdelay $0x4  }
0x160: {  	s25 =	sand.u32 $0x7E0, s25;
	[tilespmem:v3+s19+$0x0] =	vst.idx.msk $0xffff, v2  }
0x161: {  	v2 =	vld [tilespmem:s25+$0xA900];
	_ =	sdelay $0x2  }
0x162: {  	s29 =	sadd.s32 $0xFFFFFFD0, s23  }
0x163: {  	v3 =	vor.u32 s29, v1  }
0x164: {  	v44 =	vmul.u32 $0x3E1, v3;
	v2 =	vshll.u32 v2, $0x2;
	_ =	sdelay $0x1  }
0x165: {  	v3 =	vmul.u32 $0x3, v3;
	v4 =	vshrl.u32 v44, $0xF  }
0x166: {  	v45 =	vshll.u32 v4, $0x7;
	v4 =	vmul.u32 $0xFFFFFF9D, v4  }
0x167: {  	v3 =	vadd.s32 v3, v45  }
0x168: {  	v3 =	vadd.s32 v4, v3;
	v46 =	vld.idx.msk [tilespmem:v2+s2+$0x0], $0xffff  }
0x169: {  	v47 =	vor.u32 $0x1, v2;
	_ =	sdelay $0x3  }
0x16a: {  	[tilespmem:v3+s19+$0x0] =	vst.idx.msk $0xffff, v46  }
0x16b: {  	v48 =	vadd.s32 $0x1, v3;
	v4 =	vld.idx.msk [tilespmem:v47+s2+$0x0], $0xffff  }
0x16c: {  	v2 =	vor.u32 $0x2, v2;
	_ =	sdelay $0x3  }
0x16d: {  	[tilespmem:v48+s19+$0x0] =	vst.idx.msk $0xffff, v4  }
0x16e: {  	v3 =	vadd.s32 $0x2, v3;
	v2 =	vld.idx.msk [tilespmem:v2+s2+$0x0], $0xffff;
	_ =	sdelay $0x4  }
0x16f: {  	[tilespmem:v3+s19+$0x0] =	vst.idx.msk $0xffff, v2  }
0x170: {  	v2 =	vld [tilespmem:s24+$0xFFFFFFE0];
	_ =	sdelay $0x2  }
0x171: {  	s30 =	sadd.s32 $0xFFFFFFE0, s23  }
0x172: {  	v3 =	vor.u32 s30, v1  }
0x173: {  	v49 =	vmul.u32 $0x3E1, v3;
	v2 =	vshll.u32 v2, $0x2;
	_ =	sdelay $0x1  }
0x174: {  	v3 =	vmul.u32 $0x3, v3;
	v4 =	vshrl.u32 v49, $0xF  }
0x175: {  	v50 =	vshll.u32 v4, $0x7;
	v4 =	vmul.u32 $0xFFFFFF9D, v4  }
0x176: {  	v3 =	vadd.s32 v3, v50  }
0x177: {  	v3 =	vadd.s32 v4, v3;
	v51 =	vld.idx.msk [tilespmem:v2+s2+$0x0], $0xffff  }
0x178: {  	v52 =	vor.u32 $0x1, v2;
	_ =	sdelay $0x3  }
0x179: {  	[tilespmem:v3+s19+$0x0] =	vst.idx.msk $0xffff, v51  }
0x17a: {  	v53 =	vadd.s32 $0x1, v3;
	v4 =	vld.idx.msk [tilespmem:v52+s2+$0x0], $0xffff  }
0x17b: {  	v2 =	vor.u32 $0x2, v2;
	_ =	sdelay $0x3  }
0x17c: {  	[tilespmem:v53+s19+$0x0] =	vst.idx.msk $0xffff, v4  }
0x17d: {  	v3 =	vadd.s32 $0x2, v3;
	v2 =	vld.idx.msk [tilespmem:v2+s2+$0x0], $0xffff;
	_ =	sdelay $0x4  }
0x17e: {  	[tilespmem:v3+s19+$0x0] =	vst.idx.msk $0xffff, v2  }
0x17f: {  	v2 =	vld [tilespmem:s24+$0xFFFFFFF0];
	_ =	sdelay $0x2  }
0x180: {  	s31 =	sadd.s32 $0xFFFFFFF0, s23  }
0x181: {  	v3 =	vor.u32 s31, v1  }
0x182: {  	v54 =	vmul.u32 $0x3E1, v3;
	v2 =	vshll.u32 v2, $0x2;
	_ =	sdelay $0x1  }
0x183: {  	v3 =	vmul.u32 $0x3, v3;
	v4 =	vshrl.u32 v54, $0xF  }
0x184: {  	v55 =	vshll.u32 v4, $0x7;
	v4 =	vmul.u32 $0xFFFFFF9D, v4  }
0x185: {  	v3 =	vadd.s32 v3, v55  }
0x186: {  	v3 =	vadd.s32 v4, v3;
	v56 =	vld.idx.msk [tilespmem:v2+s2+$0x0], $0xffff  }
0x187: {  	v57 =	vor.u32 $0x1, v2;
	_ =	sdelay $0x3  }
0x188: {  	[tilespmem:v3+s19+$0x0] =	vst.idx.msk $0xffff, v56  }
0x189: {  	v58 =	vadd.s32 $0x1, v3;
	v4 =	vld.idx.msk [tilespmem:v57+s2+$0x0], $0xffff  }
0x18a: {  	v2 =	vor.u32 $0x2, v2;
	_ =	sdelay $0x3  }
0x18b: {  	[tilespmem:v58+s19+$0x0] =	vst.idx.msk $0xffff, v4  }
0x18c: {  	v3 =	vadd.s32 $0x2, v3;
	v2 =	vld.idx.msk [tilespmem:v2+s2+$0x0], $0xffff;
	_ =	sdelay $0x4  }
0x18d: {  	[tilespmem:v3+s19+$0x0] =	vst.idx.msk $0xffff, v2  }
0x18e: {  	v2 =	vld [tilespmem:s24+$0x0];
	_ =	sdelay $0x3  }
0x18f: {  	v3 =	vor.u32 s23, v1  }
0x190: {  	v59 =	vmul.u32 $0x3E1, v3;
	v2 =	vshll.u32 v2, $0x2;
	_ =	sdelay $0x1  }
0x191: {  	v3 =	vmul.u32 $0x3, v3;
	v4 =	vshrl.u32 v59, $0xF  }
0x192: {  	v60 =	vshll.u32 v4, $0x7;
	v4 =	vmul.u32 $0xFFFFFF9D, v4  }
0x193: {  	v3 =	vadd.s32 v3, v60  }
0x194: {  	v3 =	vadd.s32 v4, v3;
	v61 =	vld.idx.msk [tilespmem:v2+s2+$0x0], $0xffff  }
0x195: {  	v62 =	vor.u32 $0x1, v2;
	_ =	sdelay $0x3  }
0x196: {  	[tilespmem:v3+s19+$0x0] =	vst.idx.msk $0xffff, v61  }
0x197: {  	v63 =	vadd.s32 $0x1, v3;
	v4 =	vld.idx.msk [tilespmem:v62+s2+$0x0], $0xffff  }
0x198: {  	v2 =	vor.u32 $0x2, v2;
	_ =	sdelay $0x3  }
0x199: {  	s22 =	sadd.s32 $0x6, s22;
	[tilespmem:v63+s19+$0x0] =	vst.idx.msk $0xffff, v4  }
0x19a: {  	p0 =	slt.u32 s22, $0x3C;
	v3 =	vadd.s32 $0x2, v3;
	v2 =	vld.idx.msk [tilespmem:v2+s2+$0x0], $0xffff  }
.Ltmp4:
0x19b: {  	_ = 	snop;
	(pc) =	sbr.rel @p0 .LBB2_10-.Ltmp4, $2  }
0x19c: {  	_ =	sdelay $0x2  }
0x19d: {  	s23 =	sadd.s32 $0x60, s23;
	s24 =	sadd.s32 $0x60, s24;
	[tilespmem:v3+s19+$0x0] =	vst.idx.msk $0xffff, v2  }
0x19e: {  	[hbm4b:s8+s2] =	stream.linear.scatter [tilespmem:s19], [sflag:$0x2], $0x1000, $0x38;
	[tilespmem:$0xE600] =	vst v63  }
0x19f: {  	_ =	swait.ge [sflag:s20], $0x1000  }
0x1a0: {  	s22 =	simm.s32 $0xFFFFFFFA;
	[sflag:s20] =	ssyncset.done $0x0  }
0x1a1: {  	s23 =	simm.s32 $0x50;
	s24 =	simm.s32 $0xAD50;
	[sflag:s20] =	ssyncadd.s32 $0xFFFFF000  }
.LBB2_12:
0x1a2: {  	s25 =	sadd.s32 $0xFFFFFFB0, s23  }
0x1a3: {  	s26 =	sand.u32 $0x7E0, s25  }
0x1a4: {  	v2 =	vld [tilespmem:s26+$0xAD00];
	_ =	sdelay $0x3  }
0x1a5: {  	v3 =	vor.u32 s25, v1  }
0x1a6: {  	v4 =	vmul.u32 $0x3E1, v3;
	v2 =	vshll.u32 v2, $0x2;
	_ =	sdelay $0x1  }
0x1a7: {  	v3 =	vmul.u32 $0x3, v3;
	v4 =	vshrl.u32 v4, $0xF  }
0x1a8: {  	v5 =	vshll.u32 v4, $0x7;
	v4 =	vmul.u32 $0xFFFFFF9D, v4  }
0x1a9: {  	v3 =	vadd.s32 v3, v5  }
0x1aa: {  	v3 =	vadd.s32 v4, v3;
	v36 =	vld.idx.msk [tilespmem:v2+s2+$0x0], $0xffff  }
0x1ab: {  	v37 =	vor.u32 $0x1, v2;
	_ =	sdelay $0x3  }
0x1ac: {  	[tilespmem:v3+s18+$0x0] =	vst.idx.msk $0xffff, v36  }
0x1ad: {  	v38 =	vadd.s32 $0x1, v3;
	v4 =	vld.idx.msk [tilespmem:v37+s2+$0x0], $0xffff  }
0x1ae: {  	v2 =	vor.u32 $0x2, v2;
	_ =	sdelay $0x3  }
0x1af: {  	[tilespmem:v38+s18+$0x0] =	vst.idx.msk $0xffff, v4  }
0x1b0: {  	v3 =	vadd.s32 $0x2, v3;
	v2 =	vld.idx.msk [tilespmem:v2+s2+$0x0], $0xffff;
	_ =	sdelay $0x4  }
0x1b1: {  	[tilespmem:v3+s18+$0x0] =	vst.idx.msk $0xffff, v2  }
0x1b2: {  	v2 =	vld [tilespmem:s24+$0xFFFFFFC0];
	_ =	sdelay $0x2  }
0x1b3: {  	s28 =	sadd.s32 $0xFFFFFFC0, s23  }
0x1b4: {  	v3 =	vor.u32 s28, v1  }
0x1b5: {  	v39 =	vmul.u32 $0x3E1, v3;
	v2 =	vshll.u32 v2, $0x2;
	_ =	sdelay $0x1  }
0x1b6: {  	v3 =	vmul.u32 $0x3, v3;
	v4 =	vshrl.u32 v39, $0xF  }
0x1b7: {  	v40 =	vshll.u32 v4, $0x7;
	v4 =	vmul.u32 $0xFFFFFF9D, v4  }
0x1b8: {  	v3 =	vadd.s32 v3, v40  }
0x1b9: {  	v3 =	vadd.s32 v4, v3;
	v41 =	vld.idx.msk [tilespmem:v2+s2+$0x0], $0xffff  }
0x1ba: {  	v42 =	vor.u32 $0x1, v2;
	_ =	sdelay $0x3  }
0x1bb: {  	[tilespmem:v3+s18+$0x0] =	vst.idx.msk $0xffff, v41  }
0x1bc: {  	v43 =	vadd.s32 $0x1, v3;
	v4 =	vld.idx.msk [tilespmem:v42+s2+$0x0], $0xffff  }
0x1bd: {  	v2 =	vor.u32 $0x2, v2;
	_ =	sdelay $0x3  }
0x1be: {  	[tilespmem:v43+s18+$0x0] =	vst.idx.msk $0xffff, v4  }
0x1bf: {  	v3 =	vadd.s32 $0x2, v3;
	v2 =	vld.idx.msk [tilespmem:v2+s2+$0x0], $0xffff;
	_ =	sdelay $0x4  }
0x1c0: {  	[tilespmem:v3+s18+$0x0] =	vst.idx.msk $0xffff, v2  }
0x1c1: {  	v2 =	vld [tilespmem:s24+$0xFFFFFFD0];
	_ =	sdelay $0x2  }
0x1c2: {  	s29 =	sadd.s32 $0xFFFFFFD0, s23  }
0x1c3: {  	v3 =	vor.u32 s29, v1  }
0x1c4: {  	v44 =	vmul.u32 $0x3E1, v3;
	v2 =	vshll.u32 v2, $0x2;
	_ =	sdelay $0x1  }
0x1c5: {  	v3 =	vmul.u32 $0x3, v3;
	v4 =	vshrl.u32 v44, $0xF  }
0x1c6: {  	v45 =	vshll.u32 v4, $0x7;
	v4 =	vmul.u32 $0xFFFFFF9D, v4  }
0x1c7: {  	v3 =	vadd.s32 v3, v45  }
0x1c8: {  	v3 =	vadd.s32 v4, v3;
	v46 =	vld.idx.msk [tilespmem:v2+s2+$0x0], $0xffff  }
0x1c9: {  	v47 =	vor.u32 $0x1, v2;
	_ =	sdelay $0x3  }
0x1ca: {  	[tilespmem:v3+s18+$0x0] =	vst.idx.msk $0xffff, v46  }
0x1cb: {  	v48 =	vadd.s32 $0x1, v3;
	v4 =	vld.idx.msk [tilespmem:v47+s2+$0x0], $0xffff  }
0x1cc: {  	v2 =	vor.u32 $0x2, v2;
	_ =	sdelay $0x3  }
0x1cd: {  	[tilespmem:v48+s18+$0x0] =	vst.idx.msk $0xffff, v4  }
0x1ce: {  	v3 =	vadd.s32 $0x2, v3;
	v2 =	vld.idx.msk [tilespmem:v2+s2+$0x0], $0xffff;
	_ =	sdelay $0x4  }
0x1cf: {  	[tilespmem:v3+s18+$0x0] =	vst.idx.msk $0xffff, v2  }
0x1d0: {  	v2 =	vld [tilespmem:s24+$0xFFFFFFE0];
	_ =	sdelay $0x2  }
0x1d1: {  	s30 =	sadd.s32 $0xFFFFFFE0, s23  }
0x1d2: {  	v3 =	vor.u32 s30, v1  }
0x1d3: {  	v49 =	vmul.u32 $0x3E1, v3;
	v2 =	vshll.u32 v2, $0x2;
	_ =	sdelay $0x1  }
0x1d4: {  	v3 =	vmul.u32 $0x3, v3;
	v4 =	vshrl.u32 v49, $0xF  }
0x1d5: {  	v50 =	vshll.u32 v4, $0x7;
	v4 =	vmul.u32 $0xFFFFFF9D, v4  }
0x1d6: {  	v3 =	vadd.s32 v3, v50  }
0x1d7: {  	v3 =	vadd.s32 v4, v3;
	v51 =	vld.idx.msk [tilespmem:v2+s2+$0x0], $0xffff  }
0x1d8: {  	v52 =	vor.u32 $0x1, v2;
	_ =	sdelay $0x3  }
0x1d9: {  	[tilespmem:v3+s18+$0x0] =	vst.idx.msk $0xffff, v51  }
0x1da: {  	v53 =	vadd.s32 $0x1, v3;
	v4 =	vld.idx.msk [tilespmem:v52+s2+$0x0], $0xffff  }
0x1db: {  	v2 =	vor.u32 $0x2, v2;
	_ =	sdelay $0x3  }
0x1dc: {  	[tilespmem:v53+s18+$0x0] =	vst.idx.msk $0xffff, v4  }
0x1dd: {  	v3 =	vadd.s32 $0x2, v3;
	v2 =	vld.idx.msk [tilespmem:v2+s2+$0x0], $0xffff;
	_ =	sdelay $0x4  }
0x1de: {  	[tilespmem:v3+s18+$0x0] =	vst.idx.msk $0xffff, v2  }
0x1df: {  	v2 =	vld [tilespmem:s24+$0xFFFFFFF0];
	_ =	sdelay $0x2  }
0x1e0: {  	s31 =	sadd.s32 $0xFFFFFFF0, s23  }
0x1e1: {  	v3 =	vor.u32 s31, v1  }
0x1e2: {  	v54 =	vmul.u32 $0x3E1, v3;
	v2 =	vshll.u32 v2, $0x2;
	_ =	sdelay $0x1  }
0x1e3: {  	v3 =	vmul.u32 $0x3, v3;
	v4 =	vshrl.u32 v54, $0xF  }
0x1e4: {  	v55 =	vshll.u32 v4, $0x7;
	v4 =	vmul.u32 $0xFFFFFF9D, v4  }
0x1e5: {  	v3 =	vadd.s32 v3, v55  }
0x1e6: {  	v3 =	vadd.s32 v4, v3;
	v56 =	vld.idx.msk [tilespmem:v2+s2+$0x0], $0xffff  }
0x1e7: {  	v57 =	vor.u32 $0x1, v2;
	_ =	sdelay $0x3  }
0x1e8: {  	[tilespmem:v3+s18+$0x0] =	vst.idx.msk $0xffff, v56  }
0x1e9: {  	v58 =	vadd.s32 $0x1, v3;
	v4 =	vld.idx.msk [tilespmem:v57+s2+$0x0], $0xffff  }
0x1ea: {  	v2 =	vor.u32 $0x2, v2;
	_ =	sdelay $0x3  }
0x1eb: {  	[tilespmem:v58+s18+$0x0] =	vst.idx.msk $0xffff, v4  }
0x1ec: {  	v3 =	vadd.s32 $0x2, v3;
	v2 =	vld.idx.msk [tilespmem:v2+s2+$0x0], $0xffff;
	_ =	sdelay $0x4  }
0x1ed: {  	[tilespmem:v3+s18+$0x0] =	vst.idx.msk $0xffff, v2  }
0x1ee: {  	v2 =	vld [tilespmem:s24+$0x0];
	_ =	sdelay $0x3  }
0x1ef: {  	v3 =	vor.u32 s23, v1  }
0x1f0: {  	v59 =	vmul.u32 $0x3E1, v3;
	v2 =	vshll.u32 v2, $0x2;
	_ =	sdelay $0x1  }
0x1f1: {  	v3 =	vmul.u32 $0x3, v3;
	v4 =	vshrl.u32 v59, $0xF  }
0x1f2: {  	v60 =	vshll.u32 v4, $0x7;
	v4 =	vmul.u32 $0xFFFFFF9D, v4  }
0x1f3: {  	v3 =	vadd.s32 v3, v60  }
0x1f4: {  	v3 =	vadd.s32 v4, v3;
	v61 =	vld.idx.msk [tilespmem:v2+s2+$0x0], $0xffff  }
0x1f5: {  	v62 =	vor.u32 $0x1, v2;
	_ =	sdelay $0x3  }
0x1f6: {  	[tilespmem:v3+s18+$0x0] =	vst.idx.msk $0xffff, v61  }
0x1f7: {  	v63 =	vadd.s32 $0x1, v3;
	v4 =	vld.idx.msk [tilespmem:v62+s2+$0x0], $0xffff  }
0x1f8: {  	v2 =	vor.u32 $0x2, v2;
	_ =	sdelay $0x3  }
0x1f9: {  	s22 =	sadd.s32 $0x6, s22;
	[tilespmem:v63+s18+$0x0] =	vst.idx.msk $0xffff, v4  }
0x1fa: {  	p0 =	slt.u32 s22, $0x3C;
	v3 =	vadd.s32 $0x2, v3;
	v2 =	vld.idx.msk [tilespmem:v2+s2+$0x0], $0xffff  }
.Ltmp5:
0x1fb: {  	_ = 	snop;
	(pc) =	sbr.rel @p0 .LBB2_12-.Ltmp5, $2  }
0x1fc: {  	_ =	sdelay $0x2  }
0x1fd: {  	s23 =	sadd.s32 $0x60, s23;
	s24 =	sadd.s32 $0x60, s24;
	[tilespmem:v3+s18+$0x0] =	vst.idx.msk $0xffff, v2  }
0x1fe: {  	[hbm4b:s9+s2] =	stream.linear.scatter [tilespmem:s18], [sflag:$0x2], $0x1000, $0x38;
	[tilespmem:$0xE600] =	vst v63  }
0x1ff: {  	_ =	swait.ge [sflag:s20], $0x1000  }
0x200: {  	s22 =	simm.s32 $0xFFFFFFFA;
	[sflag:s20] =	ssyncset.done $0x0  }
0x201: {  	s23 =	simm.s32 $0x50;
	s24 =	simm.s32 $0xB170;
	[sflag:s20] =	ssyncadd.s32 $0xFFFFF000  }
.LBB2_14:
0x202: {  	v2 =	vld [tilespmem:s24+$0xFFFFFFB0];
	_ =	sdelay $0x2  }
0x203: {  	s25 =	sadd.s32 $0xFFFFFFB0, s23  }
0x204: {  	v3 =	vor.u32 s25, v1  }
0x205: {  	v4 =	vmul.u32 $0x3E1, v3;
	v2 =	vshll.u32 v2, $0x2;
	_ =	sdelay $0x1  }
0x206: {  	v3 =	vmul.u32 $0x3, v3;
	v4 =	vshrl.u32 v4, $0xF  }
0x207: {  	v5 =	vshll.u32 v4, $0x7;
	v4 =	vmul.u32 $0xFFFFFF9D, v4  }
0x208: {  	v3 =	vadd.s32 v3, v5  }
0x209: {  	v3 =	vadd.s32 v4, v3;
	v36 =	vld.idx.msk [tilespmem:v2+s2+$0x0], $0xffff  }
0x20a: {  	v37 =	vor.u32 $0x1, v2;
	_ =	sdelay $0x3  }
0x20b: {  	[tilespmem:v3+s19+$0x0] =	vst.idx.msk $0xffff, v36  }
0x20c: {  	v38 =	vadd.s32 $0x1, v3;
	v4 =	vld.idx.msk [tilespmem:v37+s2+$0x0], $0xffff  }
0x20d: {  	v2 =	vor.u32 $0x2, v2;
	_ =	sdelay $0x3  }
0x20e: {  	[tilespmem:v38+s19+$0x0] =	vst.idx.msk $0xffff, v4  }
0x20f: {  	v3 =	vadd.s32 $0x2, v3;
	v2 =	vld.idx.msk [tilespmem:v2+s2+$0x0], $0xffff;
	_ =	sdelay $0x4  }
0x210: {  	[tilespmem:v3+s19+$0x0] =	vst.idx.msk $0xffff, v2  }
0x211: {  	v2 =	vld [tilespmem:s24+$0xFFFFFFC0];
	_ =	sdelay $0x2  }
0x212: {  	s28 =	sadd.s32 $0xFFFFFFC0, s23  }
0x213: {  	v3 =	vor.u32 s28, v1  }
0x214: {  	v39 =	vmul.u32 $0x3E1, v3;
	v2 =	vshll.u32 v2, $0x2;
	_ =	sdelay $0x1  }
0x215: {  	v3 =	vmul.u32 $0x3, v3;
	v4 =	vshrl.u32 v39, $0xF  }
0x216: {  	v40 =	vshll.u32 v4, $0x7;
	v4 =	vmul.u32 $0xFFFFFF9D, v4  }
0x217: {  	v3 =	vadd.s32 v3, v40  }
0x218: {  	v3 =	vadd.s32 v4, v3;
	v41 =	vld.idx.msk [tilespmem:v2+s2+$0x0], $0xffff  }
0x219: {  	v42 =	vor.u32 $0x1, v2;
	_ =	sdelay $0x3  }
0x21a: {  	[tilespmem:v3+s19+$0x0] =	vst.idx.msk $0xffff, v41  }
0x21b: {  	v43 =	vadd.s32 $0x1, v3;
	v4 =	vld.idx.msk [tilespmem:v42+s2+$0x0], $0xffff  }
0x21c: {  	v2 =	vor.u32 $0x2, v2;
	_ =	sdelay $0x3  }
0x21d: {  	[tilespmem:v43+s19+$0x0] =	vst.idx.msk $0xffff, v4  }
0x21e: {  	v3 =	vadd.s32 $0x2, v3;
	v2 =	vld.idx.msk [tilespmem:v2+s2+$0x0], $0xffff;
	_ =	sdelay $0x4  }
0x21f: {  	[tilespmem:v3+s19+$0x0] =	vst.idx.msk $0xffff, v2  }
0x220: {  	v2 =	vld [tilespmem:s24+$0xFFFFFFD0];
	_ =	sdelay $0x2  }
0x221: {  	s29 =	sadd.s32 $0xFFFFFFD0, s23  }
0x222: {  	v3 =	vor.u32 s29, v1  }
0x223: {  	v44 =	vmul.u32 $0x3E1, v3;
	v2 =	vshll.u32 v2, $0x2;
	_ =	sdelay $0x1  }
0x224: {  	v3 =	vmul.u32 $0x3, v3;
	v4 =	vshrl.u32 v44, $0xF  }
0x225: {  	v45 =	vshll.u32 v4, $0x7;
	v4 =	vmul.u32 $0xFFFFFF9D, v4  }
0x226: {  	v3 =	vadd.s32 v3, v45  }
0x227: {  	v3 =	vadd.s32 v4, v3;
	v46 =	vld.idx.msk [tilespmem:v2+s2+$0x0], $0xffff  }
0x228: {  	v47 =	vor.u32 $0x1, v2;
	_ =	sdelay $0x3  }
0x229: {  	[tilespmem:v3+s19+$0x0] =	vst.idx.msk $0xffff, v46  }
0x22a: {  	v48 =	vadd.s32 $0x1, v3;
	v4 =	vld.idx.msk [tilespmem:v47+s2+$0x0], $0xffff  }
0x22b: {  	v2 =	vor.u32 $0x2, v2;
	_ =	sdelay $0x3  }
0x22c: {  	[tilespmem:v48+s19+$0x0] =	vst.idx.msk $0xffff, v4  }
0x22d: {  	v3 =	vadd.s32 $0x2, v3;
	v2 =	vld.idx.msk [tilespmem:v2+s2+$0x0], $0xffff;
	_ =	sdelay $0x4  }
0x22e: {  	[tilespmem:v3+s19+$0x0] =	vst.idx.msk $0xffff, v2  }
0x22f: {  	v2 =	vld [tilespmem:s24+$0xFFFFFFE0];
	_ =	sdelay $0x2  }
0x230: {  	s30 =	sadd.s32 $0xFFFFFFE0, s23  }
0x231: {  	v3 =	vor.u32 s30, v1  }
0x232: {  	v49 =	vmul.u32 $0x3E1, v3;
	v2 =	vshll.u32 v2, $0x2;
	_ =	sdelay $0x1  }
0x233: {  	v3 =	vmul.u32 $0x3, v3;
	v4 =	vshrl.u32 v49, $0xF  }
0x234: {  	v50 =	vshll.u32 v4, $0x7;
	v4 =	vmul.u32 $0xFFFFFF9D, v4  }
0x235: {  	v3 =	vadd.s32 v3, v50  }
0x236: {  	v3 =	vadd.s32 v4, v3;
	v51 =	vld.idx.msk [tilespmem:v2+s2+$0x0], $0xffff  }
0x237: {  	v52 =	vor.u32 $0x1, v2;
	_ =	sdelay $0x3  }
0x238: {  	[tilespmem:v3+s19+$0x0] =	vst.idx.msk $0xffff, v51  }
0x239: {  	v53 =	vadd.s32 $0x1, v3;
	v4 =	vld.idx.msk [tilespmem:v52+s2+$0x0], $0xffff  }
0x23a: {  	v2 =	vor.u32 $0x2, v2;
	_ =	sdelay $0x3  }
0x23b: {  	[tilespmem:v53+s19+$0x0] =	vst.idx.msk $0xffff, v4  }
0x23c: {  	v3 =	vadd.s32 $0x2, v3;
	v2 =	vld.idx.msk [tilespmem:v2+s2+$0x0], $0xffff;
	_ =	sdelay $0x4  }
0x23d: {  	[tilespmem:v3+s19+$0x0] =	vst.idx.msk $0xffff, v2  }
0x23e: {  	v2 =	vld [tilespmem:s24+$0xFFFFFFF0];
	_ =	sdelay $0x2  }
0x23f: {  	s31 =	sadd.s32 $0xFFFFFFF0, s23  }
0x240: {  	v3 =	vor.u32 s31, v1  }
0x241: {  	v54 =	vmul.u32 $0x3E1, v3;
	v2 =	vshll.u32 v2, $0x2;
	_ =	sdelay $0x1  }
0x242: {  	v3 =	vmul.u32 $0x3, v3;
	v4 =	vshrl.u32 v54, $0xF  }
0x243: {  	v55 =	vshll.u32 v4, $0x7;
	v4 =	vmul.u32 $0xFFFFFF9D, v4  }
0x244: {  	v3 =	vadd.s32 v3, v55  }
0x245: {  	v3 =	vadd.s32 v4, v3;
	v56 =	vld.idx.msk [tilespmem:v2+s2+$0x0], $0xffff  }
0x246: {  	v57 =	vor.u32 $0x1, v2;
	_ =	sdelay $0x3  }
0x247: {  	[tilespmem:v3+s19+$0x0] =	vst.idx.msk $0xffff, v56  }
0x248: {  	v58 =	vadd.s32 $0x1, v3;
	v4 =	vld.idx.msk [tilespmem:v57+s2+$0x0], $0xffff  }
0x249: {  	v2 =	vor.u32 $0x2, v2;
	_ =	sdelay $0x3  }
0x24a: {  	[tilespmem:v58+s19+$0x0] =	vst.idx.msk $0xffff, v4  }
0x24b: {  	v3 =	vadd.s32 $0x2, v3;
	v2 =	vld.idx.msk [tilespmem:v2+s2+$0x0], $0xffff;
	_ =	sdelay $0x4  }
0x24c: {  	[tilespmem:v3+s19+$0x0] =	vst.idx.msk $0xffff, v2  }
0x24d: {  	v2 =	vld [tilespmem:s24+$0x0];
	_ =	sdelay $0x3  }
0x24e: {  	v3 =	vor.u32 s23, v1  }
0x24f: {  	v59 =	vmul.u32 $0x3E1, v3;
	v2 =	vshll.u32 v2, $0x2;
	_ =	sdelay $0x1  }
0x250: {  	v3 =	vmul.u32 $0x3, v3;
	v4 =	vshrl.u32 v59, $0xF  }
0x251: {  	v60 =	vshll.u32 v4, $0x7;
	v4 =	vmul.u32 $0xFFFFFF9D, v4  }
0x252: {  	v3 =	vadd.s32 v3, v60  }
0x253: {  	v3 =	vadd.s32 v4, v3;
	v61 =	vld.idx.msk [tilespmem:v2+s2+$0x0], $0xffff  }
0x254: {  	v62 =	vor.u32 $0x1, v2;
	_ =	sdelay $0x3  }
0x255: {  	[tilespmem:v3+s19+$0x0] =	vst.idx.msk $0xffff, v61  }
0x256: {  	v63 =	vadd.s32 $0x1, v3;
	v4 =	vld.idx.msk [tilespmem:v62+s2+$0x0], $0xffff  }
0x257: {  	v2 =	vor.u32 $0x2, v2;
	_ =	sdelay $0x3  }
0x258: {  	s22 =	sadd.s32 $0x6, s22;
	[tilespmem:v63+s19+$0x0] =	vst.idx.msk $0xffff, v4  }
0x259: {  	p0 =	slt.u32 s22, $0x3C;
	v3 =	vadd.s32 $0x2, v3;
	v2 =	vld.idx.msk [tilespmem:v2+s2+$0x0], $0xffff  }
.Ltmp6:
0x25a: {  	_ = 	snop;
	(pc) =	sbr.rel @p0 .LBB2_14-.Ltmp6, $2  }
0x25b: {  	_ =	sdelay $0x2  }
0x25c: {  	s23 =	sadd.s32 $0x60, s23;
	s24 =	sadd.s32 $0x60, s24;
	[tilespmem:v3+s19+$0x0] =	vst.idx.msk $0xffff, v2  }
0x25d: {  	[hbm4b:s10+s2] =	stream.linear.scatter [tilespmem:s19], [sflag:$0x2], $0x1000, $0x38;
	[tilespmem:$0xE600] =	vst v63  }
0x25e: {  	_ =	swait.ge [sflag:s20], $0x1000  }
0x25f: {  	s22 =	simm.s32 $0xFFFFFFFA;
	[sflag:s20] =	ssyncset.done $0x0  }
0x260: {  	s23 =	simm.s32 $0x50;
	s24 =	simm.s32 $0xB540;
	[sflag:s20] =	ssyncadd.s32 $0xFFFFF000  }
.LBB2_16:
0x261: {  	v2 =	vld [tilespmem:s24+$0x0];
	_ =	sdelay $0x2  }
0x262: {  	s25 =	sadd.s32 $0xFFFFFFB0, s23  }
0x263: {  	v3 =	vor.u32 s25, v1  }
0x264: {  	v4 =	vmul.u32 $0x3E1, v3;
	v2 =	vshll.u32 v2, $0x2;
	_ =	sdelay $0x1  }
0x265: {  	v3 =	vmul.u32 $0x3, v3;
	v4 =	vshrl.u32 v4, $0xF  }
0x266: {  	v5 =	vshll.u32 v4, $0x7;
	v4 =	vmul.u32 $0xFFFFFF9D, v4  }
0x267: {  	v3 =	vadd.s32 v3, v5  }
0x268: {  	v3 =	vadd.s32 v4, v3;
	v36 =	vld.idx.msk [tilespmem:v2+s2+$0x0], $0xffff  }
0x269: {  	v37 =	vor.u32 $0x1, v2;
	_ =	sdelay $0x3  }
0x26a: {  	[tilespmem:v3+s18+$0x0] =	vst.idx.msk $0xffff, v36  }
0x26b: {  	v38 =	vadd.s32 $0x1, v3;
	v4 =	vld.idx.msk [tilespmem:v37+s2+$0x0], $0xffff  }
0x26c: {  	v2 =	vor.u32 $0x2, v2;
	_ =	sdelay $0x3  }
0x26d: {  	[tilespmem:v38+s18+$0x0] =	vst.idx.msk $0xffff, v4  }
0x26e: {  	v3 =	vadd.s32 $0x2, v3;
	v2 =	vld.idx.msk [tilespmem:v2+s2+$0x0], $0xffff;
	_ =	sdelay $0x4  }
0x26f: {  	[tilespmem:v3+s18+$0x0] =	vst.idx.msk $0xffff, v2  }
0x270: {  	v2 =	vld [tilespmem:s24+$0x10];
	_ =	sdelay $0x2  }
0x271: {  	s26 =	sadd.s32 $0xFFFFFFC0, s23  }
0x272: {  	v3 =	vor.u32 s26, v1  }
0x273: {  	v39 =	vmul.u32 $0x3E1, v3;
	v2 =	vshll.u32 v2, $0x2;
	_ =	sdelay $0x1  }
0x274: {  	v3 =	vmul.u32 $0x3, v3;
	v4 =	vshrl.u32 v39, $0xF  }
0x275: {  	v40 =	vshll.u32 v4, $0x7;
	v4 =	vmul.u32 $0xFFFFFF9D, v4  }
0x276: {  	v3 =	vadd.s32 v3, v40  }
0x277: {  	v3 =	vadd.s32 v4, v3;
	v41 =	vld.idx.msk [tilespmem:v2+s2+$0x0], $0xffff  }
0x278: {  	v42 =	vor.u32 $0x1, v2;
	_ =	sdelay $0x3  }
0x279: {  	[tilespmem:v3+s18+$0x0] =	vst.idx.msk $0xffff, v41  }
0x27a: {  	v43 =	vadd.s32 $0x1, v3;
	v4 =	vld.idx.msk [tilespmem:v42+s2+$0x0], $0xffff  }
0x27b: {  	v2 =	vor.u32 $0x2, v2;
	_ =	sdelay $0x3  }
0x27c: {  	[tilespmem:v43+s18+$0x0] =	vst.idx.msk $0xffff, v4  }
0x27d: {  	v3 =	vadd.s32 $0x2, v3;
	v2 =	vld.idx.msk [tilespmem:v2+s2+$0x0], $0xffff;
	_ =	sdelay $0x4  }
0x27e: {  	[tilespmem:v3+s18+$0x0] =	vst.idx.msk $0xffff, v2  }
0x27f: {  	v2 =	vld [tilespmem:s24+$0x20];
	_ =	sdelay $0x2  }
0x280: {  	s29 =	sadd.s32 $0xFFFFFFD0, s23  }
0x281: {  	v3 =	vor.u32 s29, v1  }
0x282: {  	v44 =	vmul.u32 $0x3E1, v3;
	v2 =	vshll.u32 v2, $0x2;
	_ =	sdelay $0x1  }
0x283: {  	v3 =	vmul.u32 $0x3, v3;
	v4 =	vshrl.u32 v44, $0xF  }
0x284: {  	v45 =	vshll.u32 v4, $0x7;
	v4 =	vmul.u32 $0xFFFFFF9D, v4  }
0x285: {  	v3 =	vadd.s32 v3, v45  }
0x286: {  	v3 =	vadd.s32 v4, v3;
	v46 =	vld.idx.msk [tilespmem:v2+s2+$0x0], $0xffff  }
0x287: {  	v47 =	vor.u32 $0x1, v2;
	_ =	sdelay $0x3  }
0x288: {  	[tilespmem:v3+s18+$0x0] =	vst.idx.msk $0xffff, v46  }
0x289: {  	v48 =	vadd.s32 $0x1, v3;
	v4 =	vld.idx.msk [tilespmem:v47+s2+$0x0], $0xffff  }
0x28a: {  	v2 =	vor.u32 $0x2, v2;
	_ =	sdelay $0x3  }
0x28b: {  	[tilespmem:v48+s18+$0x0] =	vst.idx.msk $0xffff, v4  }
0x28c: {  	v3 =	vadd.s32 $0x2, v3;
	v2 =	vld.idx.msk [tilespmem:v2+s2+$0x0], $0xffff;
	_ =	sdelay $0x4  }
0x28d: {  	[tilespmem:v3+s18+$0x0] =	vst.idx.msk $0xffff, v2  }
0x28e: {  	v2 =	vld [tilespmem:s24+$0x30];
	_ =	sdelay $0x2  }
0x28f: {  	s30 =	sadd.s32 $0xFFFFFFE0, s23  }
0x290: {  	v3 =	vor.u32 s30, v1  }
0x291: {  	v49 =	vmul.u32 $0x3E1, v3;
	v2 =	vshll.u32 v2, $0x2;
	_ =	sdelay $0x1  }
0x292: {  	v3 =	vmul.u32 $0x3, v3;
	v4 =	vshrl.u32 v49, $0xF  }
0x293: {  	v50 =	vshll.u32 v4, $0x7;
	v4 =	vmul.u32 $0xFFFFFF9D, v4  }
0x294: {  	v3 =	vadd.s32 v3, v50  }
0x295: {  	v3 =	vadd.s32 v4, v3;
	v51 =	vld.idx.msk [tilespmem:v2+s2+$0x0], $0xffff  }
0x296: {  	v52 =	vor.u32 $0x1, v2;
	_ =	sdelay $0x3  }
0x297: {  	[tilespmem:v3+s18+$0x0] =	vst.idx.msk $0xffff, v51  }
0x298: {  	v53 =	vadd.s32 $0x1, v3;
	v4 =	vld.idx.msk [tilespmem:v52+s2+$0x0], $0xffff  }
0x299: {  	v2 =	vor.u32 $0x2, v2;
	_ =	sdelay $0x3  }
0x29a: {  	[tilespmem:v53+s18+$0x0] =	vst.idx.msk $0xffff, v4  }
0x29b: {  	v3 =	vadd.s32 $0x2, v3;
	v2 =	vld.idx.msk [tilespmem:v2+s2+$0x0], $0xffff;
	_ =	sdelay $0x4  }
0x29c: {  	s25 =	sand.u32 $0x7E0, s25;
	[tilespmem:v3+s18+$0x0] =	vst.idx.msk $0xffff, v2  }
0x29d: {  	v2 =	vld [tilespmem:s25+$0xB580];
	_ =	sdelay $0x2  }
0x29e: {  	s31 =	sadd.s32 $0xFFFFFFF0, s23  }
0x29f: {  	v3 =	vor.u32 s31, v1  }
0x2a0: {  	v54 =	vmul.u32 $0x3E1, v3;
	v2 =	vshll.u32 v2, $0x2;
	_ =	sdelay $0x1  }
0x2a1: {  	v3 =	vmul.u32 $0x3, v3;
	v4 =	vshrl.u32 v54, $0xF  }
0x2a2: {  	v55 =	vshll.u32 v4, $0x7;
	v4 =	vmul.u32 $0xFFFFFF9D, v4  }
0x2a3: {  	v3 =	vadd.s32 v3, v55  }
0x2a4: {  	v3 =	vadd.s32 v4, v3;
	v56 =	vld.idx.msk [tilespmem:v2+s2+$0x0], $0xffff  }
0x2a5: {  	v57 =	vor.u32 $0x1, v2;
	_ =	sdelay $0x3  }
0x2a6: {  	[tilespmem:v3+s18+$0x0] =	vst.idx.msk $0xffff, v56  }
0x2a7: {  	v58 =	vadd.s32 $0x1, v3;
	v4 =	vld.idx.msk [tilespmem:v57+s2+$0x0], $0xffff  }
0x2a8: {  	v2 =	vor.u32 $0x2, v2;
	_ =	sdelay $0x3  }
0x2a9: {  	[tilespmem:v58+s18+$0x0] =	vst.idx.msk $0xffff, v4  }
0x2aa: {  	v3 =	vadd.s32 $0x2, v3;
	v2 =	vld.idx.msk [tilespmem:v2+s2+$0x0], $0xffff;
	_ =	sdelay $0x4  }
0x2ab: {  	[tilespmem:v3+s18+$0x0] =	vst.idx.msk $0xffff, v2  }
0x2ac: {  	v2 =	vld [tilespmem:s24+$0x50];
	_ =	sdelay $0x3  }
0x2ad: {  	v3 =	vor.u32 s23, v1  }
0x2ae: {  	v59 =	vmul.u32 $0x3E1, v3;
	v2 =	vshll.u32 v2, $0x2;
	_ =	sdelay $0x1  }
0x2af: {  	v3 =	vmul.u32 $0x3, v3;
	v4 =	vshrl.u32 v59, $0xF  }
0x2b0: {  	v60 =	vshll.u32 v4, $0x7;
	v4 =	vmul.u32 $0xFFFFFF9D, v4  }
0x2b1: {  	v3 =	vadd.s32 v3, v60  }
0x2b2: {  	v3 =	vadd.s32 v4, v3;
	v61 =	vld.idx.msk [tilespmem:v2+s2+$0x0], $0xffff  }
0x2b3: {  	v62 =	vor.u32 $0x1, v2;
	_ =	sdelay $0x3  }
0x2b4: {  	[tilespmem:v3+s18+$0x0] =	vst.idx.msk $0xffff, v61  }
0x2b5: {  	v63 =	vadd.s32 $0x1, v3;
	v4 =	vld.idx.msk [tilespmem:v62+s2+$0x0], $0xffff  }
0x2b6: {  	v2 =	vor.u32 $0x2, v2;
	_ =	sdelay $0x3  }
0x2b7: {  	s22 =	sadd.s32 $0x6, s22;
	[tilespmem:v63+s18+$0x0] =	vst.idx.msk $0xffff, v4  }
0x2b8: {  	p0 =	slt.u32 s22, $0x3C;
	v3 =	vadd.s32 $0x2, v3;
	v2 =	vld.idx.msk [tilespmem:v2+s2+$0x0], $0xffff  }
.Ltmp7:
0x2b9: {  	_ = 	snop;
	(pc) =	sbr.rel @p0 .LBB2_16-.Ltmp7, $2  }
0x2ba: {  	_ =	sdelay $0x2  }
0x2bb: {  	s23 =	sadd.s32 $0x60, s23;
	s24 =	sadd.s32 $0x60, s24;
	[tilespmem:v3+s18+$0x0] =	vst.idx.msk $0xffff, v2  }
0x2bc: {  	[hbm4b:s11+s2] =	stream.linear.scatter [tilespmem:s18], [sflag:$0x2], $0x1000, $0x38;
	[tilespmem:$0xE600] =	vst v63  }
0x2bd: {  	_ =	swait.ge [sflag:s20], $0x1000  }
0x2be: {  	s22 =	simm.s32 $0xFFFFFFFA;
	[sflag:s20] =	ssyncset.done $0x0  }
0x2bf: {  	s23 =	simm.s32 $0x50;
	s24 =	simm.s32 $0xB9B0;
	[sflag:s20] =	ssyncadd.s32 $0xFFFFF000  }
.LBB2_18:
0x2c0: {  	v2 =	vld [tilespmem:s24+$0xFFFFFFB0];
	_ =	sdelay $0x2  }
0x2c1: {  	s25 =	sadd.s32 $0xFFFFFFB0, s23  }
0x2c2: {  	v3 =	vor.u32 s25, v1  }
0x2c3: {  	v4 =	vmul.u32 $0x3E1, v3;
	v2 =	vshll.u32 v2, $0x2;
	_ =	sdelay $0x1  }
0x2c4: {  	v3 =	vmul.u32 $0x3, v3;
	v4 =	vshrl.u32 v4, $0xF  }
0x2c5: {  	v5 =	vshll.u32 v4, $0x7;
	v4 =	vmul.u32 $0xFFFFFF9D, v4  }
0x2c6: {  	v3 =	vadd.s32 v3, v5  }
0x2c7: {  	v3 =	vadd.s32 v4, v3;
	v36 =	vld.idx.msk [tilespmem:v2+s2+$0x0], $0xffff  }
0x2c8: {  	v37 =	vor.u32 $0x1, v2;
	_ =	sdelay $0x3  }
0x2c9: {  	[tilespmem:v3+s19+$0x0] =	vst.idx.msk $0xffff, v36  }
0x2ca: {  	v38 =	vadd.s32 $0x1, v3;
	v4 =	vld.idx.msk [tilespmem:v37+s2+$0x0], $0xffff  }
0x2cb: {  	v2 =	vor.u32 $0x2, v2;
	_ =	sdelay $0x3  }
0x2cc: {  	[tilespmem:v38+s19+$0x0] =	vst.idx.msk $0xffff, v4  }
0x2cd: {  	v3 =	vadd.s32 $0x2, v3;
	v2 =	vld.idx.msk [tilespmem:v2+s2+$0x0], $0xffff;
	_ =	sdelay $0x4  }
0x2ce: {  	[tilespmem:v3+s19+$0x0] =	vst.idx.msk $0xffff, v2  }
0x2cf: {  	v2 =	vld [tilespmem:s24+$0xFFFFFFC0];
	_ =	sdelay $0x2  }
0x2d0: {  	s26 =	sadd.s32 $0xFFFFFFC0, s23  }
0x2d1: {  	v3 =	vor.u32 s26, v1  }
0x2d2: {  	v39 =	vmul.u32 $0x3E1, v3;
	v2 =	vshll.u32 v2, $0x2;
	_ =	sdelay $0x1  }
0x2d3: {  	v3 =	vmul.u32 $0x3, v3;
	v4 =	vshrl.u32 v39, $0xF  }
0x2d4: {  	v40 =	vshll.u32 v4, $0x7;
	v4 =	vmul.u32 $0xFFFFFF9D, v4  }
0x2d5: {  	v3 =	vadd.s32 v3, v40  }
0x2d6: {  	v3 =	vadd.s32 v4, v3;
	v41 =	vld.idx.msk [tilespmem:v2+s2+$0x0], $0xffff  }
0x2d7: {  	v42 =	vor.u32 $0x1, v2;
	_ =	sdelay $0x3  }
0x2d8: {  	[tilespmem:v3+s19+$0x0] =	vst.idx.msk $0xffff, v41  }
0x2d9: {  	v43 =	vadd.s32 $0x1, v3;
	v4 =	vld.idx.msk [tilespmem:v42+s2+$0x0], $0xffff  }
0x2da: {  	v2 =	vor.u32 $0x2, v2;
	_ =	sdelay $0x3  }
0x2db: {  	[tilespmem:v43+s19+$0x0] =	vst.idx.msk $0xffff, v4  }
0x2dc: {  	v3 =	vadd.s32 $0x2, v3;
	v2 =	vld.idx.msk [tilespmem:v2+s2+$0x0], $0xffff;
	_ =	sdelay $0x4  }
0x2dd: {  	s25 =	sand.u32 $0x7E0, s25;
	[tilespmem:v3+s19+$0x0] =	vst.idx.msk $0xffff, v2  }
0x2de: {  	v2 =	vld [tilespmem:s25+$0xB980];
	_ =	sdelay $0x2  }
0x2df: {  	s29 =	sadd.s32 $0xFFFFFFD0, s23  }
0x2e0: {  	v3 =	vor.u32 s29, v1  }
0x2e1: {  	v44 =	vmul.u32 $0x3E1, v3;
	v2 =	vshll.u32 v2, $0x2;
	_ =	sdelay $0x1  }
0x2e2: {  	v3 =	vmul.u32 $0x3, v3;
	v4 =	vshrl.u32 v44, $0xF  }
0x2e3: {  	v45 =	vshll.u32 v4, $0x7;
	v4 =	vmul.u32 $0xFFFFFF9D, v4  }
0x2e4: {  	v3 =	vadd.s32 v3, v45  }
0x2e5: {  	v3 =	vadd.s32 v4, v3;
	v46 =	vld.idx.msk [tilespmem:v2+s2+$0x0], $0xffff  }
0x2e6: {  	v47 =	vor.u32 $0x1, v2;
	_ =	sdelay $0x3  }
0x2e7: {  	[tilespmem:v3+s19+$0x0] =	vst.idx.msk $0xffff, v46  }
0x2e8: {  	v48 =	vadd.s32 $0x1, v3;
	v4 =	vld.idx.msk [tilespmem:v47+s2+$0x0], $0xffff  }
0x2e9: {  	v2 =	vor.u32 $0x2, v2;
	_ =	sdelay $0x3  }
0x2ea: {  	[tilespmem:v48+s19+$0x0] =	vst.idx.msk $0xffff, v4  }
0x2eb: {  	v3 =	vadd.s32 $0x2, v3;
	v2 =	vld.idx.msk [tilespmem:v2+s2+$0x0], $0xffff;
	_ =	sdelay $0x4  }
0x2ec: {  	[tilespmem:v3+s19+$0x0] =	vst.idx.msk $0xffff, v2  }
0x2ed: {  	v2 =	vld [tilespmem:s24+$0xFFFFFFE0];
	_ =	sdelay $0x2  }
0x2ee: {  	s30 =	sadd.s32 $0xFFFFFFE0, s23  }
0x2ef: {  	v3 =	vor.u32 s30, v1  }
0x2f0: {  	v49 =	vmul.u32 $0x3E1, v3;
	v2 =	vshll.u32 v2, $0x2;
	_ =	sdelay $0x1  }
0x2f1: {  	v3 =	vmul.u32 $0x3, v3;
	v4 =	vshrl.u32 v49, $0xF  }
0x2f2: {  	v50 =	vshll.u32 v4, $0x7;
	v4 =	vmul.u32 $0xFFFFFF9D, v4  }
0x2f3: {  	v3 =	vadd.s32 v3, v50  }
0x2f4: {  	v3 =	vadd.s32 v4, v3;
	v51 =	vld.idx.msk [tilespmem:v2+s2+$0x0], $0xffff  }
0x2f5: {  	v52 =	vor.u32 $0x1, v2;
	_ =	sdelay $0x3  }
0x2f6: {  	[tilespmem:v3+s19+$0x0] =	vst.idx.msk $0xffff, v51  }
0x2f7: {  	v53 =	vadd.s32 $0x1, v3;
	v4 =	vld.idx.msk [tilespmem:v52+s2+$0x0], $0xffff  }
0x2f8: {  	v2 =	vor.u32 $0x2, v2;
	_ =	sdelay $0x3  }
0x2f9: {  	[tilespmem:v53+s19+$0x0] =	vst.idx.msk $0xffff, v4  }
0x2fa: {  	v3 =	vadd.s32 $0x2, v3;
	v2 =	vld.idx.msk [tilespmem:v2+s2+$0x0], $0xffff;
	_ =	sdelay $0x4  }
0x2fb: {  	[tilespmem:v3+s19+$0x0] =	vst.idx.msk $0xffff, v2  }
0x2fc: {  	v2 =	vld [tilespmem:s24+$0xFFFFFFF0];
	_ =	sdelay $0x2  }
0x2fd: {  	s31 =	sadd.s32 $0xFFFFFFF0, s23  }
0x2fe: {  	v3 =	vor.u32 s31, v1  }
0x2ff: {  	v54 =	vmul.u32 $0x3E1, v3;
	v2 =	vshll.u32 v2, $0x2;
	_ =	sdelay $0x1  }
0x300: {  	v3 =	vmul.u32 $0x3, v3;
	v4 =	vshrl.u32 v54, $0xF  }
0x301: {  	v55 =	vshll.u32 v4, $0x7;
	v4 =	vmul.u32 $0xFFFFFF9D, v4  }
0x302: {  	v3 =	vadd.s32 v3, v55  }
0x303: {  	v3 =	vadd.s32 v4, v3;
	v56 =	vld.idx.msk [tilespmem:v2+s2+$0x0], $0xffff  }
0x304: {  	v57 =	vor.u32 $0x1, v2;
	_ =	sdelay $0x3  }
0x305: {  	[tilespmem:v3+s19+$0x0] =	vst.idx.msk $0xffff, v56  }
0x306: {  	v58 =	vadd.s32 $0x1, v3;
	v4 =	vld.idx.msk [tilespmem:v57+s2+$0x0], $0xffff  }
0x307: {  	v2 =	vor.u32 $0x2, v2;
	_ =	sdelay $0x3  }
0x308: {  	[tilespmem:v58+s19+$0x0] =	vst.idx.msk $0xffff, v4  }
0x309: {  	v3 =	vadd.s32 $0x2, v3;
	v2 =	vld.idx.msk [tilespmem:v2+s2+$0x0], $0xffff;
	_ =	sdelay $0x4  }
0x30a: {  	[tilespmem:v3+s19+$0x0] =	vst.idx.msk $0xffff, v2  }
0x30b: {  	v2 =	vld [tilespmem:s24+$0x0];
	_ =	sdelay $0x3  }
0x30c: {  	v3 =	vor.u32 s23, v1  }
0x30d: {  	v59 =	vmul.u32 $0x3E1, v3;
	v2 =	vshll.u32 v2, $0x2;
	_ =	sdelay $0x1  }
0x30e: {  	v3 =	vmul.u32 $0x3, v3;
	v4 =	vshrl.u32 v59, $0xF  }
0x30f: {  	v60 =	vshll.u32 v4, $0x7;
	v4 =	vmul.u32 $0xFFFFFF9D, v4  }
0x310: {  	v3 =	vadd.s32 v3, v60  }
0x311: {  	v3 =	vadd.s32 v4, v3;
	v61 =	vld.idx.msk [tilespmem:v2+s2+$0x0], $0xffff  }
0x312: {  	v62 =	vor.u32 $0x1, v2;
	_ =	sdelay $0x3  }
0x313: {  	[tilespmem:v3+s19+$0x0] =	vst.idx.msk $0xffff, v61  }
0x314: {  	v63 =	vadd.s32 $0x1, v3;
	v4 =	vld.idx.msk [tilespmem:v62+s2+$0x0], $0xffff  }
0x315: {  	v2 =	vor.u32 $0x2, v2;
	_ =	sdelay $0x3  }
0x316: {  	s22 =	sadd.s32 $0x6, s22;
	[tilespmem:v63+s19+$0x0] =	vst.idx.msk $0xffff, v4  }
0x317: {  	p0 =	slt.u32 s22, $0x3C;
	v3 =	vadd.s32 $0x2, v3;
	v2 =	vld.idx.msk [tilespmem:v2+s2+$0x0], $0xffff  }
.Ltmp8:
0x318: {  	_ = 	snop;
	(pc) =	sbr.rel @p0 .LBB2_18-.Ltmp8, $2  }
0x319: {  	_ =	sdelay $0x2  }
0x31a: {  	s23 =	sadd.s32 $0x60, s23;
	s24 =	sadd.s32 $0x60, s24;
	[tilespmem:v3+s19+$0x0] =	vst.idx.msk $0xffff, v2  }
0x31b: {  	[hbm4b:s12+s2] =	stream.linear.scatter [tilespmem:s19], [sflag:$0x2], $0x1000, $0x38;
	[tilespmem:$0xE600] =	vst v63  }
0x31c: {  	_ =	swait.ge [sflag:s20], $0x1000  }
0x31d: {  	s22 =	simm.s32 $0xFFFFFFFA;
	[sflag:s20] =	ssyncset.done $0x0  }
0x31e: {  	s23 =	simm.s32 $0x50;
	s24 =	simm.s32 $0xBDD0;
	[sflag:s20] =	ssyncadd.s32 $0xFFFFF000  }
.LBB2_20:
0x31f: {  	s25 =	sadd.s32 $0xFFFFFFB0, s23  }
0x320: {  	s26 =	sand.u32 $0x7E0, s25  }
0x321: {  	v2 =	vld [tilespmem:s26+$0xBD80];
	_ =	sdelay $0x3  }
0x322: {  	v3 =	vor.u32 s25, v1  }
0x323: {  	v4 =	vmul.u32 $0x3E1, v3;
	v2 =	vshll.u32 v2, $0x2;
	_ =	sdelay $0x1  }
0x324: {  	v3 =	vmul.u32 $0x3, v3;
	v4 =	vshrl.u32 v4, $0xF  }
0x325: {  	v5 =	vshll.u32 v4, $0x7;
	v4 =	vmul.u32 $0xFFFFFF9D, v4  }
0x326: {  	v3 =	vadd.s32 v3, v5  }
0x327: {  	v3 =	vadd.s32 v4, v3;
	v36 =	vld.idx.msk [tilespmem:v2+s2+$0x0], $0xffff  }
0x328: {  	v37 =	vor.u32 $0x1, v2;
	_ =	sdelay $0x3  }
0x329: {  	[tilespmem:v3+s18+$0x0] =	vst.idx.msk $0xffff, v36  }
0x32a: {  	v38 =	vadd.s32 $0x1, v3;
	v4 =	vld.idx.msk [tilespmem:v37+s2+$0x0], $0xffff  }
0x32b: {  	v2 =	vor.u32 $0x2, v2;
	_ =	sdelay $0x3  }
0x32c: {  	[tilespmem:v38+s18+$0x0] =	vst.idx.msk $0xffff, v4  }
0x32d: {  	v3 =	vadd.s32 $0x2, v3;
	v2 =	vld.idx.msk [tilespmem:v2+s2+$0x0], $0xffff;
	_ =	sdelay $0x4  }
0x32e: {  	[tilespmem:v3+s18+$0x0] =	vst.idx.msk $0xffff, v2  }
0x32f: {  	v2 =	vld [tilespmem:s24+$0xFFFFFFC0];
	_ =	sdelay $0x2  }
0x330: {  	s28 =	sadd.s32 $0xFFFFFFC0, s23  }
0x331: {  	v3 =	vor.u32 s28, v1  }
0x332: {  	v39 =	vmul.u32 $0x3E1, v3;
	v2 =	vshll.u32 v2, $0x2;
	_ =	sdelay $0x1  }
0x333: {  	v3 =	vmul.u32 $0x3, v3;
	v4 =	vshrl.u32 v39, $0xF  }
0x334: {  	v40 =	vshll.u32 v4, $0x7;
	v4 =	vmul.u32 $0xFFFFFF9D, v4  }
0x335: {  	v3 =	vadd.s32 v3, v40  }
0x336: {  	v3 =	vadd.s32 v4, v3;
	v41 =	vld.idx.msk [tilespmem:v2+s2+$0x0], $0xffff  }
0x337: {  	v42 =	vor.u32 $0x1, v2;
	_ =	sdelay $0x3  }
0x338: {  	[tilespmem:v3+s18+$0x0] =	vst.idx.msk $0xffff, v41  }
0x339: {  	v43 =	vadd.s32 $0x1, v3;
	v4 =	vld.idx.msk [tilespmem:v42+s2+$0x0], $0xffff  }
0x33a: {  	v2 =	vor.u32 $0x2, v2;
	_ =	sdelay $0x3  }
0x33b: {  	[tilespmem:v43+s18+$0x0] =	vst.idx.msk $0xffff, v4  }
0x33c: {  	v3 =	vadd.s32 $0x2, v3;
	v2 =	vld.idx.msk [tilespmem:v2+s2+$0x0], $0xffff;
	_ =	sdelay $0x4  }
0x33d: {  	[tilespmem:v3+s18+$0x0] =	vst.idx.msk $0xffff, v2  }
0x33e: {  	v2 =	vld [tilespmem:s24+$0xFFFFFFD0];
	_ =	sdelay $0x2  }
0x33f: {  	s29 =	sadd.s32 $0xFFFFFFD0, s23  }
0x340: {  	v3 =	vor.u32 s29, v1  }
0x341: {  	v44 =	vmul.u32 $0x3E1, v3;
	v2 =	vshll.u32 v2, $0x2;
	_ =	sdelay $0x1  }
0x342: {  	v3 =	vmul.u32 $0x3, v3;
	v4 =	vshrl.u32 v44, $0xF  }
0x343: {  	v45 =	vshll.u32 v4, $0x7;
	v4 =	vmul.u32 $0xFFFFFF9D, v4  }
0x344: {  	v3 =	vadd.s32 v3, v45  }
0x345: {  	v3 =	vadd.s32 v4, v3;
	v46 =	vld.idx.msk [tilespmem:v2+s2+$0x0], $0xffff  }
0x346: {  	v47 =	vor.u32 $0x1, v2;
	_ =	sdelay $0x3  }
0x347: {  	[tilespmem:v3+s18+$0x0] =	vst.idx.msk $0xffff, v46  }
0x348: {  	v48 =	vadd.s32 $0x1, v3;
	v4 =	vld.idx.msk [tilespmem:v47+s2+$0x0], $0xffff  }
0x349: {  	v2 =	vor.u32 $0x2, v2;
	_ =	sdelay $0x3  }
0x34a: {  	[tilespmem:v48+s18+$0x0] =	vst.idx.msk $0xffff, v4  }
0x34b: {  	v3 =	vadd.s32 $0x2, v3;
	v2 =	vld.idx.msk [tilespmem:v2+s2+$0x0], $0xffff;
	_ =	sdelay $0x4  }
0x34c: {  	[tilespmem:v3+s18+$0x0] =	vst.idx.msk $0xffff, v2  }
0x34d: {  	v2 =	vld [tilespmem:s24+$0xFFFFFFE0];
	_ =	sdelay $0x2  }
0x34e: {  	s30 =	sadd.s32 $0xFFFFFFE0, s23  }
0x34f: {  	v3 =	vor.u32 s30, v1  }
0x350: {  	v49 =	vmul.u32 $0x3E1, v3;
	v2 =	vshll.u32 v2, $0x2;
	_ =	sdelay $0x1  }
0x351: {  	v3 =	vmul.u32 $0x3, v3;
	v4 =	vshrl.u32 v49, $0xF  }
0x352: {  	v50 =	vshll.u32 v4, $0x7;
	v4 =	vmul.u32 $0xFFFFFF9D, v4  }
0x353: {  	v3 =	vadd.s32 v3, v50  }
0x354: {  	v3 =	vadd.s32 v4, v3;
	v51 =	vld.idx.msk [tilespmem:v2+s2+$0x0], $0xffff  }
0x355: {  	v52 =	vor.u32 $0x1, v2;
	_ =	sdelay $0x3  }
0x356: {  	[tilespmem:v3+s18+$0x0] =	vst.idx.msk $0xffff, v51  }
0x357: {  	v53 =	vadd.s32 $0x1, v3;
	v4 =	vld.idx.msk [tilespmem:v52+s2+$0x0], $0xffff  }
0x358: {  	v2 =	vor.u32 $0x2, v2;
	_ =	sdelay $0x3  }
0x359: {  	[tilespmem:v53+s18+$0x0] =	vst.idx.msk $0xffff, v4  }
0x35a: {  	v3 =	vadd.s32 $0x2, v3;
	v2 =	vld.idx.msk [tilespmem:v2+s2+$0x0], $0xffff;
	_ =	sdelay $0x4  }
0x35b: {  	[tilespmem:v3+s18+$0x0] =	vst.idx.msk $0xffff, v2  }
0x35c: {  	v2 =	vld [tilespmem:s24+$0xFFFFFFF0];
	_ =	sdelay $0x2  }
0x35d: {  	s31 =	sadd.s32 $0xFFFFFFF0, s23  }
0x35e: {  	v3 =	vor.u32 s31, v1  }
0x35f: {  	v54 =	vmul.u32 $0x3E1, v3;
	v2 =	vshll.u32 v2, $0x2;
	_ =	sdelay $0x1  }
0x360: {  	v3 =	vmul.u32 $0x3, v3;
	v4 =	vshrl.u32 v54, $0xF  }
0x361: {  	v55 =	vshll.u32 v4, $0x7;
	v4 =	vmul.u32 $0xFFFFFF9D, v4  }
0x362: {  	v3 =	vadd.s32 v3, v55  }
0x363: {  	v3 =	vadd.s32 v4, v3;
	v56 =	vld.idx.msk [tilespmem:v2+s2+$0x0], $0xffff  }
0x364: {  	v57 =	vor.u32 $0x1, v2;
	_ =	sdelay $0x3  }
0x365: {  	[tilespmem:v3+s18+$0x0] =	vst.idx.msk $0xffff, v56  }
0x366: {  	v58 =	vadd.s32 $0x1, v3;
	v4 =	vld.idx.msk [tilespmem:v57+s2+$0x0], $0xffff  }
0x367: {  	v2 =	vor.u32 $0x2, v2;
	_ =	sdelay $0x3  }
0x368: {  	[tilespmem:v58+s18+$0x0] =	vst.idx.msk $0xffff, v4  }
0x369: {  	v3 =	vadd.s32 $0x2, v3;
	v2 =	vld.idx.msk [tilespmem:v2+s2+$0x0], $0xffff;
	_ =	sdelay $0x4  }
0x36a: {  	[tilespmem:v3+s18+$0x0] =	vst.idx.msk $0xffff, v2  }
0x36b: {  	v2 =	vld [tilespmem:s24+$0x0];
	_ =	sdelay $0x3  }
0x36c: {  	v3 =	vor.u32 s23, v1  }
0x36d: {  	v59 =	vmul.u32 $0x3E1, v3;
	v2 =	vshll.u32 v2, $0x2;
	_ =	sdelay $0x1  }
0x36e: {  	v3 =	vmul.u32 $0x3, v3;
	v4 =	vshrl.u32 v59, $0xF  }
0x36f: {  	v60 =	vshll.u32 v4, $0x7;
	v4 =	vmul.u32 $0xFFFFFF9D, v4  }
0x370: {  	v3 =	vadd.s32 v3, v60  }
0x371: {  	v3 =	vadd.s32 v4, v3;
	v61 =	vld.idx.msk [tilespmem:v2+s2+$0x0], $0xffff  }
0x372: {  	v62 =	vor.u32 $0x1, v2;
	_ =	sdelay $0x3  }
0x373: {  	[tilespmem:v3+s18+$0x0] =	vst.idx.msk $0xffff, v61  }
0x374: {  	v63 =	vadd.s32 $0x1, v3;
	v4 =	vld.idx.msk [tilespmem:v62+s2+$0x0], $0xffff  }
0x375: {  	v2 =	vor.u32 $0x2, v2;
	_ =	sdelay $0x3  }
0x376: {  	s22 =	sadd.s32 $0x6, s22;
	[tilespmem:v63+s18+$0x0] =	vst.idx.msk $0xffff, v4  }
0x377: {  	p0 =	slt.u32 s22, $0x3C;
	v3 =	vadd.s32 $0x2, v3;
	v2 =	vld.idx.msk [tilespmem:v2+s2+$0x0], $0xffff  }
.Ltmp9:
0x378: {  	_ = 	snop;
	(pc) =	sbr.rel @p0 .LBB2_20-.Ltmp9, $2  }
0x379: {  	_ =	sdelay $0x2  }
0x37a: {  	s23 =	sadd.s32 $0x60, s23;
	s24 =	sadd.s32 $0x60, s24;
	[tilespmem:v3+s18+$0x0] =	vst.idx.msk $0xffff, v2  }
0x37b: {  	[hbm4b:s13+s2] =	stream.linear.scatter [tilespmem:s18], [sflag:$0x2], $0x1000, $0x38;
	[tilespmem:$0xE600] =	vst v63  }
0x37c: {  	_ =	swait.ge [sflag:s20], $0x1000  }
0x37d: {  	s22 =	simm.s32 $0xFFFFFFFA;
	[sflag:s20] =	ssyncset.done $0x0  }
0x37e: {  	s23 =	simm.s32 $0x50;
	s24 =	simm.s32 $0xC1F0;
	[sflag:s20] =	ssyncadd.s32 $0xFFFFF000  }
.LBB2_22:
0x37f: {  	v2 =	vld [tilespmem:s24+$0xFFFFFFB0];
	_ =	sdelay $0x2  }
0x380: {  	s25 =	sadd.s32 $0xFFFFFFB0, s23  }
0x381: {  	v3 =	vor.u32 s25, v1  }
0x382: {  	v4 =	vmul.u32 $0x3E1, v3;
	v2 =	vshll.u32 v2, $0x2;
	_ =	sdelay $0x1  }
0x383: {  	v3 =	vmul.u32 $0x3, v3;
	v4 =	vshrl.u32 v4, $0xF  }
0x384: {  	v5 =	vshll.u32 v4, $0x7;
	v4 =	vmul.u32 $0xFFFFFF9D, v4  }
0x385: {  	v3 =	vadd.s32 v3, v5  }
0x386: {  	v3 =	vadd.s32 v4, v3;
	v36 =	vld.idx.msk [tilespmem:v2+s2+$0x0], $0xffff  }
0x387: {  	v37 =	vor.u32 $0x1, v2;
	_ =	sdelay $0x3  }
0x388: {  	[tilespmem:v3+s19+$0x0] =	vst.idx.msk $0xffff, v36  }
0x389: {  	v38 =	vadd.s32 $0x1, v3;
	v4 =	vld.idx.msk [tilespmem:v37+s2+$0x0], $0xffff  }
0x38a: {  	v2 =	vor.u32 $0x2, v2;
	_ =	sdelay $0x3  }
0x38b: {  	[tilespmem:v38+s19+$0x0] =	vst.idx.msk $0xffff, v4  }
0x38c: {  	v3 =	vadd.s32 $0x2, v3;
	v2 =	vld.idx.msk [tilespmem:v2+s2+$0x0], $0xffff;
	_ =	sdelay $0x4  }
0x38d: {  	[tilespmem:v3+s19+$0x0] =	vst.idx.msk $0xffff, v2  }
0x38e: {  	v2 =	vld [tilespmem:s24+$0xFFFFFFC0];
	_ =	sdelay $0x2  }
0x38f: {  	s28 =	sadd.s32 $0xFFFFFFC0, s23  }
0x390: {  	v3 =	vor.u32 s28, v1  }
0x391: {  	v39 =	vmul.u32 $0x3E1, v3;
	v2 =	vshll.u32 v2, $0x2;
	_ =	sdelay $0x1  }
0x392: {  	v3 =	vmul.u32 $0x3, v3;
	v4 =	vshrl.u32 v39, $0xF  }
0x393: {  	v40 =	vshll.u32 v4, $0x7;
	v4 =	vmul.u32 $0xFFFFFF9D, v4  }
0x394: {  	v3 =	vadd.s32 v3, v40  }
0x395: {  	v3 =	vadd.s32 v4, v3;
	v41 =	vld.idx.msk [tilespmem:v2+s2+$0x0], $0xffff  }
0x396: {  	v42 =	vor.u32 $0x1, v2;
	_ =	sdelay $0x3  }
0x397: {  	[tilespmem:v3+s19+$0x0] =	vst.idx.msk $0xffff, v41  }
0x398: {  	v43 =	vadd.s32 $0x1, v3;
	v4 =	vld.idx.msk [tilespmem:v42+s2+$0x0], $0xffff  }
0x399: {  	v2 =	vor.u32 $0x2, v2;
	_ =	sdelay $0x3  }
0x39a: {  	[tilespmem:v43+s19+$0x0] =	vst.idx.msk $0xffff, v4  }
0x39b: {  	v3 =	vadd.s32 $0x2, v3;
	v2 =	vld.idx.msk [tilespmem:v2+s2+$0x0], $0xffff;
	_ =	sdelay $0x4  }
0x39c: {  	[tilespmem:v3+s19+$0x0] =	vst.idx.msk $0xffff, v2  }
0x39d: {  	v2 =	vld [tilespmem:s24+$0xFFFFFFD0];
	_ =	sdelay $0x2  }
0x39e: {  	s29 =	sadd.s32 $0xFFFFFFD0, s23  }
0x39f: {  	v3 =	vor.u32 s29, v1  }
0x3a0: {  	v44 =	vmul.u32 $0x3E1, v3;
	v2 =	vshll.u32 v2, $0x2;
	_ =	sdelay $0x1  }
0x3a1: {  	v3 =	vmul.u32 $0x3, v3;
	v4 =	vshrl.u32 v44, $0xF  }
0x3a2: {  	v45 =	vshll.u32 v4, $0x7;
	v4 =	vmul.u32 $0xFFFFFF9D, v4  }
0x3a3: {  	v3 =	vadd.s32 v3, v45  }
0x3a4: {  	v3 =	vadd.s32 v4, v3;
	v46 =	vld.idx.msk [tilespmem:v2+s2+$0x0], $0xffff  }
0x3a5: {  	v47 =	vor.u32 $0x1, v2;
	_ =	sdelay $0x3  }
0x3a6: {  	[tilespmem:v3+s19+$0x0] =	vst.idx.msk $0xffff, v46  }
0x3a7: {  	v48 =	vadd.s32 $0x1, v3;
	v4 =	vld.idx.msk [tilespmem:v47+s2+$0x0], $0xffff  }
0x3a8: {  	v2 =	vor.u32 $0x2, v2;
	_ =	sdelay $0x3  }
0x3a9: {  	[tilespmem:v48+s19+$0x0] =	vst.idx.msk $0xffff, v4  }
0x3aa: {  	v3 =	vadd.s32 $0x2, v3;
	v2 =	vld.idx.msk [tilespmem:v2+s2+$0x0], $0xffff;
	_ =	sdelay $0x4  }
0x3ab: {  	[tilespmem:v3+s19+$0x0] =	vst.idx.msk $0xffff, v2  }
0x3ac: {  	v2 =	vld [tilespmem:s24+$0xFFFFFFE0];
	_ =	sdelay $0x2  }
0x3ad: {  	s30 =	sadd.s32 $0xFFFFFFE0, s23  }
0x3ae: {  	v3 =	vor.u32 s30, v1  }
0x3af: {  	v49 =	vmul.u32 $0x3E1, v3;
	v2 =	vshll.u32 v2, $0x2;
	_ =	sdelay $0x1  }
0x3b0: {  	v3 =	vmul.u32 $0x3, v3;
	v4 =	vshrl.u32 v49, $0xF  }
0x3b1: {  	v50 =	vshll.u32 v4, $0x7;
	v4 =	vmul.u32 $0xFFFFFF9D, v4  }
0x3b2: {  	v3 =	vadd.s32 v3, v50  }
0x3b3: {  	v3 =	vadd.s32 v4, v3;
	v51 =	vld.idx.msk [tilespmem:v2+s2+$0x0], $0xffff  }
0x3b4: {  	v52 =	vor.u32 $0x1, v2;
	_ =	sdelay $0x3  }
0x3b5: {  	[tilespmem:v3+s19+$0x0] =	vst.idx.msk $0xffff, v51  }
0x3b6: {  	v53 =	vadd.s32 $0x1, v3;
	v4 =	vld.idx.msk [tilespmem:v52+s2+$0x0], $0xffff  }
0x3b7: {  	v2 =	vor.u32 $0x2, v2;
	_ =	sdelay $0x3  }
0x3b8: {  	[tilespmem:v53+s19+$0x0] =	vst.idx.msk $0xffff, v4  }
0x3b9: {  	v3 =	vadd.s32 $0x2, v3;
	v2 =	vld.idx.msk [tilespmem:v2+s2+$0x0], $0xffff;
	_ =	sdelay $0x4  }
0x3ba: {  	[tilespmem:v3+s19+$0x0] =	vst.idx.msk $0xffff, v2  }
0x3bb: {  	v2 =	vld [tilespmem:s24+$0xFFFFFFF0];
	_ =	sdelay $0x2  }
0x3bc: {  	s31 =	sadd.s32 $0xFFFFFFF0, s23  }
0x3bd: {  	v3 =	vor.u32 s31, v1  }
0x3be: {  	v54 =	vmul.u32 $0x3E1, v3;
	v2 =	vshll.u32 v2, $0x2;
	_ =	sdelay $0x1  }
0x3bf: {  	v3 =	vmul.u32 $0x3, v3;
	v4 =	vshrl.u32 v54, $0xF  }
0x3c0: {  	v55 =	vshll.u32 v4, $0x7;
	v4 =	vmul.u32 $0xFFFFFF9D, v4  }
0x3c1: {  	v3 =	vadd.s32 v3, v55  }
0x3c2: {  	v3 =	vadd.s32 v4, v3;
	v56 =	vld.idx.msk [tilespmem:v2+s2+$0x0], $0xffff  }
0x3c3: {  	v57 =	vor.u32 $0x1, v2;
	_ =	sdelay $0x3  }
0x3c4: {  	[tilespmem:v3+s19+$0x0] =	vst.idx.msk $0xffff, v56  }
0x3c5: {  	v58 =	vadd.s32 $0x1, v3;
	v4 =	vld.idx.msk [tilespmem:v57+s2+$0x0], $0xffff  }
0x3c6: {  	v2 =	vor.u32 $0x2, v2;
	_ =	sdelay $0x3  }
0x3c7: {  	[tilespmem:v58+s19+$0x0] =	vst.idx.msk $0xffff, v4  }
0x3c8: {  	v3 =	vadd.s32 $0x2, v3;
	v2 =	vld.idx.msk [tilespmem:v2+s2+$0x0], $0xffff;
	_ =	sdelay $0x4  }
0x3c9: {  	[tilespmem:v3+s19+$0x0] =	vst.idx.msk $0xffff, v2  }
0x3ca: {  	v2 =	vld [tilespmem:s24+$0x0];
	_ =	sdelay $0x3  }
0x3cb: {  	v3 =	vor.u32 s23, v1  }
0x3cc: {  	v59 =	vmul.u32 $0x3E1, v3;
	v2 =	vshll.u32 v2, $0x2;
	_ =	sdelay $0x1  }
0x3cd: {  	v3 =	vmul.u32 $0x3, v3;
	v4 =	vshrl.u32 v59, $0xF  }
0x3ce: {  	v60 =	vshll.u32 v4, $0x7;
	v4 =	vmul.u32 $0xFFFFFF9D, v4  }
0x3cf: {  	v3 =	vadd.s32 v3, v60  }
0x3d0: {  	v3 =	vadd.s32 v4, v3;
	v61 =	vld.idx.msk [tilespmem:v2+s2+$0x0], $0xffff  }
0x3d1: {  	v62 =	vor.u32 $0x1, v2;
	_ =	sdelay $0x3  }
0x3d2: {  	[tilespmem:v3+s19+$0x0] =	vst.idx.msk $0xffff, v61  }
0x3d3: {  	v63 =	vadd.s32 $0x1, v3;
	v4 =	vld.idx.msk [tilespmem:v62+s2+$0x0], $0xffff  }
0x3d4: {  	v2 =	vor.u32 $0x2, v2;
	_ =	sdelay $0x3  }
0x3d5: {  	s22 =	sadd.s32 $0x6, s22;
	[tilespmem:v63+s19+$0x0] =	vst.idx.msk $0xffff, v4  }
0x3d6: {  	p0 =	slt.u32 s22, $0x3C;
	v3 =	vadd.s32 $0x2, v3;
	v2 =	vld.idx.msk [tilespmem:v2+s2+$0x0], $0xffff  }
.Ltmp10:
0x3d7: {  	_ = 	snop;
	(pc) =	sbr.rel @p0 .LBB2_22-.Ltmp10, $2  }
0x3d8: {  	_ =	sdelay $0x2  }
0x3d9: {  	s23 =	sadd.s32 $0x60, s23;
	s24 =	sadd.s32 $0x60, s24;
	[tilespmem:v3+s19+$0x0] =	vst.idx.msk $0xffff, v2  }
0x3da: {  	[hbm4b:s14+s2] =	stream.linear.scatter [tilespmem:s19], [sflag:$0x2], $0x1000, $0x38;
	[tilespmem:$0xE600] =	vst v63  }
0x3db: {  	s21 =	sadd.s32 $0x1, s21  }
0x3dc: {  	_ =	swait.ge [sflag:s20], $0x1000;
	p0 =	sne.s32 s21, s15  }
.Ltmp11:
0x3dd: {  	[sflag:s20] =	ssyncset.done $0x0;
	(pc) =	sbr.rel @p0 .LBB2_1-.Ltmp11, $4  }
0x3de: {  	[sflag:s20] =	ssyncadd.s32 $0xFFFFF000  }
0x3df: {  	_ =	swait.ge [sflag:s20], $0x1000  }
0x3e0: {  	[sflag:s20] =	ssyncset.done $0x0  }
0x3e1: {  	[sflag:s20] =	ssyncadd.s32 $0xFFFFF000  }
0x3e2: {  	_ =	sfence.sel $0x180000  }
0x3e3: {  	[bflag:$0x0] =	sbarrier.arrive $0xFFFF  }
0x3e4: {  	p0 =	sne.s32 s0, $0x0;
	_ =	strace $0x90000047  }
0x3e5: {  	s0 =	sadd.s32 @!p0 $0x100000, s1;
	[bflag:$0x2] =	sbarrier.arrive $0xFFFF  }
0x3e6: {  	[sflag:s0] =	ssyncadd.tile.s32 @!p0 $0x1;
	_ =	shalt  }
.Lfunc_end2:
_tile_overlayer_lowered:
.L_overlay_start_2:
0x3e7: {  	(tag) =	ssettag $0x2  }
0x3e8: {  	s0 =	rddreg [dreg:$0x0];
	s2 =	stileid.u32  }
0x3e9: {  	s1 =	rddreg [dreg:$0x1];
	p0 =	sne.s32 s2, $0x0  }
0x3ea: {  	s3 =	rddreg [dreg:$0x2];
	[bflag:$0x3] =	sbarrier.arrive $0xFFFF;
	s2 =	simm.s32 @!p0 $0x1C03  }
0x3eb: {  	[timem:s3], [sflag:s2] =	dma.local @!p0 [hbm:s0], s1  }
0x3ec: {  	s0 =	simm.s32 @!p0 $0x3  }
0x3ed: {  	_ =	swait.ge @!p0 [sflag:s0], s1  }
0x3ee: {  	s1 =	ssub.s32 @!p0 $0x0, s1;
	[sflag:s0] =	ssyncset.done @!p0 $0x0  }
0x3ef: {  	[sflag:s0] =	ssyncadd.s32 @!p0 s1  }
0x3f0: {  	[bflag:$0x3] =	sbarrier.arrive $0xFFFF  }
0x3f1: {  	_ =	shalt  }

</sc_bundles>
